<compile_context>
chip_gen: v7x
topology: tpu7x:2x2x1
jax: 0.10.2.dev20260603
libtpu: 0.0.44.dev20260713+nightly
codegen_flags: <defaults>
</compile_context>

<pallas_src>
import functools

import jax
import jax.numpy as jnp
from jax import lax
from jax.experimental import pallas as pl
from jax.experimental.pallas import tpu as pltpu
from jax.experimental.pallas import tpu_sc as plsc

RADIUS2 = 0.1 * 0.1
NS = 32
NWORKERS = 32
LANES = 16


def _mask_pack_body(xi_ref, xyzT_ref, out_ref, *, MA):
    N = xyzT_ref.shape[2]
    xi = xi_ref[0]
    xjT = xyzT_ref[0]

    d0 = xi[:, 0].reshape(MA, 1) - xjT[0:1, :]
    d1 = xi[:, 1].reshape(MA, 1) - xjT[1:2, :]
    d2c = xi[:, 2].reshape(MA, 1) - xjT[2:3, :]
    d2 = (d0 * d0 + d1 * d1) + d2c * d2c
    winf = (d2 < RADIUS2).astype(jnp.float32)

    rj = lax.broadcasted_iota(jnp.int32, (128, 8), 0)
    cw = lax.broadcasted_iota(jnp.int32, (128, 8), 1)
    pmat = jnp.where((rj >> 4) == cw, 1 << (rj & 15), 0).astype(jnp.float32)

    for c in range(N // 128):
        words8 = lax.dot_general(winf[:, c * 128:(c + 1) * 128], pmat,
                                 (((1,), (0,)), ((), ())),
                                 preferred_element_type=jnp.float32)
        out_ref[:, c * 8:(c + 1) * 8] = words8.astype(jnp.int32)


def _sc_select_body(words_hbm, xyzT_hbm, relout_hbm, dens_hbm,
                    wbuf, xv, yv, zv, nzv, nzb, selidx, staging, densbuf,
                    *, N, CP):
    total = dens_hbm.shape[0]
    per_w = total // NWORKERS
    nchunk = per_w // CP
    cid = lax.axis_index("c")
    sid = lax.axis_index("s")
    wid = sid * 2 + cid
    base = wid * per_w
    b = base // N

    pltpu.sync_copy(xyzT_hbm.at[pl.ds((b * 3 + 0) * N, N)], xv)
    pltpu.sync_copy(xyzT_hbm.at[pl.ds((b * 3 + 1) * N, N)], yv)
    pltpu.sync_copy(xyzT_hbm.at[pl.ds((b * 3 + 2) * N, N)], zv)

    iota = lax.iota(jnp.int32, LANES)
    zf = jnp.zeros((LANES,), jnp.float32)

    def zero_body(i, carry):
        for q in range(128 // LANES):
            staging[i, pl.ds(q * LANES, LANES)] = zf
        return carry
    lax.fori_loop(0, CP, zero_body, 0)

    def chunk_body(ch, carry):
        g0 = base + ch * CP
        pltpu.sync_copy(words_hbm.at[pl.ds(g0, CP)], wbuf)

        def point_body(pi, carry2):
            p_loc = g0 + pi - b * N
            fill = jnp.full((LANES,), p_loc, jnp.int32)
            selidx[pl.ds(0, LANES)] = fill
            selidx[pl.ds(16, LANES)] = fill

            offv = jnp.zeros((LANES,), jnp.int32)
            for w in range(16):
                v = wbuf[pi, pl.ds(w * 16, LANES)]
                m = v != 0
                mi = m.astype(jnp.int32)
                pos = offv - 1 + plsc.cumsum(mi)
                plsc.store_scatter(nzv, [pos], v, mask=m)
                plsc.store_scatter(nzb, [pos],
                                   jnp.full((LANES,), w * 16, jnp.int32) + iota,
                                   mask=m)
                offv = offv + plsc.all_reduce_population_count(m)
            off = jnp.max(offv)

            def word_body(k, carry3):
                nselv, cntv = carry3
                kf = jnp.full((LANES,), k, jnp.int32)
                wv = plsc.load_gather(nzv, [kf])
                wb = plsc.load_gather(nzb, [kf])
                bits = ((wv >> iota) & 1) == 1
                bi = bits.astype(jnp.int32)
                pcv = plsc.all_reduce_population_count(bits)
                slots = jnp.minimum(nselv - 1 + plsc.cumsum(bi), 47)
                plsc.store_scatter(selidx, [slots], wb * 16 + iota, mask=bits)
                return nselv + pcv, cntv + pcv

            zi = jnp.zeros((LANES,), jnp.int32)
            _, cntv = lax.fori_loop(0, off, word_body, (zi, zi))

            pf = jnp.full((LANES,), p_loc, jnp.int32)
            px = plsc.load_gather(xv, [pf])
            py = plsc.load_gather(yv, [pf])
            pz = plsc.load_gather(zv, [pf])
            for s in range(2):
                idxv = selidx[pl.ds(s * LANES, LANES)]
                for coord, (buf, pc) in enumerate(((xv, px), (yv, py), (zv, pz))):
                    g = plsc.load_gather(buf, [idxv])
                    rel = g - pc
                    pos = iota * 4 + jnp.full((LANES,), 64 * s + coord, jnp.int32)
                    plsc.store_scatter(staging,
                                       [jnp.full((LANES,), pi, jnp.int32), pos],
                                       rel)

            densv = jnp.minimum(cntv, NS).astype(jnp.float32) * (1.0 / NS)
            plsc.store_scatter(densbuf, [jnp.full((LANES,), pi, jnp.int32)],
                               densv, mask=iota == 0)
            return carry2

        lax.fori_loop(0, CP, point_body, 0)
        pltpu.sync_copy(staging, relout_hbm.at[pl.ds(g0, CP)])
        pltpu.sync_copy(densbuf, dens_hbm.at[pl.ds(g0, CP)])
        return carry

    lax.fori_loop(0, nchunk, chunk_body, 0)


def _mlp_pool_body(rel_ref, dens_ref, w1e_ref, b1e_ref, w2e_ref, b2e_ref,
                   out_ref):
    rel = rel_ref[...]
    h1 = jax.nn.relu(
        lax.dot_general(rel, w1e_ref[...], (((1,), (0,)), ((), ())),
                        preferred_element_type=jnp.float32) + b1e_ref[...])
    h2 = jax.nn.relu(
        lax.dot_general(h1, w2e_ref[...], (((1,), (0,)), ((), ())),
                        preferred_element_type=jnp.float32) + b2e_ref[...])
    m = h2
    for half in (512, 256, 128, 64, 32):
        m = jnp.maximum(m[:, :half], m[:, half:])
    out_ref[:, 0:32] = m
    out_ref[:, 32:33] = dens_ref[...]


def kernel(xyz, W1, b1, W2, b2):
    B, N, _ = xyz.shape
    xyzT = jnp.transpose(xyz, (0, 2, 1))

    w1pad = jnp.concatenate([W1, jnp.zeros((32, 1), jnp.float32)], axis=1)
    eye32 = jnp.eye(32, dtype=jnp.float32)
    w1e = jnp.kron(eye32, w1pad.T)
    w2e = jnp.kron(eye32, W2.T)
    b1e = jnp.tile(b1, NS)
    b2e = jnp.tile(b2, NS)

    MA = 512
    CP = 128
    PC = 512
    mesh = plsc.VectorSubcoreMesh(core_axis_name="c", subcore_axis_name="s")
    sc_select = pl.kernel(
        functools.partial(_sc_select_body, N=N, CP=CP),
        out_type=[jax.ShapeDtypeStruct((N, 128), jnp.float32),
                  jax.ShapeDtypeStruct((N,), jnp.float32)],
        mesh=mesh,
        compiler_params=pltpu.CompilerParams(needs_layout_passes=False),
        scratch_types=[
            pltpu.VMEM((CP, 256), jnp.int32),
            pltpu.VMEM((N,), jnp.float32),
            pltpu.VMEM((N,), jnp.float32),
            pltpu.VMEM((N,), jnp.float32),
            pltpu.VMEM((272,), jnp.int32),
            pltpu.VMEM((272,), jnp.int32),
            pltpu.VMEM((48,), jnp.int32),
            pltpu.VMEM((CP, 128), jnp.float32),
            pltpu.VMEM((CP,), jnp.float32),
        ],
    )

    outs = []
    for bi_ in range(B):
        words_b = pl.pallas_call(
            functools.partial(_mask_pack_body, MA=MA),
            grid=(N // MA,),
            in_specs=[
                pl.BlockSpec((1, MA, 3), lambda m_, b_=bi_: (b_, m_, 0)),
                pl.BlockSpec((1, 3, N), lambda m_, b_=bi_: (b_, 0, 0)),
            ],
            out_specs=pl.BlockSpec((MA, 256), lambda m_: (m_, 0)),
            out_shape=jax.ShapeDtypeStruct((N, 256), jnp.int32),
        )(xyz, xyzT)

        rel_b, dens_b = sc_select(words_b, xyzT[bi_].reshape(3 * N))

        out_b = pl.pallas_call(
            _mlp_pool_body,
            grid=(N // PC,),
            in_specs=[
                pl.BlockSpec((PC, 128), lambda i: (i, 0)),
                pl.BlockSpec((PC, 1), lambda i: (i, 0)),
                pl.BlockSpec((128, 1024), lambda i: (0, 0)),
                pl.BlockSpec((1024,), lambda i: (0,)),
                pl.BlockSpec((1024, 1024), lambda i: (0, 0)),
                pl.BlockSpec((1024,), lambda i: (0,)),
            ],
            out_specs=pl.BlockSpec((PC, 33), lambda i: (i, 0)),
            out_shape=jax.ShapeDtypeStruct((N, 33), jnp.float32),
        )(rel_b, dens_b.reshape(N, 1), w1e, b1e, w2e, b2e)
        outs.append(out_b)

    return jnp.stack(outs, axis=0)

# --- scband reference (transcript-rebuilt; emitter-appended) ---
"""Pipeline reference for scband-local-spatial-encoding-module-73160472920435 (READ-ONLY COPY).

The authoritative reference and input builder live on the scoring server;
editing this copy changes nothing except your own understanding.
"""

import jax, jax.numpy as jnp
import numpy as np

RADIUS = 0.1
NSAMPLE = 32


def ball_query_single(xyz):
    # xyz: (N, 3). Faithful CUDA-style ball query: for each point, take the first
    # NSAMPLE point indices (in index order) whose squared distance < radius^2;
    # empty slots are filled with the first found index (self is always within radius).
    N = xyz.shape[0]
    d2 = jnp.sum((xyz[:, None, :] - xyz[None, :, :]) ** 2, axis=-1)  # (N, N)
    within = d2 < RADIUS ** 2
    cand = jnp.where(within, jnp.arange(N, dtype=jnp.int32)[None, :], jnp.int32(N))
    cand = jnp.sort(cand, axis=1)[:, :NSAMPLE]
    first = cand[:, 0:1]
    idx = jnp.where(cand == N, first, cand)
    return idx


def setup_inputs(seed: int = 0) -> dict:
    key = jax.random.key(seed)
    k1, k2, k3 = jax.random.split(key, 3)
    xyz = jax.random.uniform(k1, (4, 4096, 3), dtype=jnp.float32)
    # SharedMLP([3, 32, 32], bn=False): two 1x1 Conv2d + ReLU layers
    W1 = jax.random.normal(k2, (32, 3), dtype=jnp.float32) * 0.1
    b1 = jnp.zeros((32,), dtype=jnp.float32)
    W2 = jax.random.normal(k3, (32, 32), dtype=jnp.float32) * 0.1
    b2 = jnp.zeros((32,), dtype=jnp.float32)
    return {"xyz": xyz, "W1": W1, "b1": b1, "W2": W2, "b2": b2}


def reference(xyz, W1, b1, W2, b2):
    B, N, _ = xyz.shape
    # ms_query(radius, nsample, xyz, xyz)
    idx = jax.vmap(ball_query_single)(xyz)  # (B, N, NSAMPLE) int32
    # grouping_operation: gather xyz by neighbor indices -> (B, N, NSAMPLE, 3)
    grouped = jax.vmap(lambda pts, ii: pts[ii])(xyz, idx)
    # grouped_xyz -= center xyz
    grouped = grouped - xyz[:, :, None, :]
    # unique_cnt = sum(idx != idx[..., 0:1]) + 1
    unique_cnt = jnp.sum(idx - idx[:, :, 0:1] != 0, axis=2) + 1
    # SharedMLP (1x1 convs over channel dim), channels-last einsum formulation
    h = jnp.einsum('bnsc,oc->bnso', grouped, W1) + b1
    h = jax.nn.relu(h)
    h = jnp.einsum('bnsc,oc->bnso', h, W2) + b2
    h = jax.nn.relu(h)
    # max_pool2d over the nsample dimension -> (B, N, 32)
    feat = jnp.max(h, axis=2)
    density = unique_cnt.astype(jnp.float32) / float(feat.shape[-1])
    out = jnp.concatenate([feat, density[..., None]], axis=-1)  # (B, N, 33)
    return out

if __name__ == "__main__":
    import jax
    _d = setup_inputs()
    print(jax.jit(kernel)(*tuple(_d.values())))

</pallas_src>

<mosaic_0001>
#map = affine_map<(d0, d1) -> (0, 0)>
#map1 = affine_map<(d0, d1) -> (0)>
module attributes {stable_mosaic.version = 14 : i64} {
  func.func @_sc_select_body(%arg0: i32, %arg1: i32, %arg2: memref<4096x256xi32, #tpu.memory_space<hbm>>, %arg3: memref<12288xf32, #tpu.memory_space<hbm>>, %arg4: memref<4096x128xf32, #tpu.memory_space<hbm>>, %arg5: memref<4096xf32, #tpu.memory_space<hbm>>, %arg6: memref<128x256xi32, #tpu.memory_space<vmem>>, %arg7: memref<4096xf32, #tpu.memory_space<vmem>>, %arg8: memref<4096xf32, #tpu.memory_space<vmem>>, %arg9: memref<4096xf32, #tpu.memory_space<vmem>>, %arg10: memref<272xi32, #tpu.memory_space<vmem>>, %arg11: memref<272xi32, #tpu.memory_space<vmem>>, %arg12: memref<48xi32, #tpu.memory_space<vmem>>, %arg13: memref<128x128xf32, #tpu.memory_space<vmem>>, %arg14: memref<128xf32, #tpu.memory_space<vmem>>) attributes {dimension_semantics = [#tpu.dimension_semantics<core_parallel>, #tpu.dimension_semantics<subcore_parallel>], iteration_bounds = array<i64: 2, 16>, scalar_prefetch = 0 : i64, scratch_operands = 9 : i64, tpu.core_type = #tpu.core_type<sc_vector_subcore>, window_params = [{transform_indices = #map}, {transform_indices = #map1}, {transform_indices = #map}, {transform_indices = #map1}]} {
    %mul3A = arith.constant 2 : i32
    %mul3A_0 = arith.muli %arg1, %mul3A : i32
    %add3A = arith.addi %mul3A_0, %arg0 : i32
    %mul3A_1 = arith.constant 128 : i32
    %mul3A_2 = arith.muli %add3A, %mul3A_1 : i32
    %jit3A = arith.constant 4096 : i32
    %div3A = arith.divsi %mul3A_2, %jit3A : i32
    %sign3A = arith.constant 0 : i32
    %sign3A_3 = arith.cmpi sgt, %mul3A_2, %sign3A : i32
    %sign3A_4 = arith.extui %sign3A_3 : i1 to i32
    %sign3A_5 = arith.constant 0 : i32
    %sign3A_6 = arith.cmpi slt, %mul3A_2, %sign3A_5 : i32
    %sign3A_7 = arith.extui %sign3A_6 : i1 to i32
    %sign3A_8 = arith.subi %sign3A_4, %sign3A_7 : i32
    %sign3A_9 = arith.constant 0 : i32
    %sign3A_10 = arith.cmpi sgt, %jit3A, %sign3A_9 : i32
    %sign3A_11 = arith.extui %sign3A_10 : i1 to i32
    %sign3A_12 = arith.constant 0 : i32
    %sign3A_13 = arith.cmpi slt, %jit3A, %sign3A_12 : i32
    %sign3A_14 = arith.extui %sign3A_13 : i1 to i32
    %sign3A_15 = arith.subi %sign3A_11, %sign3A_14 : i32
    %ne3A = arith.cmpi ne, %sign3A_8, %sign3A_15 : i32
    %rem3A = arith.remsi %mul3A_2, %jit3A : i32
    %ne3A_16 = arith.constant 0 : i32
    %ne3A_17 = arith.cmpi ne, %rem3A, %ne3A_16 : i32
    %and3A = arith.andi %ne3A, %ne3A_17 : i1
    %sub3A = arith.constant 1 : i32
    %sub3A_18 = arith.subi %div3A, %sub3A : i32
    %select_n3A = arith.select %and3A, %sub3A_18, %div3A : i32
    %mul3A_19 = arith.constant 3 : i32
    %mul3A_20 = arith.muli %select_n3A, %mul3A_19 : i32
    %add3A_21 = arith.constant 0 : i32
    %add3A_22 = arith.addi %mul3A_20, %add3A_21 : i32
    %mul3A_23 = arith.constant 4096 : i32
    %mul3A_24 = arith.muli %add3A_22, %mul3A_23 : i32
    "tpu.region"() ({
      %run_scoped3A = tpu.sem_alloc : memref<!tpu.dma_semaphore, #tpu.memory_space<semaphore_mem>>
      %dma_start3A = tpu.memref_slice %arg3[%mul3A_24] : memref<12288xf32, #tpu.memory_space<hbm>> -> memref<4096xf32, #tpu.memory_space<hbm>>
      %dma_start3A_55 = tpu.memref_slice %arg3[%mul3A_24] : memref<12288xf32, #tpu.memory_space<hbm>> -> memref<4096xf32, #tpu.memory_space<hbm>>
      tpu.enqueue_dma source(%dma_start3A_55 : memref<4096xf32, #tpu.memory_space<hbm>>) target(%arg7 : memref<4096xf32, #tpu.memory_space<vmem>>) target_semaphore(%run_scoped3A : memref<!tpu.dma_semaphore, #tpu.memory_space<semaphore_mem>>)
      %dma_wait3A = tpu.memref_slice %arg3[%mul3A_24] : memref<12288xf32, #tpu.memory_space<hbm>> -> memref<4096xf32, #tpu.memory_space<hbm>>
      %dma_wait3A_56 = tpu.memref_slice %arg3[%mul3A_24] : memref<12288xf32, #tpu.memory_space<hbm>> -> memref<4096xf32, #tpu.memory_space<hbm>>
      tpu.wait_dma2 semaphore(%run_scoped3A : memref<!tpu.dma_semaphore, #tpu.memory_space<semaphore_mem>>) src(%dma_wait3A_56 : memref<4096xf32, #tpu.memory_space<hbm>>) dst(%arg7 : memref<4096xf32, #tpu.memory_space<vmem>>)
      tpu.yield
    }) : () -> ()
    %mul3A_25 = arith.constant 3 : i32
    %mul3A_26 = arith.muli %select_n3A, %mul3A_25 : i32
    %add3A_27 = arith.constant 1 : i32
    %add3A_28 = arith.addi %mul3A_26, %add3A_27 : i32
    %mul3A_29 = arith.constant 4096 : i32
    %mul3A_30 = arith.muli %add3A_28, %mul3A_29 : i32
    "tpu.region"() ({
      %run_scoped3A = tpu.sem_alloc : memref<!tpu.dma_semaphore, #tpu.memory_space<semaphore_mem>>
      %dma_start3A = tpu.memref_slice %arg3[%mul3A_30] : memref<12288xf32, #tpu.memory_space<hbm>> -> memref<4096xf32, #tpu.memory_space<hbm>>
      %dma_start3A_55 = tpu.memref_slice %arg3[%mul3A_30] : memref<12288xf32, #tpu.memory_space<hbm>> -> memref<4096xf32, #tpu.memory_space<hbm>>
      tpu.enqueue_dma source(%dma_start3A_55 : memref<4096xf32, #tpu.memory_space<hbm>>) target(%arg8 : memref<4096xf32, #tpu.memory_space<vmem>>) target_semaphore(%run_scoped3A : memref<!tpu.dma_semaphore, #tpu.memory_space<semaphore_mem>>)
      %dma_wait3A = tpu.memref_slice %arg3[%mul3A_30] : memref<12288xf32, #tpu.memory_space<hbm>> -> memref<4096xf32, #tpu.memory_space<hbm>>
      %dma_wait3A_56 = tpu.memref_slice %arg3[%mul3A_30] : memref<12288xf32, #tpu.memory_space<hbm>> -> memref<4096xf32, #tpu.memory_space<hbm>>
      tpu.wait_dma2 semaphore(%run_scoped3A : memref<!tpu.dma_semaphore, #tpu.memory_space<semaphore_mem>>) src(%dma_wait3A_56 : memref<4096xf32, #tpu.memory_space<hbm>>) dst(%arg8 : memref<4096xf32, #tpu.memory_space<vmem>>)
      tpu.yield
    }) : () -> ()
    %mul3A_31 = arith.constant 3 : i32
    %mul3A_32 = arith.muli %select_n3A, %mul3A_31 : i32
    %add3A_33 = arith.constant 2 : i32
    %add3A_34 = arith.addi %mul3A_32, %add3A_33 : i32
    %mul3A_35 = arith.constant 4096 : i32
    %mul3A_36 = arith.muli %add3A_34, %mul3A_35 : i32
    "tpu.region"() ({
      %run_scoped3A = tpu.sem_alloc : memref<!tpu.dma_semaphore, #tpu.memory_space<semaphore_mem>>
      %dma_start3A = tpu.memref_slice %arg3[%mul3A_36] : memref<12288xf32, #tpu.memory_space<hbm>> -> memref<4096xf32, #tpu.memory_space<hbm>>
      %dma_start3A_55 = tpu.memref_slice %arg3[%mul3A_36] : memref<12288xf32, #tpu.memory_space<hbm>> -> memref<4096xf32, #tpu.memory_space<hbm>>
      tpu.enqueue_dma source(%dma_start3A_55 : memref<4096xf32, #tpu.memory_space<hbm>>) target(%arg9 : memref<4096xf32, #tpu.memory_space<vmem>>) target_semaphore(%run_scoped3A : memref<!tpu.dma_semaphore, #tpu.memory_space<semaphore_mem>>)
      %dma_wait3A = tpu.memref_slice %arg3[%mul3A_36] : memref<12288xf32, #tpu.memory_space<hbm>> -> memref<4096xf32, #tpu.memory_space<hbm>>
      %dma_wait3A_56 = tpu.memref_slice %arg3[%mul3A_36] : memref<12288xf32, #tpu.memory_space<hbm>> -> memref<4096xf32, #tpu.memory_space<hbm>>
      tpu.wait_dma2 semaphore(%run_scoped3A : memref<!tpu.dma_semaphore, #tpu.memory_space<semaphore_mem>>) src(%dma_wait3A_56 : memref<4096xf32, #tpu.memory_space<hbm>>) dst(%arg9 : memref<4096xf32, #tpu.memory_space<vmem>>)
      tpu.yield
    }) : () -> ()
    %iota3A = tpu.iota {dimensions = array<i32: 0>} : vector<16xi32>
    %broadcast_in_dim3A = arith.constant 0.000000e+00 : f32
    %broadcast_in_dim3A_37 = vector.broadcast %broadcast_in_dim3A : f32 to vector<16xf32>
    %scan3A = arith.constant 0 : i32
    %scan3A_38 = arith.constant 0 : i32
    %scan3A_39 = arith.constant 128 : i32
    %scan3A_40 = arith.addi %scan3A_38, %scan3A_39 : i32
    %scan3A_41 = arith.constant 1 : i32
    scf.for %scan3A_55 = %scan3A_38 to %scan3A_40 step %scan3A_41  : i32 {
      %swap3A = arith.index_cast %scan3A_55 : i32 to index
      %swap3A_56 = arith.constant 0 : index
      %swap3A_57 = tpu.vector_load %arg13[%swap3A, %swap3A_56] {strides = array<i32>} : memref<128x128xf32, #tpu.memory_space<vmem>>, vector<16xf32>,
      tpu.vector_store %arg13[%swap3A, %swap3A_56], %broadcast_in_dim3A_37 {strides = array<i32>} : memref<128x128xf32, #tpu.memory_space<vmem>>, vector<16xf32>,
      %swap3A_58 = arith.index_cast %scan3A_55 : i32 to index
      %swap3A_59 = arith.constant 16 : index
      %swap3A_60 = tpu.vector_load %arg13[%swap3A_58, %swap3A_59] {strides = array<i32>} : memref<128x128xf32, #tpu.memory_space<vmem>>, vector<16xf32>,
      tpu.vector_store %arg13[%swap3A_58, %swap3A_59], %broadcast_in_dim3A_37 {strides = array<i32>} : memref<128x128xf32, #tpu.memory_space<vmem>>, vector<16xf32>,
      %swap3A_61 = arith.index_cast %scan3A_55 : i32 to index
      %swap3A_62 = arith.constant 32 : index
      %swap3A_63 = tpu.vector_load %arg13[%swap3A_61, %swap3A_62] {strides = array<i32>} : memref<128x128xf32, #tpu.memory_space<vmem>>, vector<16xf32>,
      tpu.vector_store %arg13[%swap3A_61, %swap3A_62], %broadcast_in_dim3A_37 {strides = array<i32>} : memref<128x128xf32, #tpu.memory_space<vmem>>, vector<16xf32>,
      %swap3A_64 = arith.index_cast %scan3A_55 : i32 to index
      %swap3A_65 = arith.constant 48 : index
      %swap3A_66 = tpu.vector_load %arg13[%swap3A_64, %swap3A_65] {strides = array<i32>} : memref<128x128xf32, #tpu.memory_space<vmem>>, vector<16xf32>,
      tpu.vector_store %arg13[%swap3A_64, %swap3A_65], %broadcast_in_dim3A_37 {strides = array<i32>} : memref<128x128xf32, #tpu.memory_space<vmem>>, vector<16xf32>,
      %swap3A_67 = arith.index_cast %scan3A_55 : i32 to index
      %swap3A_68 = arith.constant 64 : index
      %swap3A_69 = tpu.vector_load %arg13[%swap3A_67, %swap3A_68] {strides = array<i32>} : memref<128x128xf32, #tpu.memory_space<vmem>>, vector<16xf32>,
      tpu.vector_store %arg13[%swap3A_67, %swap3A_68], %broadcast_in_dim3A_37 {strides = array<i32>} : memref<128x128xf32, #tpu.memory_space<vmem>>, vector<16xf32>,
      %swap3A_70 = arith.index_cast %scan3A_55 : i32 to index
      %swap3A_71 = arith.constant 80 : index
      %swap3A_72 = tpu.vector_load %arg13[%swap3A_70, %swap3A_71] {strides = array<i32>} : memref<128x128xf32, #tpu.memory_space<vmem>>, vector<16xf32>,
      tpu.vector_store %arg13[%swap3A_70, %swap3A_71], %broadcast_in_dim3A_37 {strides = array<i32>} : memref<128x128xf32, #tpu.memory_space<vmem>>, vector<16xf32>,
      %swap3A_73 = arith.index_cast %scan3A_55 : i32 to index
      %swap3A_74 = arith.constant 96 : index
      %swap3A_75 = tpu.vector_load %arg13[%swap3A_73, %swap3A_74] {strides = array<i32>} : memref<128x128xf32, #tpu.memory_space<vmem>>, vector<16xf32>,
      tpu.vector_store %arg13[%swap3A_73, %swap3A_74], %broadcast_in_dim3A_37 {strides = array<i32>} : memref<128x128xf32, #tpu.memory_space<vmem>>, vector<16xf32>,
      %swap3A_76 = arith.index_cast %scan3A_55 : i32 to index
      %swap3A_77 = arith.constant 112 : index
      %swap3A_78 = tpu.vector_load %arg13[%swap3A_76, %swap3A_77] {strides = array<i32>} : memref<128x128xf32, #tpu.memory_space<vmem>>, vector<16xf32>,
      tpu.vector_store %arg13[%swap3A_76, %swap3A_77], %broadcast_in_dim3A_37 {strides = array<i32>} : memref<128x128xf32, #tpu.memory_space<vmem>>, vector<16xf32>,
    }
    %scan3A_42 = arith.constant 128 : i32
    %scan3A_43 = arith.constant 0 : i32
    %scan3A_44 = arith.constant 0 : i32
    %mul3A_45 = arith.constant 128 : i32
    %mul3A_46 = arith.muli %scan3A_44, %mul3A_45 : i32
    %add3A_47 = arith.addi %mul3A_2, %mul3A_46 : i32
    "tpu.region"() ({
      %run_scoped3A = tpu.sem_alloc : memref<!tpu.dma_semaphore, #tpu.memory_space<semaphore_mem>>
      %dma_start3A = arith.constant 0 : i32
      %dma_start3A_55 = tpu.memref_slice %arg2[%add3A_47, %dma_start3A] : memref<4096x256xi32, #tpu.memory_space<hbm>> -> memref<128x256xi32, #tpu.memory_space<hbm>>
      %dma_start3A_56 = arith.constant 0 : i32
      %dma_start3A_57 = tpu.memref_slice %arg2[%add3A_47, %dma_start3A_56] : memref<4096x256xi32, #tpu.memory_space<hbm>> -> memref<128x256xi32, #tpu.memory_space<hbm>>
      tpu.enqueue_dma source(%dma_start3A_57 : memref<128x256xi32, #tpu.memory_space<hbm>>) target(%arg6 : memref<128x256xi32, #tpu.memory_space<vmem>>) target_semaphore(%run_scoped3A : memref<!tpu.dma_semaphore, #tpu.memory_space<semaphore_mem>>)
      %dma_wait3A = arith.constant 0 : i32
      %dma_wait3A_58 = tpu.memref_slice %arg2[%add3A_47, %dma_wait3A] : memref<4096x256xi32, #tpu.memory_space<hbm>> -> memref<128x256xi32, #tpu.memory_space<hbm>>
      %dma_wait3A_59 = arith.constant 0 : i32
      %dma_wait3A_60 = tpu.memref_slice %arg2[%add3A_47, %dma_wait3A_59] : memref<4096x256xi32, #tpu.memory_space<hbm>> -> memref<128x256xi32, #tpu.memory_space<hbm>>
      tpu.wait_dma2 semaphore(%run_scoped3A : memref<!tpu.dma_semaphore, #tpu.memory_space<semaphore_mem>>) src(%dma_wait3A_60 : memref<128x256xi32, #tpu.memory_space<hbm>>) dst(%arg6 : memref<128x256xi32, #tpu.memory_space<vmem>>)
      tpu.yield
    }) : () -> ()
    %scan3A_48 = arith.constant 0 : i32
    %scan3A_49 = arith.constant 0 : i32
    %scan3A_50 = arith.constant 128 : i32
    %scan3A_51 = arith.addi %scan3A_49, %scan3A_50 : i32
    %scan3A_52 = arith.constant 1 : i32
    scf.for %scan3A_55 = %scan3A_49 to %scan3A_51 step %scan3A_52  : i32 {
      %add3A_56 = arith.addi %add3A_47, %scan3A_55 : i32
      %mul3A_57 = arith.constant 4096 : i32
      %mul3A_58 = arith.muli %select_n3A, %mul3A_57 : i32
      %sub3A_59 = arith.subi %add3A_56, %mul3A_58 : i32
      %broadcast_in_dim3A_60 = vector.broadcast %sub3A_59 : i32 to vector<16xi32>
      %swap3A = arith.constant 0 : index
      %swap3A_61 = tpu.vector_load %arg12[%swap3A] {strides = array<i32>} : memref<48xi32, #tpu.memory_space<vmem>>, vector<16xi32>,
      tpu.vector_store %arg12[%swap3A], %broadcast_in_dim3A_60 {strides = array<i32>} : memref<48xi32, #tpu.memory_space<vmem>>, vector<16xi32>,
      %swap3A_62 = arith.constant 16 : index
      %swap3A_63 = tpu.vector_load %arg12[%swap3A_62] {strides = array<i32>} : memref<48xi32, #tpu.memory_space<vmem>>, vector<16xi32>,
      tpu.vector_store %arg12[%swap3A_62], %broadcast_in_dim3A_60 {strides = array<i32>} : memref<48xi32, #tpu.memory_space<vmem>>, vector<16xi32>,
      %broadcast_in_dim3A_64 = arith.constant 0 : i32
      %broadcast_in_dim3A_65 = vector.broadcast %broadcast_in_dim3A_64 : i32 to vector<16xi32>
      %get3A = arith.index_cast %scan3A_55 : i32 to index
      %get3A_66 = arith.constant 0 : index
      %get3A_67 = tpu.vector_load %arg6[%get3A, %get3A_66] {strides = array<i32>} : memref<128x256xi32, #tpu.memory_space<vmem>>, vector<16xi32>,
      %ne3A_68 = arith.constant 0 : i32
      %ne3A_69 = vector.broadcast %ne3A_68 : i32 to vector<16xi32>
      %ne3A_70 = arith.cmpi ne, %get3A_67, %ne3A_69 : vector<16xi32>
      %convert_element_type3A = arith.extui %ne3A_70 : vector<16xi1> to vector<16xi32>
      %sub3A_71 = arith.constant 1 : i32
      %sub3A_72 = vector.broadcast %sub3A_71 : i32 to vector<16xi32>
      %sub3A_73 = arith.subi %broadcast_in_dim3A_65, %sub3A_72 : vector<16xi32>
      %broadcast_in_dim3A_74 = arith.constant true
      %broadcast_in_dim3A_75 = vector.broadcast %broadcast_in_dim3A_74 : i1 to vector<16xi1>
      %masked_cumsum3A = tpu.scan <sum>, %convert_element_type3A masked %broadcast_in_dim3A_75 : vector<16xi32>, vector<16xi1> -> vector<16xi32>
      %add3A_76 = arith.addi %sub3A_73, %masked_cumsum3A : vector<16xi32>
      tpu.vector_store_idx %arg10[%add3A_76], %get3A_67 masked %ne3A_70 : memref<272xi32, #tpu.memory_space<vmem>>[vector<16xi32>], vector<16xi32>, vector<16xi1>
      %broadcast_in_dim3A_77 = arith.constant 0 : i32
      %broadcast_in_dim3A_78 = vector.broadcast %broadcast_in_dim3A_77 : i32 to vector<16xi32>
      %add3A_79 = arith.addi %broadcast_in_dim3A_78, %iota3A : vector<16xi32>
      tpu.vector_store_idx %arg11[%add3A_76], %add3A_79 masked %ne3A_70 : memref<272xi32, #tpu.memory_space<vmem>>[vector<16xi32>], vector<16xi32>, vector<16xi1>
      %all_reduce_population_count3A = tpu.all_reduce %ne3A_70 {dim = 0 : i64, kind = #tpu.reduction_kind<sum>} : vector<16xi1> -> vector<16xi32>
      %add3A_80 = arith.addi %broadcast_in_dim3A_65, %all_reduce_population_count3A : vector<16xi32>
      %get3A_81 = arith.index_cast %scan3A_55 : i32 to index
      %get3A_82 = arith.constant 16 : index
      %get3A_83 = tpu.vector_load %arg6[%get3A_81, %get3A_82] {strides = array<i32>} : memref<128x256xi32, #tpu.memory_space<vmem>>, vector<16xi32>,
      %ne3A_84 = arith.constant 0 : i32
      %ne3A_85 = vector.broadcast %ne3A_84 : i32 to vector<16xi32>
      %ne3A_86 = arith.cmpi ne, %get3A_83, %ne3A_85 : vector<16xi32>
      %convert_element_type3A_87 = arith.extui %ne3A_86 : vector<16xi1> to vector<16xi32>
      %sub3A_88 = arith.constant 1 : i32
      %sub3A_89 = vector.broadcast %sub3A_88 : i32 to vector<16xi32>
      %sub3A_90 = arith.subi %add3A_80, %sub3A_89 : vector<16xi32>
      %broadcast_in_dim3A_91 = arith.constant true
      %broadcast_in_dim3A_92 = vector.broadcast %broadcast_in_dim3A_91 : i1 to vector<16xi1>
      %masked_cumsum3A_93 = tpu.scan <sum>, %convert_element_type3A_87 masked %broadcast_in_dim3A_92 : vector<16xi32>, vector<16xi1> -> vector<16xi32>
      %add3A_94 = arith.addi %sub3A_90, %masked_cumsum3A_93 : vector<16xi32>
      tpu.vector_store_idx %arg10[%add3A_94], %get3A_83 masked %ne3A_86 : memref<272xi32, #tpu.memory_space<vmem>>[vector<16xi32>], vector<16xi32>, vector<16xi1>
      %broadcast_in_dim3A_95 = arith.constant 16 : i32
      %broadcast_in_dim3A_96 = vector.broadcast %broadcast_in_dim3A_95 : i32 to vector<16xi32>
      %add3A_97 = arith.addi %broadcast_in_dim3A_96, %iota3A : vector<16xi32>
      tpu.vector_store_idx %arg11[%add3A_94], %add3A_97 masked %ne3A_86 : memref<272xi32, #tpu.memory_space<vmem>>[vector<16xi32>], vector<16xi32>, vector<16xi1>
      %all_reduce_population_count3A_98 = tpu.all_reduce %ne3A_86 {dim = 0 : i64, kind = #tpu.reduction_kind<sum>} : vector<16xi1> -> vector<16xi32>
      %add3A_99 = arith.addi %add3A_80, %all_reduce_population_count3A_98 : vector<16xi32>
      %get3A_100 = arith.index_cast %scan3A_55 : i32 to index
      %get3A_101 = arith.constant 32 : index
      %get3A_102 = tpu.vector_load %arg6[%get3A_100, %get3A_101] {strides = array<i32>} : memref<128x256xi32, #tpu.memory_space<vmem>>, vector<16xi32>,
      %ne3A_103 = arith.constant 0 : i32
      %ne3A_104 = vector.broadcast %ne3A_103 : i32 to vector<16xi32>
      %ne3A_105 = arith.cmpi ne, %get3A_102, %ne3A_104 : vector<16xi32>
      %convert_element_type3A_106 = arith.extui %ne3A_105 : vector<16xi1> to vector<16xi32>
      %sub3A_107 = arith.constant 1 : i32
      %sub3A_108 = vector.broadcast %sub3A_107 : i32 to vector<16xi32>
      %sub3A_109 = arith.subi %add3A_99, %sub3A_108 : vector<16xi32>
      %broadcast_in_dim3A_110 = arith.constant true
      %broadcast_in_dim3A_111 = vector.broadcast %broadcast_in_dim3A_110 : i1 to vector<16xi1>
      %masked_cumsum3A_112 = tpu.scan <sum>, %convert_element_type3A_106 masked %broadcast_in_dim3A_111 : vector<16xi32>, vector<16xi1> -> vector<16xi32>
      %add3A_113 = arith.addi %sub3A_109, %masked_cumsum3A_112 : vector<16xi32>
      tpu.vector_store_idx %arg10[%add3A_113], %get3A_102 masked %ne3A_105 : memref<272xi32, #tpu.memory_space<vmem>>[vector<16xi32>], vector<16xi32>, vector<16xi1>
      %broadcast_in_dim3A_114 = arith.constant 32 : i32
      %broadcast_in_dim3A_115 = vector.broadcast %broadcast_in_dim3A_114 : i32 to vector<16xi32>
      %add3A_116 = arith.addi %broadcast_in_dim3A_115, %iota3A : vector<16xi32>
      tpu.vector_store_idx %arg11[%add3A_113], %add3A_116 masked %ne3A_105 : memref<272xi32, #tpu.memory_space<vmem>>[vector<16xi32>], vector<16xi32>, vector<16xi1>
      %all_reduce_population_count3A_117 = tpu.all_reduce %ne3A_105 {dim = 0 : i64, kind = #tpu.reduction_kind<sum>} : vector<16xi1> -> vector<16xi32>
      %add3A_118 = arith.addi %add3A_99, %all_reduce_population_count3A_117 : vector<16xi32>
      %get3A_119 = arith.index_cast %scan3A_55 : i32 to index
      %get3A_120 = arith.constant 48 : index
      %get3A_121 = tpu.vector_load %arg6[%get3A_119, %get3A_120] {strides = array<i32>} : memref<128x256xi32, #tpu.memory_space<vmem>>, vector<16xi32>,
      %ne3A_122 = arith.constant 0 : i32
      %ne3A_123 = vector.broadcast %ne3A_122 : i32 to vector<16xi32>
      %ne3A_124 = arith.cmpi ne, %get3A_121, %ne3A_123 : vector<16xi32>
      %convert_element_type3A_125 = arith.extui %ne3A_124 : vector<16xi1> to vector<16xi32>
      %sub3A_126 = arith.constant 1 : i32
      %sub3A_127 = vector.broadcast %sub3A_126 : i32 to vector<16xi32>
      %sub3A_128 = arith.subi %add3A_118, %sub3A_127 : vector<16xi32>
      %broadcast_in_dim3A_129 = arith.constant true
      %broadcast_in_dim3A_130 = vector.broadcast %broadcast_in_dim3A_129 : i1 to vector<16xi1>
      %masked_cumsum3A_131 = tpu.scan <sum>, %convert_element_type3A_125 masked %broadcast_in_dim3A_130 : vector<16xi32>, vector<16xi1> -> vector<16xi32>
      %add3A_132 = arith.addi %sub3A_128, %masked_cumsum3A_131 : vector<16xi32>
      tpu.vector_store_idx %arg10[%add3A_132], %get3A_121 masked %ne3A_124 : memref<272xi32, #tpu.memory_space<vmem>>[vector<16xi32>], vector<16xi32>, vector<16xi1>
      %broadcast_in_dim3A_133 = arith.constant 48 : i32
      %broadcast_in_dim3A_134 = vector.broadcast %broadcast_in_dim3A_133 : i32 to vector<16xi32>
      %add3A_135 = arith.addi %broadcast_in_dim3A_134, %iota3A : vector<16xi32>
      tpu.vector_store_idx %arg11[%add3A_132], %add3A_135 masked %ne3A_124 : memref<272xi32, #tpu.memory_space<vmem>>[vector<16xi32>], vector<16xi32>, vector<16xi1>
      %all_reduce_population_count3A_136 = tpu.all_reduce %ne3A_124 {dim = 0 : i64, kind = #tpu.reduction_kind<sum>} : vector<16xi1> -> vector<16xi32>
      %add3A_137 = arith.addi %add3A_118, %all_reduce_population_count3A_136 : vector<16xi32>
      %get3A_138 = arith.index_cast %scan3A_55 : i32 to index
      %get3A_139 = arith.constant 64 : index
      %get3A_140 = tpu.vector_load %arg6[%get3A_138, %get3A_139] {strides = array<i32>} : memref<128x256xi32, #tpu.memory_space<vmem>>, vector<16xi32>,
      %ne3A_141 = arith.constant 0 : i32
      %ne3A_142 = vector.broadcast %ne3A_141 : i32 to vector<16xi32>
      %ne3A_143 = arith.cmpi ne, %get3A_140, %ne3A_142 : vector<16xi32>
      %convert_element_type3A_144 = arith.extui %ne3A_143 : vector<16xi1> to vector<16xi32>
      %sub3A_145 = arith.constant 1 : i32
      %sub3A_146 = vector.broadcast %sub3A_145 : i32 to vector<16xi32>
      %sub3A_147 = arith.subi %add3A_137, %sub3A_146 : vector<16xi32>
      %broadcast_in_dim3A_148 = arith.constant true
      %broadcast_in_dim3A_149 = vector.broadcast %broadcast_in_dim3A_148 : i1 to vector<16xi1>
      %masked_cumsum3A_150 = tpu.scan <sum>, %convert_element_type3A_144 masked %broadcast_in_dim3A_149 : vector<16xi32>, vector<16xi1> -> vector<16xi32>
      %add3A_151 = arith.addi %sub3A_147, %masked_cumsum3A_150 : vector<16xi32>
      tpu.vector_store_idx %arg10[%add3A_151], %get3A_140 masked %ne3A_143 : memref<272xi32, #tpu.memory_space<vmem>>[vector<16xi32>], vector<16xi32>, vector<16xi1>
      %broadcast_in_dim3A_152 = arith.constant 64 : i32
      %broadcast_in_dim3A_153 = vector.broadcast %broadcast_in_dim3A_152 : i32 to vector<16xi32>
      %add3A_154 = arith.addi %broadcast_in_dim3A_153, %iota3A : vector<16xi32>
      tpu.vector_store_idx %arg11[%add3A_151], %add3A_154 masked %ne3A_143 : memref<272xi32, #tpu.memory_space<vmem>>[vector<16xi32>], vector<16xi32>, vector<16xi1>
      %all_reduce_population_count3A_155 = tpu.all_reduce %ne3A_143 {dim = 0 : i64, kind = #tpu.reduction_kind<sum>} : vector<16xi1> -> vector<16xi32>
      %add3A_156 = arith.addi %add3A_137, %all_reduce_population_count3A_155 : vector<16xi32>
      %get3A_157 = arith.index_cast %scan3A_55 : i32 to index
      %get3A_158 = arith.constant 80 : index
      %get3A_159 = tpu.vector_load %arg6[%get3A_157, %get3A_158] {strides = array<i32>} : memref<128x256xi32, #tpu.memory_space<vmem>>, vector<16xi32>,
      %ne3A_160 = arith.constant 0 : i32
      %ne3A_161 = vector.broadcast %ne3A_160 : i32 to vector<16xi32>
      %ne3A_162 = arith.cmpi ne, %get3A_159, %ne3A_161 : vector<16xi32>
      %convert_element_type3A_163 = arith.extui %ne3A_162 : vector<16xi1> to vector<16xi32>
      %sub3A_164 = arith.constant 1 : i32
      %sub3A_165 = vector.broadcast %sub3A_164 : i32 to vector<16xi32>
      %sub3A_166 = arith.subi %add3A_156, %sub3A_165 : vector<16xi32>
      %broadcast_in_dim3A_167 = arith.constant true
      %broadcast_in_dim3A_168 = vector.broadcast %broadcast_in_dim3A_167 : i1 to vector<16xi1>
      %masked_cumsum3A_169 = tpu.scan <sum>, %convert_element_type3A_163 masked %broadcast_in_dim3A_168 : vector<16xi32>, vector<16xi1> -> vector<16xi32>
      %add3A_170 = arith.addi %sub3A_166, %masked_cumsum3A_169 : vector<16xi32>
      tpu.vector_store_idx %arg10[%add3A_170], %get3A_159 masked %ne3A_162 : memref<272xi32, #tpu.memory_space<vmem>>[vector<16xi32>], vector<16xi32>, vector<16xi1>
      %broadcast_in_dim3A_171 = arith.constant 80 : i32
      %broadcast_in_dim3A_172 = vector.broadcast %broadcast_in_dim3A_171 : i32 to vector<16xi32>
      %add3A_173 = arith.addi %broadcast_in_dim3A_172, %iota3A : vector<16xi32>
      tpu.vector_store_idx %arg11[%add3A_170], %add3A_173 masked %ne3A_162 : memref<272xi32, #tpu.memory_space<vmem>>[vector<16xi32>], vector<16xi32>, vector<16xi1>
      %all_reduce_population_count3A_174 = tpu.all_reduce %ne3A_162 {dim = 0 : i64, kind = #tpu.reduction_kind<sum>} : vector<16xi1> -> vector<16xi32>
      %add3A_175 = arith.addi %add3A_156, %all_reduce_population_count3A_174 : vector<16xi32>
      %get3A_176 = arith.index_cast %scan3A_55 : i32 to index
      %get3A_177 = arith.constant 96 : index
      %get3A_178 = tpu.vector_load %arg6[%get3A_176, %get3A_177] {strides = array<i32>} : memref<128x256xi32, #tpu.memory_space<vmem>>, vector<16xi32>,
      %ne3A_179 = arith.constant 0 : i32
      %ne3A_180 = vector.broadcast %ne3A_179 : i32 to vector<16xi32>
      %ne3A_181 = arith.cmpi ne, %get3A_178, %ne3A_180 : vector<16xi32>
      %convert_element_type3A_182 = arith.extui %ne3A_181 : vector<16xi1> to vector<16xi32>
      %sub3A_183 = arith.constant 1 : i32
      %sub3A_184 = vector.broadcast %sub3A_183 : i32 to vector<16xi32>
      %sub3A_185 = arith.subi %add3A_175, %sub3A_184 : vector<16xi32>
      %broadcast_in_dim3A_186 = arith.constant true
      %broadcast_in_dim3A_187 = vector.broadcast %broadcast_in_dim3A_186 : i1 to vector<16xi1>
      %masked_cumsum3A_188 = tpu.scan <sum>, %convert_element_type3A_182 masked %broadcast_in_dim3A_187 : vector<16xi32>, vector<16xi1> -> vector<16xi32>
      %add3A_189 = arith.addi %sub3A_185, %masked_cumsum3A_188 : vector<16xi32>
      tpu.vector_store_idx %arg10[%add3A_189], %get3A_178 masked %ne3A_181 : memref<272xi32, #tpu.memory_space<vmem>>[vector<16xi32>], vector<16xi32>, vector<16xi1>
      %broadcast_in_dim3A_190 = arith.constant 96 : i32
      %broadcast_in_dim3A_191 = vector.broadcast %broadcast_in_dim3A_190 : i32 to vector<16xi32>
      %add3A_192 = arith.addi %broadcast_in_dim3A_191, %iota3A : vector<16xi32>
      tpu.vector_store_idx %arg11[%add3A_189], %add3A_192 masked %ne3A_181 : memref<272xi32, #tpu.memory_space<vmem>>[vector<16xi32>], vector<16xi32>, vector<16xi1>
      %all_reduce_population_count3A_193 = tpu.all_reduce %ne3A_181 {dim = 0 : i64, kind = #tpu.reduction_kind<sum>} : vector<16xi1> -> vector<16xi32>
      %add3A_194 = arith.addi %add3A_175, %all_reduce_population_count3A_193 : vector<16xi32>
      %get3A_195 = arith.index_cast %scan3A_55 : i32 to index
      %get3A_196 = arith.constant 112 : index
      %get3A_197 = tpu.vector_load %arg6[%get3A_195, %get3A_196] {strides = array<i32>} : memref<128x256xi32, #tpu.memory_space<vmem>>, vector<16xi32>,
      %ne3A_198 = arith.constant 0 : i32
      %ne3A_199 = vector.broadcast %ne3A_198 : i32 to vector<16xi32>
      %ne3A_200 = arith.cmpi ne, %get3A_197, %ne3A_199 : vector<16xi32>
      %convert_element_type3A_201 = arith.extui %ne3A_200 : vector<16xi1> to vector<16xi32>
      %sub3A_202 = arith.constant 1 : i32
      %sub3A_203 = vector.broadcast %sub3A_202 : i32 to vector<16xi32>
      %sub3A_204 = arith.subi %add3A_194, %sub3A_203 : vector<16xi32>
      %broadcast_in_dim3A_205 = arith.constant true
      %broadcast_in_dim3A_206 = vector.broadcast %broadcast_in_dim3A_205 : i1 to vector<16xi1>
      %masked_cumsum3A_207 = tpu.scan <sum>, %convert_element_type3A_201 masked %broadcast_in_dim3A_206 : vector<16xi32>, vector<16xi1> -> vector<16xi32>
      %add3A_208 = arith.addi %sub3A_204, %masked_cumsum3A_207 : vector<16xi32>
      tpu.vector_store_idx %arg10[%add3A_208], %get3A_197 masked %ne3A_200 : memref<272xi32, #tpu.memory_space<vmem>>[vector<16xi32>], vector<16xi32>, vector<16xi1>
      %broadcast_in_dim3A_209 = arith.constant 112 : i32
      %broadcast_in_dim3A_210 = vector.broadcast %broadcast_in_dim3A_209 : i32 to vector<16xi32>
      %add3A_211 = arith.addi %broadcast_in_dim3A_210, %iota3A : vector<16xi32>
      tpu.vector_store_idx %arg11[%add3A_208], %add3A_211 masked %ne3A_200 : memref<272xi32, #tpu.memory_space<vmem>>[vector<16xi32>], vector<16xi32>, vector<16xi1>
      %all_reduce_population_count3A_212 = tpu.all_reduce %ne3A_200 {dim = 0 : i64, kind = #tpu.reduction_kind<sum>} : vector<16xi1> -> vector<16xi32>
      %add3A_213 = arith.addi %add3A_194, %all_reduce_population_count3A_212 : vector<16xi32>
      %get3A_214 = arith.index_cast %scan3A_55 : i32 to index
      %get3A_215 = arith.constant 128 : index
      %get3A_216 = tpu.vector_load %arg6[%get3A_214, %get3A_215] {strides = array<i32>} : memref<128x256xi32, #tpu.memory_space<vmem>>, vector<16xi32>,
      %ne3A_217 = arith.constant 0 : i32
      %ne3A_218 = vector.broadcast %ne3A_217 : i32 to vector<16xi32>
      %ne3A_219 = arith.cmpi ne, %get3A_216, %ne3A_218 : vector<16xi32>
      %convert_element_type3A_220 = arith.extui %ne3A_219 : vector<16xi1> to vector<16xi32>
      %sub3A_221 = arith.constant 1 : i32
      %sub3A_222 = vector.broadcast %sub3A_221 : i32 to vector<16xi32>
      %sub3A_223 = arith.subi %add3A_213, %sub3A_222 : vector<16xi32>
      %broadcast_in_dim3A_224 = arith.constant true
      %broadcast_in_dim3A_225 = vector.broadcast %broadcast_in_dim3A_224 : i1 to vector<16xi1>
      %masked_cumsum3A_226 = tpu.scan <sum>, %convert_element_type3A_220 masked %broadcast_in_dim3A_225 : vector<16xi32>, vector<16xi1> -> vector<16xi32>
      %add3A_227 = arith.addi %sub3A_223, %masked_cumsum3A_226 : vector<16xi32>
      tpu.vector_store_idx %arg10[%add3A_227], %get3A_216 masked %ne3A_219 : memref<272xi32, #tpu.memory_space<vmem>>[vector<16xi32>], vector<16xi32>, vector<16xi1>
      %broadcast_in_dim3A_228 = arith.constant 128 : i32
      %broadcast_in_dim3A_229 = vector.broadcast %broadcast_in_dim3A_228 : i32 to vector<16xi32>
      %add3A_230 = arith.addi %broadcast_in_dim3A_229, %iota3A : vector<16xi32>
      tpu.vector_store_idx %arg11[%add3A_227], %add3A_230 masked %ne3A_219 : memref<272xi32, #tpu.memory_space<vmem>>[vector<16xi32>], vector<16xi32>, vector<16xi1>
      %all_reduce_population_count3A_231 = tpu.all_reduce %ne3A_219 {dim = 0 : i64, kind = #tpu.reduction_kind<sum>} : vector<16xi1> -> vector<16xi32>
      %add3A_232 = arith.addi %add3A_213, %all_reduce_population_count3A_231 : vector<16xi32>
      %get3A_233 = arith.index_cast %scan3A_55 : i32 to index
      %get3A_234 = arith.constant 144 : index
      %get3A_235 = tpu.vector_load %arg6[%get3A_233, %get3A_234] {strides = array<i32>} : memref<128x256xi32, #tpu.memory_space<vmem>>, vector<16xi32>,
      %ne3A_236 = arith.constant 0 : i32
      %ne3A_237 = vector.broadcast %ne3A_236 : i32 to vector<16xi32>
      %ne3A_238 = arith.cmpi ne, %get3A_235, %ne3A_237 : vector<16xi32>
      %convert_element_type3A_239 = arith.extui %ne3A_238 : vector<16xi1> to vector<16xi32>
      %sub3A_240 = arith.constant 1 : i32
      %sub3A_241 = vector.broadcast %sub3A_240 : i32 to vector<16xi32>
      %sub3A_242 = arith.subi %add3A_232, %sub3A_241 : vector<16xi32>
      %broadcast_in_dim3A_243 = arith.constant true
      %broadcast_in_dim3A_244 = vector.broadcast %broadcast_in_dim3A_243 : i1 to vector<16xi1>
      %masked_cumsum3A_245 = tpu.scan <sum>, %convert_element_type3A_239 masked %broadcast_in_dim3A_244 : vector<16xi32>, vector<16xi1> -> vector<16xi32>
      %add3A_246 = arith.addi %sub3A_242, %masked_cumsum3A_245 : vector<16xi32>
      tpu.vector_store_idx %arg10[%add3A_246], %get3A_235 masked %ne3A_238 : memref<272xi32, #tpu.memory_space<vmem>>[vector<16xi32>], vector<16xi32>, vector<16xi1>
      %broadcast_in_dim3A_247 = arith.constant 144 : i32
      %broadcast_in_dim3A_248 = vector.broadcast %broadcast_in_dim3A_247 : i32 to vector<16xi32>
      %add3A_249 = arith.addi %broadcast_in_dim3A_248, %iota3A : vector<16xi32>
      tpu.vector_store_idx %arg11[%add3A_246], %add3A_249 masked %ne3A_238 : memref<272xi32, #tpu.memory_space<vmem>>[vector<16xi32>], vector<16xi32>, vector<16xi1>
      %all_reduce_population_count3A_250 = tpu.all_reduce %ne3A_238 {dim = 0 : i64, kind = #tpu.reduction_kind<sum>} : vector<16xi1> -> vector<16xi32>
      %add3A_251 = arith.addi %add3A_232, %all_reduce_population_count3A_250 : vector<16xi32>
      %get3A_252 = arith.index_cast %scan3A_55 : i32 to index
      %get3A_253 = arith.constant 160 : index
      %get3A_254 = tpu.vector_load %arg6[%get3A_252, %get3A_253] {strides = array<i32>} : memref<128x256xi32, #tpu.memory_space<vmem>>, vector<16xi32>,
      %ne3A_255 = arith.constant 0 : i32
      %ne3A_256 = vector.broadcast %ne3A_255 : i32 to vector<16xi32>
      %ne3A_257 = arith.cmpi ne, %get3A_254, %ne3A_256 : vector<16xi32>
      %convert_element_type3A_258 = arith.extui %ne3A_257 : vector<16xi1> to vector<16xi32>
      %sub3A_259 = arith.constant 1 : i32
      %sub3A_260 = vector.broadcast %sub3A_259 : i32 to vector<16xi32>
      %sub3A_261 = arith.subi %add3A_251, %sub3A_260 : vector<16xi32>
      %broadcast_in_dim3A_262 = arith.constant true
      %broadcast_in_dim3A_263 = vector.broadcast %broadcast_in_dim3A_262 : i1 to vector<16xi1>
      %masked_cumsum3A_264 = tpu.scan <sum>, %convert_element_type3A_258 masked %broadcast_in_dim3A_263 : vector<16xi32>, vector<16xi1> -> vector<16xi32>
      %add3A_265 = arith.addi %sub3A_261, %masked_cumsum3A_264 : vector<16xi32>
      tpu.vector_store_idx %arg10[%add3A_265], %get3A_254 masked %ne3A_257 : memref<272xi32, #tpu.memory_space<vmem>>[vector<16xi32>], vector<16xi32>, vector<16xi1>
      %broadcast_in_dim3A_266 = arith.constant 160 : i32
      %broadcast_in_dim3A_267 = vector.broadcast %broadcast_in_dim3A_266 : i32 to vector<16xi32>
      %add3A_268 = arith.addi %broadcast_in_dim3A_267, %iota3A : vector<16xi32>
      tpu.vector_store_idx %arg11[%add3A_265], %add3A_268 masked %ne3A_257 : memref<272xi32, #tpu.memory_space<vmem>>[vector<16xi32>], vector<16xi32>, vector<16xi1>
      %all_reduce_population_count3A_269 = tpu.all_reduce %ne3A_257 {dim = 0 : i64, kind = #tpu.reduction_kind<sum>} : vector<16xi1> -> vector<16xi32>
      %add3A_270 = arith.addi %add3A_251, %all_reduce_population_count3A_269 : vector<16xi32>
      %get3A_271 = arith.index_cast %scan3A_55 : i32 to index
      %get3A_272 = arith.constant 176 : index
      %get3A_273 = tpu.vector_load %arg6[%get3A_271, %get3A_272] {strides = array<i32>} : memref<128x256xi32, #tpu.memory_space<vmem>>, vector<16xi32>,
      %ne3A_274 = arith.constant 0 : i32
      %ne3A_275 = vector.broadcast %ne3A_274 : i32 to vector<16xi32>
      %ne3A_276 = arith.cmpi ne, %get3A_273, %ne3A_275 : vector<16xi32>
      %convert_element_type3A_277 = arith.extui %ne3A_276 : vector<16xi1> to vector<16xi32>
      %sub3A_278 = arith.constant 1 : i32
      %sub3A_279 = vector.broadcast %sub3A_278 : i32 to vector<16xi32>
      %sub3A_280 = arith.subi %add3A_270, %sub3A_279 : vector<16xi32>
      %broadcast_in_dim3A_281 = arith.constant true
      %broadcast_in_dim3A_282 = vector.broadcast %broadcast_in_dim3A_281 : i1 to vector<16xi1>
      %masked_cumsum3A_283 = tpu.scan <sum>, %convert_element_type3A_277 masked %broadcast_in_dim3A_282 : vector<16xi32>, vector<16xi1> -> vector<16xi32>
      %add3A_284 = arith.addi %sub3A_280, %masked_cumsum3A_283 : vector<16xi32>
      tpu.vector_store_idx %arg10[%add3A_284], %get3A_273 masked %ne3A_276 : memref<272xi32, #tpu.memory_space<vmem>>[vector<16xi32>], vector<16xi32>, vector<16xi1>
      %broadcast_in_dim3A_285 = arith.constant 176 : i32
      %broadcast_in_dim3A_286 = vector.broadcast %broadcast_in_dim3A_285 : i32 to vector<16xi32>
      %add3A_287 = arith.addi %broadcast_in_dim3A_286, %iota3A : vector<16xi32>
      tpu.vector_store_idx %arg11[%add3A_284], %add3A_287 masked %ne3A_276 : memref<272xi32, #tpu.memory_space<vmem>>[vector<16xi32>], vector<16xi32>, vector<16xi1>
      %all_reduce_population_count3A_288 = tpu.all_reduce %ne3A_276 {dim = 0 : i64, kind = #tpu.reduction_kind<sum>} : vector<16xi1> -> vector<16xi32>
      %add3A_289 = arith.addi %add3A_270, %all_reduce_population_count3A_288 : vector<16xi32>
      %get3A_290 = arith.index_cast %scan3A_55 : i32 to index
      %get3A_291 = arith.constant 192 : index
      %get3A_292 = tpu.vector_load %arg6[%get3A_290, %get3A_291] {strides = array<i32>} : memref<128x256xi32, #tpu.memory_space<vmem>>, vector<16xi32>,
      %ne3A_293 = arith.constant 0 : i32
      %ne3A_294 = vector.broadcast %ne3A_293 : i32 to vector<16xi32>
      %ne3A_295 = arith.cmpi ne, %get3A_292, %ne3A_294 : vector<16xi32>
      %convert_element_type3A_296 = arith.extui %ne3A_295 : vector<16xi1> to vector<16xi32>
      %sub3A_297 = arith.constant 1 : i32
      %sub3A_298 = vector.broadcast %sub3A_297 : i32 to vector<16xi32>
      %sub3A_299 = arith.subi %add3A_289, %sub3A_298 : vector<16xi32>
      %broadcast_in_dim3A_300 = arith.constant true
      %broadcast_in_dim3A_301 = vector.broadcast %broadcast_in_dim3A_300 : i1 to vector<16xi1>
      %masked_cumsum3A_302 = tpu.scan <sum>, %convert_element_type3A_296 masked %broadcast_in_dim3A_301 : vector<16xi32>, vector<16xi1> -> vector<16xi32>
      %add3A_303 = arith.addi %sub3A_299, %masked_cumsum3A_302 : vector<16xi32>
      tpu.vector_store_idx %arg10[%add3A_303], %get3A_292 masked %ne3A_295 : memref<272xi32, #tpu.memory_space<vmem>>[vector<16xi32>], vector<16xi32>, vector<16xi1>
      %broadcast_in_dim3A_304 = arith.constant 192 : i32
      %broadcast_in_dim3A_305 = vector.broadcast %broadcast_in_dim3A_304 : i32 to vector<16xi32>
      %add3A_306 = arith.addi %broadcast_in_dim3A_305, %iota3A : vector<16xi32>
      tpu.vector_store_idx %arg11[%add3A_303], %add3A_306 masked %ne3A_295 : memref<272xi32, #tpu.memory_space<vmem>>[vector<16xi32>], vector<16xi32>, vector<16xi1>
      %all_reduce_population_count3A_307 = tpu.all_reduce %ne3A_295 {dim = 0 : i64, kind = #tpu.reduction_kind<sum>} : vector<16xi1> -> vector<16xi32>
      %add3A_308 = arith.addi %add3A_289, %all_reduce_population_count3A_307 : vector<16xi32>
      %get3A_309 = arith.index_cast %scan3A_55 : i32 to index
      %get3A_310 = arith.constant 208 : index
      %get3A_311 = tpu.vector_load %arg6[%get3A_309, %get3A_310] {strides = array<i32>} : memref<128x256xi32, #tpu.memory_space<vmem>>, vector<16xi32>,
      %ne3A_312 = arith.constant 0 : i32
      %ne3A_313 = vector.broadcast %ne3A_312 : i32 to vector<16xi32>
      %ne3A_314 = arith.cmpi ne, %get3A_311, %ne3A_313 : vector<16xi32>
      %convert_element_type3A_315 = arith.extui %ne3A_314 : vector<16xi1> to vector<16xi32>
      %sub3A_316 = arith.constant 1 : i32
      %sub3A_317 = vector.broadcast %sub3A_316 : i32 to vector<16xi32>
      %sub3A_318 = arith.subi %add3A_308, %sub3A_317 : vector<16xi32>
      %broadcast_in_dim3A_319 = arith.constant true
      %broadcast_in_dim3A_320 = vector.broadcast %broadcast_in_dim3A_319 : i1 to vector<16xi1>
      %masked_cumsum3A_321 = tpu.scan <sum>, %convert_element_type3A_315 masked %broadcast_in_dim3A_320 : vector<16xi32>, vector<16xi1> -> vector<16xi32>
      %add3A_322 = arith.addi %sub3A_318, %masked_cumsum3A_321 : vector<16xi32>
      tpu.vector_store_idx %arg10[%add3A_322], %get3A_311 masked %ne3A_314 : memref<272xi32, #tpu.memory_space<vmem>>[vector<16xi32>], vector<16xi32>, vector<16xi1>
      %broadcast_in_dim3A_323 = arith.constant 208 : i32
      %broadcast_in_dim3A_324 = vector.broadcast %broadcast_in_dim3A_323 : i32 to vector<16xi32>
      %add3A_325 = arith.addi %broadcast_in_dim3A_324, %iota3A : vector<16xi32>
      tpu.vector_store_idx %arg11[%add3A_322], %add3A_325 masked %ne3A_314 : memref<272xi32, #tpu.memory_space<vmem>>[vector<16xi32>], vector<16xi32>, vector<16xi1>
      %all_reduce_population_count3A_326 = tpu.all_reduce %ne3A_314 {dim = 0 : i64, kind = #tpu.reduction_kind<sum>} : vector<16xi1> -> vector<16xi32>
      %add3A_327 = arith.addi %add3A_308, %all_reduce_population_count3A_326 : vector<16xi32>
      %get3A_328 = arith.index_cast %scan3A_55 : i32 to index
      %get3A_329 = arith.constant 224 : index
      %get3A_330 = tpu.vector_load %arg6[%get3A_328, %get3A_329] {strides = array<i32>} : memref<128x256xi32, #tpu.memory_space<vmem>>, vector<16xi32>,
      %ne3A_331 = arith.constant 0 : i32
      %ne3A_332 = vector.broadcast %ne3A_331 : i32 to vector<16xi32>
      %ne3A_333 = arith.cmpi ne, %get3A_330, %ne3A_332 : vector<16xi32>
      %convert_element_type3A_334 = arith.extui %ne3A_333 : vector<16xi1> to vector<16xi32>
      %sub3A_335 = arith.constant 1 : i32
      %sub3A_336 = vector.broadcast %sub3A_335 : i32 to vector<16xi32>
      %sub3A_337 = arith.subi %add3A_327, %sub3A_336 : vector<16xi32>
      %broadcast_in_dim3A_338 = arith.constant true
      %broadcast_in_dim3A_339 = vector.broadcast %broadcast_in_dim3A_338 : i1 to vector<16xi1>
      %masked_cumsum3A_340 = tpu.scan <sum>, %convert_element_type3A_334 masked %broadcast_in_dim3A_339 : vector<16xi32>, vector<16xi1> -> vector<16xi32>
      %add3A_341 = arith.addi %sub3A_337, %masked_cumsum3A_340 : vector<16xi32>
      tpu.vector_store_idx %arg10[%add3A_341], %get3A_330 masked %ne3A_333 : memref<272xi32, #tpu.memory_space<vmem>>[vector<16xi32>], vector<16xi32>, vector<16xi1>
      %broadcast_in_dim3A_342 = arith.constant 224 : i32
      %broadcast_in_dim3A_343 = vector.broadcast %broadcast_in_dim3A_342 : i32 to vector<16xi32>
      %add3A_344 = arith.addi %broadcast_in_dim3A_343, %iota3A : vector<16xi32>
      tpu.vector_store_idx %arg11[%add3A_341], %add3A_344 masked %ne3A_333 : memref<272xi32, #tpu.memory_space<vmem>>[vector<16xi32>], vector<16xi32>, vector<16xi1>
      %all_reduce_population_count3A_345 = tpu.all_reduce %ne3A_333 {dim = 0 : i64, kind = #tpu.reduction_kind<sum>} : vector<16xi1> -> vector<16xi32>
      %add3A_346 = arith.addi %add3A_327, %all_reduce_population_count3A_345 : vector<16xi32>
      %get3A_347 = arith.index_cast %scan3A_55 : i32 to index
      %get3A_348 = arith.constant 240 : index
      %get3A_349 = tpu.vector_load %arg6[%get3A_347, %get3A_348] {strides = array<i32>} : memref<128x256xi32, #tpu.memory_space<vmem>>, vector<16xi32>,
      %ne3A_350 = arith.constant 0 : i32
      %ne3A_351 = vector.broadcast %ne3A_350 : i32 to vector<16xi32>
      %ne3A_352 = arith.cmpi ne, %get3A_349, %ne3A_351 : vector<16xi32>
      %convert_element_type3A_353 = arith.extui %ne3A_352 : vector<16xi1> to vector<16xi32>
      %sub3A_354 = arith.constant 1 : i32
      %sub3A_355 = vector.broadcast %sub3A_354 : i32 to vector<16xi32>
      %sub3A_356 = arith.subi %add3A_346, %sub3A_355 : vector<16xi32>
      %broadcast_in_dim3A_357 = arith.constant true
      %broadcast_in_dim3A_358 = vector.broadcast %broadcast_in_dim3A_357 : i1 to vector<16xi1>
      %masked_cumsum3A_359 = tpu.scan <sum>, %convert_element_type3A_353 masked %broadcast_in_dim3A_358 : vector<16xi32>, vector<16xi1> -> vector<16xi32>
      %add3A_360 = arith.addi %sub3A_356, %masked_cumsum3A_359 : vector<16xi32>
      tpu.vector_store_idx %arg10[%add3A_360], %get3A_349 masked %ne3A_352 : memref<272xi32, #tpu.memory_space<vmem>>[vector<16xi32>], vector<16xi32>, vector<16xi1>
      %broadcast_in_dim3A_361 = arith.constant 240 : i32
      %broadcast_in_dim3A_362 = vector.broadcast %broadcast_in_dim3A_361 : i32 to vector<16xi32>
      %add3A_363 = arith.addi %broadcast_in_dim3A_362, %iota3A : vector<16xi32>
      tpu.vector_store_idx %arg11[%add3A_360], %add3A_363 masked %ne3A_352 : memref<272xi32, #tpu.memory_space<vmem>>[vector<16xi32>], vector<16xi32>, vector<16xi1>
      %all_reduce_population_count3A_364 = tpu.all_reduce %ne3A_352 {dim = 0 : i64, kind = #tpu.reduction_kind<sum>} : vector<16xi1> -> vector<16xi32>
      %add3A_365 = arith.addi %add3A_346, %all_reduce_population_count3A_364 : vector<16xi32>
      %reduce_max3A = arith.constant true
      %reduce_max3A_366 = vector.broadcast %reduce_max3A : i1 to vector<16xi1>
      %reduce_max3A_367 = arith.constant -2147483648 : i32
      %reduce_max3A_368 = vector.broadcast %reduce_max3A_367 : i32 to vector<16xi32>
      %reduce_max3A_369 = arith.xori %add3A_365, %reduce_max3A_368 : vector<16xi32>
      %reduce_max3A_370 = tpu.scan <max>, %reduce_max3A_369 masked %reduce_max3A_366 : vector<16xi32>, vector<16xi1> -> vector<16xi32>
      %reduce_max3A_371 = arith.xori %reduce_max3A_370, %reduce_max3A_368 : vector<16xi32>
      %reduce_max3A_372 = vector.extract %reduce_max3A_371[15] : i32 from vector<16xi32>
      %broadcast_in_dim3A_373 = arith.constant 0 : i32
      %broadcast_in_dim3A_374 = vector.broadcast %broadcast_in_dim3A_373 : i32 to vector<16xi32>
      %while3A = arith.constant 0 : i32
      %while3A_375 = arith.subi %reduce_max3A_372, %while3A : i32
      %while3A_376 = arith.addi %while3A, %while3A_375 : i32
      %while3A_377 = arith.constant 1 : i32
      %while3A_378 = arith.divsi %while3A_375, %while3A_377 : i32
      %while3A_379 = arith.muli %while3A_378, %while3A_377 : i32
      %while3A_380 = arith.addi %while3A, %while3A_379 : i32
      %while3A_381 = arith.constant 1 : i32
      %while3A_382:2 = scf.for %while3A_455 = %while3A to %while3A_380 step %while3A_381 iter_args(%while3A_456 = %broadcast_in_dim3A_374, %while3A_457 = %broadcast_in_dim3A_374) -> (vector<16xi32>, vector<16xi32>)  : i32 {
        %broadcast_in_dim3A_458 = vector.broadcast %while3A_455 : i32 to vector<16xi32>
        %gather3A_459 = tpu.vector_load_idx %arg10[%broadcast_in_dim3A_458] : memref<272xi32, #tpu.memory_space<vmem>>[vector<16xi32>], vector<16xi32>,
        %gather3A_460 = tpu.vector_load_idx %arg11[%broadcast_in_dim3A_458] : memref<272xi32, #tpu.memory_space<vmem>>[vector<16xi32>], vector<16xi32>,
        %shift_right_arithmetic3A = arith.shrsi %gather3A_459, %iota3A : vector<16xi32>
        %and3A_461 = arith.constant 1 : i32
        %and3A_462 = vector.broadcast %and3A_461 : i32 to vector<16xi32>
        %and3A_463 = arith.andi %shift_right_arithmetic3A, %and3A_462 : vector<16xi32>
        %eq3A_464 = arith.constant 1 : i32
        %eq3A_465 = vector.broadcast %eq3A_464 : i32 to vector<16xi32>
        %eq3A_466 = arith.cmpi eq, %and3A_463, %eq3A_465 : vector<16xi32>
        %convert_element_type3A_467 = arith.extui %eq3A_466 : vector<16xi1> to vector<16xi32>
        %all_reduce_population_count3A_468 = tpu.all_reduce %eq3A_466 {dim = 0 : i64, kind = #tpu.reduction_kind<sum>} : vector<16xi1> -> vector<16xi32>
        %sub3A_469 = arith.constant 1 : i32
        %sub3A_470 = vector.broadcast %sub3A_469 : i32 to vector<16xi32>
        %sub3A_471 = arith.subi %while3A_456, %sub3A_470 : vector<16xi32>
        %broadcast_in_dim3A_472 = arith.constant true
        %broadcast_in_dim3A_473 = vector.broadcast %broadcast_in_dim3A_472 : i1 to vector<16xi1>
        %masked_cumsum3A_474 = tpu.scan <sum>, %convert_element_type3A_467 masked %broadcast_in_dim3A_473 : vector<16xi32>, vector<16xi1> -> vector<16xi32>
        %add3A_475 = arith.addi %sub3A_471, %masked_cumsum3A_474 : vector<16xi32>
        %min3A_476 = arith.constant 47 : i32
        %min3A_477 = vector.broadcast %min3A_476 : i32 to vector<16xi32>
        %min3A_478 = arith.minsi %add3A_475, %min3A_477 : vector<16xi32>
        %mul3A_479 = arith.constant 16 : i32
        %mul3A_480 = vector.broadcast %mul3A_479 : i32 to vector<16xi32>
        %mul3A_481 = arith.muli %gather3A_460, %mul3A_480 : vector<16xi32>
        %add3A_482 = arith.addi %mul3A_481, %iota3A : vector<16xi32>
        tpu.vector_store_idx %arg12[%min3A_478], %add3A_482 masked %eq3A_466 : memref<48xi32, #tpu.memory_space<vmem>>[vector<16xi32>], vector<16xi32>, vector<16xi1>
        %add3A_483 = arith.addi %while3A_456, %all_reduce_population_count3A_468 : vector<16xi32>
        %add3A_484 = arith.addi %while3A_457, %all_reduce_population_count3A_468 : vector<16xi32>
        scf.yield %add3A_483, %add3A_484 : vector<16xi32>, vector<16xi32>
      }
      %while3A_383 = arith.constant 1 : i32
      %while3A_384:2 = scf.for %while3A_455 = %while3A_380 to %while3A_376 step %while3A_383 iter_args(%while3A_456 = %while3A_382#0, %while3A_457 = %while3A_382#1) -> (vector<16xi32>, vector<16xi32>)  : i32 {
        %broadcast_in_dim3A_458 = vector.broadcast %while3A_455 : i32 to vector<16xi32>
        %gather3A_459 = tpu.vector_load_idx %arg10[%broadcast_in_dim3A_458] : memref<272xi32, #tpu.memory_space<vmem>>[vector<16xi32>], vector<16xi32>,
        %gather3A_460 = tpu.vector_load_idx %arg11[%broadcast_in_dim3A_458] : memref<272xi32, #tpu.memory_space<vmem>>[vector<16xi32>], vector<16xi32>,
        %shift_right_arithmetic3A = arith.shrsi %gather3A_459, %iota3A : vector<16xi32>
        %and3A_461 = arith.constant 1 : i32
        %and3A_462 = vector.broadcast %and3A_461 : i32 to vector<16xi32>
        %and3A_463 = arith.andi %shift_right_arithmetic3A, %and3A_462 : vector<16xi32>
        %eq3A_464 = arith.constant 1 : i32
        %eq3A_465 = vector.broadcast %eq3A_464 : i32 to vector<16xi32>
        %eq3A_466 = arith.cmpi eq, %and3A_463, %eq3A_465 : vector<16xi32>
        %convert_element_type3A_467 = arith.extui %eq3A_466 : vector<16xi1> to vector<16xi32>
        %all_reduce_population_count3A_468 = tpu.all_reduce %eq3A_466 {dim = 0 : i64, kind = #tpu.reduction_kind<sum>} : vector<16xi1> -> vector<16xi32>
        %sub3A_469 = arith.constant 1 : i32
        %sub3A_470 = vector.broadcast %sub3A_469 : i32 to vector<16xi32>
        %sub3A_471 = arith.subi %while3A_456, %sub3A_470 : vector<16xi32>
        %broadcast_in_dim3A_472 = arith.constant true
        %broadcast_in_dim3A_473 = vector.broadcast %broadcast_in_dim3A_472 : i1 to vector<16xi1>
        %masked_cumsum3A_474 = tpu.scan <sum>, %convert_element_type3A_467 masked %broadcast_in_dim3A_473 : vector<16xi32>, vector<16xi1> -> vector<16xi32>
        %add3A_475 = arith.addi %sub3A_471, %masked_cumsum3A_474 : vector<16xi32>
        %min3A_476 = arith.constant 47 : i32
        %min3A_477 = vector.broadcast %min3A_476 : i32 to vector<16xi32>
        %min3A_478 = arith.minsi %add3A_475, %min3A_477 : vector<16xi32>
        %mul3A_479 = arith.constant 16 : i32
        %mul3A_480 = vector.broadcast %mul3A_479 : i32 to vector<16xi32>
        %mul3A_481 = arith.muli %gather3A_460, %mul3A_480 : vector<16xi32>
        %add3A_482 = arith.addi %mul3A_481, %iota3A : vector<16xi32>
        tpu.vector_store_idx %arg12[%min3A_478], %add3A_482 masked %eq3A_466 : memref<48xi32, #tpu.memory_space<vmem>>[vector<16xi32>], vector<16xi32>, vector<16xi1>
        %add3A_483 = arith.addi %while3A_456, %all_reduce_population_count3A_468 : vector<16xi32>
        %add3A_484 = arith.addi %while3A_457, %all_reduce_population_count3A_468 : vector<16xi32>
        scf.yield %add3A_483, %add3A_484 : vector<16xi32>, vector<16xi32>
      }
      %broadcast_in_dim3A_385 = vector.broadcast %sub3A_59 : i32 to vector<16xi32>
      %gather3A = tpu.vector_load_idx %arg7[%broadcast_in_dim3A_385] : memref<4096xf32, #tpu.memory_space<vmem>>[vector<16xi32>], vector<16xf32>,
      %gather3A_386 = tpu.vector_load_idx %arg8[%broadcast_in_dim3A_385] : memref<4096xf32, #tpu.memory_space<vmem>>[vector<16xi32>], vector<16xf32>,
      %gather3A_387 = tpu.vector_load_idx %arg9[%broadcast_in_dim3A_385] : memref<4096xf32, #tpu.memory_space<vmem>>[vector<16xi32>], vector<16xf32>,
      %get3A_388 = arith.constant 0 : index
      %get3A_389 = tpu.vector_load %arg12[%get3A_388] {strides = array<i32>} : memref<48xi32, #tpu.memory_space<vmem>>, vector<16xi32>,
      %gather3A_390 = tpu.vector_load_idx %arg7[%get3A_389] : memref<4096xf32, #tpu.memory_space<vmem>>[vector<16xi32>], vector<16xf32>,
      %sub3A_391 = arith.subf %gather3A_390, %gather3A : vector<16xf32>
      %mul3A_392 = arith.constant 4 : i32
      %mul3A_393 = vector.broadcast %mul3A_392 : i32 to vector<16xi32>
      %mul3A_394 = arith.muli %iota3A, %mul3A_393 : vector<16xi32>
      %broadcast_in_dim3A_395 = arith.constant 0 : i32
      %broadcast_in_dim3A_396 = vector.broadcast %broadcast_in_dim3A_395 : i32 to vector<16xi32>
      %add3A_397 = arith.addi %mul3A_394, %broadcast_in_dim3A_396 : vector<16xi32>
      %broadcast_in_dim3A_398 = vector.broadcast %scan3A_55 : i32 to vector<16xi32>
      tpu.vector_store_idx %arg13[%broadcast_in_dim3A_398, %add3A_397], %sub3A_391 : memref<128x128xf32, #tpu.memory_space<vmem>>[vector<16xi32>, vector<16xi32>], vector<16xf32>,
      %gather3A_399 = tpu.vector_load_idx %arg8[%get3A_389] : memref<4096xf32, #tpu.memory_space<vmem>>[vector<16xi32>], vector<16xf32>,
      %sub3A_400 = arith.subf %gather3A_399, %gather3A_386 : vector<16xf32>
      %mul3A_401 = arith.constant 4 : i32
      %mul3A_402 = vector.broadcast %mul3A_401 : i32 to vector<16xi32>
      %mul3A_403 = arith.muli %iota3A, %mul3A_402 : vector<16xi32>
      %broadcast_in_dim3A_404 = arith.constant 1 : i32
      %broadcast_in_dim3A_405 = vector.broadcast %broadcast_in_dim3A_404 : i32 to vector<16xi32>
      %add3A_406 = arith.addi %mul3A_403, %broadcast_in_dim3A_405 : vector<16xi32>
      %broadcast_in_dim3A_407 = vector.broadcast %scan3A_55 : i32 to vector<16xi32>
      tpu.vector_store_idx %arg13[%broadcast_in_dim3A_407, %add3A_406], %sub3A_400 : memref<128x128xf32, #tpu.memory_space<vmem>>[vector<16xi32>, vector<16xi32>], vector<16xf32>,
      %gather3A_408 = tpu.vector_load_idx %arg9[%get3A_389] : memref<4096xf32, #tpu.memory_space<vmem>>[vector<16xi32>], vector<16xf32>,
      %sub3A_409 = arith.subf %gather3A_408, %gather3A_387 : vector<16xf32>
      %mul3A_410 = arith.constant 4 : i32
      %mul3A_411 = vector.broadcast %mul3A_410 : i32 to vector<16xi32>
      %mul3A_412 = arith.muli %iota3A, %mul3A_411 : vector<16xi32>
      %broadcast_in_dim3A_413 = arith.constant 2 : i32
      %broadcast_in_dim3A_414 = vector.broadcast %broadcast_in_dim3A_413 : i32 to vector<16xi32>
      %add3A_415 = arith.addi %mul3A_412, %broadcast_in_dim3A_414 : vector<16xi32>
      %broadcast_in_dim3A_416 = vector.broadcast %scan3A_55 : i32 to vector<16xi32>
      tpu.vector_store_idx %arg13[%broadcast_in_dim3A_416, %add3A_415], %sub3A_409 : memref<128x128xf32, #tpu.memory_space<vmem>>[vector<16xi32>, vector<16xi32>], vector<16xf32>,
      %get3A_417 = arith.constant 16 : index
      %get3A_418 = tpu.vector_load %arg12[%get3A_417] {strides = array<i32>} : memref<48xi32, #tpu.memory_space<vmem>>, vector<16xi32>,
      %gather3A_419 = tpu.vector_load_idx %arg7[%get3A_418] : memref<4096xf32, #tpu.memory_space<vmem>>[vector<16xi32>], vector<16xf32>,
      %sub3A_420 = arith.subf %gather3A_419, %gather3A : vector<16xf32>
      %mul3A_421 = arith.constant 4 : i32
      %mul3A_422 = vector.broadcast %mul3A_421 : i32 to vector<16xi32>
      %mul3A_423 = arith.muli %iota3A, %mul3A_422 : vector<16xi32>
      %broadcast_in_dim3A_424 = arith.constant 64 : i32
      %broadcast_in_dim3A_425 = vector.broadcast %broadcast_in_dim3A_424 : i32 to vector<16xi32>
      %add3A_426 = arith.addi %mul3A_423, %broadcast_in_dim3A_425 : vector<16xi32>
      %broadcast_in_dim3A_427 = vector.broadcast %scan3A_55 : i32 to vector<16xi32>
      tpu.vector_store_idx %arg13[%broadcast_in_dim3A_427, %add3A_426], %sub3A_420 : memref<128x128xf32, #tpu.memory_space<vmem>>[vector<16xi32>, vector<16xi32>], vector<16xf32>,
      %gather3A_428 = tpu.vector_load_idx %arg8[%get3A_418] : memref<4096xf32, #tpu.memory_space<vmem>>[vector<16xi32>], vector<16xf32>,
      %sub3A_429 = arith.subf %gather3A_428, %gather3A_386 : vector<16xf32>
      %mul3A_430 = arith.constant 4 : i32
      %mul3A_431 = vector.broadcast %mul3A_430 : i32 to vector<16xi32>
      %mul3A_432 = arith.muli %iota3A, %mul3A_431 : vector<16xi32>
      %broadcast_in_dim3A_433 = arith.constant 65 : i32
      %broadcast_in_dim3A_434 = vector.broadcast %broadcast_in_dim3A_433 : i32 to vector<16xi32>
      %add3A_435 = arith.addi %mul3A_432, %broadcast_in_dim3A_434 : vector<16xi32>
      %broadcast_in_dim3A_436 = vector.broadcast %scan3A_55 : i32 to vector<16xi32>
      tpu.vector_store_idx %arg13[%broadcast_in_dim3A_436, %add3A_435], %sub3A_429 : memref<128x128xf32, #tpu.memory_space<vmem>>[vector<16xi32>, vector<16xi32>], vector<16xf32>,
      %gather3A_437 = tpu.vector_load_idx %arg9[%get3A_418] : memref<4096xf32, #tpu.memory_space<vmem>>[vector<16xi32>], vector<16xf32>,
      %sub3A_438 = arith.subf %gather3A_437, %gather3A_387 : vector<16xf32>
      %mul3A_439 = arith.constant 4 : i32
      %mul3A_440 = vector.broadcast %mul3A_439 : i32 to vector<16xi32>
      %mul3A_441 = arith.muli %iota3A, %mul3A_440 : vector<16xi32>
      %broadcast_in_dim3A_442 = arith.constant 66 : i32
      %broadcast_in_dim3A_443 = vector.broadcast %broadcast_in_dim3A_442 : i32 to vector<16xi32>
      %add3A_444 = arith.addi %mul3A_441, %broadcast_in_dim3A_443 : vector<16xi32>
      %broadcast_in_dim3A_445 = vector.broadcast %scan3A_55 : i32 to vector<16xi32>
      tpu.vector_store_idx %arg13[%broadcast_in_dim3A_445, %add3A_444], %sub3A_438 : memref<128x128xf32, #tpu.memory_space<vmem>>[vector<16xi32>, vector<16xi32>], vector<16xf32>,
      %min3A = arith.constant 32 : i32
      %min3A_446 = vector.broadcast %min3A : i32 to vector<16xi32>
      %min3A_447 = arith.minsi %while3A_384#1, %min3A_446 : vector<16xi32>
      %convert_element_type3A_448 = arith.sitofp %min3A_447 : vector<16xi32> to vector<16xf32>
      %mul3A_449 = arith.constant 3.125000e-02 : f32
      %mul3A_450 = vector.broadcast %mul3A_449 : f32 to vector<16xf32>
      %mul3A_451 = arith.mulf %convert_element_type3A_448, %mul3A_450 : vector<16xf32>
      %broadcast_in_dim3A_452 = vector.broadcast %scan3A_55 : i32 to vector<16xi32>
      %eq3A = arith.constant 0 : i32
      %eq3A_453 = vector.broadcast %eq3A : i32 to vector<16xi32>
      %eq3A_454 = arith.cmpi eq, %iota3A, %eq3A_453 : vector<16xi32>
      tpu.vector_store_idx %arg14[%broadcast_in_dim3A_452], %mul3A_451 masked %eq3A_454 : memref<128xf32, #tpu.memory_space<vmem>>[vector<16xi32>], vector<16xf32>, vector<16xi1>
    }
    %scan3A_53 = arith.constant 128 : i32
    "tpu.region"() ({
      %run_scoped3A = tpu.sem_alloc : memref<!tpu.dma_semaphore, #tpu.memory_space<semaphore_mem>>
      %dma_start3A = arith.constant 0 : i32
      %dma_start3A_55 = tpu.memref_slice %arg4[%add3A_47, %dma_start3A] : memref<4096x128xf32, #tpu.memory_space<hbm>> -> memref<128x128xf32, #tpu.memory_space<hbm>>
      %dma_start3A_56 = arith.constant 0 : i32
      %dma_start3A_57 = tpu.memref_slice %arg4[%add3A_47, %dma_start3A_56] : memref<4096x128xf32, #tpu.memory_space<hbm>> -> memref<128x128xf32, #tpu.memory_space<hbm>>
      tpu.enqueue_dma source(%arg13 : memref<128x128xf32, #tpu.memory_space<vmem>>) target(%dma_start3A_57 : memref<128x128xf32, #tpu.memory_space<hbm>>) target_semaphore(%run_scoped3A : memref<!tpu.dma_semaphore, #tpu.memory_space<semaphore_mem>>)
      %dma_wait3A = arith.constant 0 : i32
      %dma_wait3A_58 = tpu.memref_slice %arg4[%add3A_47, %dma_wait3A] : memref<4096x128xf32, #tpu.memory_space<hbm>> -> memref<128x128xf32, #tpu.memory_space<hbm>>
      %dma_wait3A_59 = arith.constant 0 : i32
      %dma_wait3A_60 = tpu.memref_slice %arg4[%add3A_47, %dma_wait3A_59] : memref<4096x128xf32, #tpu.memory_space<hbm>> -> memref<128x128xf32, #tpu.memory_space<hbm>>
      tpu.wait_dma2 semaphore(%run_scoped3A : memref<!tpu.dma_semaphore, #tpu.memory_space<semaphore_mem>>) src(%arg13 : memref<128x128xf32, #tpu.memory_space<vmem>>) dst(%dma_wait3A_60 : memref<128x128xf32, #tpu.memory_space<hbm>>)
      tpu.yield
    }) : () -> ()
    "tpu.region"() ({
      %run_scoped3A = tpu.sem_alloc : memref<!tpu.dma_semaphore, #tpu.memory_space<semaphore_mem>>
      %dma_start3A = tpu.memref_slice %arg5[%add3A_47] : memref<4096xf32, #tpu.memory_space<hbm>> -> memref<128xf32, #tpu.memory_space<hbm>>
      %dma_start3A_55 = tpu.memref_slice %arg5[%add3A_47] : memref<4096xf32, #tpu.memory_space<hbm>> -> memref<128xf32, #tpu.memory_space<hbm>>
      tpu.enqueue_dma source(%arg14 : memref<128xf32, #tpu.memory_space<vmem>>) target(%dma_start3A_55 : memref<128xf32, #tpu.memory_space<hbm>>) target_semaphore(%run_scoped3A : memref<!tpu.dma_semaphore, #tpu.memory_space<semaphore_mem>>)
      %dma_wait3A = tpu.memref_slice %arg5[%add3A_47] : memref<4096xf32, #tpu.memory_space<hbm>> -> memref<128xf32, #tpu.memory_space<hbm>>
      %dma_wait3A_56 = tpu.memref_slice %arg5[%add3A_47] : memref<4096xf32, #tpu.memory_space<hbm>> -> memref<128xf32, #tpu.memory_space<hbm>>
      tpu.wait_dma2 semaphore(%run_scoped3A : memref<!tpu.dma_semaphore, #tpu.memory_space<semaphore_mem>>) src(%arg14 : memref<128xf32, #tpu.memory_space<vmem>>) dst(%dma_wait3A_56 : memref<128xf32, #tpu.memory_space<hbm>>)
      tpu.yield
    }) : () -> ()
    %scan3A_54 = arith.constant 1 : i32
    return
  }
}

#map = affine_map<(d0, d1) -> (0, 0)>
#map1 = affine_map<(d0, d1) -> (0)>
module attributes {stable_mosaic.version = 14 : i64} {
  func.func @_sc_select_body(%arg0: i32, %arg1: i32, %arg2: memref<4096x256xi32, #tpu.memory_space<hbm>>, %arg3: memref<12288xf32, #tpu.memory_space<hbm>>, %arg4: memref<4096x128xf32, #tpu.memory_space<hbm>>, %arg5: memref<4096xf32, #tpu.memory_space<hbm>>, %arg6: memref<128x256xi32, #tpu.memory_space<vmem>>, %arg7: memref<4096xf32, #tpu.memory_space<vmem>>, %arg8: memref<4096xf32, #tpu.memory_space<vmem>>, %arg9: memref<4096xf32, #tpu.memory_space<vmem>>, %arg10: memref<272xi32, #tpu.memory_space<vmem>>, %arg11: memref<272xi32, #tpu.memory_space<vmem>>, %arg12: memref<48xi32, #tpu.memory_space<vmem>>, %arg13: memref<128x128xf32, #tpu.memory_space<vmem>>, %arg14: memref<128xf32, #tpu.memory_space<vmem>>) attributes {dimension_semantics = [#tpu.dimension_semantics<core_parallel>, #tpu.dimension_semantics<subcore_parallel>], iteration_bounds = array<i64: 2, 16>, scalar_prefetch = 0 : i64, scratch_operands = 9 : i64, tpu.core_type = #tpu.core_type<sc_vector_subcore>, window_params = [{transform_indices = #map}, {transform_indices = #map1}, {transform_indices = #map}, {transform_indices = #map1}]} {
    %mul3A = arith.constant 2 : i32
    %mul3A_0 = arith.muli %arg1, %mul3A : i32
    %add3A = arith.addi %mul3A_0, %arg0 : i32
    %mul3A_1 = arith.constant 128 : i32
    %mul3A_2 = arith.muli %add3A, %mul3A_1 : i32
    %jit3A = arith.constant 4096 : i32
    %div3A = arith.divsi %mul3A_2, %jit3A : i32
    %sign3A = arith.constant 0 : i32
    %sign3A_3 = arith.cmpi sgt, %mul3A_2, %sign3A : i32
    %sign3A_4 = arith.extui %sign3A_3 : i1 to i32
    %sign3A_5 = arith.constant 0 : i32
    %sign3A_6 = arith.cmpi slt, %mul3A_2, %sign3A_5 : i32
    %sign3A_7 = arith.extui %sign3A_6 : i1 to i32
    %sign3A_8 = arith.subi %sign3A_4, %sign3A_7 : i32
    %sign3A_9 = arith.constant 0 : i32
    %sign3A_10 = arith.cmpi sgt, %jit3A, %sign3A_9 : i32
    %sign3A_11 = arith.extui %sign3A_10 : i1 to i32
    %sign3A_12 = arith.constant 0 : i32
    %sign3A_13 = arith.cmpi slt, %jit3A, %sign3A_12 : i32
    %sign3A_14 = arith.extui %sign3A_13 : i1 to i32
    %sign3A_15 = arith.subi %sign3A_11, %sign3A_14 : i32
    %ne3A = arith.cmpi ne, %sign3A_8, %sign3A_15 : i32
    %rem3A = arith.remsi %mul3A_2, %jit3A : i32
    %ne3A_16 = arith.constant 0 : i32
    %ne3A_17 = arith.cmpi ne, %rem3A, %ne3A_16 : i32
    %and3A = arith.andi %ne3A, %ne3A_17 : i1
    %sub3A = arith.constant 1 : i32
    %sub3A_18 = arith.subi %div3A, %sub3A : i32
    %select_n3A = arith.select %and3A, %sub3A_18, %div3A : i32
    %mul3A_19 = arith.constant 3 : i32
    %mul3A_20 = arith.muli %select_n3A, %mul3A_19 : i32
    %add3A_21 = arith.constant 0 : i32
    %add3A_22 = arith.addi %mul3A_20, %add3A_21 : i32
    %mul3A_23 = arith.constant 4096 : i32
    %mul3A_24 = arith.muli %add3A_22, %mul3A_23 : i32
    "tpu.region"() ({
      %run_scoped3A = tpu.sem_alloc : memref<!tpu.dma_semaphore, #tpu.memory_space<semaphore_mem>>
      %dma_start3A = tpu.memref_slice %arg3[%mul3A_24] : memref<12288xf32, #tpu.memory_space<hbm>> -> memref<4096xf32, #tpu.memory_space<hbm>>
      %dma_start3A_55 = tpu.memref_slice %arg3[%mul3A_24] : memref<12288xf32, #tpu.memory_space<hbm>> -> memref<4096xf32, #tpu.memory_space<hbm>>
      tpu.enqueue_dma source(%dma_start3A_55 : memref<4096xf32, #tpu.memory_space<hbm>>) target(%arg7 : memref<4096xf32, #tpu.memory_space<vmem>>) target_semaphore(%run_scoped3A : memref<!tpu.dma_semaphore, #tpu.memory_space<semaphore_mem>>)
      %dma_wait3A = tpu.memref_slice %arg3[%mul3A_24] : memref<12288xf32, #tpu.memory_space<hbm>> -> memref<4096xf32, #tpu.memory_space<hbm>>
      %dma_wait3A_56 = tpu.memref_slice %arg3[%mul3A_24] : memref<12288xf32, #tpu.memory_space<hbm>> -> memref<4096xf32, #tpu.memory_space<hbm>>
      tpu.wait_dma2 semaphore(%run_scoped3A : memref<!tpu.dma_semaphore, #tpu.memory_space<semaphore_mem>>) src(%dma_wait3A_56 : memref<4096xf32, #tpu.memory_space<hbm>>) dst(%arg7 : memref<4096xf32, #tpu.memory_space<vmem>>)
      tpu.yield
    }) : () -> ()
    %mul3A_25 = arith.constant 3 : i32
    %mul3A_26 = arith.muli %select_n3A, %mul3A_25 : i32
    %add3A_27 = arith.constant 1 : i32
    %add3A_28 = arith.addi %mul3A_26, %add3A_27 : i32
    %mul3A_29 = arith.constant 4096 : i32
    %mul3A_30 = arith.muli %add3A_28, %mul3A_29 : i32
    "tpu.region"() ({
      %run_scoped3A = tpu.sem_alloc : memref<!tpu.dma_semaphore, #tpu.memory_space<semaphore_mem>>
      %dma_start3A = tpu.memref_slice %arg3[%mul3A_30] : memref<12288xf32, #tpu.memory_space<hbm>> -> memref<4096xf32, #tpu.memory_space<hbm>>
      %dma_start3A_55 = tpu.memref_slice %arg3[%mul3A_30] : memref<12288xf32, #tpu.memory_space<hbm>> -> memref<4096xf32, #tpu.memory_space<hbm>>
      tpu.enqueue_dma source(%dma_start3A_55 : memref<4096xf32, #tpu.memory_space<hbm>>) target(%arg8 : memref<4096xf32, #tpu.memory_space<vmem>>) target_semaphore(%run_scoped3A : memref<!tpu.dma_semaphore, #tpu.memory_space<semaphore_mem>>)
      %dma_wait3A = tpu.memref_slice %arg3[%mul3A_30] : memref<12288xf32, #tpu.memory_space<hbm>> -> memref<4096xf32, #tpu.memory_space<hbm>>
      %dma_wait3A_56 = tpu.memref_slice %arg3[%mul3A_30] : memref<12288xf32, #tpu.memory_space<hbm>> -> memref<4096xf32, #tpu.memory_space<hbm>>
      tpu.wait_dma2 semaphore(%run_scoped3A : memref<!tpu.dma_semaphore, #tpu.memory_space<semaphore_mem>>) src(%dma_wait3A_56 : memref<4096xf32, #tpu.memory_space<hbm>>) dst(%arg8 : memref<4096xf32, #tpu.memory_space<vmem>>)
      tpu.yield
    }) : () -> ()
    %mul3A_31 = arith.constant 3 : i32
    %mul3A_32 = arith.muli %select_n3A, %mul3A_31 : i32
    %add3A_33 = arith.constant 2 : i32
    %add3A_34 = arith.addi %mul3A_32, %add3A_33 : i32
    %mul3A_35 = arith.constant 4096 : i32
    %mul3A_36 = arith.muli %add3A_34, %mul3A_35 : i32
    "tpu.region"() ({
      %run_scoped3A = tpu.sem_alloc : memref<!tpu.dma_semaphore, #tpu.memory_space<semaphore_mem>>
      %dma_start3A = tpu.memref_slice %arg3[%mul3A_36] : memref<12288xf32, #tpu.memory_space<hbm>> -> memref<4096xf32, #tpu.memory_space<hbm>>
      %dma_start3A_55 = tpu.memref_slice %arg3[%mul3A_36] : memref<12288xf32, #tpu.memory_space<hbm>> -> memref<4096xf32, #tpu.memory_space<hbm>>
      tpu.enqueue_dma source(%dma_start3A_55 : memref<4096xf32, #tpu.memory_space<hbm>>) target(%arg9 : memref<4096xf32, #tpu.memory_space<vmem>>) target_semaphore(%run_scoped3A : memref<!tpu.dma_semaphore, #tpu.memory_space<semaphore_mem>>)
      %dma_wait3A = tpu.memref_slice %arg3[%mul3A_36] : memref<12288xf32, #tpu.memory_space<hbm>> -> memref<4096xf32, #tpu.memory_space<hbm>>
      %dma_wait3A_56 = tpu.memref_slice %arg3[%mul3A_36] : memref<12288xf32, #tpu.memory_space<hbm>> -> memref<4096xf32, #tpu.memory_space<hbm>>
      tpu.wait_dma2 semaphore(%run_scoped3A : memref<!tpu.dma_semaphore, #tpu.memory_space<semaphore_mem>>) src(%dma_wait3A_56 : memref<4096xf32, #tpu.memory_space<hbm>>) dst(%arg9 : memref<4096xf32, #tpu.memory_space<vmem>>)
      tpu.yield
    }) : () -> ()
    %iota3A = tpu.iota {dimensions = array<i32: 0>} : vector<16xi32>
    %broadcast_in_dim3A = arith.constant 0.000000e+00 : f32
    %broadcast_in_dim3A_37 = vector.broadcast %broadcast_in_dim3A : f32 to vector<16xf32>
    %scan3A = arith.constant 0 : i32
    %scan3A_38 = arith.constant 0 : i32
    %scan3A_39 = arith.constant 128 : i32
    %scan3A_40 = arith.addi %scan3A_38, %scan3A_39 : i32
    %scan3A_41 = arith.constant 1 : i32
    scf.for %scan3A_55 = %scan3A_38 to %scan3A_40 step %scan3A_41  : i32 {
      %swap3A = arith.index_cast %scan3A_55 : i32 to index
      %swap3A_56 = arith.constant 0 : index
      %swap3A_57 = tpu.vector_load %arg13[%swap3A, %swap3A_56] {strides = array<i32>} : memref<128x128xf32, #tpu.memory_space<vmem>>, vector<16xf32>,
      tpu.vector_store %arg13[%swap3A, %swap3A_56], %broadcast_in_dim3A_37 {strides = array<i32>} : memref<128x128xf32, #tpu.memory_space<vmem>>, vector<16xf32>,
      %swap3A_58 = arith.index_cast %scan3A_55 : i32 to index
      %swap3A_59 = arith.constant 16 : index
      %swap3A_60 = tpu.vector_load %arg13[%swap3A_58, %swap3A_59] {strides = array<i32>} : memref<128x128xf32, #tpu.memory_space<vmem>>, vector<16xf32>,
      tpu.vector_store %arg13[%swap3A_58, %swap3A_59], %broadcast_in_dim3A_37 {strides = array<i32>} : memref<128x128xf32, #tpu.memory_space<vmem>>, vector<16xf32>,
      %swap3A_61 = arith.index_cast %scan3A_55 : i32 to index
      %swap3A_62 = arith.constant 32 : index
      %swap3A_63 = tpu.vector_load %arg13[%swap3A_61, %swap3A_62] {strides = array<i32>} : memref<128x128xf32, #tpu.memory_space<vmem>>, vector<16xf32>,
      tpu.vector_store %arg13[%swap3A_61, %swap3A_62], %broadcast_in_dim3A_37 {strides = array<i32>} : memref<128x128xf32, #tpu.memory_space<vmem>>, vector<16xf32>,
      %swap3A_64 = arith.index_cast %scan3A_55 : i32 to index
      %swap3A_65 = arith.constant 48 : index
      %swap3A_66 = tpu.vector_load %arg13[%swap3A_64, %swap3A_65] {strides = array<i32>} : memref<128x128xf32, #tpu.memory_space<vmem>>, vector<16xf32>,
      tpu.vector_store %arg13[%swap3A_64, %swap3A_65], %broadcast_in_dim3A_37 {strides = array<i32>} : memref<128x128xf32, #tpu.memory_space<vmem>>, vector<16xf32>,
      %swap3A_67 = arith.index_cast %scan3A_55 : i32 to index
      %swap3A_68 = arith.constant 64 : index
      %swap3A_69 = tpu.vector_load %arg13[%swap3A_67, %swap3A_68] {strides = array<i32>} : memref<128x128xf32, #tpu.memory_space<vmem>>, vector<16xf32>,
      tpu.vector_store %arg13[%swap3A_67, %swap3A_68], %broadcast_in_dim3A_37 {strides = array<i32>} : memref<128x128xf32, #tpu.memory_space<vmem>>, vector<16xf32>,
      %swap3A_70 = arith.index_cast %scan3A_55 : i32 to index
      %swap3A_71 = arith.constant 80 : index
      %swap3A_72 = tpu.vector_load %arg13[%swap3A_70, %swap3A_71] {strides = array<i32>} : memref<128x128xf32, #tpu.memory_space<vmem>>, vector<16xf32>,
      tpu.vector_store %arg13[%swap3A_70, %swap3A_71], %broadcast_in_dim3A_37 {strides = array<i32>} : memref<128x128xf32, #tpu.memory_space<vmem>>, vector<16xf32>,
      %swap3A_73 = arith.index_cast %scan3A_55 : i32 to index
      %swap3A_74 = arith.constant 96 : index
      %swap3A_75 = tpu.vector_load %arg13[%swap3A_73, %swap3A_74] {strides = array<i32>} : memref<128x128xf32, #tpu.memory_space<vmem>>, vector<16xf32>,
      tpu.vector_store %arg13[%swap3A_73, %swap3A_74], %broadcast_in_dim3A_37 {strides = array<i32>} : memref<128x128xf32, #tpu.memory_space<vmem>>, vector<16xf32>,
      %swap3A_76 = arith.index_cast %scan3A_55 : i32 to index
      %swap3A_77 = arith.constant 112 : index
      %swap3A_78 = tpu.vector_load %arg13[%swap3A_76, %swap3A_77] {strides = array<i32>} : memref<128x128xf32, #tpu.memory_space<vmem>>, vector<16xf32>,
      tpu.vector_store %arg13[%swap3A_76, %swap3A_77], %broadcast_in_dim3A_37 {strides = array<i32>} : memref<128x128xf32, #tpu.memory_space<vmem>>, vector<16xf32>,
    }
    %scan3A_42 = arith.constant 128 : i32
    %scan3A_43 = arith.constant 0 : i32
    %scan3A_44 = arith.constant 0 : i32
    %mul3A_45 = arith.constant 128 : i32
    %mul3A_46 = arith.muli %scan3A_44, %mul3A_45 : i32
    %add3A_47 = arith.addi %mul3A_2, %mul3A_46 : i32
    "tpu.region"() ({
      %run_scoped3A = tpu.sem_alloc : memref<!tpu.dma_semaphore, #tpu.memory_space<semaphore_mem>>
      %dma_start3A = arith.constant 0 : i32
      %dma_start3A_55 = tpu.memref_slice %arg2[%add3A_47, %dma_start3A] : memref<4096x256xi32, #tpu.memory_space<hbm>> -> memref<128x256xi32, #tpu.memory_space<hbm>>
      %dma_start3A_56 = arith.constant 0 : i32
      %dma_start3A_57 = tpu.memref_slice %arg2[%add3A_47, %dma_start3A_56] : memref<4096x256xi32, #tpu.memory_space<hbm>> -> memref<128x256xi32, #tpu.memory_space<hbm>>
      tpu.enqueue_dma source(%dma_start3A_57 : memref<128x256xi32, #tpu.memory_space<hbm>>) target(%arg6 : memref<128x256xi32, #tpu.memory_space<vmem>>) target_semaphore(%run_scoped3A : memref<!tpu.dma_semaphore, #tpu.memory_space<semaphore_mem>>)
      %dma_wait3A = arith.constant 0 : i32
      %dma_wait3A_58 = tpu.memref_slice %arg2[%add3A_47, %dma_wait3A] : memref<4096x256xi32, #tpu.memory_space<hbm>> -> memref<128x256xi32, #tpu.memory_space<hbm>>
      %dma_wait3A_59 = arith.constant 0 : i32
      %dma_wait3A_60 = tpu.memref_slice %arg2[%add3A_47, %dma_wait3A_59] : memref<4096x256xi32, #tpu.memory_space<hbm>> -> memref<128x256xi32, #tpu.memory_space<hbm>>
      tpu.wait_dma2 semaphore(%run_scoped3A : memref<!tpu.dma_semaphore, #tpu.memory_space<semaphore_mem>>) src(%dma_wait3A_60 : memref<128x256xi32, #tpu.memory_space<hbm>>) dst(%arg6 : memref<128x256xi32, #tpu.memory_space<vmem>>)
      tpu.yield
    }) : () -> ()
    %scan3A_48 = arith.constant 0 : i32
    %scan3A_49 = arith.constant 0 : i32
    %scan3A_50 = arith.constant 128 : i32
    %scan3A_51 = arith.addi %scan3A_49, %scan3A_50 : i32
    %scan3A_52 = arith.constant 1 : i32
    scf.for %scan3A_55 = %scan3A_49 to %scan3A_51 step %scan3A_52  : i32 {
      %add3A_56 = arith.addi %add3A_47, %scan3A_55 : i32
      %mul3A_57 = arith.constant 4096 : i32
      %mul3A_58 = arith.muli %select_n3A, %mul3A_57 : i32
      %sub3A_59 = arith.subi %add3A_56, %mul3A_58 : i32
      %broadcast_in_dim3A_60 = vector.broadcast %sub3A_59 : i32 to vector<16xi32>
      %swap3A = arith.constant 0 : index
      %swap3A_61 = tpu.vector_load %arg12[%swap3A] {strides = array<i32>} : memref<48xi32, #tpu.memory_space<vmem>>, vector<16xi32>,
      tpu.vector_store %arg12[%swap3A], %broadcast_in_dim3A_60 {strides = array<i32>} : memref<48xi32, #tpu.memory_space<vmem>>, vector<16xi32>,
      %swap3A_62 = arith.constant 16 : index
      %swap3A_63 = tpu.vector_load %arg12[%swap3A_62] {strides = array<i32>} : memref<48xi32, #tpu.memory_space<vmem>>, vector<16xi32>,
      tpu.vector_store %arg12[%swap3A_62], %broadcast_in_dim3A_60 {strides = array<i32>} : memref<48xi32, #tpu.memory_space<vmem>>, vector<16xi32>,
      %broadcast_in_dim3A_64 = arith.constant 0 : i32
      %broadcast_in_dim3A_65 = vector.broadcast %broadcast_in_dim3A_64 : i32 to vector<16xi32>
      %get3A = arith.index_cast %scan3A_55 : i32 to index
      %get3A_66 = arith.constant 0 : index
      %get3A_67 = tpu.vector_load %arg6[%get3A, %get3A_66] {strides = array<i32>} : memref<128x256xi32, #tpu.memory_space<vmem>>, vector<16xi32>,
      %ne3A_68 = arith.constant 0 : i32
      %ne3A_69 = vector.broadcast %ne3A_68 : i32 to vector<16xi32>
      %ne3A_70 = arith.cmpi ne, %get3A_67, %ne3A_69 : vector<16xi32>
      %convert_element_type3A = arith.extui %ne3A_70 : vector<16xi1> to vector<16xi32>
      %sub3A_71 = arith.constant 1 : i32
      %sub3A_72 = vector.broadcast %sub3A_71 : i32 to vector<16xi32>
      %sub3A_73 = arith.subi %broadcast_in_dim3A_65, %sub3A_72 : vector<16xi32>
      %broadcast_in_dim3A_74 = arith.constant true
      %broadcast_in_dim3A_75 = vector.broadcast %broadcast_in_dim3A_74 : i1 to vector<16xi1>
      %masked_cumsum3A = tpu.scan <sum>, %convert_element_type3A masked %broadcast_in_dim3A_75 : vector<16xi32>, vector<16xi1> -> vector<16xi32>
      %add3A_76 = arith.addi %sub3A_73, %masked_cumsum3A : vector<16xi32>
      tpu.vector_store_idx %arg10[%add3A_76], %get3A_67 masked %ne3A_70 : memref<272xi32, #tpu.memory_space<vmem>>[vector<16xi32>], vector<16xi32>, vector<16xi1>
      %broadcast_in_dim3A_77 = arith.constant 0 : i32
      %broadcast_in_dim3A_78 = vector.broadcast %broadcast_in_dim3A_77 : i32 to vector<16xi32>
      %add3A_79 = arith.addi %broadcast_in_dim3A_78, %iota3A : vector<16xi32>
      tpu.vector_store_idx %arg11[%add3A_76], %add3A_79 masked %ne3A_70 : memref<272xi32, #tpu.memory_space<vmem>>[vector<16xi32>], vector<16xi32>, vector<16xi1>
      %all_reduce_population_count3A = tpu.all_reduce %ne3A_70 {dim = 0 : i64, kind = #tpu.reduction_kind<sum>} : vector<16xi1> -> vector<16xi32>
      %add3A_80 = arith.addi %broadcast_in_dim3A_65, %all_reduce_population_count3A : vector<16xi32>
      %get3A_81 = arith.index_cast %scan3A_55 : i32 to index
      %get3A_82 = arith.constant 16 : index
      %get3A_83 = tpu.vector_load %arg6[%get3A_81, %get3A_82] {strides = array<i32>} : memref<128x256xi32, #tpu.memory_space<vmem>>, vector<16xi32>,
      %ne3A_84 = arith.constant 0 : i32
      %ne3A_85 = vector.broadcast %ne3A_84 : i32 to vector<16xi32>
      %ne3A_86 = arith.cmpi ne, %get3A_83, %ne3A_85 : vector<16xi32>
      %convert_element_type3A_87 = arith.extui %ne3A_86 : vector<16xi1> to vector<16xi32>
      %sub3A_88 = arith.constant 1 : i32
      %sub3A_89 = vector.broadcast %sub3A_88 : i32 to vector<16xi32>
      %sub3A_90 = arith.subi %add3A_80, %sub3A_89 : vector<16xi32>
      %broadcast_in_dim3A_91 = arith.constant true
      %broadcast_in_dim3A_92 = vector.broadcast %broadcast_in_dim3A_91 : i1 to vector<16xi1>
      %masked_cumsum3A_93 = tpu.scan <sum>, %convert_element_type3A_87 masked %broadcast_in_dim3A_92 : vector<16xi32>, vector<16xi1> -> vector<16xi32>
      %add3A_94 = arith.addi %sub3A_90, %masked_cumsum3A_93 : vector<16xi32>
      tpu.vector_store_idx %arg10[%add3A_94], %get3A_83 masked %ne3A_86 : memref<272xi32, #tpu.memory_space<vmem>>[vector<16xi32>], vector<16xi32>, vector<16xi1>
      %broadcast_in_dim3A_95 = arith.constant 16 : i32
      %broadcast_in_dim3A_96 = vector.broadcast %broadcast_in_dim3A_95 : i32 to vector<16xi32>
      %add3A_97 = arith.addi %broadcast_in_dim3A_96, %iota3A : vector<16xi32>
      tpu.vector_store_idx %arg11[%add3A_94], %add3A_97 masked %ne3A_86 : memref<272xi32, #tpu.memory_space<vmem>>[vector<16xi32>], vector<16xi32>, vector<16xi1>
      %all_reduce_population_count3A_98 = tpu.all_reduce %ne3A_86 {dim = 0 : i64, kind = #tpu.reduction_kind<sum>} : vector<16xi1> -> vector<16xi32>
      %add3A_99 = arith.addi %add3A_80, %all_reduce_population_count3A_98 : vector<16xi32>
      %get3A_100 = arith.index_cast %scan3A_55 : i32 to index
      %get3A_101 = arith.constant 32 : index
      %get3A_102 = tpu.vector_load %arg6[%get3A_100, %get3A_101] {strides = array<i32>} : memref<128x256xi32, #tpu.memory_space<vmem>>, vector<16xi32>,
      %ne3A_103 = arith.constant 0 : i32
      %ne3A_104 = vector.broadcast %ne3A_103 : i32 to vector<16xi32>
      %ne3A_105 = arith.cmpi ne, %get3A_102, %ne3A_104 : vector<16xi32>
      %convert_element_type3A_106 = arith.extui %ne3A_105 : vector<16xi1> to vector<16xi32>
      %sub3A_107 = arith.constant 1 : i32
      %sub3A_108 = vector.broadcast %sub3A_107 : i32 to vector<16xi32>
      %sub3A_109 = arith.subi %add3A_99, %sub3A_108 : vector<16xi32>
      %broadcast_in_dim3A_110 = arith.constant true
      %broadcast_in_dim3A_111 = vector.broadcast %broadcast_in_dim3A_110 : i1 to vector<16xi1>
      %masked_cumsum3A_112 = tpu.scan <sum>, %convert_element_type3A_106 masked %broadcast_in_dim3A_111 : vector<16xi32>, vector<16xi1> -> vector<16xi32>
      %add3A_113 = arith.addi %sub3A_109, %masked_cumsum3A_112 : vector<16xi32>
      tpu.vector_store_idx %arg10[%add3A_113], %get3A_102 masked %ne3A_105 : memref<272xi32, #tpu.memory_space<vmem>>[vector<16xi32>], vector<16xi32>, vector<16xi1>
      %broadcast_in_dim3A_114 = arith.constant 32 : i32
      %broadcast_in_dim3A_115 = vector.broadcast %broadcast_in_dim3A_114 : i32 to vector<16xi32>
      %add3A_116 = arith.addi %broadcast_in_dim3A_115, %iota3A : vector<16xi32>
      tpu.vector_store_idx %arg11[%add3A_113], %add3A_116 masked %ne3A_105 : memref<272xi32, #tpu.memory_space<vmem>>[vector<16xi32>], vector<16xi32>, vector<16xi1>
      %all_reduce_population_count3A_117 = tpu.all_reduce %ne3A_105 {dim = 0 : i64, kind = #tpu.reduction_kind<sum>} : vector<16xi1> -> vector<16xi32>
      %add3A_118 = arith.addi %add3A_99, %all_reduce_population_count3A_117 : vector<16xi32>
      %get3A_119 = arith.index_cast %scan3A_55 : i32 to index
      %get3A_120 = arith.constant 48 : index
      %get3A_121 = tpu.vector_load %arg6[%get3A_119, %get3A_120] {strides = array<i32>} : memref<128x256xi32, #tpu.memory_space<vmem>>, vector<16xi32>,
      %ne3A_122 = arith.constant 0 : i32
      %ne3A_123 = vector.broadcast %ne3A_122 : i32 to vector<16xi32>
      %ne3A_124 = arith.cmpi ne, %get3A_121, %ne3A_123 : vector<16xi32>
      %convert_element_type3A_125 = arith.extui %ne3A_124 : vector<16xi1> to vector<16xi32>
      %sub3A_126 = arith.constant 1 : i32
      %sub3A_127 = vector.broadcast %sub3A_126 : i32 to vector<16xi32>
      %sub3A_128 = arith.subi %add3A_118, %sub3A_127 : vector<16xi32>
      %broadcast_in_dim3A_129 = arith.constant true
      %broadcast_in_dim3A_130 = vector.broadcast %broadcast_in_dim3A_129 : i1 to vector<16xi1>
      %masked_cumsum3A_131 = tpu.scan <sum>, %convert_element_type3A_125 masked %broadcast_in_dim3A_130 : vector<16xi32>, vector<16xi1> -> vector<16xi32>
      %add3A_132 = arith.addi %sub3A_128, %masked_cumsum3A_131 : vector<16xi32>
      tpu.vector_store_idx %arg10[%add3A_132], %get3A_121 masked %ne3A_124 : memref<272xi32, #tpu.memory_space<vmem>>[vector<16xi32>], vector<16xi32>, vector<16xi1>
      %broadcast_in_dim3A_133 = arith.constant 48 : i32
      %broadcast_in_dim3A_134 = vector.broadcast %broadcast_in_dim3A_133 : i32 to vector<16xi32>
      %add3A_135 = arith.addi %broadcast_in_dim3A_134, %iota3A : vector<16xi32>
      tpu.vector_store_idx %arg11[%add3A_132], %add3A_135 masked %ne3A_124 : memref<272xi32, #tpu.memory_space<vmem>>[vector<16xi32>], vector<16xi32>, vector<16xi1>
      %all_reduce_population_count3A_136 = tpu.all_reduce %ne3A_124 {dim = 0 : i64, kind = #tpu.reduction_kind<sum>} : vector<16xi1> -> vector<16xi32>
      %add3A_137 = arith.addi %add3A_118, %all_reduce_population_count3A_136 : vector<16xi32>
      %get3A_138 = arith.index_cast %scan3A_55 : i32 to index
      %get3A_139 = arith.constant 64 : index
      %get3A_140 = tpu.vector_load %arg6[%get3A_138, %get3A_139] {strides = array<i32>} : memref<128x256xi32, #tpu.memory_space<vmem>>, vector<16xi32>,
      %ne3A_141 = arith.constant 0 : i32
      %ne3A_142 = vector.broadcast %ne3A_141 : i32 to vector<16xi32>
      %ne3A_143 = arith.cmpi ne, %get3A_140, %ne3A_142 : vector<16xi32>
      %convert_element_type3A_144 = arith.extui %ne3A_143 : vector<16xi1> to vector<16xi32>
      %sub3A_145 = arith.constant 1 : i32
      %sub3A_146 = vector.broadcast %sub3A_145 : i32 to vector<16xi32>
      %sub3A_147 = arith.subi %add3A_137, %sub3A_146 : vector<16xi32>
      %broadcast_in_dim3A_148 = arith.constant true
      %broadcast_in_dim3A_149 = vector.broadcast %broadcast_in_dim3A_148 : i1 to vector<16xi1>
      %masked_cumsum3A_150 = tpu.scan <sum>, %convert_element_type3A_144 masked %broadcast_in_dim3A_149 : vector<16xi32>, vector<16xi1> -> vector<16xi32>
      %add3A_151 = arith.addi %sub3A_147, %masked_cumsum3A_150 : vector<16xi32>
      tpu.vector_store_idx %arg10[%add3A_151], %get3A_140 masked %ne3A_143 : memref<272xi32, #tpu.memory_space<vmem>>[vector<16xi32>], vector<16xi32>, vector<16xi1>
      %broadcast_in_dim3A_152 = arith.constant 64 : i32
      %broadcast_in_dim3A_153 = vector.broadcast %broadcast_in_dim3A_152 : i32 to vector<16xi32>
      %add3A_154 = arith.addi %broadcast_in_dim3A_153, %iota3A : vector<16xi32>
      tpu.vector_store_idx %arg11[%add3A_151], %add3A_154 masked %ne3A_143 : memref<272xi32, #tpu.memory_space<vmem>>[vector<16xi32>], vector<16xi32>, vector<16xi1>
      %all_reduce_population_count3A_155 = tpu.all_reduce %ne3A_143 {dim = 0 : i64, kind = #tpu.reduction_kind<sum>} : vector<16xi1> -> vector<16xi32>
      %add3A_156 = arith.addi %add3A_137, %all_reduce_population_count3A_155 : vector<16xi32>
      %get3A_157 = arith.index_cast %scan3A_55 : i32 to index
      %get3A_158 = arith.constant 80 : index
      %get3A_159 = tpu.vector_load %arg6[%get3A_157, %get3A_158] {strides = array<i32>} : memref<128x256xi32, #tpu.memory_space<vmem>>, vector<16xi32>,
      %ne3A_160 = arith.constant 0 : i32
      %ne3A_161 = vector.broadcast %ne3A_160 : i32 to vector<16xi32>
      %ne3A_162 = arith.cmpi ne, %get3A_159, %ne3A_161 : vector<16xi32>
      %convert_element_type3A_163 = arith.extui %ne3A_162 : vector<16xi1> to vector<16xi32>
      %sub3A_164 = arith.constant 1 : i32
      %sub3A_165 = vector.broadcast %sub3A_164 : i32 to vector<16xi32>
      %sub3A_166 = arith.subi %add3A_156, %sub3A_165 : vector<16xi32>
      %broadcast_in_dim3A_167 = arith.constant true
      %broadcast_in_dim3A_168 = vector.broadcast %broadcast_in_dim3A_167 : i1 to vector<16xi1>
      %masked_cumsum3A_169 = tpu.scan <sum>, %convert_element_type3A_163 masked %broadcast_in_dim3A_168 : vector<16xi32>, vector<16xi1> -> vector<16xi32>
      %add3A_170 = arith.addi %sub3A_166, %masked_cumsum3A_169 : vector<16xi32>
      tpu.vector_store_idx %arg10[%add3A_170], %get3A_159 masked %ne3A_162 : memref<272xi32, #tpu.memory_space<vmem>>[vector<16xi32>], vector<16xi32>, vector<16xi1>
      %broadcast_in_dim3A_171 = arith.constant 80 : i32
      %broadcast_in_dim3A_172 = vector.broadcast %broadcast_in_dim3A_171 : i32 to vector<16xi32>
      %add3A_173 = arith.addi %broadcast_in_dim3A_172, %iota3A : vector<16xi32>
      tpu.vector_store_idx %arg11[%add3A_170], %add3A_173 masked %ne3A_162 : memref<272xi32, #tpu.memory_space<vmem>>[vector<16xi32>], vector<16xi32>, vector<16xi1>
      %all_reduce_population_count3A_174 = tpu.all_reduce %ne3A_162 {dim = 0 : i64, kind = #tpu.reduction_kind<sum>} : vector<16xi1> -> vector<16xi32>
      %add3A_175 = arith.addi %add3A_156, %all_reduce_population_count3A_174 : vector<16xi32>
      %get3A_176 = arith.index_cast %scan3A_55 : i32 to index
      %get3A_177 = arith.constant 96 : index
      %get3A_178 = tpu.vector_load %arg6[%get3A_176, %get3A_177] {strides = array<i32>} : memref<128x256xi32, #tpu.memory_space<vmem>>, vector<16xi32>,
      %ne3A_179 = arith.constant 0 : i32
      %ne3A_180 = vector.broadcast %ne3A_179 : i32 to vector<16xi32>
      %ne3A_181 = arith.cmpi ne, %get3A_178, %ne3A_180 : vector<16xi32>
      %convert_element_type3A_182 = arith.extui %ne3A_181 : vector<16xi1> to vector<16xi32>
      %sub3A_183 = arith.constant 1 : i32
      %sub3A_184 = vector.broadcast %sub3A_183 : i32 to vector<16xi32>
      %sub3A_185 = arith.subi %add3A_175, %sub3A_184 : vector<16xi32>
      %broadcast_in_dim3A_186 = arith.constant true
      %broadcast_in_dim3A_187 = vector.broadcast %broadcast_in_dim3A_186 : i1 to vector<16xi1>
      %masked_cumsum3A_188 = tpu.scan <sum>, %convert_element_type3A_182 masked %broadcast_in_dim3A_187 : vector<16xi32>, vector<16xi1> -> vector<16xi32>
      %add3A_189 = arith.addi %sub3A_185, %masked_cumsum3A_188 : vector<16xi32>
      tpu.vector_store_idx %arg10[%add3A_189], %get3A_178 masked %ne3A_181 : memref<272xi32, #tpu.memory_space<vmem>>[vector<16xi32>], vector<16xi32>, vector<16xi1>
      %broadcast_in_dim3A_190 = arith.constant 96 : i32
      %broadcast_in_dim3A_191 = vector.broadcast %broadcast_in_dim3A_190 : i32 to vector<16xi32>
      %add3A_192 = arith.addi %broadcast_in_dim3A_191, %iota3A : vector<16xi32>
      tpu.vector_store_idx %arg11[%add3A_189], %add3A_192 masked %ne3A_181 : memref<272xi32, #tpu.memory_space<vmem>>[vector<16xi32>], vector<16xi32>, vector<16xi1>
      %all_reduce_population_count3A_193 = tpu.all_reduce %ne3A_181 {dim = 0 : i64, kind = #tpu.reduction_kind<sum>} : vector<16xi1> -> vector<16xi32>
      %add3A_194 = arith.addi %add3A_175, %all_reduce_population_count3A_193 : vector<16xi32>
      %get3A_195 = arith.index_cast %scan3A_55 : i32 to index
      %get3A_196 = arith.constant 112 : index
      %get3A_197 = tpu.vector_load %arg6[%get3A_195, %get3A_196] {strides = array<i32>} : memref<128x256xi32, #tpu.memory_space<vmem>>, vector<16xi32>,
      %ne3A_198 = arith.constant 0 : i32
      %ne3A_199 = vector.broadcast %ne3A_198 : i32 to vector<16xi32>
      %ne3A_200 = arith.cmpi ne, %get3A_197, %ne3A_199 : vector<16xi32>
      %convert_element_type3A_201 = arith.extui %ne3A_200 : vector<16xi1> to vector<16xi32>
      %sub3A_202 = arith.constant 1 : i32
      %sub3A_203 = vector.broadcast %sub3A_202 : i32 to vector<16xi32>
      %sub3A_204 = arith.subi %add3A_194, %sub3A_203 : vector<16xi32>
      %broadcast_in_dim3A_205 = arith.constant true
      %broadcast_in_dim3A_206 = vector.broadcast %broadcast_in_dim3A_205 : i1 to vector<16xi1>
      %masked_cumsum3A_207 = tpu.scan <sum>, %convert_element_type3A_201 masked %broadcast_in_dim3A_206 : vector<16xi32>, vector<16xi1> -> vector<16xi32>
      %add3A_208 = arith.addi %sub3A_204, %masked_cumsum3A_207 : vector<16xi32>
      tpu.vector_store_idx %arg10[%add3A_208], %get3A_197 masked %ne3A_200 : memref<272xi32, #tpu.memory_space<vmem>>[vector<16xi32>], vector<16xi32>, vector<16xi1>
      %broadcast_in_dim3A_209 = arith.constant 112 : i32
      %broadcast_in_dim3A_210 = vector.broadcast %broadcast_in_dim3A_209 : i32 to vector<16xi32>
      %add3A_211 = arith.addi %broadcast_in_dim3A_210, %iota3A : vector<16xi32>
      tpu.vector_store_idx %arg11[%add3A_208], %add3A_211 masked %ne3A_200 : memref<272xi32, #tpu.memory_space<vmem>>[vector<16xi32>], vector<16xi32>, vector<16xi1>
      %all_reduce_population_count3A_212 = tpu.all_reduce %ne3A_200 {dim = 0 : i64, kind = #tpu.reduction_kind<sum>} : vector<16xi1> -> vector<16xi32>
      %add3A_213 = arith.addi %add3A_194, %all_reduce_population_count3A_212 : vector<16xi32>
      %get3A_214 = arith.index_cast %scan3A_55 : i32 to index
      %get3A_215 = arith.constant 128 : index
      %get3A_216 = tpu.vector_load %arg6[%get3A_214, %get3A_215] {strides = array<i32>} : memref<128x256xi32, #tpu.memory_space<vmem>>, vector<16xi32>,
      %ne3A_217 = arith.constant 0 : i32
      %ne3A_218 = vector.broadcast %ne3A_217 : i32 to vector<16xi32>
      %ne3A_219 = arith.cmpi ne, %get3A_216, %ne3A_218 : vector<16xi32>
      %convert_element_type3A_220 = arith.extui %ne3A_219 : vector<16xi1> to vector<16xi32>
      %sub3A_221 = arith.constant 1 : i32
      %sub3A_222 = vector.broadcast %sub3A_221 : i32 to vector<16xi32>
      %sub3A_223 = arith.subi %add3A_213, %sub3A_222 : vector<16xi32>
      %broadcast_in_dim3A_224 = arith.constant true
      %broadcast_in_dim3A_225 = vector.broadcast %broadcast_in_dim3A_224 : i1 to vector<16xi1>
      %masked_cumsum3A_226 = tpu.scan <sum>, %convert_element_type3A_220 masked %broadcast_in_dim3A_225 : vector<16xi32>, vector<16xi1> -> vector<16xi32>
      %add3A_227 = arith.addi %sub3A_223, %masked_cumsum3A_226 : vector<16xi32>
      tpu.vector_store_idx %arg10[%add3A_227], %get3A_216 masked %ne3A_219 : memref<272xi32, #tpu.memory_space<vmem>>[vector<16xi32>], vector<16xi32>, vector<16xi1>
      %broadcast_in_dim3A_228 = arith.constant 128 : i32
      %broadcast_in_dim3A_229 = vector.broadcast %broadcast_in_dim3A_228 : i32 to vector<16xi32>
      %add3A_230 = arith.addi %broadcast_in_dim3A_229, %iota3A : vector<16xi32>
      tpu.vector_store_idx %arg11[%add3A_227], %add3A_230 masked %ne3A_219 : memref<272xi32, #tpu.memory_space<vmem>>[vector<16xi32>], vector<16xi32>, vector<16xi1>
      %all_reduce_population_count3A_231 = tpu.all_reduce %ne3A_219 {dim = 0 : i64, kind = #tpu.reduction_kind<sum>} : vector<16xi1> -> vector<16xi32>
      %add3A_232 = arith.addi %add3A_213, %all_reduce_population_count3A_231 : vector<16xi32>
      %get3A_233 = arith.index_cast %scan3A_55 : i32 to index
      %get3A_234 = arith.constant 144 : index
      %get3A_235 = tpu.vector_load %arg6[%get3A_233, %get3A_234] {strides = array<i32>} : memref<128x256xi32, #tpu.memory_space<vmem>>, vector<16xi32>,
      %ne3A_236 = arith.constant 0 : i32
      %ne3A_237 = vector.broadcast %ne3A_236 : i32 to vector<16xi32>
      %ne3A_238 = arith.cmpi ne, %get3A_235, %ne3A_237 : vector<16xi32>
      %convert_element_type3A_239 = arith.extui %ne3A_238 : vector<16xi1> to vector<16xi32>
      %sub3A_240 = arith.constant 1 : i32
      %sub3A_241 = vector.broadcast %sub3A_240 : i32 to vector<16xi32>
      %sub3A_242 = arith.subi %add3A_232, %sub3A_241 : vector<16xi32>
      %broadcast_in_dim3A_243 = arith.constant true
      %broadcast_in_dim3A_244 = vector.broadcast %broadcast_in_dim3A_243 : i1 to vector<16xi1>
      %masked_cumsum3A_245 = tpu.scan <sum>, %convert_element_type3A_239 masked %broadcast_in_dim3A_244 : vector<16xi32>, vector<16xi1> -> vector<16xi32>
      %add3A_246 = arith.addi %sub3A_242, %masked_cumsum3A_245 : vector<16xi32>
      tpu.vector_store_idx %arg10[%add3A_246], %get3A_235 masked %ne3A_238 : memref<272xi32, #tpu.memory_space<vmem>>[vector<16xi32>], vector<16xi32>, vector<16xi1>
      %broadcast_in_dim3A_247 = arith.constant 144 : i32
      %broadcast_in_dim3A_248 = vector.broadcast %broadcast_in_dim3A_247 : i32 to vector<16xi32>
      %add3A_249 = arith.addi %broadcast_in_dim3A_248, %iota3A : vector<16xi32>
      tpu.vector_store_idx %arg11[%add3A_246], %add3A_249 masked %ne3A_238 : memref<272xi32, #tpu.memory_space<vmem>>[vector<16xi32>], vector<16xi32>, vector<16xi1>
      %all_reduce_population_count3A_250 = tpu.all_reduce %ne3A_238 {dim = 0 : i64, kind = #tpu.reduction_kind<sum>} : vector<16xi1> -> vector<16xi32>
      %add3A_251 = arith.addi %add3A_232, %all_reduce_population_count3A_250 : vector<16xi32>
      %get3A_252 = arith.index_cast %scan3A_55 : i32 to index
      %get3A_253 = arith.constant 160 : index
      %get3A_254 = tpu.vector_load %arg6[%get3A_252, %get3A_253] {strides = array<i32>} : memref<128x256xi32, #tpu.memory_space<vmem>>, vector<16xi32>,
      %ne3A_255 = arith.constant 0 : i32
      %ne3A_256 = vector.broadcast %ne3A_255 : i32 to vector<16xi32>
      %ne3A_257 = arith.cmpi ne, %get3A_254, %ne3A_256 : vector<16xi32>
      %convert_element_type3A_258 = arith.extui %ne3A_257 : vector<16xi1> to vector<16xi32>
      %sub3A_259 = arith.constant 1 : i32
      %sub3A_260 = vector.broadcast %sub3A_259 : i32 to vector<16xi32>
      %sub3A_261 = arith.subi %add3A_251, %sub3A_260 : vector<16xi32>
      %broadcast_in_dim3A_262 = arith.constant true
      %broadcast_in_dim3A_263 = vector.broadcast %broadcast_in_dim3A_262 : i1 to vector<16xi1>
      %masked_cumsum3A_264 = tpu.scan <sum>, %convert_element_type3A_258 masked %broadcast_in_dim3A_263 : vector<16xi32>, vector<16xi1> -> vector<16xi32>
      %add3A_265 = arith.addi %sub3A_261, %masked_cumsum3A_264 : vector<16xi32>
      tpu.vector_store_idx %arg10[%add3A_265], %get3A_254 masked %ne3A_257 : memref<272xi32, #tpu.memory_space<vmem>>[vector<16xi32>], vector<16xi32>, vector<16xi1>
      %broadcast_in_dim3A_266 = arith.constant 160 : i32
      %broadcast_in_dim3A_267 = vector.broadcast %broadcast_in_dim3A_266 : i32 to vector<16xi32>
      %add3A_268 = arith.addi %broadcast_in_dim3A_267, %iota3A : vector<16xi32>
      tpu.vector_store_idx %arg11[%add3A_265], %add3A_268 masked %ne3A_257 : memref<272xi32, #tpu.memory_space<vmem>>[vector<16xi32>], vector<16xi32>, vector<16xi1>
      %all_reduce_population_count3A_269 = tpu.all_reduce %ne3A_257 {dim = 0 : i64, kind = #tpu.reduction_kind<sum>} : vector<16xi1> -> vector<16xi32>
      %add3A_270 = arith.addi %add3A_251, %all_reduce_population_count3A_269 : vector<16xi32>
      %get3A_271 = arith.index_cast %scan3A_55 : i32 to index
      %get3A_272 = arith.constant 176 : index
      %get3A_273 = tpu.vector_load %arg6[%get3A_271, %get3A_272] {strides = array<i32>} : memref<128x256xi32, #tpu.memory_space<vmem>>, vector<16xi32>,
      %ne3A_274 = arith.constant 0 : i32
      %ne3A_275 = vector.broadcast %ne3A_274 : i32 to vector<16xi32>
      %ne3A_276 = arith.cmpi ne, %get3A_273, %ne3A_275 : vector<16xi32>
      %convert_element_type3A_277 = arith.extui %ne3A_276 : vector<16xi1> to vector<16xi32>
      %sub3A_278 = arith.constant 1 : i32
      %sub3A_279 = vector.broadcast %sub3A_278 : i32 to vector<16xi32>
      %sub3A_280 = arith.subi %add3A_270, %sub3A_279 : vector<16xi32>
      %broadcast_in_dim3A_281 = arith.constant true
      %broadcast_in_dim3A_282 = vector.broadcast %broadcast_in_dim3A_281 : i1 to vector<16xi1>
      %masked_cumsum3A_283 = tpu.scan <sum>, %convert_element_type3A_277 masked %broadcast_in_dim3A_282 : vector<16xi32>, vector<16xi1> -> vector<16xi32>
      %add3A_284 = arith.addi %sub3A_280, %masked_cumsum3A_283 : vector<16xi32>
      tpu.vector_store_idx %arg10[%add3A_284], %get3A_273 masked %ne3A_276 : memref<272xi32, #tpu.memory_space<vmem>>[vector<16xi32>], vector<16xi32>, vector<16xi1>
      %broadcast_in_dim3A_285 = arith.constant 176 : i32
      %broadcast_in_dim3A_286 = vector.broadcast %broadcast_in_dim3A_285 : i32 to vector<16xi32>
      %add3A_287 = arith.addi %broadcast_in_dim3A_286, %iota3A : vector<16xi32>
      tpu.vector_store_idx %arg11[%add3A_284], %add3A_287 masked %ne3A_276 : memref<272xi32, #tpu.memory_space<vmem>>[vector<16xi32>], vector<16xi32>, vector<16xi1>
      %all_reduce_population_count3A_288 = tpu.all_reduce %ne3A_276 {dim = 0 : i64, kind = #tpu.reduction_kind<sum>} : vector<16xi1> -> vector<16xi32>
      %add3A_289 = arith.addi %add3A_270, %all_reduce_population_count3A_288 : vector<16xi32>
      %get3A_290 = arith.index_cast %scan3A_55 : i32 to index
      %get3A_291 = arith.constant 192 : index
      %get3A_292 = tpu.vector_load %arg6[%get3A_290, %get3A_291] {strides = array<i32>} : memref<128x256xi32, #tpu.memory_space<vmem>>, vector<16xi32>,
      %ne3A_293 = arith.constant 0 : i32
      %ne3A_294 = vector.broadcast %ne3A_293 : i32 to vector<16xi32>
      %ne3A_295 = arith.cmpi ne, %get3A_292, %ne3A_294 : vector<16xi32>
      %convert_element_type3A_296 = arith.extui %ne3A_295 : vector<16xi1> to vector<16xi32>
      %sub3A_297 = arith.constant 1 : i32
      %sub3A_298 = vector.broadcast %sub3A_297 : i32 to vector<16xi32>
      %sub3A_299 = arith.subi %add3A_289, %sub3A_298 : vector<16xi32>
      %broadcast_in_dim3A_300 = arith.constant true
      %broadcast_in_dim3A_301 = vector.broadcast %broadcast_in_dim3A_300 : i1 to vector<16xi1>
      %masked_cumsum3A_302 = tpu.scan <sum>, %convert_element_type3A_296 masked %broadcast_in_dim3A_301 : vector<16xi32>, vector<16xi1> -> vector<16xi32>
      %add3A_303 = arith.addi %sub3A_299, %masked_cumsum3A_302 : vector<16xi32>
      tpu.vector_store_idx %arg10[%add3A_303], %get3A_292 masked %ne3A_295 : memref<272xi32, #tpu.memory_space<vmem>>[vector<16xi32>], vector<16xi32>, vector<16xi1>
      %broadcast_in_dim3A_304 = arith.constant 192 : i32
      %broadcast_in_dim3A_305 = vector.broadcast %broadcast_in_dim3A_304 : i32 to vector<16xi32>
      %add3A_306 = arith.addi %broadcast_in_dim3A_305, %iota3A : vector<16xi32>
      tpu.vector_store_idx %arg11[%add3A_303], %add3A_306 masked %ne3A_295 : memref<272xi32, #tpu.memory_space<vmem>>[vector<16xi32>], vector<16xi32>, vector<16xi1>
      %all_reduce_population_count3A_307 = tpu.all_reduce %ne3A_295 {dim = 0 : i64, kind = #tpu.reduction_kind<sum>} : vector<16xi1> -> vector<16xi32>
      %add3A_308 = arith.addi %add3A_289, %all_reduce_population_count3A_307 : vector<16xi32>
      %get3A_309 = arith.index_cast %scan3A_55 : i32 to index
      %get3A_310 = arith.constant 208 : index
      %get3A_311 = tpu.vector_load %arg6[%get3A_309, %get3A_310] {strides = array<i32>} : memref<128x256xi32, #tpu.memory_space<vmem>>, vector<16xi32>,
      %ne3A_312 = arith.constant 0 : i32
      %ne3A_313 = vector.broadcast %ne3A_312 : i32 to vector<16xi32>
      %ne3A_314 = arith.cmpi ne, %get3A_311, %ne3A_313 : vector<16xi32>
      %convert_element_type3A_315 = arith.extui %ne3A_314 : vector<16xi1> to vector<16xi32>
      %sub3A_316 = arith.constant 1 : i32
      %sub3A_317 = vector.broadcast %sub3A_316 : i32 to vector<16xi32>
      %sub3A_318 = arith.subi %add3A_308, %sub3A_317 : vector<16xi32>
      %broadcast_in_dim3A_319 = arith.constant true
      %broadcast_in_dim3A_320 = vector.broadcast %broadcast_in_dim3A_319 : i1 to vector<16xi1>
      %masked_cumsum3A_321 = tpu.scan <sum>, %convert_element_type3A_315 masked %broadcast_in_dim3A_320 : vector<16xi32>, vector<16xi1> -> vector<16xi32>
      %add3A_322 = arith.addi %sub3A_318, %masked_cumsum3A_321 : vector<16xi32>
      tpu.vector_store_idx %arg10[%add3A_322], %get3A_311 masked %ne3A_314 : memref<272xi32, #tpu.memory_space<vmem>>[vector<16xi32>], vector<16xi32>, vector<16xi1>
      %broadcast_in_dim3A_323 = arith.constant 208 : i32
      %broadcast_in_dim3A_324 = vector.broadcast %broadcast_in_dim3A_323 : i32 to vector<16xi32>
      %add3A_325 = arith.addi %broadcast_in_dim3A_324, %iota3A : vector<16xi32>
      tpu.vector_store_idx %arg11[%add3A_322], %add3A_325 masked %ne3A_314 : memref<272xi32, #tpu.memory_space<vmem>>[vector<16xi32>], vector<16xi32>, vector<16xi1>
      %all_reduce_population_count3A_326 = tpu.all_reduce %ne3A_314 {dim = 0 : i64, kind = #tpu.reduction_kind<sum>} : vector<16xi1> -> vector<16xi32>
      %add3A_327 = arith.addi %add3A_308, %all_reduce_population_count3A_326 : vector<16xi32>
      %get3A_328 = arith.index_cast %scan3A_55 : i32 to index
      %get3A_329 = arith.constant 224 : index
      %get3A_330 = tpu.vector_load %arg6[%get3A_328, %get3A_329] {strides = array<i32>} : memref<128x256xi32, #tpu.memory_space<vmem>>, vector<16xi32>,
      %ne3A_331 = arith.constant 0 : i32
      %ne3A_332 = vector.broadcast %ne3A_331 : i32 to vector<16xi32>
      %ne3A_333 = arith.cmpi ne, %get3A_330, %ne3A_332 : vector<16xi32>
      %convert_element_type3A_334 = arith.extui %ne3A_333 : vector<16xi1> to vector<16xi32>
      %sub3A_335 = arith.constant 1 : i32
      %sub3A_336 = vector.broadcast %sub3A_335 : i32 to vector<16xi32>
      %sub3A_337 = arith.subi %add3A_327, %sub3A_336 : vector<16xi32>
      %broadcast_in_dim3A_338 = arith.constant true
      %broadcast_in_dim3A_339 = vector.broadcast %broadcast_in_dim3A_338 : i1 to vector<16xi1>
      %masked_cumsum3A_340 = tpu.scan <sum>, %convert_element_type3A_334 masked %broadcast_in_dim3A_339 : vector<16xi32>, vector<16xi1> -> vector<16xi32>
      %add3A_341 = arith.addi %sub3A_337, %masked_cumsum3A_340 : vector<16xi32>
      tpu.vector_store_idx %arg10[%add3A_341], %get3A_330 masked %ne3A_333 : memref<272xi32, #tpu.memory_space<vmem>>[vector<16xi32>], vector<16xi32>, vector<16xi1>
      %broadcast_in_dim3A_342 = arith.constant 224 : i32
      %broadcast_in_dim3A_343 = vector.broadcast %broadcast_in_dim3A_342 : i32 to vector<16xi32>
      %add3A_344 = arith.addi %broadcast_in_dim3A_343, %iota3A : vector<16xi32>
      tpu.vector_store_idx %arg11[%add3A_341], %add3A_344 masked %ne3A_333 : memref<272xi32, #tpu.memory_space<vmem>>[vector<16xi32>], vector<16xi32>, vector<16xi1>
      %all_reduce_population_count3A_345 = tpu.all_reduce %ne3A_333 {dim = 0 : i64, kind = #tpu.reduction_kind<sum>} : vector<16xi1> -> vector<16xi32>
      %add3A_346 = arith.addi %add3A_327, %all_reduce_population_count3A_345 : vector<16xi32>
      %get3A_347 = arith.index_cast %scan3A_55 : i32 to index
      %get3A_348 = arith.constant 240 : index
      %get3A_349 = tpu.vector_load %arg6[%get3A_347, %get3A_348] {strides = array<i32>} : memref<128x256xi32, #tpu.memory_space<vmem>>, vector<16xi32>,
      %ne3A_350 = arith.constant 0 : i32
      %ne3A_351 = vector.broadcast %ne3A_350 : i32 to vector<16xi32>
      %ne3A_352 = arith.cmpi ne, %get3A_349, %ne3A_351 : vector<16xi32>
      %convert_element_type3A_353 = arith.extui %ne3A_352 : vector<16xi1> to vector<16xi32>
      %sub3A_354 = arith.constant 1 : i32
      %sub3A_355 = vector.broadcast %sub3A_354 : i32 to vector<16xi32>
      %sub3A_356 = arith.subi %add3A_346, %sub3A_355 : vector<16xi32>
      %broadcast_in_dim3A_357 = arith.constant true
      %broadcast_in_dim3A_358 = vector.broadcast %broadcast_in_dim3A_357 : i1 to vector<16xi1>
      %masked_cumsum3A_359 = tpu.scan <sum>, %convert_element_type3A_353 masked %broadcast_in_dim3A_358 : vector<16xi32>, vector<16xi1> -> vector<16xi32>
      %add3A_360 = arith.addi %sub3A_356, %masked_cumsum3A_359 : vector<16xi32>
      tpu.vector_store_idx %arg10[%add3A_360], %get3A_349 masked %ne3A_352 : memref<272xi32, #tpu.memory_space<vmem>>[vector<16xi32>], vector<16xi32>, vector<16xi1>
      %broadcast_in_dim3A_361 = arith.constant 240 : i32
      %broadcast_in_dim3A_362 = vector.broadcast %broadcast_in_dim3A_361 : i32 to vector<16xi32>
      %add3A_363 = arith.addi %broadcast_in_dim3A_362, %iota3A : vector<16xi32>
      tpu.vector_store_idx %arg11[%add3A_360], %add3A_363 masked %ne3A_352 : memref<272xi32, #tpu.memory_space<vmem>>[vector<16xi32>], vector<16xi32>, vector<16xi1>
      %all_reduce_population_count3A_364 = tpu.all_reduce %ne3A_352 {dim = 0 : i64, kind = #tpu.reduction_kind<sum>} : vector<16xi1> -> vector<16xi32>
      %add3A_365 = arith.addi %add3A_346, %all_reduce_population_count3A_364 : vector<16xi32>
      %reduce_max3A = arith.constant true
      %reduce_max3A_366 = vector.broadcast %reduce_max3A : i1 to vector<16xi1>
      %reduce_max3A_367 = arith.constant -2147483648 : i32
      %reduce_max3A_368 = vector.broadcast %reduce_max3A_367 : i32 to vector<16xi32>
      %reduce_max3A_369 = arith.xori %add3A_365, %reduce_max3A_368 : vector<16xi32>
      %reduce_max3A_370 = tpu.scan <max>, %reduce_max3A_369 masked %reduce_max3A_366 : vector<16xi32>, vector<16xi1> -> vector<16xi32>
      %reduce_max3A_371 = arith.xori %reduce_max3A_370, %reduce_max3A_368 : vector<16xi32>
      %reduce_max3A_372 = vector.extract %reduce_max3A_371[15] : i32 from vector<16xi32>
      %broadcast_in_dim3A_373 = arith.constant 0 : i32
      %broadcast_in_dim3A_374 = vector.broadcast %broadcast_in_dim3A_373 : i32 to vector<16xi32>
      %while3A = arith.constant 0 : i32
      %while3A_375 = arith.subi %reduce_max3A_372, %while3A : i32
      %while3A_376 = arith.addi %while3A, %while3A_375 : i32
      %while3A_377 = arith.constant 1 : i32
      %while3A_378 = arith.divsi %while3A_375, %while3A_377 : i32
      %while3A_379 = arith.muli %while3A_378, %while3A_377 : i32
      %while3A_380 = arith.addi %while3A, %while3A_379 : i32
      %while3A_381 = arith.constant 1 : i32
      %while3A_382:2 = scf.for %while3A_455 = %while3A to %while3A_380 step %while3A_381 iter_args(%while3A_456 = %broadcast_in_dim3A_374, %while3A_457 = %broadcast_in_dim3A_374) -> (vector<16xi32>, vector<16xi32>)  : i32 {
        %broadcast_in_dim3A_458 = vector.broadcast %while3A_455 : i32 to vector<16xi32>
        %gather3A_459 = tpu.vector_load_idx %arg10[%broadcast_in_dim3A_458] : memref<272xi32, #tpu.memory_space<vmem>>[vector<16xi32>], vector<16xi32>,
        %gather3A_460 = tpu.vector_load_idx %arg11[%broadcast_in_dim3A_458] : memref<272xi32, #tpu.memory_space<vmem>>[vector<16xi32>], vector<16xi32>,
        %shift_right_arithmetic3A = arith.shrsi %gather3A_459, %iota3A : vector<16xi32>
        %and3A_461 = arith.constant 1 : i32
        %and3A_462 = vector.broadcast %and3A_461 : i32 to vector<16xi32>
        %and3A_463 = arith.andi %shift_right_arithmetic3A, %and3A_462 : vector<16xi32>
        %eq3A_464 = arith.constant 1 : i32
        %eq3A_465 = vector.broadcast %eq3A_464 : i32 to vector<16xi32>
        %eq3A_466 = arith.cmpi eq, %and3A_463, %eq3A_465 : vector<16xi32>
        %convert_element_type3A_467 = arith.extui %eq3A_466 : vector<16xi1> to vector<16xi32>
        %all_reduce_population_count3A_468 = tpu.all_reduce %eq3A_466 {dim = 0 : i64, kind = #tpu.reduction_kind<sum>} : vector<16xi1> -> vector<16xi32>
        %sub3A_469 = arith.constant 1 : i32
        %sub3A_470 = vector.broadcast %sub3A_469 : i32 to vector<16xi32>
        %sub3A_471 = arith.subi %while3A_456, %sub3A_470 : vector<16xi32>
        %broadcast_in_dim3A_472 = arith.constant true
        %broadcast_in_dim3A_473 = vector.broadcast %broadcast_in_dim3A_472 : i1 to vector<16xi1>
        %masked_cumsum3A_474 = tpu.scan <sum>, %convert_element_type3A_467 masked %broadcast_in_dim3A_473 : vector<16xi32>, vector<16xi1> -> vector<16xi32>
        %add3A_475 = arith.addi %sub3A_471, %masked_cumsum3A_474 : vector<16xi32>
        %min3A_476 = arith.constant 47 : i32
        %min3A_477 = vector.broadcast %min3A_476 : i32 to vector<16xi32>
        %min3A_478 = arith.minsi %add3A_475, %min3A_477 : vector<16xi32>
        %mul3A_479 = arith.constant 16 : i32
        %mul3A_480 = vector.broadcast %mul3A_479 : i32 to vector<16xi32>
        %mul3A_481 = arith.muli %gather3A_460, %mul3A_480 : vector<16xi32>
        %add3A_482 = arith.addi %mul3A_481, %iota3A : vector<16xi32>
        tpu.vector_store_idx %arg12[%min3A_478], %add3A_482 masked %eq3A_466 : memref<48xi32, #tpu.memory_space<vmem>>[vector<16xi32>], vector<16xi32>, vector<16xi1>
        %add3A_483 = arith.addi %while3A_456, %all_reduce_population_count3A_468 : vector<16xi32>
        %add3A_484 = arith.addi %while3A_457, %all_reduce_population_count3A_468 : vector<16xi32>
        scf.yield %add3A_483, %add3A_484 : vector<16xi32>, vector<16xi32>
      }
      %while3A_383 = arith.constant 1 : i32
      %while3A_384:2 = scf.for %while3A_455 = %while3A_380 to %while3A_376 step %while3A_383 iter_args(%while3A_456 = %while3A_382#0, %while3A_457 = %while3A_382#1) -> (vector<16xi32>, vector<16xi32>)  : i32 {
        %broadcast_in_dim3A_458 = vector.broadcast %while3A_455 : i32 to vector<16xi32>
        %gather3A_459 = tpu.vector_load_idx %arg10[%broadcast_in_dim3A_458] : memref<272xi32, #tpu.memory_space<vmem>>[vector<16xi32>], vector<16xi32>,
        %gather3A_460 = tpu.vector_load_idx %arg11[%broadcast_in_dim3A_458] : memref<272xi32, #tpu.memory_space<vmem>>[vector<16xi32>], vector<16xi32>,
        %shift_right_arithmetic3A = arith.shrsi %gather3A_459, %iota3A : vector<16xi32>
        %and3A_461 = arith.constant 1 : i32
        %and3A_462 = vector.broadcast %and3A_461 : i32 to vector<16xi32>
        %and3A_463 = arith.andi %shift_right_arithmetic3A, %and3A_462 : vector<16xi32>
        %eq3A_464 = arith.constant 1 : i32
        %eq3A_465 = vector.broadcast %eq3A_464 : i32 to vector<16xi32>
        %eq3A_466 = arith.cmpi eq, %and3A_463, %eq3A_465 : vector<16xi32>
        %convert_element_type3A_467 = arith.extui %eq3A_466 : vector<16xi1> to vector<16xi32>
        %all_reduce_population_count3A_468 = tpu.all_reduce %eq3A_466 {dim = 0 : i64, kind = #tpu.reduction_kind<sum>} : vector<16xi1> -> vector<16xi32>
        %sub3A_469 = arith.constant 1 : i32
        %sub3A_470 = vector.broadcast %sub3A_469 : i32 to vector<16xi32>
        %sub3A_471 = arith.subi %while3A_456, %sub3A_470 : vector<16xi32>
        %broadcast_in_dim3A_472 = arith.constant true
        %broadcast_in_dim3A_473 = vector.broadcast %broadcast_in_dim3A_472 : i1 to vector<16xi1>
        %masked_cumsum3A_474 = tpu.scan <sum>, %convert_element_type3A_467 masked %broadcast_in_dim3A_473 : vector<16xi32>, vector<16xi1> -> vector<16xi32>
        %add3A_475 = arith.addi %sub3A_471, %masked_cumsum3A_474 : vector<16xi32>
        %min3A_476 = arith.constant 47 : i32
        %min3A_477 = vector.broadcast %min3A_476 : i32 to vector<16xi32>
        %min3A_478 = arith.minsi %add3A_475, %min3A_477 : vector<16xi32>
        %mul3A_479 = arith.constant 16 : i32
        %mul3A_480 = vector.broadcast %mul3A_479 : i32 to vector<16xi32>
        %mul3A_481 = arith.muli %gather3A_460, %mul3A_480 : vector<16xi32>
        %add3A_482 = arith.addi %mul3A_481, %iota3A : vector<16xi32>
        tpu.vector_store_idx %arg12[%min3A_478], %add3A_482 masked %eq3A_466 : memref<48xi32, #tpu.memory_space<vmem>>[vector<16xi32>], vector<16xi32>, vector<16xi1>
        %add3A_483 = arith.addi %while3A_456, %all_reduce_population_count3A_468 : vector<16xi32>
        %add3A_484 = arith.addi %while3A_457, %all_reduce_population_count3A_468 : vector<16xi32>
        scf.yield %add3A_483, %add3A_484 : vector<16xi32>, vector<16xi32>
      }
      %broadcast_in_dim3A_385 = vector.broadcast %sub3A_59 : i32 to vector<16xi32>
      %gather3A = tpu.vector_load_idx %arg7[%broadcast_in_dim3A_385] : memref<4096xf32, #tpu.memory_space<vmem>>[vector<16xi32>], vector<16xf32>,
      %gather3A_386 = tpu.vector_load_idx %arg8[%broadcast_in_dim3A_385] : memref<4096xf32, #tpu.memory_space<vmem>>[vector<16xi32>], vector<16xf32>,
      %gather3A_387 = tpu.vector_load_idx %arg9[%broadcast_in_dim3A_385] : memref<4096xf32, #tpu.memory_space<vmem>>[vector<16xi32>], vector<16xf32>,
      %get3A_388 = arith.constant 0 : index
      %get3A_389 = tpu.vector_load %arg12[%get3A_388] {strides = array<i32>} : memref<48xi32, #tpu.memory_space<vmem>>, vector<16xi32>,
      %gather3A_390 = tpu.vector_load_idx %arg7[%get3A_389] : memref<4096xf32, #tpu.memory_space<vmem>>[vector<16xi32>], vector<16xf32>,
      %sub3A_391 = arith.subf %gather3A_390, %gather3A : vector<16xf32>
      %mul3A_392 = arith.constant 4 : i32
      %mul3A_393 = vector.broadcast %mul3A_392 : i32 to vector<16xi32>
      %mul3A_394 = arith.muli %iota3A, %mul3A_393 : vector<16xi32>
      %broadcast_in_dim3A_395 = arith.constant 0 : i32
      %broadcast_in_dim3A_396 = vector.broadcast %broadcast_in_dim3A_395 : i32 to vector<16xi32>
      %add3A_397 = arith.addi %mul3A_394, %broadcast_in_dim3A_396 : vector<16xi32>
      %broadcast_in_dim3A_398 = vector.broadcast %scan3A_55 : i32 to vector<16xi32>
      tpu.vector_store_idx %arg13[%broadcast_in_dim3A_398, %add3A_397], %sub3A_391 : memref<128x128xf32, #tpu.memory_space<vmem>>[vector<16xi32>, vector<16xi32>], vector<16xf32>,
      %gather3A_399 = tpu.vector_load_idx %arg8[%get3A_389] : memref<4096xf32, #tpu.memory_space<vmem>>[vector<16xi32>], vector<16xf32>,
      %sub3A_400 = arith.subf %gather3A_399, %gather3A_386 : vector<16xf32>
      %mul3A_401 = arith.constant 4 : i32
      %mul3A_402 = vector.broadcast %mul3A_401 : i32 to vector<16xi32>
      %mul3A_403 = arith.muli %iota3A, %mul3A_402 : vector<16xi32>
      %broadcast_in_dim3A_404 = arith.constant 1 : i32
      %broadcast_in_dim3A_405 = vector.broadcast %broadcast_in_dim3A_404 : i32 to vector<16xi32>
      %add3A_406 = arith.addi %mul3A_403, %broadcast_in_dim3A_405 : vector<16xi32>
      %broadcast_in_dim3A_407 = vector.broadcast %scan3A_55 : i32 to vector<16xi32>
      tpu.vector_store_idx %arg13[%broadcast_in_dim3A_407, %add3A_406], %sub3A_400 : memref<128x128xf32, #tpu.memory_space<vmem>>[vector<16xi32>, vector<16xi32>], vector<16xf32>,
      %gather3A_408 = tpu.vector_load_idx %arg9[%get3A_389] : memref<4096xf32, #tpu.memory_space<vmem>>[vector<16xi32>], vector<16xf32>,
      %sub3A_409 = arith.subf %gather3A_408, %gather3A_387 : vector<16xf32>
      %mul3A_410 = arith.constant 4 : i32
      %mul3A_411 = vector.broadcast %mul3A_410 : i32 to vector<16xi32>
      %mul3A_412 = arith.muli %iota3A, %mul3A_411 : vector<16xi32>
      %broadcast_in_dim3A_413 = arith.constant 2 : i32
      %broadcast_in_dim3A_414 = vector.broadcast %broadcast_in_dim3A_413 : i32 to vector<16xi32>
      %add3A_415 = arith.addi %mul3A_412, %broadcast_in_dim3A_414 : vector<16xi32>
      %broadcast_in_dim3A_416 = vector.broadcast %scan3A_55 : i32 to vector<16xi32>
      tpu.vector_store_idx %arg13[%broadcast_in_dim3A_416, %add3A_415], %sub3A_409 : memref<128x128xf32, #tpu.memory_space<vmem>>[vector<16xi32>, vector<16xi32>], vector<16xf32>,
      %get3A_417 = arith.constant 16 : index
      %get3A_418 = tpu.vector_load %arg12[%get3A_417] {strides = array<i32>} : memref<48xi32, #tpu.memory_space<vmem>>, vector<16xi32>,
      %gather3A_419 = tpu.vector_load_idx %arg7[%get3A_418] : memref<4096xf32, #tpu.memory_space<vmem>>[vector<16xi32>], vector<16xf32>,
      %sub3A_420 = arith.subf %gather3A_419, %gather3A : vector<16xf32>
      %mul3A_421 = arith.constant 4 : i32
      %mul3A_422 = vector.broadcast %mul3A_421 : i32 to vector<16xi32>
      %mul3A_423 = arith.muli %iota3A, %mul3A_422 : vector<16xi32>
      %broadcast_in_dim3A_424 = arith.constant 64 : i32
      %broadcast_in_dim3A_425 = vector.broadcast %broadcast_in_dim3A_424 : i32 to vector<16xi32>
      %add3A_426 = arith.addi %mul3A_423, %broadcast_in_dim3A_425 : vector<16xi32>
      %broadcast_in_dim3A_427 = vector.broadcast %scan3A_55 : i32 to vector<16xi32>
      tpu.vector_store_idx %arg13[%broadcast_in_dim3A_427, %add3A_426], %sub3A_420 : memref<128x128xf32, #tpu.memory_space<vmem>>[vector<16xi32>, vector<16xi32>], vector<16xf32>,
      %gather3A_428 = tpu.vector_load_idx %arg8[%get3A_418] : memref<4096xf32, #tpu.memory_space<vmem>>[vector<16xi32>], vector<16xf32>,
      %sub3A_429 = arith.subf %gather3A_428, %gather3A_386 : vector<16xf32>
      %mul3A_430 = arith.constant 4 : i32
      %mul3A_431 = vector.broadcast %mul3A_430 : i32 to vector<16xi32>
      %mul3A_432 = arith.muli %iota3A, %mul3A_431 : vector<16xi32>
      %broadcast_in_dim3A_433 = arith.constant 65 : i32
      %broadcast_in_dim3A_434 = vector.broadcast %broadcast_in_dim3A_433 : i32 to vector<16xi32>
      %add3A_435 = arith.addi %mul3A_432, %broadcast_in_dim3A_434 : vector<16xi32>
      %broadcast_in_dim3A_436 = vector.broadcast %scan3A_55 : i32 to vector<16xi32>
      tpu.vector_store_idx %arg13[%broadcast_in_dim3A_436, %add3A_435], %sub3A_429 : memref<128x128xf32, #tpu.memory_space<vmem>>[vector<16xi32>, vector<16xi32>], vector<16xf32>,
      %gather3A_437 = tpu.vector_load_idx %arg9[%get3A_418] : memref<4096xf32, #tpu.memory_space<vmem>>[vector<16xi32>], vector<16xf32>,
      %sub3A_438 = arith.subf %gather3A_437, %gather3A_387 : vector<16xf32>
      %mul3A_439 = arith.constant 4 : i32
      %mul3A_440 = vector.broadcast %mul3A_439 : i32 to vector<16xi32>
      %mul3A_441 = arith.muli %iota3A, %mul3A_440 : vector<16xi32>
      %broadcast_in_dim3A_442 = arith.constant 66 : i32
      %broadcast_in_dim3A_443 = vector.broadcast %broadcast_in_dim3A_442 : i32 to vector<16xi32>
      %add3A_444 = arith.addi %mul3A_441, %broadcast_in_dim3A_443 : vector<16xi32>
      %broadcast_in_dim3A_445 = vector.broadcast %scan3A_55 : i32 to vector<16xi32>
      tpu.vector_store_idx %arg13[%broadcast_in_dim3A_445, %add3A_444], %sub3A_438 : memref<128x128xf32, #tpu.memory_space<vmem>>[vector<16xi32>, vector<16xi32>], vector<16xf32>,
      %min3A = arith.constant 32 : i32
      %min3A_446 = vector.broadcast %min3A : i32 to vector<16xi32>
      %min3A_447 = arith.minsi %while3A_384#1, %min3A_446 : vector<16xi32>
      %convert_element_type3A_448 = arith.sitofp %min3A_447 : vector<16xi32> to vector<16xf32>
      %mul3A_449 = arith.constant 3.125000e-02 : f32
      %mul3A_450 = vector.broadcast %mul3A_449 : f32 to vector<16xf32>
      %mul3A_451 = arith.mulf %convert_element_type3A_448, %mul3A_450 : vector<16xf32>
      %broadcast_in_dim3A_452 = vector.broadcast %scan3A_55 : i32 to vector<16xi32>
      %eq3A = arith.constant 0 : i32
      %eq3A_453 = vector.broadcast %eq3A : i32 to vector<16xi32>
      %eq3A_454 = arith.cmpi eq, %iota3A, %eq3A_453 : vector<16xi32>
      tpu.vector_store_idx %arg14[%broadcast_in_dim3A_452], %mul3A_451 masked %eq3A_454 : memref<128xf32, #tpu.memory_space<vmem>>[vector<16xi32>], vector<16xf32>, vector<16xi1>
    }
    %scan3A_53 = arith.constant 128 : i32
    "tpu.region"() ({
      %run_scoped3A = tpu.sem_alloc : memref<!tpu.dma_semaphore, #tpu.memory_space<semaphore_mem>>
      %dma_start3A = arith.constant 0 : i32
      %dma_start3A_55 = tpu.memref_slice %arg4[%add3A_47, %dma_start3A] : memref<4096x128xf32, #tpu.memory_space<hbm>> -> memref<128x128xf32, #tpu.memory_space<hbm>>
      %dma_start3A_56 = arith.constant 0 : i32
      %dma_start3A_57 = tpu.memref_slice %arg4[%add3A_47, %dma_start3A_56] : memref<4096x128xf32, #tpu.memory_space<hbm>> -> memref<128x128xf32, #tpu.memory_space<hbm>>
      tpu.enqueue_dma source(%arg13 : memref<128x128xf32, #tpu.memory_space<vmem>>) target(%dma_start3A_57 : memref<128x128xf32, #tpu.memory_space<hbm>>) target_semaphore(%run_scoped3A : memref<!tpu.dma_semaphore, #tpu.memory_space<semaphore_mem>>)
      %dma_wait3A = arith.constant 0 : i32
      %dma_wait3A_58 = tpu.memref_slice %arg4[%add3A_47, %dma_wait3A] : memref<4096x128xf32, #tpu.memory_space<hbm>> -> memref<128x128xf32, #tpu.memory_space<hbm>>
      %dma_wait3A_59 = arith.constant 0 : i32
      %dma_wait3A_60 = tpu.memref_slice %arg4[%add3A_47, %dma_wait3A_59] : memref<4096x128xf32, #tpu.memory_space<hbm>> -> memref<128x128xf32, #tpu.memory_space<hbm>>
      tpu.wait_dma2 semaphore(%run_scoped3A : memref<!tpu.dma_semaphore, #tpu.memory_space<semaphore_mem>>) src(%arg13 : memref<128x128xf32, #tpu.memory_space<vmem>>) dst(%dma_wait3A_60 : memref<128x128xf32, #tpu.memory_space<hbm>>)
      tpu.yield
    }) : () -> ()
    "tpu.region"() ({
      %run_scoped3A = tpu.sem_alloc : memref<!tpu.dma_semaphore, #tpu.memory_space<semaphore_mem>>
      %dma_start3A = tpu.memref_slice %arg5[%add3A_47] : memref<4096xf32, #tpu.memory_space<hbm>> -> memref<128xf32, #tpu.memory_space<hbm>>
      %dma_start3A_55 = tpu.memref_slice %arg5[%add3A_47] : memref<4096xf32, #tpu.memory_space<hbm>> -> memref<128xf32, #tpu.memory_space<hbm>>
      tpu.enqueue_dma source(%arg14 : memref<128xf32, #tpu.memory_space<vmem>>) target(%dma_start3A_55 : memref<128xf32, #tpu.memory_space<hbm>>) target_semaphore(%run_scoped3A : memref<!tpu.dma_semaphore, #tpu.memory_space<semaphore_mem>>)
      %dma_wait3A = tpu.memref_slice %arg5[%add3A_47] : memref<4096xf32, #tpu.memory_space<hbm>> -> memref<128xf32, #tpu.memory_space<hbm>>
      %dma_wait3A_56 = tpu.memref_slice %arg5[%add3A_47] : memref<4096xf32, #tpu.memory_space<hbm>> -> memref<128xf32, #tpu.memory_space<hbm>>
      tpu.wait_dma2 semaphore(%run_scoped3A : memref<!tpu.dma_semaphore, #tpu.memory_space<semaphore_mem>>) src(%arg14 : memref<128xf32, #tpu.memory_space<vmem>>) dst(%dma_wait3A_56 : memref<128xf32, #tpu.memory_space<hbm>>)
      tpu.yield
    }) : () -> ()
    %scan3A_54 = arith.constant 1 : i32
    return
  }
}

#map = affine_map<(d0, d1) -> (0, 0)>
#map1 = affine_map<(d0, d1) -> (0)>
module attributes {stable_mosaic.version = 14 : i64} {
  func.func @_sc_select_body(%arg0: i32, %arg1: i32, %arg2: memref<4096x256xi32, #tpu.memory_space<hbm>>, %arg3: memref<12288xf32, #tpu.memory_space<hbm>>, %arg4: memref<4096x128xf32, #tpu.memory_space<hbm>>, %arg5: memref<4096xf32, #tpu.memory_space<hbm>>, %arg6: memref<128x256xi32, #tpu.memory_space<vmem>>, %arg7: memref<4096xf32, #tpu.memory_space<vmem>>, %arg8: memref<4096xf32, #tpu.memory_space<vmem>>, %arg9: memref<4096xf32, #tpu.memory_space<vmem>>, %arg10: memref<272xi32, #tpu.memory_space<vmem>>, %arg11: memref<272xi32, #tpu.memory_space<vmem>>, %arg12: memref<48xi32, #tpu.memory_space<vmem>>, %arg13: memref<128x128xf32, #tpu.memory_space<vmem>>, %arg14: memref<128xf32, #tpu.memory_space<vmem>>) attributes {dimension_semantics = [#tpu.dimension_semantics<core_parallel>, #tpu.dimension_semantics<subcore_parallel>], iteration_bounds = array<i64: 2, 16>, scalar_prefetch = 0 : i64, scratch_operands = 9 : i64, tpu.core_type = #tpu.core_type<sc_vector_subcore>, window_params = [{transform_indices = #map}, {transform_indices = #map1}, {transform_indices = #map}, {transform_indices = #map1}]} {
    %mul3A = arith.constant 2 : i32
    %mul3A_0 = arith.muli %arg1, %mul3A : i32
    %add3A = arith.addi %mul3A_0, %arg0 : i32
    %mul3A_1 = arith.constant 128 : i32
    %mul3A_2 = arith.muli %add3A, %mul3A_1 : i32
    %jit3A = arith.constant 4096 : i32
    %div3A = arith.divsi %mul3A_2, %jit3A : i32
    %sign3A = arith.constant 0 : i32
    %sign3A_3 = arith.cmpi sgt, %mul3A_2, %sign3A : i32
    %sign3A_4 = arith.extui %sign3A_3 : i1 to i32
    %sign3A_5 = arith.constant 0 : i32
    %sign3A_6 = arith.cmpi slt, %mul3A_2, %sign3A_5 : i32
    %sign3A_7 = arith.extui %sign3A_6 : i1 to i32
    %sign3A_8 = arith.subi %sign3A_4, %sign3A_7 : i32
    %sign3A_9 = arith.constant 0 : i32
    %sign3A_10 = arith.cmpi sgt, %jit3A, %sign3A_9 : i32
    %sign3A_11 = arith.extui %sign3A_10 : i1 to i32
    %sign3A_12 = arith.constant 0 : i32
    %sign3A_13 = arith.cmpi slt, %jit3A, %sign3A_12 : i32
    %sign3A_14 = arith.extui %sign3A_13 : i1 to i32
    %sign3A_15 = arith.subi %sign3A_11, %sign3A_14 : i32
    %ne3A = arith.cmpi ne, %sign3A_8, %sign3A_15 : i32
    %rem3A = arith.remsi %mul3A_2, %jit3A : i32
    %ne3A_16 = arith.constant 0 : i32
    %ne3A_17 = arith.cmpi ne, %rem3A, %ne3A_16 : i32
    %and3A = arith.andi %ne3A, %ne3A_17 : i1
    %sub3A = arith.constant 1 : i32
    %sub3A_18 = arith.subi %div3A, %sub3A : i32
    %select_n3A = arith.select %and3A, %sub3A_18, %div3A : i32
    %mul3A_19 = arith.constant 3 : i32
    %mul3A_20 = arith.muli %select_n3A, %mul3A_19 : i32
    %add3A_21 = arith.constant 0 : i32
    %add3A_22 = arith.addi %mul3A_20, %add3A_21 : i32
    %mul3A_23 = arith.constant 4096 : i32
    %mul3A_24 = arith.muli %add3A_22, %mul3A_23 : i32
    "tpu.region"() ({
      %run_scoped3A = tpu.sem_alloc : memref<!tpu.dma_semaphore, #tpu.memory_space<semaphore_mem>>
      %dma_start3A = tpu.memref_slice %arg3[%mul3A_24] : memref<12288xf32, #tpu.memory_space<hbm>> -> memref<4096xf32, #tpu.memory_space<hbm>>
      %dma_start3A_55 = tpu.memref_slice %arg3[%mul3A_24] : memref<12288xf32, #tpu.memory_space<hbm>> -> memref<4096xf32, #tpu.memory_space<hbm>>
      tpu.enqueue_dma source(%dma_start3A_55 : memref<4096xf32, #tpu.memory_space<hbm>>) target(%arg7 : memref<4096xf32, #tpu.memory_space<vmem>>) target_semaphore(%run_scoped3A : memref<!tpu.dma_semaphore, #tpu.memory_space<semaphore_mem>>)
      %dma_wait3A = tpu.memref_slice %arg3[%mul3A_24] : memref<12288xf32, #tpu.memory_space<hbm>> -> memref<4096xf32, #tpu.memory_space<hbm>>
      %dma_wait3A_56 = tpu.memref_slice %arg3[%mul3A_24] : memref<12288xf32, #tpu.memory_space<hbm>> -> memref<4096xf32, #tpu.memory_space<hbm>>
      tpu.wait_dma2 semaphore(%run_scoped3A : memref<!tpu.dma_semaphore, #tpu.memory_space<semaphore_mem>>) src(%dma_wait3A_56 : memref<4096xf32, #tpu.memory_space<hbm>>) dst(%arg7 : memref<4096xf32, #tpu.memory_space<vmem>>)
      tpu.yield
    }) : () -> ()
    %mul3A_25 = arith.constant 3 : i32
    %mul3A_26 = arith.muli %select_n3A, %mul3A_25 : i32
    %add3A_27 = arith.constant 1 : i32
    %add3A_28 = arith.addi %mul3A_26, %add3A_27 : i32
    %mul3A_29 = arith.constant 4096 : i32
    %mul3A_30 = arith.muli %add3A_28, %mul3A_29 : i32
    "tpu.region"() ({
      %run_scoped3A = tpu.sem_alloc : memref<!tpu.dma_semaphore, #tpu.memory_space<semaphore_mem>>
      %dma_start3A = tpu.memref_slice %arg3[%mul3A_30] : memref<12288xf32, #tpu.memory_space<hbm>> -> memref<4096xf32, #tpu.memory_space<hbm>>
      %dma_start3A_55 = tpu.memref_slice %arg3[%mul3A_30] : memref<12288xf32, #tpu.memory_space<hbm>> -> memref<4096xf32, #tpu.memory_space<hbm>>
      tpu.enqueue_dma source(%dma_start3A_55 : memref<4096xf32, #tpu.memory_space<hbm>>) target(%arg8 : memref<4096xf32, #tpu.memory_space<vmem>>) target_semaphore(%run_scoped3A : memref<!tpu.dma_semaphore, #tpu.memory_space<semaphore_mem>>)
      %dma_wait3A = tpu.memref_slice %arg3[%mul3A_30] : memref<12288xf32, #tpu.memory_space<hbm>> -> memref<4096xf32, #tpu.memory_space<hbm>>
      %dma_wait3A_56 = tpu.memref_slice %arg3[%mul3A_30] : memref<12288xf32, #tpu.memory_space<hbm>> -> memref<4096xf32, #tpu.memory_space<hbm>>
      tpu.wait_dma2 semaphore(%run_scoped3A : memref<!tpu.dma_semaphore, #tpu.memory_space<semaphore_mem>>) src(%dma_wait3A_56 : memref<4096xf32, #tpu.memory_space<hbm>>) dst(%arg8 : memref<4096xf32, #tpu.memory_space<vmem>>)
      tpu.yield
    }) : () -> ()
    %mul3A_31 = arith.constant 3 : i32
    %mul3A_32 = arith.muli %select_n3A, %mul3A_31 : i32
    %add3A_33 = arith.constant 2 : i32
    %add3A_34 = arith.addi %mul3A_32, %add3A_33 : i32
    %mul3A_35 = arith.constant 4096 : i32
    %mul3A_36 = arith.muli %add3A_34, %mul3A_35 : i32
    "tpu.region"() ({
      %run_scoped3A = tpu.sem_alloc : memref<!tpu.dma_semaphore, #tpu.memory_space<semaphore_mem>>
      %dma_start3A = tpu.memref_slice %arg3[%mul3A_36] : memref<12288xf32, #tpu.memory_space<hbm>> -> memref<4096xf32, #tpu.memory_space<hbm>>
      %dma_start3A_55 = tpu.memref_slice %arg3[%mul3A_36] : memref<12288xf32, #tpu.memory_space<hbm>> -> memref<4096xf32, #tpu.memory_space<hbm>>
      tpu.enqueue_dma source(%dma_start3A_55 : memref<4096xf32, #tpu.memory_space<hbm>>) target(%arg9 : memref<4096xf32, #tpu.memory_space<vmem>>) target_semaphore(%run_scoped3A : memref<!tpu.dma_semaphore, #tpu.memory_space<semaphore_mem>>)
      %dma_wait3A = tpu.memref_slice %arg3[%mul3A_36] : memref<12288xf32, #tpu.memory_space<hbm>> -> memref<4096xf32, #tpu.memory_space<hbm>>
      %dma_wait3A_56 = tpu.memref_slice %arg3[%mul3A_36] : memref<12288xf32, #tpu.memory_space<hbm>> -> memref<4096xf32, #tpu.memory_space<hbm>>
      tpu.wait_dma2 semaphore(%run_scoped3A : memref<!tpu.dma_semaphore, #tpu.memory_space<semaphore_mem>>) src(%dma_wait3A_56 : memref<4096xf32, #tpu.memory_space<hbm>>) dst(%arg9 : memref<4096xf32, #tpu.memory_space<vmem>>)
      tpu.yield
    }) : () -> ()
    %iota3A = tpu.iota {dimensions = array<i32: 0>} : vector<16xi32>
    %broadcast_in_dim3A = arith.constant 0.000000e+00 : f32
    %broadcast_in_dim3A_37 = vector.broadcast %broadcast_in_dim3A : f32 to vector<16xf32>
    %scan3A = arith.constant 0 : i32
    %scan3A_38 = arith.constant 0 : i32
    %scan3A_39 = arith.constant 128 : i32
    %scan3A_40 = arith.addi %scan3A_38, %scan3A_39 : i32
    %scan3A_41 = arith.constant 1 : i32
    scf.for %scan3A_55 = %scan3A_38 to %scan3A_40 step %scan3A_41  : i32 {
      %swap3A = arith.index_cast %scan3A_55 : i32 to index
      %swap3A_56 = arith.constant 0 : index
      %swap3A_57 = tpu.vector_load %arg13[%swap3A, %swap3A_56] {strides = array<i32>} : memref<128x128xf32, #tpu.memory_space<vmem>>, vector<16xf32>,
      tpu.vector_store %arg13[%swap3A, %swap3A_56], %broadcast_in_dim3A_37 {strides = array<i32>} : memref<128x128xf32, #tpu.memory_space<vmem>>, vector<16xf32>,
      %swap3A_58 = arith.index_cast %scan3A_55 : i32 to index
      %swap3A_59 = arith.constant 16 : index
      %swap3A_60 = tpu.vector_load %arg13[%swap3A_58, %swap3A_59] {strides = array<i32>} : memref<128x128xf32, #tpu.memory_space<vmem>>, vector<16xf32>,
      tpu.vector_store %arg13[%swap3A_58, %swap3A_59], %broadcast_in_dim3A_37 {strides = array<i32>} : memref<128x128xf32, #tpu.memory_space<vmem>>, vector<16xf32>,
      %swap3A_61 = arith.index_cast %scan3A_55 : i32 to index
      %swap3A_62 = arith.constant 32 : index
      %swap3A_63 = tpu.vector_load %arg13[%swap3A_61, %swap3A_62] {strides = array<i32>} : memref<128x128xf32, #tpu.memory_space<vmem>>, vector<16xf32>,
      tpu.vector_store %arg13[%swap3A_61, %swap3A_62], %broadcast_in_dim3A_37 {strides = array<i32>} : memref<128x128xf32, #tpu.memory_space<vmem>>, vector<16xf32>,
      %swap3A_64 = arith.index_cast %scan3A_55 : i32 to index
      %swap3A_65 = arith.constant 48 : index
      %swap3A_66 = tpu.vector_load %arg13[%swap3A_64, %swap3A_65] {strides = array<i32>} : memref<128x128xf32, #tpu.memory_space<vmem>>, vector<16xf32>,
      tpu.vector_store %arg13[%swap3A_64, %swap3A_65], %broadcast_in_dim3A_37 {strides = array<i32>} : memref<128x128xf32, #tpu.memory_space<vmem>>, vector<16xf32>,
      %swap3A_67 = arith.index_cast %scan3A_55 : i32 to index
      %swap3A_68 = arith.constant 64 : index
      %swap3A_69 = tpu.vector_load %arg13[%swap3A_67, %swap3A_68] {strides = array<i32>} : memref<128x128xf32, #tpu.memory_space<vmem>>, vector<16xf32>,
      tpu.vector_store %arg13[%swap3A_67, %swap3A_68], %broadcast_in_dim3A_37 {strides = array<i32>} : memref<128x128xf32, #tpu.memory_space<vmem>>, vector<16xf32>,
      %swap3A_70 = arith.index_cast %scan3A_55 : i32 to index
      %swap3A_71 = arith.constant 80 : index
      %swap3A_72 = tpu.vector_load %arg13[%swap3A_70, %swap3A_71] {strides = array<i32>} : memref<128x128xf32, #tpu.memory_space<vmem>>, vector<16xf32>,
      tpu.vector_store %arg13[%swap3A_70, %swap3A_71], %broadcast_in_dim3A_37 {strides = array<i32>} : memref<128x128xf32, #tpu.memory_space<vmem>>, vector<16xf32>,
      %swap3A_73 = arith.index_cast %scan3A_55 : i32 to index
      %swap3A_74 = arith.constant 96 : index
      %swap3A_75 = tpu.vector_load %arg13[%swap3A_73, %swap3A_74] {strides = array<i32>} : memref<128x128xf32, #tpu.memory_space<vmem>>, vector<16xf32>,
      tpu.vector_store %arg13[%swap3A_73, %swap3A_74], %broadcast_in_dim3A_37 {strides = array<i32>} : memref<128x128xf32, #tpu.memory_space<vmem>>, vector<16xf32>,
      %swap3A_76 = arith.index_cast %scan3A_55 : i32 to index
      %swap3A_77 = arith.constant 112 : index
      %swap3A_78 = tpu.vector_load %arg13[%swap3A_76, %swap3A_77] {strides = array<i32>} : memref<128x128xf32, #tpu.memory_space<vmem>>, vector<16xf32>,
      tpu.vector_store %arg13[%swap3A_76, %swap3A_77], %broadcast_in_dim3A_37 {strides = array<i32>} : memref<128x128xf32, #tpu.memory_space<vmem>>, vector<16xf32>,
    }
    %scan3A_42 = arith.constant 128 : i32
    %scan3A_43 = arith.constant 0 : i32
    %scan3A_44 = arith.constant 0 : i32
    %mul3A_45 = arith.constant 128 : i32
    %mul3A_46 = arith.muli %scan3A_44, %mul3A_45 : i32
    %add3A_47 = arith.addi %mul3A_2, %mul3A_46 : i32
    "tpu.region"() ({
      %run_scoped3A = tpu.sem_alloc : memref<!tpu.dma_semaphore, #tpu.memory_space<semaphore_mem>>
      %dma_start3A = arith.constant 0 : i32
      %dma_start3A_55 = tpu.memref_slice %arg2[%add3A_47, %dma_start3A] : memref<4096x256xi32, #tpu.memory_space<hbm>> -> memref<128x256xi32, #tpu.memory_space<hbm>>
      %dma_start3A_56 = arith.constant 0 : i32
      %dma_start3A_57 = tpu.memref_slice %arg2[%add3A_47, %dma_start3A_56] : memref<4096x256xi32, #tpu.memory_space<hbm>> -> memref<128x256xi32, #tpu.memory_space<hbm>>
      tpu.enqueue_dma source(%dma_start3A_57 : memref<128x256xi32, #tpu.memory_space<hbm>>) target(%arg6 : memref<128x256xi32, #tpu.memory_space<vmem>>) target_semaphore(%run_scoped3A : memref<!tpu.dma_semaphore, #tpu.memory_space<semaphore_mem>>)
      %dma_wait3A = arith.constant 0 : i32
      %dma_wait3A_58 = tpu.memref_slice %arg2[%add3A_47, %dma_wait3A] : memref<4096x256xi32, #tpu.memory_space<hbm>> -> memref<128x256xi32, #tpu.memory_space<hbm>>
      %dma_wait3A_59 = arith.constant 0 : i32
      %dma_wait3A_60 = tpu.memref_slice %arg2[%add3A_47, %dma_wait3A_59] : memref<4096x256xi32, #tpu.memory_space<hbm>> -> memref<128x256xi32, #tpu.memory_space<hbm>>
      tpu.wait_dma2 semaphore(%run_scoped3A : memref<!tpu.dma_semaphore, #tpu.memory_space<semaphore_mem>>) src(%dma_wait3A_60 : memref<128x256xi32, #tpu.memory_space<hbm>>) dst(%arg6 : memref<128x256xi32, #tpu.memory_space<vmem>>)
      tpu.yield
    }) : () -> ()
    %scan3A_48 = arith.constant 0 : i32
    %scan3A_49 = arith.constant 0 : i32
    %scan3A_50 = arith.constant 128 : i32
    %scan3A_51 = arith.addi %scan3A_49, %scan3A_50 : i32
    %scan3A_52 = arith.constant 1 : i32
    scf.for %scan3A_55 = %scan3A_49 to %scan3A_51 step %scan3A_52  : i32 {
      %add3A_56 = arith.addi %add3A_47, %scan3A_55 : i32
      %mul3A_57 = arith.constant 4096 : i32
      %mul3A_58 = arith.muli %select_n3A, %mul3A_57 : i32
      %sub3A_59 = arith.subi %add3A_56, %mul3A_58 : i32
      %broadcast_in_dim3A_60 = vector.broadcast %sub3A_59 : i32 to vector<16xi32>
      %swap3A = arith.constant 0 : index
      %swap3A_61 = tpu.vector_load %arg12[%swap3A] {strides = array<i32>} : memref<48xi32, #tpu.memory_space<vmem>>, vector<16xi32>,
      tpu.vector_store %arg12[%swap3A], %broadcast_in_dim3A_60 {strides = array<i32>} : memref<48xi32, #tpu.memory_space<vmem>>, vector<16xi32>,
      %swap3A_62 = arith.constant 16 : index
      %swap3A_63 = tpu.vector_load %arg12[%swap3A_62] {strides = array<i32>} : memref<48xi32, #tpu.memory_space<vmem>>, vector<16xi32>,
      tpu.vector_store %arg12[%swap3A_62], %broadcast_in_dim3A_60 {strides = array<i32>} : memref<48xi32, #tpu.memory_space<vmem>>, vector<16xi32>,
      %broadcast_in_dim3A_64 = arith.constant 0 : i32
      %broadcast_in_dim3A_65 = vector.broadcast %broadcast_in_dim3A_64 : i32 to vector<16xi32>
      %get3A = arith.index_cast %scan3A_55 : i32 to index
      %get3A_66 = arith.constant 0 : index
      %get3A_67 = tpu.vector_load %arg6[%get3A, %get3A_66] {strides = array<i32>} : memref<128x256xi32, #tpu.memory_space<vmem>>, vector<16xi32>,
      %ne3A_68 = arith.constant 0 : i32
      %ne3A_69 = vector.broadcast %ne3A_68 : i32 to vector<16xi32>
      %ne3A_70 = arith.cmpi ne, %get3A_67, %ne3A_69 : vector<16xi32>
      %convert_element_type3A = arith.extui %ne3A_70 : vector<16xi1> to vector<16xi32>
      %sub3A_71 = arith.constant 1 : i32
      %sub3A_72 = vector.broadcast %sub3A_71 : i32 to vector<16xi32>
      %sub3A_73 = arith.subi %broadcast_in_dim3A_65, %sub3A_72 : vector<16xi32>
      %broadcast_in_dim3A_74 = arith.constant true
      %broadcast_in_dim3A_75 = vector.broadcast %broadcast_in_dim3A_74 : i1 to vector<16xi1>
      %masked_cumsum3A = tpu.scan <sum>, %convert_element_type3A masked %broadcast_in_dim3A_75 : vector<16xi32>, vector<16xi1> -> vector<16xi32>
      %add3A_76 = arith.addi %sub3A_73, %masked_cumsum3A : vector<16xi32>
      tpu.vector_store_idx %arg10[%add3A_76], %get3A_67 masked %ne3A_70 : memref<272xi32, #tpu.memory_space<vmem>>[vector<16xi32>], vector<16xi32>, vector<16xi1>
      %broadcast_in_dim3A_77 = arith.constant 0 : i32
      %broadcast_in_dim3A_78 = vector.broadcast %broadcast_in_dim3A_77 : i32 to vector<16xi32>
      %add3A_79 = arith.addi %broadcast_in_dim3A_78, %iota3A : vector<16xi32>
      tpu.vector_store_idx %arg11[%add3A_76], %add3A_79 masked %ne3A_70 : memref<272xi32, #tpu.memory_space<vmem>>[vector<16xi32>], vector<16xi32>, vector<16xi1>
      %all_reduce_population_count3A = tpu.all_reduce %ne3A_70 {dim = 0 : i64, kind = #tpu.reduction_kind<sum>} : vector<16xi1> -> vector<16xi32>
      %add3A_80 = arith.addi %broadcast_in_dim3A_65, %all_reduce_population_count3A : vector<16xi32>
      %get3A_81 = arith.index_cast %scan3A_55 : i32 to index
      %get3A_82 = arith.constant 16 : index
      %get3A_83 = tpu.vector_load %arg6[%get3A_81, %get3A_82] {strides = array<i32>} : memref<128x256xi32, #tpu.memory_space<vmem>>, vector<16xi32>,
      %ne3A_84 = arith.constant 0 : i32
      %ne3A_85 = vector.broadcast %ne3A_84 : i32 to vector<16xi32>
      %ne3A_86 = arith.cmpi ne, %get3A_83, %ne3A_85 : vector<16xi32>
      %convert_element_type3A_87 = arith.extui %ne3A_86 : vector<16xi1> to vector<16xi32>
      %sub3A_88 = arith.constant 1 : i32
      %sub3A_89 = vector.broadcast %sub3A_88 : i32 to vector<16xi32>
      %sub3A_90 = arith.subi %add3A_80, %sub3A_89 : vector<16xi32>
      %broadcast_in_dim3A_91 = arith.constant true
      %broadcast_in_dim3A_92 = vector.broadcast %broadcast_in_dim3A_91 : i1 to vector<16xi1>
      %masked_cumsum3A_93 = tpu.scan <sum>, %convert_element_type3A_87 masked %broadcast_in_dim3A_92 : vector<16xi32>, vector<16xi1> -> vector<16xi32>
      %add3A_94 = arith.addi %sub3A_90, %masked_cumsum3A_93 : vector<16xi32>
      tpu.vector_store_idx %arg10[%add3A_94], %get3A_83 masked %ne3A_86 : memref<272xi32, #tpu.memory_space<vmem>>[vector<16xi32>], vector<16xi32>, vector<16xi1>
      %broadcast_in_dim3A_95 = arith.constant 16 : i32
      %broadcast_in_dim3A_96 = vector.broadcast %broadcast_in_dim3A_95 : i32 to vector<16xi32>
      %add3A_97 = arith.addi %broadcast_in_dim3A_96, %iota3A : vector<16xi32>
      tpu.vector_store_idx %arg11[%add3A_94], %add3A_97 masked %ne3A_86 : memref<272xi32, #tpu.memory_space<vmem>>[vector<16xi32>], vector<16xi32>, vector<16xi1>
      %all_reduce_population_count3A_98 = tpu.all_reduce %ne3A_86 {dim = 0 : i64, kind = #tpu.reduction_kind<sum>} : vector<16xi1> -> vector<16xi32>
      %add3A_99 = arith.addi %add3A_80, %all_reduce_population_count3A_98 : vector<16xi32>
      %get3A_100 = arith.index_cast %scan3A_55 : i32 to index
      %get3A_101 = arith.constant 32 : index
      %get3A_102 = tpu.vector_load %arg6[%get3A_100, %get3A_101] {strides = array<i32>} : memref<128x256xi32, #tpu.memory_space<vmem>>, vector<16xi32>,
      %ne3A_103 = arith.constant 0 : i32
      %ne3A_104 = vector.broadcast %ne3A_103 : i32 to vector<16xi32>
      %ne3A_105 = arith.cmpi ne, %get3A_102, %ne3A_104 : vector<16xi32>
      %convert_element_type3A_106 = arith.extui %ne3A_105 : vector<16xi1> to vector<16xi32>
      %sub3A_107 = arith.constant 1 : i32
      %sub3A_108 = vector.broadcast %sub3A_107 : i32 to vector<16xi32>
      %sub3A_109 = arith.subi %add3A_99, %sub3A_108 : vector<16xi32>
      %broadcast_in_dim3A_110 = arith.constant true
      %broadcast_in_dim3A_111 = vector.broadcast %broadcast_in_dim3A_110 : i1 to vector<16xi1>
      %masked_cumsum3A_112 = tpu.scan <sum>, %convert_element_type3A_106 masked %broadcast_in_dim3A_111 : vector<16xi32>, vector<16xi1> -> vector<16xi32>
      %add3A_113 = arith.addi %sub3A_109, %masked_cumsum3A_112 : vector<16xi32>
      tpu.vector_store_idx %arg10[%add3A_113], %get3A_102 masked %ne3A_105 : memref<272xi32, #tpu.memory_space<vmem>>[vector<16xi32>], vector<16xi32>, vector<16xi1>
      %broadcast_in_dim3A_114 = arith.constant 32 : i32
      %broadcast_in_dim3A_115 = vector.broadcast %broadcast_in_dim3A_114 : i32 to vector<16xi32>
      %add3A_116 = arith.addi %broadcast_in_dim3A_115, %iota3A : vector<16xi32>
      tpu.vector_store_idx %arg11[%add3A_113], %add3A_116 masked %ne3A_105 : memref<272xi32, #tpu.memory_space<vmem>>[vector<16xi32>], vector<16xi32>, vector<16xi1>
      %all_reduce_population_count3A_117 = tpu.all_reduce %ne3A_105 {dim = 0 : i64, kind = #tpu.reduction_kind<sum>} : vector<16xi1> -> vector<16xi32>
      %add3A_118 = arith.addi %add3A_99, %all_reduce_population_count3A_117 : vector<16xi32>
      %get3A_119 = arith.index_cast %scan3A_55 : i32 to index
      %get3A_120 = arith.constant 48 : index
      %get3A_121 = tpu.vector_load %arg6[%get3A_119, %get3A_120] {strides = array<i32>} : memref<128x256xi32, #tpu.memory_space<vmem>>, vector<16xi32>,
      %ne3A_122 = arith.constant 0 : i32
      %ne3A_123 = vector.broadcast %ne3A_122 : i32 to vector<16xi32>
      %ne3A_124 = arith.cmpi ne, %get3A_121, %ne3A_123 : vector<16xi32>
      %convert_element_type3A_125 = arith.extui %ne3A_124 : vector<16xi1> to vector<16xi32>
      %sub3A_126 = arith.constant 1 : i32
      %sub3A_127 = vector.broadcast %sub3A_126 : i32 to vector<16xi32>
      %sub3A_128 = arith.subi %add3A_118, %sub3A_127 : vector<16xi32>
      %broadcast_in_dim3A_129 = arith.constant true
      %broadcast_in_dim3A_130 = vector.broadcast %broadcast_in_dim3A_129 : i1 to vector<16xi1>
      %masked_cumsum3A_131 = tpu.scan <sum>, %convert_element_type3A_125 masked %broadcast_in_dim3A_130 : vector<16xi32>, vector<16xi1> -> vector<16xi32>
      %add3A_132 = arith.addi %sub3A_128, %masked_cumsum3A_131 : vector<16xi32>
      tpu.vector_store_idx %arg10[%add3A_132], %get3A_121 masked %ne3A_124 : memref<272xi32, #tpu.memory_space<vmem>>[vector<16xi32>], vector<16xi32>, vector<16xi1>
      %broadcast_in_dim3A_133 = arith.constant 48 : i32
      %broadcast_in_dim3A_134 = vector.broadcast %broadcast_in_dim3A_133 : i32 to vector<16xi32>
      %add3A_135 = arith.addi %broadcast_in_dim3A_134, %iota3A : vector<16xi32>
      tpu.vector_store_idx %arg11[%add3A_132], %add3A_135 masked %ne3A_124 : memref<272xi32, #tpu.memory_space<vmem>>[vector<16xi32>], vector<16xi32>, vector<16xi1>
      %all_reduce_population_count3A_136 = tpu.all_reduce %ne3A_124 {dim = 0 : i64, kind = #tpu.reduction_kind<sum>} : vector<16xi1> -> vector<16xi32>
      %add3A_137 = arith.addi %add3A_118, %all_reduce_population_count3A_136 : vector<16xi32>
      %get3A_138 = arith.index_cast %scan3A_55 : i32 to index
      %get3A_139 = arith.constant 64 : index
      %get3A_140 = tpu.vector_load %arg6[%get3A_138, %get3A_139] {strides = array<i32>} : memref<128x256xi32, #tpu.memory_space<vmem>>, vector<16xi32>,
      %ne3A_141 = arith.constant 0 : i32
      %ne3A_142 = vector.broadcast %ne3A_141 : i32 to vector<16xi32>
      %ne3A_143 = arith.cmpi ne, %get3A_140, %ne3A_142 : vector<16xi32>
      %convert_element_type3A_144 = arith.extui %ne3A_143 : vector<16xi1> to vector<16xi32>
      %sub3A_145 = arith.constant 1 : i32
      %sub3A_146 = vector.broadcast %sub3A_145 : i32 to vector<16xi32>
      %sub3A_147 = arith.subi %add3A_137, %sub3A_146 : vector<16xi32>
      %broadcast_in_dim3A_148 = arith.constant true
      %broadcast_in_dim3A_149 = vector.broadcast %broadcast_in_dim3A_148 : i1 to vector<16xi1>
      %masked_cumsum3A_150 = tpu.scan <sum>, %convert_element_type3A_144 masked %broadcast_in_dim3A_149 : vector<16xi32>, vector<16xi1> -> vector<16xi32>
      %add3A_151 = arith.addi %sub3A_147, %masked_cumsum3A_150 : vector<16xi32>
      tpu.vector_store_idx %arg10[%add3A_151], %get3A_140 masked %ne3A_143 : memref<272xi32, #tpu.memory_space<vmem>>[vector<16xi32>], vector<16xi32>, vector<16xi1>
      %broadcast_in_dim3A_152 = arith.constant 64 : i32
      %broadcast_in_dim3A_153 = vector.broadcast %broadcast_in_dim3A_152 : i32 to vector<16xi32>
      %add3A_154 = arith.addi %broadcast_in_dim3A_153, %iota3A : vector<16xi32>
      tpu.vector_store_idx %arg11[%add3A_151], %add3A_154 masked %ne3A_143 : memref<272xi32, #tpu.memory_space<vmem>>[vector<16xi32>], vector<16xi32>, vector<16xi1>
      %all_reduce_population_count3A_155 = tpu.all_reduce %ne3A_143 {dim = 0 : i64, kind = #tpu.reduction_kind<sum>} : vector<16xi1> -> vector<16xi32>
      %add3A_156 = arith.addi %add3A_137, %all_reduce_population_count3A_155 : vector<16xi32>
      %get3A_157 = arith.index_cast %scan3A_55 : i32 to index
      %get3A_158 = arith.constant 80 : index
      %get3A_159 = tpu.vector_load %arg6[%get3A_157, %get3A_158] {strides = array<i32>} : memref<128x256xi32, #tpu.memory_space<vmem>>, vector<16xi32>,
      %ne3A_160 = arith.constant 0 : i32
      %ne3A_161 = vector.broadcast %ne3A_160 : i32 to vector<16xi32>
      %ne3A_162 = arith.cmpi ne, %get3A_159, %ne3A_161 : vector<16xi32>
      %convert_element_type3A_163 = arith.extui %ne3A_162 : vector<16xi1> to vector<16xi32>
      %sub3A_164 = arith.constant 1 : i32
      %sub3A_165 = vector.broadcast %sub3A_164 : i32 to vector<16xi32>
      %sub3A_166 = arith.subi %add3A_156, %sub3A_165 : vector<16xi32>
      %broadcast_in_dim3A_167 = arith.constant true
      %broadcast_in_dim3A_168 = vector.broadcast %broadcast_in_dim3A_167 : i1 to vector<16xi1>
      %masked_cumsum3A_169 = tpu.scan <sum>, %convert_element_type3A_163 masked %broadcast_in_dim3A_168 : vector<16xi32>, vector<16xi1> -> vector<16xi32>
      %add3A_170 = arith.addi %sub3A_166, %masked_cumsum3A_169 : vector<16xi32>
      tpu.vector_store_idx %arg10[%add3A_170], %get3A_159 masked %ne3A_162 : memref<272xi32, #tpu.memory_space<vmem>>[vector<16xi32>], vector<16xi32>, vector<16xi1>
      %broadcast_in_dim3A_171 = arith.constant 80 : i32
      %broadcast_in_dim3A_172 = vector.broadcast %broadcast_in_dim3A_171 : i32 to vector<16xi32>
      %add3A_173 = arith.addi %broadcast_in_dim3A_172, %iota3A : vector<16xi32>
      tpu.vector_store_idx %arg11[%add3A_170], %add3A_173 masked %ne3A_162 : memref<272xi32, #tpu.memory_space<vmem>>[vector<16xi32>], vector<16xi32>, vector<16xi1>
      %all_reduce_population_count3A_174 = tpu.all_reduce %ne3A_162 {dim = 0 : i64, kind = #tpu.reduction_kind<sum>} : vector<16xi1> -> vector<16xi32>
      %add3A_175 = arith.addi %add3A_156, %all_reduce_population_count3A_174 : vector<16xi32>
      %get3A_176 = arith.index_cast %scan3A_55 : i32 to index
      %get3A_177 = arith.constant 96 : index
      %get3A_178 = tpu.vector_load %arg6[%get3A_176, %get3A_177] {strides = array<i32>} : memref<128x256xi32, #tpu.memory_space<vmem>>, vector<16xi32>,
      %ne3A_179 = arith.constant 0 : i32
      %ne3A_180 = vector.broadcast %ne3A_179 : i32 to vector<16xi32>
      %ne3A_181 = arith.cmpi ne, %get3A_178, %ne3A_180 : vector<16xi32>
      %convert_element_type3A_182 = arith.extui %ne3A_181 : vector<16xi1> to vector<16xi32>
      %sub3A_183 = arith.constant 1 : i32
      %sub3A_184 = vector.broadcast %sub3A_183 : i32 to vector<16xi32>
      %sub3A_185 = arith.subi %add3A_175, %sub3A_184 : vector<16xi32>
      %broadcast_in_dim3A_186 = arith.constant true
      %broadcast_in_dim3A_187 = vector.broadcast %broadcast_in_dim3A_186 : i1 to vector<16xi1>
      %masked_cumsum3A_188 = tpu.scan <sum>, %convert_element_type3A_182 masked %broadcast_in_dim3A_187 : vector<16xi32>, vector<16xi1> -> vector<16xi32>
      %add3A_189 = arith.addi %sub3A_185, %masked_cumsum3A_188 : vector<16xi32>
      tpu.vector_store_idx %arg10[%add3A_189], %get3A_178 masked %ne3A_181 : memref<272xi32, #tpu.memory_space<vmem>>[vector<16xi32>], vector<16xi32>, vector<16xi1>
      %broadcast_in_dim3A_190 = arith.constant 96 : i32
      %broadcast_in_dim3A_191 = vector.broadcast %broadcast_in_dim3A_190 : i32 to vector<16xi32>
      %add3A_192 = arith.addi %broadcast_in_dim3A_191, %iota3A : vector<16xi32>
      tpu.vector_store_idx %arg11[%add3A_189], %add3A_192 masked %ne3A_181 : memref<272xi32, #tpu.memory_space<vmem>>[vector<16xi32>], vector<16xi32>, vector<16xi1>
      %all_reduce_population_count3A_193 = tpu.all_reduce %ne3A_181 {dim = 0 : i64, kind = #tpu.reduction_kind<sum>} : vector<16xi1> -> vector<16xi32>
      %add3A_194 = arith.addi %add3A_175, %all_reduce_population_count3A_193 : vector<16xi32>
      %get3A_195 = arith.index_cast %scan3A_55 : i32 to index
      %get3A_196 = arith.constant 112 : index
      %get3A_197 = tpu.vector_load %arg6[%get3A_195, %get3A_196] {strides = array<i32>} : memref<128x256xi32, #tpu.memory_space<vmem>>, vector<16xi32>,
      %ne3A_198 = arith.constant 0 : i32
      %ne3A_199 = vector.broadcast %ne3A_198 : i32 to vector<16xi32>
      %ne3A_200 = arith.cmpi ne, %get3A_197, %ne3A_199 : vector<16xi32>
      %convert_element_type3A_201 = arith.extui %ne3A_200 : vector<16xi1> to vector<16xi32>
      %sub3A_202 = arith.constant 1 : i32
      %sub3A_203 = vector.broadcast %sub3A_202 : i32 to vector<16xi32>
      %sub3A_204 = arith.subi %add3A_194, %sub3A_203 : vector<16xi32>
      %broadcast_in_dim3A_205 = arith.constant true
      %broadcast_in_dim3A_206 = vector.broadcast %broadcast_in_dim3A_205 : i1 to vector<16xi1>
      %masked_cumsum3A_207 = tpu.scan <sum>, %convert_element_type3A_201 masked %broadcast_in_dim3A_206 : vector<16xi32>, vector<16xi1> -> vector<16xi32>
      %add3A_208 = arith.addi %sub3A_204, %masked_cumsum3A_207 : vector<16xi32>
      tpu.vector_store_idx %arg10[%add3A_208], %get3A_197 masked %ne3A_200 : memref<272xi32, #tpu.memory_space<vmem>>[vector<16xi32>], vector<16xi32>, vector<16xi1>
      %broadcast_in_dim3A_209 = arith.constant 112 : i32
      %broadcast_in_dim3A_210 = vector.broadcast %broadcast_in_dim3A_209 : i32 to vector<16xi32>
      %add3A_211 = arith.addi %broadcast_in_dim3A_210, %iota3A : vector<16xi32>
      tpu.vector_store_idx %arg11[%add3A_208], %add3A_211 masked %ne3A_200 : memref<272xi32, #tpu.memory_space<vmem>>[vector<16xi32>], vector<16xi32>, vector<16xi1>
      %all_reduce_population_count3A_212 = tpu.all_reduce %ne3A_200 {dim = 0 : i64, kind = #tpu.reduction_kind<sum>} : vector<16xi1> -> vector<16xi32>
      %add3A_213 = arith.addi %add3A_194, %all_reduce_population_count3A_212 : vector<16xi32>
      %get3A_214 = arith.index_cast %scan3A_55 : i32 to index
      %get3A_215 = arith.constant 128 : index
      %get3A_216 = tpu.vector_load %arg6[%get3A_214, %get3A_215] {strides = array<i32>} : memref<128x256xi32, #tpu.memory_space<vmem>>, vector<16xi32>,
      %ne3A_217 = arith.constant 0 : i32
      %ne3A_218 = vector.broadcast %ne3A_217 : i32 to vector<16xi32>
      %ne3A_219 = arith.cmpi ne, %get3A_216, %ne3A_218 : vector<16xi32>
      %convert_element_type3A_220 = arith.extui %ne3A_219 : vector<16xi1> to vector<16xi32>
      %sub3A_221 = arith.constant 1 : i32
      %sub3A_222 = vector.broadcast %sub3A_221 : i32 to vector<16xi32>
      %sub3A_223 = arith.subi %add3A_213, %sub3A_222 : vector<16xi32>
      %broadcast_in_dim3A_224 = arith.constant true
      %broadcast_in_dim3A_225 = vector.broadcast %broadcast_in_dim3A_224 : i1 to vector<16xi1>
      %masked_cumsum3A_226 = tpu.scan <sum>, %convert_element_type3A_220 masked %broadcast_in_dim3A_225 : vector<16xi32>, vector<16xi1> -> vector<16xi32>
      %add3A_227 = arith.addi %sub3A_223, %masked_cumsum3A_226 : vector<16xi32>
      tpu.vector_store_idx %arg10[%add3A_227], %get3A_216 masked %ne3A_219 : memref<272xi32, #tpu.memory_space<vmem>>[vector<16xi32>], vector<16xi32>, vector<16xi1>
      %broadcast_in_dim3A_228 = arith.constant 128 : i32
      %broadcast_in_dim3A_229 = vector.broadcast %broadcast_in_dim3A_228 : i32 to vector<16xi32>
      %add3A_230 = arith.addi %broadcast_in_dim3A_229, %iota3A : vector<16xi32>
      tpu.vector_store_idx %arg11[%add3A_227], %add3A_230 masked %ne3A_219 : memref<272xi32, #tpu.memory_space<vmem>>[vector<16xi32>], vector<16xi32>, vector<16xi1>
      %all_reduce_population_count3A_231 = tpu.all_reduce %ne3A_219 {dim = 0 : i64, kind = #tpu.reduction_kind<sum>} : vector<16xi1> -> vector<16xi32>
      %add3A_232 = arith.addi %add3A_213, %all_reduce_population_count3A_231 : vector<16xi32>
      %get3A_233 = arith.index_cast %scan3A_55 : i32 to index
      %get3A_234 = arith.constant 144 : index
      %get3A_235 = tpu.vector_load %arg6[%get3A_233, %get3A_234] {strides = array<i32>} : memref<128x256xi32, #tpu.memory_space<vmem>>, vector<16xi32>,
      %ne3A_236 = arith.constant 0 : i32
      %ne3A_237 = vector.broadcast %ne3A_236 : i32 to vector<16xi32>
      %ne3A_238 = arith.cmpi ne, %get3A_235, %ne3A_237 : vector<16xi32>
      %convert_element_type3A_239 = arith.extui %ne3A_238 : vector<16xi1> to vector<16xi32>
      %sub3A_240 = arith.constant 1 : i32
      %sub3A_241 = vector.broadcast %sub3A_240 : i32 to vector<16xi32>
      %sub3A_242 = arith.subi %add3A_232, %sub3A_241 : vector<16xi32>
      %broadcast_in_dim3A_243 = arith.constant true
      %broadcast_in_dim3A_244 = vector.broadcast %broadcast_in_dim3A_243 : i1 to vector<16xi1>
      %masked_cumsum3A_245 = tpu.scan <sum>, %convert_element_type3A_239 masked %broadcast_in_dim3A_244 : vector<16xi32>, vector<16xi1> -> vector<16xi32>
      %add3A_246 = arith.addi %sub3A_242, %masked_cumsum3A_245 : vector<16xi32>
      tpu.vector_store_idx %arg10[%add3A_246], %get3A_235 masked %ne3A_238 : memref<272xi32, #tpu.memory_space<vmem>>[vector<16xi32>], vector<16xi32>, vector<16xi1>
      %broadcast_in_dim3A_247 = arith.constant 144 : i32
      %broadcast_in_dim3A_248 = vector.broadcast %broadcast_in_dim3A_247 : i32 to vector<16xi32>
      %add3A_249 = arith.addi %broadcast_in_dim3A_248, %iota3A : vector<16xi32>
      tpu.vector_store_idx %arg11[%add3A_246], %add3A_249 masked %ne3A_238 : memref<272xi32, #tpu.memory_space<vmem>>[vector<16xi32>], vector<16xi32>, vector<16xi1>
      %all_reduce_population_count3A_250 = tpu.all_reduce %ne3A_238 {dim = 0 : i64, kind = #tpu.reduction_kind<sum>} : vector<16xi1> -> vector<16xi32>
      %add3A_251 = arith.addi %add3A_232, %all_reduce_population_count3A_250 : vector<16xi32>
      %get3A_252 = arith.index_cast %scan3A_55 : i32 to index
      %get3A_253 = arith.constant 160 : index
      %get3A_254 = tpu.vector_load %arg6[%get3A_252, %get3A_253] {strides = array<i32>} : memref<128x256xi32, #tpu.memory_space<vmem>>, vector<16xi32>,
      %ne3A_255 = arith.constant 0 : i32
      %ne3A_256 = vector.broadcast %ne3A_255 : i32 to vector<16xi32>
      %ne3A_257 = arith.cmpi ne, %get3A_254, %ne3A_256 : vector<16xi32>
      %convert_element_type3A_258 = arith.extui %ne3A_257 : vector<16xi1> to vector<16xi32>
      %sub3A_259 = arith.constant 1 : i32
      %sub3A_260 = vector.broadcast %sub3A_259 : i32 to vector<16xi32>
      %sub3A_261 = arith.subi %add3A_251, %sub3A_260 : vector<16xi32>
      %broadcast_in_dim3A_262 = arith.constant true
      %broadcast_in_dim3A_263 = vector.broadcast %broadcast_in_dim3A_262 : i1 to vector<16xi1>
      %masked_cumsum3A_264 = tpu.scan <sum>, %convert_element_type3A_258 masked %broadcast_in_dim3A_263 : vector<16xi32>, vector<16xi1> -> vector<16xi32>
      %add3A_265 = arith.addi %sub3A_261, %masked_cumsum3A_264 : vector<16xi32>
      tpu.vector_store_idx %arg10[%add3A_265], %get3A_254 masked %ne3A_257 : memref<272xi32, #tpu.memory_space<vmem>>[vector<16xi32>], vector<16xi32>, vector<16xi1>
      %broadcast_in_dim3A_266 = arith.constant 160 : i32
      %broadcast_in_dim3A_267 = vector.broadcast %broadcast_in_dim3A_266 : i32 to vector<16xi32>
      %add3A_268 = arith.addi %broadcast_in_dim3A_267, %iota3A : vector<16xi32>
      tpu.vector_store_idx %arg11[%add3A_265], %add3A_268 masked %ne3A_257 : memref<272xi32, #tpu.memory_space<vmem>>[vector<16xi32>], vector<16xi32>, vector<16xi1>
      %all_reduce_population_count3A_269 = tpu.all_reduce %ne3A_257 {dim = 0 : i64, kind = #tpu.reduction_kind<sum>} : vector<16xi1> -> vector<16xi32>
      %add3A_270 = arith.addi %add3A_251, %all_reduce_population_count3A_269 : vector<16xi32>
      %get3A_271 = arith.index_cast %scan3A_55 : i32 to index
      %get3A_272 = arith.constant 176 : index
      %get3A_273 = tpu.vector_load %arg6[%get3A_271, %get3A_272] {strides = array<i32>} : memref<128x256xi32, #tpu.memory_space<vmem>>, vector<16xi32>,
      %ne3A_274 = arith.constant 0 : i32
      %ne3A_275 = vector.broadcast %ne3A_274 : i32 to vector<16xi32>
      %ne3A_276 = arith.cmpi ne, %get3A_273, %ne3A_275 : vector<16xi32>
      %convert_element_type3A_277 = arith.extui %ne3A_276 : vector<16xi1> to vector<16xi32>
      %sub3A_278 = arith.constant 1 : i32
      %sub3A_279 = vector.broadcast %sub3A_278 : i32 to vector<16xi32>
      %sub3A_280 = arith.subi %add3A_270, %sub3A_279 : vector<16xi32>
      %broadcast_in_dim3A_281 = arith.constant true
      %broadcast_in_dim3A_282 = vector.broadcast %broadcast_in_dim3A_281 : i1 to vector<16xi1>
      %masked_cumsum3A_283 = tpu.scan <sum>, %convert_element_type3A_277 masked %broadcast_in_dim3A_282 : vector<16xi32>, vector<16xi1> -> vector<16xi32>
      %add3A_284 = arith.addi %sub3A_280, %masked_cumsum3A_283 : vector<16xi32>
      tpu.vector_store_idx %arg10[%add3A_284], %get3A_273 masked %ne3A_276 : memref<272xi32, #tpu.memory_space<vmem>>[vector<16xi32>], vector<16xi32>, vector<16xi1>
      %broadcast_in_dim3A_285 = arith.constant 176 : i32
      %broadcast_in_dim3A_286 = vector.broadcast %broadcast_in_dim3A_285 : i32 to vector<16xi32>
      %add3A_287 = arith.addi %broadcast_in_dim3A_286, %iota3A : vector<16xi32>
      tpu.vector_store_idx %arg11[%add3A_284], %add3A_287 masked %ne3A_276 : memref<272xi32, #tpu.memory_space<vmem>>[vector<16xi32>], vector<16xi32>, vector<16xi1>
      %all_reduce_population_count3A_288 = tpu.all_reduce %ne3A_276 {dim = 0 : i64, kind = #tpu.reduction_kind<sum>} : vector<16xi1> -> vector<16xi32>
      %add3A_289 = arith.addi %add3A_270, %all_reduce_population_count3A_288 : vector<16xi32>
      %get3A_290 = arith.index_cast %scan3A_55 : i32 to index
      %get3A_291 = arith.constant 192 : index
      %get3A_292 = tpu.vector_load %arg6[%get3A_290, %get3A_291] {strides = array<i32>} : memref<128x256xi32, #tpu.memory_space<vmem>>, vector<16xi32>,
      %ne3A_293 = arith.constant 0 : i32
      %ne3A_294 = vector.broadcast %ne3A_293 : i32 to vector<16xi32>
      %ne3A_295 = arith.cmpi ne, %get3A_292, %ne3A_294 : vector<16xi32>
      %convert_element_type3A_296 = arith.extui %ne3A_295 : vector<16xi1> to vector<16xi32>
      %sub3A_297 = arith.constant 1 : i32
      %sub3A_298 = vector.broadcast %sub3A_297 : i32 to vector<16xi32>
      %sub3A_299 = arith.subi %add3A_289, %sub3A_298 : vector<16xi32>
      %broadcast_in_dim3A_300 = arith.constant true
      %broadcast_in_dim3A_301 = vector.broadcast %broadcast_in_dim3A_300 : i1 to vector<16xi1>
      %masked_cumsum3A_302 = tpu.scan <sum>, %convert_element_type3A_296 masked %broadcast_in_dim3A_301 : vector<16xi32>, vector<16xi1> -> vector<16xi32>
      %add3A_303 = arith.addi %sub3A_299, %masked_cumsum3A_302 : vector<16xi32>
      tpu.vector_store_idx %arg10[%add3A_303], %get3A_292 masked %ne3A_295 : memref<272xi32, #tpu.memory_space<vmem>>[vector<16xi32>], vector<16xi32>, vector<16xi1>
      %broadcast_in_dim3A_304 = arith.constant 192 : i32
      %broadcast_in_dim3A_305 = vector.broadcast %broadcast_in_dim3A_304 : i32 to vector<16xi32>
      %add3A_306 = arith.addi %broadcast_in_dim3A_305, %iota3A : vector<16xi32>
      tpu.vector_store_idx %arg11[%add3A_303], %add3A_306 masked %ne3A_295 : memref<272xi32, #tpu.memory_space<vmem>>[vector<16xi32>], vector<16xi32>, vector<16xi1>
      %all_reduce_population_count3A_307 = tpu.all_reduce %ne3A_295 {dim = 0 : i64, kind = #tpu.reduction_kind<sum>} : vector<16xi1> -> vector<16xi32>
      %add3A_308 = arith.addi %add3A_289, %all_reduce_population_count3A_307 : vector<16xi32>
      %get3A_309 = arith.index_cast %scan3A_55 : i32 to index
      %get3A_310 = arith.constant 208 : index
      %get3A_311 = tpu.vector_load %arg6[%get3A_309, %get3A_310] {strides = array<i32>} : memref<128x256xi32, #tpu.memory_space<vmem>>, vector<16xi32>,
      %ne3A_312 = arith.constant 0 : i32
      %ne3A_313 = vector.broadcast %ne3A_312 : i32 to vector<16xi32>
      %ne3A_314 = arith.cmpi ne, %get3A_311, %ne3A_313 : vector<16xi32>
      %convert_element_type3A_315 = arith.extui %ne3A_314 : vector<16xi1> to vector<16xi32>
      %sub3A_316 = arith.constant 1 : i32
      %sub3A_317 = vector.broadcast %sub3A_316 : i32 to vector<16xi32>
      %sub3A_318 = arith.subi %add3A_308, %sub3A_317 : vector<16xi32>
      %broadcast_in_dim3A_319 = arith.constant true
      %broadcast_in_dim3A_320 = vector.broadcast %broadcast_in_dim3A_319 : i1 to vector<16xi1>
      %masked_cumsum3A_321 = tpu.scan <sum>, %convert_element_type3A_315 masked %broadcast_in_dim3A_320 : vector<16xi32>, vector<16xi1> -> vector<16xi32>
      %add3A_322 = arith.addi %sub3A_318, %masked_cumsum3A_321 : vector<16xi32>
      tpu.vector_store_idx %arg10[%add3A_322], %get3A_311 masked %ne3A_314 : memref<272xi32, #tpu.memory_space<vmem>>[vector<16xi32>], vector<16xi32>, vector<16xi1>
      %broadcast_in_dim3A_323 = arith.constant 208 : i32
      %broadcast_in_dim3A_324 = vector.broadcast %broadcast_in_dim3A_323 : i32 to vector<16xi32>
      %add3A_325 = arith.addi %broadcast_in_dim3A_324, %iota3A : vector<16xi32>
      tpu.vector_store_idx %arg11[%add3A_322], %add3A_325 masked %ne3A_314 : memref<272xi32, #tpu.memory_space<vmem>>[vector<16xi32>], vector<16xi32>, vector<16xi1>
      %all_reduce_population_count3A_326 = tpu.all_reduce %ne3A_314 {dim = 0 : i64, kind = #tpu.reduction_kind<sum>} : vector<16xi1> -> vector<16xi32>
      %add3A_327 = arith.addi %add3A_308, %all_reduce_population_count3A_326 : vector<16xi32>
      %get3A_328 = arith.index_cast %scan3A_55 : i32 to index
      %get3A_329 = arith.constant 224 : index
      %get3A_330 = tpu.vector_load %arg6[%get3A_328, %get3A_329] {strides = array<i32>} : memref<128x256xi32, #tpu.memory_space<vmem>>, vector<16xi32>,
      %ne3A_331 = arith.constant 0 : i32
      %ne3A_332 = vector.broadcast %ne3A_331 : i32 to vector<16xi32>
      %ne3A_333 = arith.cmpi ne, %get3A_330, %ne3A_332 : vector<16xi32>
      %convert_element_type3A_334 = arith.extui %ne3A_333 : vector<16xi1> to vector<16xi32>
      %sub3A_335 = arith.constant 1 : i32
      %sub3A_336 = vector.broadcast %sub3A_335 : i32 to vector<16xi32>
      %sub3A_337 = arith.subi %add3A_327, %sub3A_336 : vector<16xi32>
      %broadcast_in_dim3A_338 = arith.constant true
      %broadcast_in_dim3A_339 = vector.broadcast %broadcast_in_dim3A_338 : i1 to vector<16xi1>
      %masked_cumsum3A_340 = tpu.scan <sum>, %convert_element_type3A_334 masked %broadcast_in_dim3A_339 : vector<16xi32>, vector<16xi1> -> vector<16xi32>
      %add3A_341 = arith.addi %sub3A_337, %masked_cumsum3A_340 : vector<16xi32>
      tpu.vector_store_idx %arg10[%add3A_341], %get3A_330 masked %ne3A_333 : memref<272xi32, #tpu.memory_space<vmem>>[vector<16xi32>], vector<16xi32>, vector<16xi1>
      %broadcast_in_dim3A_342 = arith.constant 224 : i32
      %broadcast_in_dim3A_343 = vector.broadcast %broadcast_in_dim3A_342 : i32 to vector<16xi32>
      %add3A_344 = arith.addi %broadcast_in_dim3A_343, %iota3A : vector<16xi32>
      tpu.vector_store_idx %arg11[%add3A_341], %add3A_344 masked %ne3A_333 : memref<272xi32, #tpu.memory_space<vmem>>[vector<16xi32>], vector<16xi32>, vector<16xi1>
      %all_reduce_population_count3A_345 = tpu.all_reduce %ne3A_333 {dim = 0 : i64, kind = #tpu.reduction_kind<sum>} : vector<16xi1> -> vector<16xi32>
      %add3A_346 = arith.addi %add3A_327, %all_reduce_population_count3A_345 : vector<16xi32>
      %get3A_347 = arith.index_cast %scan3A_55 : i32 to index
      %get3A_348 = arith.constant 240 : index
      %get3A_349 = tpu.vector_load %arg6[%get3A_347, %get3A_348] {strides = array<i32>} : memref<128x256xi32, #tpu.memory_space<vmem>>, vector<16xi32>,
      %ne3A_350 = arith.constant 0 : i32
      %ne3A_351 = vector.broadcast %ne3A_350 : i32 to vector<16xi32>
      %ne3A_352 = arith.cmpi ne, %get3A_349, %ne3A_351 : vector<16xi32>
      %convert_element_type3A_353 = arith.extui %ne3A_352 : vector<16xi1> to vector<16xi32>
      %sub3A_354 = arith.constant 1 : i32
      %sub3A_355 = vector.broadcast %sub3A_354 : i32 to vector<16xi32>
      %sub3A_356 = arith.subi %add3A_346, %sub3A_355 : vector<16xi32>
      %broadcast_in_dim3A_357 = arith.constant true
      %broadcast_in_dim3A_358 = vector.broadcast %broadcast_in_dim3A_357 : i1 to vector<16xi1>
      %masked_cumsum3A_359 = tpu.scan <sum>, %convert_element_type3A_353 masked %broadcast_in_dim3A_358 : vector<16xi32>, vector<16xi1> -> vector<16xi32>
      %add3A_360 = arith.addi %sub3A_356, %masked_cumsum3A_359 : vector<16xi32>
      tpu.vector_store_idx %arg10[%add3A_360], %get3A_349 masked %ne3A_352 : memref<272xi32, #tpu.memory_space<vmem>>[vector<16xi32>], vector<16xi32>, vector<16xi1>
      %broadcast_in_dim3A_361 = arith.constant 240 : i32
      %broadcast_in_dim3A_362 = vector.broadcast %broadcast_in_dim3A_361 : i32 to vector<16xi32>
      %add3A_363 = arith.addi %broadcast_in_dim3A_362, %iota3A : vector<16xi32>
      tpu.vector_store_idx %arg11[%add3A_360], %add3A_363 masked %ne3A_352 : memref<272xi32, #tpu.memory_space<vmem>>[vector<16xi32>], vector<16xi32>, vector<16xi1>
      %all_reduce_population_count3A_364 = tpu.all_reduce %ne3A_352 {dim = 0 : i64, kind = #tpu.reduction_kind<sum>} : vector<16xi1> -> vector<16xi32>
      %add3A_365 = arith.addi %add3A_346, %all_reduce_population_count3A_364 : vector<16xi32>
      %reduce_max3A = arith.constant true
      %reduce_max3A_366 = vector.broadcast %reduce_max3A : i1 to vector<16xi1>
      %reduce_max3A_367 = arith.constant -2147483648 : i32
      %reduce_max3A_368 = vector.broadcast %reduce_max3A_367 : i32 to vector<16xi32>
      %reduce_max3A_369 = arith.xori %add3A_365, %reduce_max3A_368 : vector<16xi32>
      %reduce_max3A_370 = tpu.scan <max>, %reduce_max3A_369 masked %reduce_max3A_366 : vector<16xi32>, vector<16xi1> -> vector<16xi32>
      %reduce_max3A_371 = arith.xori %reduce_max3A_370, %reduce_max3A_368 : vector<16xi32>
      %reduce_max3A_372 = vector.extract %reduce_max3A_371[15] : i32 from vector<16xi32>
      %broadcast_in_dim3A_373 = arith.constant 0 : i32
      %broadcast_in_dim3A_374 = vector.broadcast %broadcast_in_dim3A_373 : i32 to vector<16xi32>
      %while3A = arith.constant 0 : i32
      %while3A_375 = arith.subi %reduce_max3A_372, %while3A : i32
      %while3A_376 = arith.addi %while3A, %while3A_375 : i32
      %while3A_377 = arith.constant 1 : i32
      %while3A_378 = arith.divsi %while3A_375, %while3A_377 : i32
      %while3A_379 = arith.muli %while3A_378, %while3A_377 : i32
      %while3A_380 = arith.addi %while3A, %while3A_379 : i32
      %while3A_381 = arith.constant 1 : i32
      %while3A_382:2 = scf.for %while3A_455 = %while3A to %while3A_380 step %while3A_381 iter_args(%while3A_456 = %broadcast_in_dim3A_374, %while3A_457 = %broadcast_in_dim3A_374) -> (vector<16xi32>, vector<16xi32>)  : i32 {
        %broadcast_in_dim3A_458 = vector.broadcast %while3A_455 : i32 to vector<16xi32>
        %gather3A_459 = tpu.vector_load_idx %arg10[%broadcast_in_dim3A_458] : memref<272xi32, #tpu.memory_space<vmem>>[vector<16xi32>], vector<16xi32>,
        %gather3A_460 = tpu.vector_load_idx %arg11[%broadcast_in_dim3A_458] : memref<272xi32, #tpu.memory_space<vmem>>[vector<16xi32>], vector<16xi32>,
        %shift_right_arithmetic3A = arith.shrsi %gather3A_459, %iota3A : vector<16xi32>
        %and3A_461 = arith.constant 1 : i32
        %and3A_462 = vector.broadcast %and3A_461 : i32 to vector<16xi32>
        %and3A_463 = arith.andi %shift_right_arithmetic3A, %and3A_462 : vector<16xi32>
        %eq3A_464 = arith.constant 1 : i32
        %eq3A_465 = vector.broadcast %eq3A_464 : i32 to vector<16xi32>
        %eq3A_466 = arith.cmpi eq, %and3A_463, %eq3A_465 : vector<16xi32>
        %convert_element_type3A_467 = arith.extui %eq3A_466 : vector<16xi1> to vector<16xi32>
        %all_reduce_population_count3A_468 = tpu.all_reduce %eq3A_466 {dim = 0 : i64, kind = #tpu.reduction_kind<sum>} : vector<16xi1> -> vector<16xi32>
        %sub3A_469 = arith.constant 1 : i32
        %sub3A_470 = vector.broadcast %sub3A_469 : i32 to vector<16xi32>
        %sub3A_471 = arith.subi %while3A_456, %sub3A_470 : vector<16xi32>
        %broadcast_in_dim3A_472 = arith.constant true
        %broadcast_in_dim3A_473 = vector.broadcast %broadcast_in_dim3A_472 : i1 to vector<16xi1>
        %masked_cumsum3A_474 = tpu.scan <sum>, %convert_element_type3A_467 masked %broadcast_in_dim3A_473 : vector<16xi32>, vector<16xi1> -> vector<16xi32>
        %add3A_475 = arith.addi %sub3A_471, %masked_cumsum3A_474 : vector<16xi32>
        %min3A_476 = arith.constant 47 : i32
        %min3A_477 = vector.broadcast %min3A_476 : i32 to vector<16xi32>
        %min3A_478 = arith.minsi %add3A_475, %min3A_477 : vector<16xi32>
        %mul3A_479 = arith.constant 16 : i32
        %mul3A_480 = vector.broadcast %mul3A_479 : i32 to vector<16xi32>
        %mul3A_481 = arith.muli %gather3A_460, %mul3A_480 : vector<16xi32>
        %add3A_482 = arith.addi %mul3A_481, %iota3A : vector<16xi32>
        tpu.vector_store_idx %arg12[%min3A_478], %add3A_482 masked %eq3A_466 : memref<48xi32, #tpu.memory_space<vmem>>[vector<16xi32>], vector<16xi32>, vector<16xi1>
        %add3A_483 = arith.addi %while3A_456, %all_reduce_population_count3A_468 : vector<16xi32>
        %add3A_484 = arith.addi %while3A_457, %all_reduce_population_count3A_468 : vector<16xi32>
        scf.yield %add3A_483, %add3A_484 : vector<16xi32>, vector<16xi32>
      }
      %while3A_383 = arith.constant 1 : i32
      %while3A_384:2 = scf.for %while3A_455 = %while3A_380 to %while3A_376 step %while3A_383 iter_args(%while3A_456 = %while3A_382#0, %while3A_457 = %while3A_382#1) -> (vector<16xi32>, vector<16xi32>)  : i32 {
        %broadcast_in_dim3A_458 = vector.broadcast %while3A_455 : i32 to vector<16xi32>
        %gather3A_459 = tpu.vector_load_idx %arg10[%broadcast_in_dim3A_458] : memref<272xi32, #tpu.memory_space<vmem>>[vector<16xi32>], vector<16xi32>,
        %gather3A_460 = tpu.vector_load_idx %arg11[%broadcast_in_dim3A_458] : memref<272xi32, #tpu.memory_space<vmem>>[vector<16xi32>], vector<16xi32>,
        %shift_right_arithmetic3A = arith.shrsi %gather3A_459, %iota3A : vector<16xi32>
        %and3A_461 = arith.constant 1 : i32
        %and3A_462 = vector.broadcast %and3A_461 : i32 to vector<16xi32>
        %and3A_463 = arith.andi %shift_right_arithmetic3A, %and3A_462 : vector<16xi32>
        %eq3A_464 = arith.constant 1 : i32
        %eq3A_465 = vector.broadcast %eq3A_464 : i32 to vector<16xi32>
        %eq3A_466 = arith.cmpi eq, %and3A_463, %eq3A_465 : vector<16xi32>
        %convert_element_type3A_467 = arith.extui %eq3A_466 : vector<16xi1> to vector<16xi32>
        %all_reduce_population_count3A_468 = tpu.all_reduce %eq3A_466 {dim = 0 : i64, kind = #tpu.reduction_kind<sum>} : vector<16xi1> -> vector<16xi32>
        %sub3A_469 = arith.constant 1 : i32
        %sub3A_470 = vector.broadcast %sub3A_469 : i32 to vector<16xi32>
        %sub3A_471 = arith.subi %while3A_456, %sub3A_470 : vector<16xi32>
        %broadcast_in_dim3A_472 = arith.constant true
        %broadcast_in_dim3A_473 = vector.broadcast %broadcast_in_dim3A_472 : i1 to vector<16xi1>
        %masked_cumsum3A_474 = tpu.scan <sum>, %convert_element_type3A_467 masked %broadcast_in_dim3A_473 : vector<16xi32>, vector<16xi1> -> vector<16xi32>
        %add3A_475 = arith.addi %sub3A_471, %masked_cumsum3A_474 : vector<16xi32>
        %min3A_476 = arith.constant 47 : i32
        %min3A_477 = vector.broadcast %min3A_476 : i32 to vector<16xi32>
        %min3A_478 = arith.minsi %add3A_475, %min3A_477 : vector<16xi32>
        %mul3A_479 = arith.constant 16 : i32
        %mul3A_480 = vector.broadcast %mul3A_479 : i32 to vector<16xi32>
        %mul3A_481 = arith.muli %gather3A_460, %mul3A_480 : vector<16xi32>
        %add3A_482 = arith.addi %mul3A_481, %iota3A : vector<16xi32>
        tpu.vector_store_idx %arg12[%min3A_478], %add3A_482 masked %eq3A_466 : memref<48xi32, #tpu.memory_space<vmem>>[vector<16xi32>], vector<16xi32>, vector<16xi1>
        %add3A_483 = arith.addi %while3A_456, %all_reduce_population_count3A_468 : vector<16xi32>
        %add3A_484 = arith.addi %while3A_457, %all_reduce_population_count3A_468 : vector<16xi32>
        scf.yield %add3A_483, %add3A_484 : vector<16xi32>, vector<16xi32>
      }
      %broadcast_in_dim3A_385 = vector.broadcast %sub3A_59 : i32 to vector<16xi32>
      %gather3A = tpu.vector_load_idx %arg7[%broadcast_in_dim3A_385] : memref<4096xf32, #tpu.memory_space<vmem>>[vector<16xi32>], vector<16xf32>,
      %gather3A_386 = tpu.vector_load_idx %arg8[%broadcast_in_dim3A_385] : memref<4096xf32, #tpu.memory_space<vmem>>[vector<16xi32>], vector<16xf32>,
      %gather3A_387 = tpu.vector_load_idx %arg9[%broadcast_in_dim3A_385] : memref<4096xf32, #tpu.memory_space<vmem>>[vector<16xi32>], vector<16xf32>,
      %get3A_388 = arith.constant 0 : index
      %get3A_389 = tpu.vector_load %arg12[%get3A_388] {strides = array<i32>} : memref<48xi32, #tpu.memory_space<vmem>>, vector<16xi32>,
      %gather3A_390 = tpu.vector_load_idx %arg7[%get3A_389] : memref<4096xf32, #tpu.memory_space<vmem>>[vector<16xi32>], vector<16xf32>,
      %sub3A_391 = arith.subf %gather3A_390, %gather3A : vector<16xf32>
      %mul3A_392 = arith.constant 4 : i32
      %mul3A_393 = vector.broadcast %mul3A_392 : i32 to vector<16xi32>
      %mul3A_394 = arith.muli %iota3A, %mul3A_393 : vector<16xi32>
      %broadcast_in_dim3A_395 = arith.constant 0 : i32
      %broadcast_in_dim3A_396 = vector.broadcast %broadcast_in_dim3A_395 : i32 to vector<16xi32>
      %add3A_397 = arith.addi %mul3A_394, %broadcast_in_dim3A_396 : vector<16xi32>
      %broadcast_in_dim3A_398 = vector.broadcast %scan3A_55 : i32 to vector<16xi32>
      tpu.vector_store_idx %arg13[%broadcast_in_dim3A_398, %add3A_397], %sub3A_391 : memref<128x128xf32, #tpu.memory_space<vmem>>[vector<16xi32>, vector<16xi32>], vector<16xf32>,
      %gather3A_399 = tpu.vector_load_idx %arg8[%get3A_389] : memref<4096xf32, #tpu.memory_space<vmem>>[vector<16xi32>], vector<16xf32>,
      %sub3A_400 = arith.subf %gather3A_399, %gather3A_386 : vector<16xf32>
      %mul3A_401 = arith.constant 4 : i32
      %mul3A_402 = vector.broadcast %mul3A_401 : i32 to vector<16xi32>
      %mul3A_403 = arith.muli %iota3A, %mul3A_402 : vector<16xi32>
      %broadcast_in_dim3A_404 = arith.constant 1 : i32
      %broadcast_in_dim3A_405 = vector.broadcast %broadcast_in_dim3A_404 : i32 to vector<16xi32>
      %add3A_406 = arith.addi %mul3A_403, %broadcast_in_dim3A_405 : vector<16xi32>
      %broadcast_in_dim3A_407 = vector.broadcast %scan3A_55 : i32 to vector<16xi32>
      tpu.vector_store_idx %arg13[%broadcast_in_dim3A_407, %add3A_406], %sub3A_400 : memref<128x128xf32, #tpu.memory_space<vmem>>[vector<16xi32>, vector<16xi32>], vector<16xf32>,
      %gather3A_408 = tpu.vector_load_idx %arg9[%get3A_389] : memref<4096xf32, #tpu.memory_space<vmem>>[vector<16xi32>], vector<16xf32>,
      %sub3A_409 = arith.subf %gather3A_408, %gather3A_387 : vector<16xf32>
      %mul3A_410 = arith.constant 4 : i32
      %mul3A_411 = vector.broadcast %mul3A_410 : i32 to vector<16xi32>
      %mul3A_412 = arith.muli %iota3A, %mul3A_411 : vector<16xi32>
      %broadcast_in_dim3A_413 = arith.constant 2 : i32
      %broadcast_in_dim3A_414 = vector.broadcast %broadcast_in_dim3A_413 : i32 to vector<16xi32>
      %add3A_415 = arith.addi %mul3A_412, %broadcast_in_dim3A_414 : vector<16xi32>
      %broadcast_in_dim3A_416 = vector.broadcast %scan3A_55 : i32 to vector<16xi32>
      tpu.vector_store_idx %arg13[%broadcast_in_dim3A_416, %add3A_415], %sub3A_409 : memref<128x128xf32, #tpu.memory_space<vmem>>[vector<16xi32>, vector<16xi32>], vector<16xf32>,
      %get3A_417 = arith.constant 16 : index
      %get3A_418 = tpu.vector_load %arg12[%get3A_417] {strides = array<i32>} : memref<48xi32, #tpu.memory_space<vmem>>, vector<16xi32>,
      %gather3A_419 = tpu.vector_load_idx %arg7[%get3A_418] : memref<4096xf32, #tpu.memory_space<vmem>>[vector<16xi32>], vector<16xf32>,
      %sub3A_420 = arith.subf %gather3A_419, %gather3A : vector<16xf32>
      %mul3A_421 = arith.constant 4 : i32
      %mul3A_422 = vector.broadcast %mul3A_421 : i32 to vector<16xi32>
      %mul3A_423 = arith.muli %iota3A, %mul3A_422 : vector<16xi32>
      %broadcast_in_dim3A_424 = arith.constant 64 : i32
      %broadcast_in_dim3A_425 = vector.broadcast %broadcast_in_dim3A_424 : i32 to vector<16xi32>
      %add3A_426 = arith.addi %mul3A_423, %broadcast_in_dim3A_425 : vector<16xi32>
      %broadcast_in_dim3A_427 = vector.broadcast %scan3A_55 : i32 to vector<16xi32>
      tpu.vector_store_idx %arg13[%broadcast_in_dim3A_427, %add3A_426], %sub3A_420 : memref<128x128xf32, #tpu.memory_space<vmem>>[vector<16xi32>, vector<16xi32>], vector<16xf32>,
      %gather3A_428 = tpu.vector_load_idx %arg8[%get3A_418] : memref<4096xf32, #tpu.memory_space<vmem>>[vector<16xi32>], vector<16xf32>,
      %sub3A_429 = arith.subf %gather3A_428, %gather3A_386 : vector<16xf32>
      %mul3A_430 = arith.constant 4 : i32
      %mul3A_431 = vector.broadcast %mul3A_430 : i32 to vector<16xi32>
      %mul3A_432 = arith.muli %iota3A, %mul3A_431 : vector<16xi32>
      %broadcast_in_dim3A_433 = arith.constant 65 : i32
      %broadcast_in_dim3A_434 = vector.broadcast %broadcast_in_dim3A_433 : i32 to vector<16xi32>
      %add3A_435 = arith.addi %mul3A_432, %broadcast_in_dim3A_434 : vector<16xi32>
      %broadcast_in_dim3A_436 = vector.broadcast %scan3A_55 : i32 to vector<16xi32>
      tpu.vector_store_idx %arg13[%broadcast_in_dim3A_436, %add3A_435], %sub3A_429 : memref<128x128xf32, #tpu.memory_space<vmem>>[vector<16xi32>, vector<16xi32>], vector<16xf32>,
      %gather3A_437 = tpu.vector_load_idx %arg9[%get3A_418] : memref<4096xf32, #tpu.memory_space<vmem>>[vector<16xi32>], vector<16xf32>,
      %sub3A_438 = arith.subf %gather3A_437, %gather3A_387 : vector<16xf32>
      %mul3A_439 = arith.constant 4 : i32
      %mul3A_440 = vector.broadcast %mul3A_439 : i32 to vector<16xi32>
      %mul3A_441 = arith.muli %iota3A, %mul3A_440 : vector<16xi32>
      %broadcast_in_dim3A_442 = arith.constant 66 : i32
      %broadcast_in_dim3A_443 = vector.broadcast %broadcast_in_dim3A_442 : i32 to vector<16xi32>
      %add3A_444 = arith.addi %mul3A_441, %broadcast_in_dim3A_443 : vector<16xi32>
      %broadcast_in_dim3A_445 = vector.broadcast %scan3A_55 : i32 to vector<16xi32>
      tpu.vector_store_idx %arg13[%broadcast_in_dim3A_445, %add3A_444], %sub3A_438 : memref<128x128xf32, #tpu.memory_space<vmem>>[vector<16xi32>, vector<16xi32>], vector<16xf32>,
      %min3A = arith.constant 32 : i32
      %min3A_446 = vector.broadcast %min3A : i32 to vector<16xi32>
      %min3A_447 = arith.minsi %while3A_384#1, %min3A_446 : vector<16xi32>
      %convert_element_type3A_448 = arith.sitofp %min3A_447 : vector<16xi32> to vector<16xf32>
      %mul3A_449 = arith.constant 3.125000e-02 : f32
      %mul3A_450 = vector.broadcast %mul3A_449 : f32 to vector<16xf32>
      %mul3A_451 = arith.mulf %convert_element_type3A_448, %mul3A_450 : vector<16xf32>
      %broadcast_in_dim3A_452 = vector.broadcast %scan3A_55 : i32 to vector<16xi32>
      %eq3A = arith.constant 0 : i32
      %eq3A_453 = vector.broadcast %eq3A : i32 to vector<16xi32>
      %eq3A_454 = arith.cmpi eq, %iota3A, %eq3A_453 : vector<16xi32>
      tpu.vector_store_idx %arg14[%broadcast_in_dim3A_452], %mul3A_451 masked %eq3A_454 : memref<128xf32, #tpu.memory_space<vmem>>[vector<16xi32>], vector<16xf32>, vector<16xi1>
    }
    %scan3A_53 = arith.constant 128 : i32
    "tpu.region"() ({
      %run_scoped3A = tpu.sem_alloc : memref<!tpu.dma_semaphore, #tpu.memory_space<semaphore_mem>>
      %dma_start3A = arith.constant 0 : i32
      %dma_start3A_55 = tpu.memref_slice %arg4[%add3A_47, %dma_start3A] : memref<4096x128xf32, #tpu.memory_space<hbm>> -> memref<128x128xf32, #tpu.memory_space<hbm>>
      %dma_start3A_56 = arith.constant 0 : i32
      %dma_start3A_57 = tpu.memref_slice %arg4[%add3A_47, %dma_start3A_56] : memref<4096x128xf32, #tpu.memory_space<hbm>> -> memref<128x128xf32, #tpu.memory_space<hbm>>
      tpu.enqueue_dma source(%arg13 : memref<128x128xf32, #tpu.memory_space<vmem>>) target(%dma_start3A_57 : memref<128x128xf32, #tpu.memory_space<hbm>>) target_semaphore(%run_scoped3A : memref<!tpu.dma_semaphore, #tpu.memory_space<semaphore_mem>>)
      %dma_wait3A = arith.constant 0 : i32
      %dma_wait3A_58 = tpu.memref_slice %arg4[%add3A_47, %dma_wait3A] : memref<4096x128xf32, #tpu.memory_space<hbm>> -> memref<128x128xf32, #tpu.memory_space<hbm>>
      %dma_wait3A_59 = arith.constant 0 : i32
      %dma_wait3A_60 = tpu.memref_slice %arg4[%add3A_47, %dma_wait3A_59] : memref<4096x128xf32, #tpu.memory_space<hbm>> -> memref<128x128xf32, #tpu.memory_space<hbm>>
      tpu.wait_dma2 semaphore(%run_scoped3A : memref<!tpu.dma_semaphore, #tpu.memory_space<semaphore_mem>>) src(%arg13 : memref<128x128xf32, #tpu.memory_space<vmem>>) dst(%dma_wait3A_60 : memref<128x128xf32, #tpu.memory_space<hbm>>)
      tpu.yield
    }) : () -> ()
    "tpu.region"() ({
      %run_scoped3A = tpu.sem_alloc : memref<!tpu.dma_semaphore, #tpu.memory_space<semaphore_mem>>
      %dma_start3A = tpu.memref_slice %arg5[%add3A_47] : memref<4096xf32, #tpu.memory_space<hbm>> -> memref<128xf32, #tpu.memory_space<hbm>>
      %dma_start3A_55 = tpu.memref_slice %arg5[%add3A_47] : memref<4096xf32, #tpu.memory_space<hbm>> -> memref<128xf32, #tpu.memory_space<hbm>>
      tpu.enqueue_dma source(%arg14 : memref<128xf32, #tpu.memory_space<vmem>>) target(%dma_start3A_55 : memref<128xf32, #tpu.memory_space<hbm>>) target_semaphore(%run_scoped3A : memref<!tpu.dma_semaphore, #tpu.memory_space<semaphore_mem>>)
      %dma_wait3A = tpu.memref_slice %arg5[%add3A_47] : memref<4096xf32, #tpu.memory_space<hbm>> -> memref<128xf32, #tpu.memory_space<hbm>>
      %dma_wait3A_56 = tpu.memref_slice %arg5[%add3A_47] : memref<4096xf32, #tpu.memory_space<hbm>> -> memref<128xf32, #tpu.memory_space<hbm>>
      tpu.wait_dma2 semaphore(%run_scoped3A : memref<!tpu.dma_semaphore, #tpu.memory_space<semaphore_mem>>) src(%arg14 : memref<128xf32, #tpu.memory_space<vmem>>) dst(%dma_wait3A_56 : memref<128xf32, #tpu.memory_space<hbm>>)
      tpu.yield
    }) : () -> ()
    %scan3A_54 = arith.constant 1 : i32
    return
  }
}

#map = affine_map<(d0, d1) -> (0, 0)>
#map1 = affine_map<(d0, d1) -> (0)>
module attributes {stable_mosaic.version = 14 : i64} {
  func.func @_sc_select_body(%arg0: i32, %arg1: i32, %arg2: memref<4096x256xi32, #tpu.memory_space<hbm>>, %arg3: memref<12288xf32, #tpu.memory_space<hbm>>, %arg4: memref<4096x128xf32, #tpu.memory_space<hbm>>, %arg5: memref<4096xf32, #tpu.memory_space<hbm>>, %arg6: memref<128x256xi32, #tpu.memory_space<vmem>>, %arg7: memref<4096xf32, #tpu.memory_space<vmem>>, %arg8: memref<4096xf32, #tpu.memory_space<vmem>>, %arg9: memref<4096xf32, #tpu.memory_space<vmem>>, %arg10: memref<272xi32, #tpu.memory_space<vmem>>, %arg11: memref<272xi32, #tpu.memory_space<vmem>>, %arg12: memref<48xi32, #tpu.memory_space<vmem>>, %arg13: memref<128x128xf32, #tpu.memory_space<vmem>>, %arg14: memref<128xf32, #tpu.memory_space<vmem>>) attributes {dimension_semantics = [#tpu.dimension_semantics<core_parallel>, #tpu.dimension_semantics<subcore_parallel>], iteration_bounds = array<i64: 2, 16>, scalar_prefetch = 0 : i64, scratch_operands = 9 : i64, tpu.core_type = #tpu.core_type<sc_vector_subcore>, window_params = [{transform_indices = #map}, {transform_indices = #map1}, {transform_indices = #map}, {transform_indices = #map1}]} {
    %mul3A = arith.constant 2 : i32
    %mul3A_0 = arith.muli %arg1, %mul3A : i32
    %add3A = arith.addi %mul3A_0, %arg0 : i32
    %mul3A_1 = arith.constant 128 : i32
    %mul3A_2 = arith.muli %add3A, %mul3A_1 : i32
    %jit3A = arith.constant 4096 : i32
    %div3A = arith.divsi %mul3A_2, %jit3A : i32
    %sign3A = arith.constant 0 : i32
    %sign3A_3 = arith.cmpi sgt, %mul3A_2, %sign3A : i32
    %sign3A_4 = arith.extui %sign3A_3 : i1 to i32
    %sign3A_5 = arith.constant 0 : i32
    %sign3A_6 = arith.cmpi slt, %mul3A_2, %sign3A_5 : i32
    %sign3A_7 = arith.extui %sign3A_6 : i1 to i32
    %sign3A_8 = arith.subi %sign3A_4, %sign3A_7 : i32
    %sign3A_9 = arith.constant 0 : i32
    %sign3A_10 = arith.cmpi sgt, %jit3A, %sign3A_9 : i32
    %sign3A_11 = arith.extui %sign3A_10 : i1 to i32
    %sign3A_12 = arith.constant 0 : i32
    %sign3A_13 = arith.cmpi slt, %jit3A, %sign3A_12 : i32
    %sign3A_14 = arith.extui %sign3A_13 : i1 to i32
    %sign3A_15 = arith.subi %sign3A_11, %sign3A_14 : i32
    %ne3A = arith.cmpi ne, %sign3A_8, %sign3A_15 : i32
    %rem3A = arith.remsi %mul3A_2, %jit3A : i32
    %ne3A_16 = arith.constant 0 : i32
    %ne3A_17 = arith.cmpi ne, %rem3A, %ne3A_16 : i32
    %and3A = arith.andi %ne3A, %ne3A_17 : i1
    %sub3A = arith.constant 1 : i32
    %sub3A_18 = arith.subi %div3A, %sub3A : i32
    %select_n3A = arith.select %and3A, %sub3A_18, %div3A : i32
    %mul3A_19 = arith.constant 3 : i32
    %mul3A_20 = arith.muli %select_n3A, %mul3A_19 : i32
    %add3A_21 = arith.constant 0 : i32
    %add3A_22 = arith.addi %mul3A_20, %add3A_21 : i32
    %mul3A_23 = arith.constant 4096 : i32
    %mul3A_24 = arith.muli %add3A_22, %mul3A_23 : i32
    "tpu.region"() ({
      %run_scoped3A = tpu.sem_alloc : memref<!tpu.dma_semaphore, #tpu.memory_space<semaphore_mem>>
      %dma_start3A = tpu.memref_slice %arg3[%mul3A_24] : memref<12288xf32, #tpu.memory_space<hbm>> -> memref<4096xf32, #tpu.memory_space<hbm>>
      %dma_start3A_55 = tpu.memref_slice %arg3[%mul3A_24] : memref<12288xf32, #tpu.memory_space<hbm>> -> memref<4096xf32, #tpu.memory_space<hbm>>
      tpu.enqueue_dma source(%dma_start3A_55 : memref<4096xf32, #tpu.memory_space<hbm>>) target(%arg7 : memref<4096xf32, #tpu.memory_space<vmem>>) target_semaphore(%run_scoped3A : memref<!tpu.dma_semaphore, #tpu.memory_space<semaphore_mem>>)
      %dma_wait3A = tpu.memref_slice %arg3[%mul3A_24] : memref<12288xf32, #tpu.memory_space<hbm>> -> memref<4096xf32, #tpu.memory_space<hbm>>
      %dma_wait3A_56 = tpu.memref_slice %arg3[%mul3A_24] : memref<12288xf32, #tpu.memory_space<hbm>> -> memref<4096xf32, #tpu.memory_space<hbm>>
      tpu.wait_dma2 semaphore(%run_scoped3A : memref<!tpu.dma_semaphore, #tpu.memory_space<semaphore_mem>>) src(%dma_wait3A_56 : memref<4096xf32, #tpu.memory_space<hbm>>) dst(%arg7 : memref<4096xf32, #tpu.memory_space<vmem>>)
      tpu.yield
    }) : () -> ()
    %mul3A_25 = arith.constant 3 : i32
    %mul3A_26 = arith.muli %select_n3A, %mul3A_25 : i32
    %add3A_27 = arith.constant 1 : i32
    %add3A_28 = arith.addi %mul3A_26, %add3A_27 : i32
    %mul3A_29 = arith.constant 4096 : i32
    %mul3A_30 = arith.muli %add3A_28, %mul3A_29 : i32
    "tpu.region"() ({
      %run_scoped3A = tpu.sem_alloc : memref<!tpu.dma_semaphore, #tpu.memory_space<semaphore_mem>>
      %dma_start3A = tpu.memref_slice %arg3[%mul3A_30] : memref<12288xf32, #tpu.memory_space<hbm>> -> memref<4096xf32, #tpu.memory_space<hbm>>
      %dma_start3A_55 = tpu.memref_slice %arg3[%mul3A_30] : memref<12288xf32, #tpu.memory_space<hbm>> -> memref<4096xf32, #tpu.memory_space<hbm>>
      tpu.enqueue_dma source(%dma_start3A_55 : memref<4096xf32, #tpu.memory_space<hbm>>) target(%arg8 : memref<4096xf32, #tpu.memory_space<vmem>>) target_semaphore(%run_scoped3A : memref<!tpu.dma_semaphore, #tpu.memory_space<semaphore_mem>>)
      %dma_wait3A = tpu.memref_slice %arg3[%mul3A_30] : memref<12288xf32, #tpu.memory_space<hbm>> -> memref<4096xf32, #tpu.memory_space<hbm>>
      %dma_wait3A_56 = tpu.memref_slice %arg3[%mul3A_30] : memref<12288xf32, #tpu.memory_space<hbm>> -> memref<4096xf32, #tpu.memory_space<hbm>>
      tpu.wait_dma2 semaphore(%run_scoped3A : memref<!tpu.dma_semaphore, #tpu.memory_space<semaphore_mem>>) src(%dma_wait3A_56 : memref<4096xf32, #tpu.memory_space<hbm>>) dst(%arg8 : memref<4096xf32, #tpu.memory_space<vmem>>)
      tpu.yield
    }) : () -> ()
    %mul3A_31 = arith.constant 3 : i32
    %mul3A_32 = arith.muli %select_n3A, %mul3A_31 : i32
    %add3A_33 = arith.constant 2 : i32
    %add3A_34 = arith.addi %mul3A_32, %add3A_33 : i32
    %mul3A_35 = arith.constant 4096 : i32
    %mul3A_36 = arith.muli %add3A_34, %mul3A_35 : i32
    "tpu.region"() ({
      %run_scoped3A = tpu.sem_alloc : memref<!tpu.dma_semaphore, #tpu.memory_space<semaphore_mem>>
      %dma_start3A = tpu.memref_slice %arg3[%mul3A_36] : memref<12288xf32, #tpu.memory_space<hbm>> -> memref<4096xf32, #tpu.memory_space<hbm>>
      %dma_start3A_55 = tpu.memref_slice %arg3[%mul3A_36] : memref<12288xf32, #tpu.memory_space<hbm>> -> memref<4096xf32, #tpu.memory_space<hbm>>
      tpu.enqueue_dma source(%dma_start3A_55 : memref<4096xf32, #tpu.memory_space<hbm>>) target(%arg9 : memref<4096xf32, #tpu.memory_space<vmem>>) target_semaphore(%run_scoped3A : memref<!tpu.dma_semaphore, #tpu.memory_space<semaphore_mem>>)
      %dma_wait3A = tpu.memref_slice %arg3[%mul3A_36] : memref<12288xf32, #tpu.memory_space<hbm>> -> memref<4096xf32, #tpu.memory_space<hbm>>
      %dma_wait3A_56 = tpu.memref_slice %arg3[%mul3A_36] : memref<12288xf32, #tpu.memory_space<hbm>> -> memref<4096xf32, #tpu.memory_space<hbm>>
      tpu.wait_dma2 semaphore(%run_scoped3A : memref<!tpu.dma_semaphore, #tpu.memory_space<semaphore_mem>>) src(%dma_wait3A_56 : memref<4096xf32, #tpu.memory_space<hbm>>) dst(%arg9 : memref<4096xf32, #tpu.memory_space<vmem>>)
      tpu.yield
    }) : () -> ()
    %iota3A = tpu.iota {dimensions = array<i32: 0>} : vector<16xi32>
    %broadcast_in_dim3A = arith.constant 0.000000e+00 : f32
    %broadcast_in_dim3A_37 = vector.broadcast %broadcast_in_dim3A : f32 to vector<16xf32>
    %scan3A = arith.constant 0 : i32
    %scan3A_38 = arith.constant 0 : i32
    %scan3A_39 = arith.constant 128 : i32
    %scan3A_40 = arith.addi %scan3A_38, %scan3A_39 : i32
    %scan3A_41 = arith.constant 1 : i32
    scf.for %scan3A_55 = %scan3A_38 to %scan3A_40 step %scan3A_41  : i32 {
      %swap3A = arith.index_cast %scan3A_55 : i32 to index
      %swap3A_56 = arith.constant 0 : index
      %swap3A_57 = tpu.vector_load %arg13[%swap3A, %swap3A_56] {strides = array<i32>} : memref<128x128xf32, #tpu.memory_space<vmem>>, vector<16xf32>,
      tpu.vector_store %arg13[%swap3A, %swap3A_56], %broadcast_in_dim3A_37 {strides = array<i32>} : memref<128x128xf32, #tpu.memory_space<vmem>>, vector<16xf32>,
      %swap3A_58 = arith.index_cast %scan3A_55 : i32 to index
      %swap3A_59 = arith.constant 16 : index
      %swap3A_60 = tpu.vector_load %arg13[%swap3A_58, %swap3A_59] {strides = array<i32>} : memref<128x128xf32, #tpu.memory_space<vmem>>, vector<16xf32>,
      tpu.vector_store %arg13[%swap3A_58, %swap3A_59], %broadcast_in_dim3A_37 {strides = array<i32>} : memref<128x128xf32, #tpu.memory_space<vmem>>, vector<16xf32>,
      %swap3A_61 = arith.index_cast %scan3A_55 : i32 to index
      %swap3A_62 = arith.constant 32 : index
      %swap3A_63 = tpu.vector_load %arg13[%swap3A_61, %swap3A_62] {strides = array<i32>} : memref<128x128xf32, #tpu.memory_space<vmem>>, vector<16xf32>,
      tpu.vector_store %arg13[%swap3A_61, %swap3A_62], %broadcast_in_dim3A_37 {strides = array<i32>} : memref<128x128xf32, #tpu.memory_space<vmem>>, vector<16xf32>,
      %swap3A_64 = arith.index_cast %scan3A_55 : i32 to index
      %swap3A_65 = arith.constant 48 : index
      %swap3A_66 = tpu.vector_load %arg13[%swap3A_64, %swap3A_65] {strides = array<i32>} : memref<128x128xf32, #tpu.memory_space<vmem>>, vector<16xf32>,
      tpu.vector_store %arg13[%swap3A_64, %swap3A_65], %broadcast_in_dim3A_37 {strides = array<i32>} : memref<128x128xf32, #tpu.memory_space<vmem>>, vector<16xf32>,
      %swap3A_67 = arith.index_cast %scan3A_55 : i32 to index
      %swap3A_68 = arith.constant 64 : index
      %swap3A_69 = tpu.vector_load %arg13[%swap3A_67, %swap3A_68] {strides = array<i32>} : memref<128x128xf32, #tpu.memory_space<vmem>>, vector<16xf32>,
      tpu.vector_store %arg13[%swap3A_67, %swap3A_68], %broadcast_in_dim3A_37 {strides = array<i32>} : memref<128x128xf32, #tpu.memory_space<vmem>>, vector<16xf32>,
      %swap3A_70 = arith.index_cast %scan3A_55 : i32 to index
      %swap3A_71 = arith.constant 80 : index
      %swap3A_72 = tpu.vector_load %arg13[%swap3A_70, %swap3A_71] {strides = array<i32>} : memref<128x128xf32, #tpu.memory_space<vmem>>, vector<16xf32>,
      tpu.vector_store %arg13[%swap3A_70, %swap3A_71], %broadcast_in_dim3A_37 {strides = array<i32>} : memref<128x128xf32, #tpu.memory_space<vmem>>, vector<16xf32>,
      %swap3A_73 = arith.index_cast %scan3A_55 : i32 to index
      %swap3A_74 = arith.constant 96 : index
      %swap3A_75 = tpu.vector_load %arg13[%swap3A_73, %swap3A_74] {strides = array<i32>} : memref<128x128xf32, #tpu.memory_space<vmem>>, vector<16xf32>,
      tpu.vector_store %arg13[%swap3A_73, %swap3A_74], %broadcast_in_dim3A_37 {strides = array<i32>} : memref<128x128xf32, #tpu.memory_space<vmem>>, vector<16xf32>,
      %swap3A_76 = arith.index_cast %scan3A_55 : i32 to index
      %swap3A_77 = arith.constant 112 : index
      %swap3A_78 = tpu.vector_load %arg13[%swap3A_76, %swap3A_77] {strides = array<i32>} : memref<128x128xf32, #tpu.memory_space<vmem>>, vector<16xf32>,
      tpu.vector_store %arg13[%swap3A_76, %swap3A_77], %broadcast_in_dim3A_37 {strides = array<i32>} : memref<128x128xf32, #tpu.memory_space<vmem>>, vector<16xf32>,
    }
    %scan3A_42 = arith.constant 128 : i32
    %scan3A_43 = arith.constant 0 : i32
    %scan3A_44 = arith.constant 0 : i32
    %mul3A_45 = arith.constant 128 : i32
    %mul3A_46 = arith.muli %scan3A_44, %mul3A_45 : i32
    %add3A_47 = arith.addi %mul3A_2, %mul3A_46 : i32
    "tpu.region"() ({
      %run_scoped3A = tpu.sem_alloc : memref<!tpu.dma_semaphore, #tpu.memory_space<semaphore_mem>>
      %dma_start3A = arith.constant 0 : i32
      %dma_start3A_55 = tpu.memref_slice %arg2[%add3A_47, %dma_start3A] : memref<4096x256xi32, #tpu.memory_space<hbm>> -> memref<128x256xi32, #tpu.memory_space<hbm>>
      %dma_start3A_56 = arith.constant 0 : i32
      %dma_start3A_57 = tpu.memref_slice %arg2[%add3A_47, %dma_start3A_56] : memref<4096x256xi32, #tpu.memory_space<hbm>> -> memref<128x256xi32, #tpu.memory_space<hbm>>
      tpu.enqueue_dma source(%dma_start3A_57 : memref<128x256xi32, #tpu.memory_space<hbm>>) target(%arg6 : memref<128x256xi32, #tpu.memory_space<vmem>>) target_semaphore(%run_scoped3A : memref<!tpu.dma_semaphore, #tpu.memory_space<semaphore_mem>>)
      %dma_wait3A = arith.constant 0 : i32
      %dma_wait3A_58 = tpu.memref_slice %arg2[%add3A_47, %dma_wait3A] : memref<4096x256xi32, #tpu.memory_space<hbm>> -> memref<128x256xi32, #tpu.memory_space<hbm>>
      %dma_wait3A_59 = arith.constant 0 : i32
      %dma_wait3A_60 = tpu.memref_slice %arg2[%add3A_47, %dma_wait3A_59] : memref<4096x256xi32, #tpu.memory_space<hbm>> -> memref<128x256xi32, #tpu.memory_space<hbm>>
      tpu.wait_dma2 semaphore(%run_scoped3A : memref<!tpu.dma_semaphore, #tpu.memory_space<semaphore_mem>>) src(%dma_wait3A_60 : memref<128x256xi32, #tpu.memory_space<hbm>>) dst(%arg6 : memref<128x256xi32, #tpu.memory_space<vmem>>)
      tpu.yield
    }) : () -> ()
    %scan3A_48 = arith.constant 0 : i32
    %scan3A_49 = arith.constant 0 : i32
    %scan3A_50 = arith.constant 128 : i32
    %scan3A_51 = arith.addi %scan3A_49, %scan3A_50 : i32
    %scan3A_52 = arith.constant 1 : i32
    scf.for %scan3A_55 = %scan3A_49 to %scan3A_51 step %scan3A_52  : i32 {
      %add3A_56 = arith.addi %add3A_47, %scan3A_55 : i32
      %mul3A_57 = arith.constant 4096 : i32
      %mul3A_58 = arith.muli %select_n3A, %mul3A_57 : i32
      %sub3A_59 = arith.subi %add3A_56, %mul3A_58 : i32
      %broadcast_in_dim3A_60 = vector.broadcast %sub3A_59 : i32 to vector<16xi32>
      %swap3A = arith.constant 0 : index
      %swap3A_61 = tpu.vector_load %arg12[%swap3A] {strides = array<i32>} : memref<48xi32, #tpu.memory_space<vmem>>, vector<16xi32>,
      tpu.vector_store %arg12[%swap3A], %broadcast_in_dim3A_60 {strides = array<i32>} : memref<48xi32, #tpu.memory_space<vmem>>, vector<16xi32>,
      %swap3A_62 = arith.constant 16 : index
      %swap3A_63 = tpu.vector_load %arg12[%swap3A_62] {strides = array<i32>} : memref<48xi32, #tpu.memory_space<vmem>>, vector<16xi32>,
      tpu.vector_store %arg12[%swap3A_62], %broadcast_in_dim3A_60 {strides = array<i32>} : memref<48xi32, #tpu.memory_space<vmem>>, vector<16xi32>,
      %broadcast_in_dim3A_64 = arith.constant 0 : i32
      %broadcast_in_dim3A_65 = vector.broadcast %broadcast_in_dim3A_64 : i32 to vector<16xi32>
      %get3A = arith.index_cast %scan3A_55 : i32 to index
      %get3A_66 = arith.constant 0 : index
      %get3A_67 = tpu.vector_load %arg6[%get3A, %get3A_66] {strides = array<i32>} : memref<128x256xi32, #tpu.memory_space<vmem>>, vector<16xi32>,
      %ne3A_68 = arith.constant 0 : i32
      %ne3A_69 = vector.broadcast %ne3A_68 : i32 to vector<16xi32>
      %ne3A_70 = arith.cmpi ne, %get3A_67, %ne3A_69 : vector<16xi32>
      %convert_element_type3A = arith.extui %ne3A_70 : vector<16xi1> to vector<16xi32>
      %sub3A_71 = arith.constant 1 : i32
      %sub3A_72 = vector.broadcast %sub3A_71 : i32 to vector<16xi32>
      %sub3A_73 = arith.subi %broadcast_in_dim3A_65, %sub3A_72 : vector<16xi32>
      %broadcast_in_dim3A_74 = arith.constant true
      %broadcast_in_dim3A_75 = vector.broadcast %broadcast_in_dim3A_74 : i1 to vector<16xi1>
      %masked_cumsum3A = tpu.scan <sum>, %convert_element_type3A masked %broadcast_in_dim3A_75 : vector<16xi32>, vector<16xi1> -> vector<16xi32>
      %add3A_76 = arith.addi %sub3A_73, %masked_cumsum3A : vector<16xi32>
      tpu.vector_store_idx %arg10[%add3A_76], %get3A_67 masked %ne3A_70 : memref<272xi32, #tpu.memory_space<vmem>>[vector<16xi32>], vector<16xi32>, vector<16xi1>
      %broadcast_in_dim3A_77 = arith.constant 0 : i32
      %broadcast_in_dim3A_78 = vector.broadcast %broadcast_in_dim3A_77 : i32 to vector<16xi32>
      %add3A_79 = arith.addi %broadcast_in_dim3A_78, %iota3A : vector<16xi32>
      tpu.vector_store_idx %arg11[%add3A_76], %add3A_79 masked %ne3A_70 : memref<272xi32, #tpu.memory_space<vmem>>[vector<16xi32>], vector<16xi32>, vector<16xi1>
      %all_reduce_population_count3A = tpu.all_reduce %ne3A_70 {dim = 0 : i64, kind = #tpu.reduction_kind<sum>} : vector<16xi1> -> vector<16xi32>
      %add3A_80 = arith.addi %broadcast_in_dim3A_65, %all_reduce_population_count3A : vector<16xi32>
      %get3A_81 = arith.index_cast %scan3A_55 : i32 to index
      %get3A_82 = arith.constant 16 : index
      %get3A_83 = tpu.vector_load %arg6[%get3A_81, %get3A_82] {strides = array<i32>} : memref<128x256xi32, #tpu.memory_space<vmem>>, vector<16xi32>,
      %ne3A_84 = arith.constant 0 : i32
      %ne3A_85 = vector.broadcast %ne3A_84 : i32 to vector<16xi32>
      %ne3A_86 = arith.cmpi ne, %get3A_83, %ne3A_85 : vector<16xi32>
      %convert_element_type3A_87 = arith.extui %ne3A_86 : vector<16xi1> to vector<16xi32>
      %sub3A_88 = arith.constant 1 : i32
      %sub3A_89 = vector.broadcast %sub3A_88 : i32 to vector<16xi32>
      %sub3A_90 = arith.subi %add3A_80, %sub3A_89 : vector<16xi32>
      %broadcast_in_dim3A_91 = arith.constant true
      %broadcast_in_dim3A_92 = vector.broadcast %broadcast_in_dim3A_91 : i1 to vector<16xi1>
      %masked_cumsum3A_93 = tpu.scan <sum>, %convert_element_type3A_87 masked %broadcast_in_dim3A_92 : vector<16xi32>, vector<16xi1> -> vector<16xi32>
      %add3A_94 = arith.addi %sub3A_90, %masked_cumsum3A_93 : vector<16xi32>
      tpu.vector_store_idx %arg10[%add3A_94], %get3A_83 masked %ne3A_86 : memref<272xi32, #tpu.memory_space<vmem>>[vector<16xi32>], vector<16xi32>, vector<16xi1>
      %broadcast_in_dim3A_95 = arith.constant 16 : i32
      %broadcast_in_dim3A_96 = vector.broadcast %broadcast_in_dim3A_95 : i32 to vector<16xi32>
      %add3A_97 = arith.addi %broadcast_in_dim3A_96, %iota3A : vector<16xi32>
      tpu.vector_store_idx %arg11[%add3A_94], %add3A_97 masked %ne3A_86 : memref<272xi32, #tpu.memory_space<vmem>>[vector<16xi32>], vector<16xi32>, vector<16xi1>
      %all_reduce_population_count3A_98 = tpu.all_reduce %ne3A_86 {dim = 0 : i64, kind = #tpu.reduction_kind<sum>} : vector<16xi1> -> vector<16xi32>
      %add3A_99 = arith.addi %add3A_80, %all_reduce_population_count3A_98 : vector<16xi32>
      %get3A_100 = arith.index_cast %scan3A_55 : i32 to index
      %get3A_101 = arith.constant 32 : index
      %get3A_102 = tpu.vector_load %arg6[%get3A_100, %get3A_101] {strides = array<i32>} : memref<128x256xi32, #tpu.memory_space<vmem>>, vector<16xi32>,
      %ne3A_103 = arith.constant 0 : i32
      %ne3A_104 = vector.broadcast %ne3A_103 : i32 to vector<16xi32>
      %ne3A_105 = arith.cmpi ne, %get3A_102, %ne3A_104 : vector<16xi32>
      %convert_element_type3A_106 = arith.extui %ne3A_105 : vector<16xi1> to vector<16xi32>
      %sub3A_107 = arith.constant 1 : i32
      %sub3A_108 = vector.broadcast %sub3A_107 : i32 to vector<16xi32>
      %sub3A_109 = arith.subi %add3A_99, %sub3A_108 : vector<16xi32>
      %broadcast_in_dim3A_110 = arith.constant true
      %broadcast_in_dim3A_111 = vector.broadcast %broadcast_in_dim3A_110 : i1 to vector<16xi1>
      %masked_cumsum3A_112 = tpu.scan <sum>, %convert_element_type3A_106 masked %broadcast_in_dim3A_111 : vector<16xi32>, vector<16xi1> -> vector<16xi32>
      %add3A_113 = arith.addi %sub3A_109, %masked_cumsum3A_112 : vector<16xi32>
      tpu.vector_store_idx %arg10[%add3A_113], %get3A_102 masked %ne3A_105 : memref<272xi32, #tpu.memory_space<vmem>>[vector<16xi32>], vector<16xi32>, vector<16xi1>
      %broadcast_in_dim3A_114 = arith.constant 32 : i32
      %broadcast_in_dim3A_115 = vector.broadcast %broadcast_in_dim3A_114 : i32 to vector<16xi32>
      %add3A_116 = arith.addi %broadcast_in_dim3A_115, %iota3A : vector<16xi32>
      tpu.vector_store_idx %arg11[%add3A_113], %add3A_116 masked %ne3A_105 : memref<272xi32, #tpu.memory_space<vmem>>[vector<16xi32>], vector<16xi32>, vector<16xi1>
      %all_reduce_population_count3A_117 = tpu.all_reduce %ne3A_105 {dim = 0 : i64, kind = #tpu.reduction_kind<sum>} : vector<16xi1> -> vector<16xi32>
      %add3A_118 = arith.addi %add3A_99, %all_reduce_population_count3A_117 : vector<16xi32>
      %get3A_119 = arith.index_cast %scan3A_55 : i32 to index
      %get3A_120 = arith.constant 48 : index
      %get3A_121 = tpu.vector_load %arg6[%get3A_119, %get3A_120] {strides = array<i32>} : memref<128x256xi32, #tpu.memory_space<vmem>>, vector<16xi32>,
      %ne3A_122 = arith.constant 0 : i32
      %ne3A_123 = vector.broadcast %ne3A_122 : i32 to vector<16xi32>
      %ne3A_124 = arith.cmpi ne, %get3A_121, %ne3A_123 : vector<16xi32>
      %convert_element_type3A_125 = arith.extui %ne3A_124 : vector<16xi1> to vector<16xi32>
      %sub3A_126 = arith.constant 1 : i32
      %sub3A_127 = vector.broadcast %sub3A_126 : i32 to vector<16xi32>
      %sub3A_128 = arith.subi %add3A_118, %sub3A_127 : vector<16xi32>
      %broadcast_in_dim3A_129 = arith.constant true
      %broadcast_in_dim3A_130 = vector.broadcast %broadcast_in_dim3A_129 : i1 to vector<16xi1>
      %masked_cumsum3A_131 = tpu.scan <sum>, %convert_element_type3A_125 masked %broadcast_in_dim3A_130 : vector<16xi32>, vector<16xi1> -> vector<16xi32>
      %add3A_132 = arith.addi %sub3A_128, %masked_cumsum3A_131 : vector<16xi32>
      tpu.vector_store_idx %arg10[%add3A_132], %get3A_121 masked %ne3A_124 : memref<272xi32, #tpu.memory_space<vmem>>[vector<16xi32>], vector<16xi32>, vector<16xi1>
      %broadcast_in_dim3A_133 = arith.constant 48 : i32
      %broadcast_in_dim3A_134 = vector.broadcast %broadcast_in_dim3A_133 : i32 to vector<16xi32>
      %add3A_135 = arith.addi %broadcast_in_dim3A_134, %iota3A : vector<16xi32>
      tpu.vector_store_idx %arg11[%add3A_132], %add3A_135 masked %ne3A_124 : memref<272xi32, #tpu.memory_space<vmem>>[vector<16xi32>], vector<16xi32>, vector<16xi1>
      %all_reduce_population_count3A_136 = tpu.all_reduce %ne3A_124 {dim = 0 : i64, kind = #tpu.reduction_kind<sum>} : vector<16xi1> -> vector<16xi32>
      %add3A_137 = arith.addi %add3A_118, %all_reduce_population_count3A_136 : vector<16xi32>
      %get3A_138 = arith.index_cast %scan3A_55 : i32 to index
      %get3A_139 = arith.constant 64 : index
      %get3A_140 = tpu.vector_load %arg6[%get3A_138, %get3A_139] {strides = array<i32>} : memref<128x256xi32, #tpu.memory_space<vmem>>, vector<16xi32>,
      %ne3A_141 = arith.constant 0 : i32
      %ne3A_142 = vector.broadcast %ne3A_141 : i32 to vector<16xi32>
      %ne3A_143 = arith.cmpi ne, %get3A_140, %ne3A_142 : vector<16xi32>
      %convert_element_type3A_144 = arith.extui %ne3A_143 : vector<16xi1> to vector<16xi32>
      %sub3A_145 = arith.constant 1 : i32
      %sub3A_146 = vector.broadcast %sub3A_145 : i32 to vector<16xi32>
      %sub3A_147 = arith.subi %add3A_137, %sub3A_146 : vector<16xi32>
      %broadcast_in_dim3A_148 = arith.constant true
      %broadcast_in_dim3A_149 = vector.broadcast %broadcast_in_dim3A_148 : i1 to vector<16xi1>
      %masked_cumsum3A_150 = tpu.scan <sum>, %convert_element_type3A_144 masked %broadcast_in_dim3A_149 : vector<16xi32>, vector<16xi1> -> vector<16xi32>
      %add3A_151 = arith.addi %sub3A_147, %masked_cumsum3A_150 : vector<16xi32>
      tpu.vector_store_idx %arg10[%add3A_151], %get3A_140 masked %ne3A_143 : memref<272xi32, #tpu.memory_space<vmem>>[vector<16xi32>], vector<16xi32>, vector<16xi1>
      %broadcast_in_dim3A_152 = arith.constant 64 : i32
      %broadcast_in_dim3A_153 = vector.broadcast %broadcast_in_dim3A_152 : i32 to vector<16xi32>
      %add3A_154 = arith.addi %broadcast_in_dim3A_153, %iota3A : vector<16xi32>
      tpu.vector_store_idx %arg11[%add3A_151], %add3A_154 masked %ne3A_143 : memref<272xi32, #tpu.memory_space<vmem>>[vector<16xi32>], vector<16xi32>, vector<16xi1>
      %all_reduce_population_count3A_155 = tpu.all_reduce %ne3A_143 {dim = 0 : i64, kind = #tpu.reduction_kind<sum>} : vector<16xi1> -> vector<16xi32>
      %add3A_156 = arith.addi %add3A_137, %all_reduce_population_count3A_155 : vector<16xi32>
      %get3A_157 = arith.index_cast %scan3A_55 : i32 to index
      %get3A_158 = arith.constant 80 : index
      %get3A_159 = tpu.vector_load %arg6[%get3A_157, %get3A_158] {strides = array<i32>} : memref<128x256xi32, #tpu.memory_space<vmem>>, vector<16xi32>,
      %ne3A_160 = arith.constant 0 : i32
      %ne3A_161 = vector.broadcast %ne3A_160 : i32 to vector<16xi32>
      %ne3A_162 = arith.cmpi ne, %get3A_159, %ne3A_161 : vector<16xi32>
      %convert_element_type3A_163 = arith.extui %ne3A_162 : vector<16xi1> to vector<16xi32>
      %sub3A_164 = arith.constant 1 : i32
      %sub3A_165 = vector.broadcast %sub3A_164 : i32 to vector<16xi32>
      %sub3A_166 = arith.subi %add3A_156, %sub3A_165 : vector<16xi32>
      %broadcast_in_dim3A_167 = arith.constant true
      %broadcast_in_dim3A_168 = vector.broadcast %broadcast_in_dim3A_167 : i1 to vector<16xi1>
      %masked_cumsum3A_169 = tpu.scan <sum>, %convert_element_type3A_163 masked %broadcast_in_dim3A_168 : vector<16xi32>, vector<16xi1> -> vector<16xi32>
      %add3A_170 = arith.addi %sub3A_166, %masked_cumsum3A_169 : vector<16xi32>
      tpu.vector_store_idx %arg10[%add3A_170], %get3A_159 masked %ne3A_162 : memref<272xi32, #tpu.memory_space<vmem>>[vector<16xi32>], vector<16xi32>, vector<16xi1>
      %broadcast_in_dim3A_171 = arith.constant 80 : i32
      %broadcast_in_dim3A_172 = vector.broadcast %broadcast_in_dim3A_171 : i32 to vector<16xi32>
      %add3A_173 = arith.addi %broadcast_in_dim3A_172, %iota3A : vector<16xi32>
      tpu.vector_store_idx %arg11[%add3A_170], %add3A_173 masked %ne3A_162 : memref<272xi32, #tpu.memory_space<vmem>>[vector<16xi32>], vector<16xi32>, vector<16xi1>
      %all_reduce_population_count3A_174 = tpu.all_reduce %ne3A_162 {dim = 0 : i64, kind = #tpu.reduction_kind<sum>} : vector<16xi1> -> vector<16xi32>
      %add3A_175 = arith.addi %add3A_156, %all_reduce_population_count3A_174 : vector<16xi32>
      %get3A_176 = arith.index_cast %scan3A_55 : i32 to index
      %get3A_177 = arith.constant 96 : index
      %get3A_178 = tpu.vector_load %arg6[%get3A_176, %get3A_177] {strides = array<i32>} : memref<128x256xi32, #tpu.memory_space<vmem>>, vector<16xi32>,
      %ne3A_179 = arith.constant 0 : i32
      %ne3A_180 = vector.broadcast %ne3A_179 : i32 to vector<16xi32>
      %ne3A_181 = arith.cmpi ne, %get3A_178, %ne3A_180 : vector<16xi32>
      %convert_element_type3A_182 = arith.extui %ne3A_181 : vector<16xi1> to vector<16xi32>
      %sub3A_183 = arith.constant 1 : i32
      %sub3A_184 = vector.broadcast %sub3A_183 : i32 to vector<16xi32>
      %sub3A_185 = arith.subi %add3A_175, %sub3A_184 : vector<16xi32>
      %broadcast_in_dim3A_186 = arith.constant true
      %broadcast_in_dim3A_187 = vector.broadcast %broadcast_in_dim3A_186 : i1 to vector<16xi1>
      %masked_cumsum3A_188 = tpu.scan <sum>, %convert_element_type3A_182 masked %broadcast_in_dim3A_187 : vector<16xi32>, vector<16xi1> -> vector<16xi32>
      %add3A_189 = arith.addi %sub3A_185, %masked_cumsum3A_188 : vector<16xi32>
      tpu.vector_store_idx %arg10[%add3A_189], %get3A_178 masked %ne3A_181 : memref<272xi32, #tpu.memory_space<vmem>>[vector<16xi32>], vector<16xi32>, vector<16xi1>
      %broadcast_in_dim3A_190 = arith.constant 96 : i32
      %broadcast_in_dim3A_191 = vector.broadcast %broadcast_in_dim3A_190 : i32 to vector<16xi32>
      %add3A_192 = arith.addi %broadcast_in_dim3A_191, %iota3A : vector<16xi32>
      tpu.vector_store_idx %arg11[%add3A_189], %add3A_192 masked %ne3A_181 : memref<272xi32, #tpu.memory_space<vmem>>[vector<16xi32>], vector<16xi32>, vector<16xi1>
      %all_reduce_population_count3A_193 = tpu.all_reduce %ne3A_181 {dim = 0 : i64, kind = #tpu.reduction_kind<sum>} : vector<16xi1> -> vector<16xi32>
      %add3A_194 = arith.addi %add3A_175, %all_reduce_population_count3A_193 : vector<16xi32>
      %get3A_195 = arith.index_cast %scan3A_55 : i32 to index
      %get3A_196 = arith.constant 112 : index
      %get3A_197 = tpu.vector_load %arg6[%get3A_195, %get3A_196] {strides = array<i32>} : memref<128x256xi32, #tpu.memory_space<vmem>>, vector<16xi32>,
      %ne3A_198 = arith.constant 0 : i32
      %ne3A_199 = vector.broadcast %ne3A_198 : i32 to vector<16xi32>
      %ne3A_200 = arith.cmpi ne, %get3A_197, %ne3A_199 : vector<16xi32>
      %convert_element_type3A_201 = arith.extui %ne3A_200 : vector<16xi1> to vector<16xi32>
      %sub3A_202 = arith.constant 1 : i32
      %sub3A_203 = vector.broadcast %sub3A_202 : i32 to vector<16xi32>
      %sub3A_204 = arith.subi %add3A_194, %sub3A_203 : vector<16xi32>
      %broadcast_in_dim3A_205 = arith.constant true
      %broadcast_in_dim3A_206 = vector.broadcast %broadcast_in_dim3A_205 : i1 to vector<16xi1>
      %masked_cumsum3A_207 = tpu.scan <sum>, %convert_element_type3A_201 masked %broadcast_in_dim3A_206 : vector<16xi32>, vector<16xi1> -> vector<16xi32>
      %add3A_208 = arith.addi %sub3A_204, %masked_cumsum3A_207 : vector<16xi32>
      tpu.vector_store_idx %arg10[%add3A_208], %get3A_197 masked %ne3A_200 : memref<272xi32, #tpu.memory_space<vmem>>[vector<16xi32>], vector<16xi32>, vector<16xi1>
      %broadcast_in_dim3A_209 = arith.constant 112 : i32
      %broadcast_in_dim3A_210 = vector.broadcast %broadcast_in_dim3A_209 : i32 to vector<16xi32>
      %add3A_211 = arith.addi %broadcast_in_dim3A_210, %iota3A : vector<16xi32>
      tpu.vector_store_idx %arg11[%add3A_208], %add3A_211 masked %ne3A_200 : memref<272xi32, #tpu.memory_space<vmem>>[vector<16xi32>], vector<16xi32>, vector<16xi1>
      %all_reduce_population_count3A_212 = tpu.all_reduce %ne3A_200 {dim = 0 : i64, kind = #tpu.reduction_kind<sum>} : vector<16xi1> -> vector<16xi32>
      %add3A_213 = arith.addi %add3A_194, %all_reduce_population_count3A_212 : vector<16xi32>
      %get3A_214 = arith.index_cast %scan3A_55 : i32 to index
      %get3A_215 = arith.constant 128 : index
      %get3A_216 = tpu.vector_load %arg6[%get3A_214, %get3A_215] {strides = array<i32>} : memref<128x256xi32, #tpu.memory_space<vmem>>, vector<16xi32>,
      %ne3A_217 = arith.constant 0 : i32
      %ne3A_218 = vector.broadcast %ne3A_217 : i32 to vector<16xi32>
      %ne3A_219 = arith.cmpi ne, %get3A_216, %ne3A_218 : vector<16xi32>
      %convert_element_type3A_220 = arith.extui %ne3A_219 : vector<16xi1> to vector<16xi32>
      %sub3A_221 = arith.constant 1 : i32
      %sub3A_222 = vector.broadcast %sub3A_221 : i32 to vector<16xi32>
      %sub3A_223 = arith.subi %add3A_213, %sub3A_222 : vector<16xi32>
      %broadcast_in_dim3A_224 = arith.constant true
      %broadcast_in_dim3A_225 = vector.broadcast %broadcast_in_dim3A_224 : i1 to vector<16xi1>
      %masked_cumsum3A_226 = tpu.scan <sum>, %convert_element_type3A_220 masked %broadcast_in_dim3A_225 : vector<16xi32>, vector<16xi1> -> vector<16xi32>
      %add3A_227 = arith.addi %sub3A_223, %masked_cumsum3A_226 : vector<16xi32>
      tpu.vector_store_idx %arg10[%add3A_227], %get3A_216 masked %ne3A_219 : memref<272xi32, #tpu.memory_space<vmem>>[vector<16xi32>], vector<16xi32>, vector<16xi1>
      %broadcast_in_dim3A_228 = arith.constant 128 : i32
      %broadcast_in_dim3A_229 = vector.broadcast %broadcast_in_dim3A_228 : i32 to vector<16xi32>
      %add3A_230 = arith.addi %broadcast_in_dim3A_229, %iota3A : vector<16xi32>
      tpu.vector_store_idx %arg11[%add3A_227], %add3A_230 masked %ne3A_219 : memref<272xi32, #tpu.memory_space<vmem>>[vector<16xi32>], vector<16xi32>, vector<16xi1>
      %all_reduce_population_count3A_231 = tpu.all_reduce %ne3A_219 {dim = 0 : i64, kind = #tpu.reduction_kind<sum>} : vector<16xi1> -> vector<16xi32>
      %add3A_232 = arith.addi %add3A_213, %all_reduce_population_count3A_231 : vector<16xi32>
      %get3A_233 = arith.index_cast %scan3A_55 : i32 to index
      %get3A_234 = arith.constant 144 : index
      %get3A_235 = tpu.vector_load %arg6[%get3A_233, %get3A_234] {strides = array<i32>} : memref<128x256xi32, #tpu.memory_space<vmem>>, vector<16xi32>,
      %ne3A_236 = arith.constant 0 : i32
      %ne3A_237 = vector.broadcast %ne3A_236 : i32 to vector<16xi32>
      %ne3A_238 = arith.cmpi ne, %get3A_235, %ne3A_237 : vector<16xi32>
      %convert_element_type3A_239 = arith.extui %ne3A_238 : vector<16xi1> to vector<16xi32>
      %sub3A_240 = arith.constant 1 : i32
      %sub3A_241 = vector.broadcast %sub3A_240 : i32 to vector<16xi32>
      %sub3A_242 = arith.subi %add3A_232, %sub3A_241 : vector<16xi32>
      %broadcast_in_dim3A_243 = arith.constant true
      %broadcast_in_dim3A_244 = vector.broadcast %broadcast_in_dim3A_243 : i1 to vector<16xi1>
      %masked_cumsum3A_245 = tpu.scan <sum>, %convert_element_type3A_239 masked %broadcast_in_dim3A_244 : vector<16xi32>, vector<16xi1> -> vector<16xi32>
      %add3A_246 = arith.addi %sub3A_242, %masked_cumsum3A_245 : vector<16xi32>
      tpu.vector_store_idx %arg10[%add3A_246], %get3A_235 masked %ne3A_238 : memref<272xi32, #tpu.memory_space<vmem>>[vector<16xi32>], vector<16xi32>, vector<16xi1>
      %broadcast_in_dim3A_247 = arith.constant 144 : i32
      %broadcast_in_dim3A_248 = vector.broadcast %broadcast_in_dim3A_247 : i32 to vector<16xi32>
      %add3A_249 = arith.addi %broadcast_in_dim3A_248, %iota3A : vector<16xi32>
      tpu.vector_store_idx %arg11[%add3A_246], %add3A_249 masked %ne3A_238 : memref<272xi32, #tpu.memory_space<vmem>>[vector<16xi32>], vector<16xi32>, vector<16xi1>
      %all_reduce_population_count3A_250 = tpu.all_reduce %ne3A_238 {dim = 0 : i64, kind = #tpu.reduction_kind<sum>} : vector<16xi1> -> vector<16xi32>
      %add3A_251 = arith.addi %add3A_232, %all_reduce_population_count3A_250 : vector<16xi32>
      %get3A_252 = arith.index_cast %scan3A_55 : i32 to index
      %get3A_253 = arith.constant 160 : index
      %get3A_254 = tpu.vector_load %arg6[%get3A_252, %get3A_253] {strides = array<i32>} : memref<128x256xi32, #tpu.memory_space<vmem>>, vector<16xi32>,
      %ne3A_255 = arith.constant 0 : i32
      %ne3A_256 = vector.broadcast %ne3A_255 : i32 to vector<16xi32>
      %ne3A_257 = arith.cmpi ne, %get3A_254, %ne3A_256 : vector<16xi32>
      %convert_element_type3A_258 = arith.extui %ne3A_257 : vector<16xi1> to vector<16xi32>
      %sub3A_259 = arith.constant 1 : i32
      %sub3A_260 = vector.broadcast %sub3A_259 : i32 to vector<16xi32>
      %sub3A_261 = arith.subi %add3A_251, %sub3A_260 : vector<16xi32>
      %broadcast_in_dim3A_262 = arith.constant true
      %broadcast_in_dim3A_263 = vector.broadcast %broadcast_in_dim3A_262 : i1 to vector<16xi1>
      %masked_cumsum3A_264 = tpu.scan <sum>, %convert_element_type3A_258 masked %broadcast_in_dim3A_263 : vector<16xi32>, vector<16xi1> -> vector<16xi32>
      %add3A_265 = arith.addi %sub3A_261, %masked_cumsum3A_264 : vector<16xi32>
      tpu.vector_store_idx %arg10[%add3A_265], %get3A_254 masked %ne3A_257 : memref<272xi32, #tpu.memory_space<vmem>>[vector<16xi32>], vector<16xi32>, vector<16xi1>
      %broadcast_in_dim3A_266 = arith.constant 160 : i32
      %broadcast_in_dim3A_267 = vector.broadcast %broadcast_in_dim3A_266 : i32 to vector<16xi32>
      %add3A_268 = arith.addi %broadcast_in_dim3A_267, %iota3A : vector<16xi32>
      tpu.vector_store_idx %arg11[%add3A_265], %add3A_268 masked %ne3A_257 : memref<272xi32, #tpu.memory_space<vmem>>[vector<16xi32>], vector<16xi32>, vector<16xi1>
      %all_reduce_population_count3A_269 = tpu.all_reduce %ne3A_257 {dim = 0 : i64, kind = #tpu.reduction_kind<sum>} : vector<16xi1> -> vector<16xi32>
      %add3A_270 = arith.addi %add3A_251, %all_reduce_population_count3A_269 : vector<16xi32>
      %get3A_271 = arith.index_cast %scan3A_55 : i32 to index
      %get3A_272 = arith.constant 176 : index
      %get3A_273 = tpu.vector_load %arg6[%get3A_271, %get3A_272] {strides = array<i32>} : memref<128x256xi32, #tpu.memory_space<vmem>>, vector<16xi32>,
      %ne3A_274 = arith.constant 0 : i32
      %ne3A_275 = vector.broadcast %ne3A_274 : i32 to vector<16xi32>
      %ne3A_276 = arith.cmpi ne, %get3A_273, %ne3A_275 : vector<16xi32>
      %convert_element_type3A_277 = arith.extui %ne3A_276 : vector<16xi1> to vector<16xi32>
      %sub3A_278 = arith.constant 1 : i32
      %sub3A_279 = vector.broadcast %sub3A_278 : i32 to vector<16xi32>
      %sub3A_280 = arith.subi %add3A_270, %sub3A_279 : vector<16xi32>
      %broadcast_in_dim3A_281 = arith.constant true
      %broadcast_in_dim3A_282 = vector.broadcast %broadcast_in_dim3A_281 : i1 to vector<16xi1>
      %masked_cumsum3A_283 = tpu.scan <sum>, %convert_element_type3A_277 masked %broadcast_in_dim3A_282 : vector<16xi32>, vector<16xi1> -> vector<16xi32>
      %add3A_284 = arith.addi %sub3A_280, %masked_cumsum3A_283 : vector<16xi32>
      tpu.vector_store_idx %arg10[%add3A_284], %get3A_273 masked %ne3A_276 : memref<272xi32, #tpu.memory_space<vmem>>[vector<16xi32>], vector<16xi32>, vector<16xi1>
      %broadcast_in_dim3A_285 = arith.constant 176 : i32
      %broadcast_in_dim3A_286 = vector.broadcast %broadcast_in_dim3A_285 : i32 to vector<16xi32>
      %add3A_287 = arith.addi %broadcast_in_dim3A_286, %iota3A : vector<16xi32>
      tpu.vector_store_idx %arg11[%add3A_284], %add3A_287 masked %ne3A_276 : memref<272xi32, #tpu.memory_space<vmem>>[vector<16xi32>], vector<16xi32>, vector<16xi1>
      %all_reduce_population_count3A_288 = tpu.all_reduce %ne3A_276 {dim = 0 : i64, kind = #tpu.reduction_kind<sum>} : vector<16xi1> -> vector<16xi32>
      %add3A_289 = arith.addi %add3A_270, %all_reduce_population_count3A_288 : vector<16xi32>
      %get3A_290 = arith.index_cast %scan3A_55 : i32 to index
      %get3A_291 = arith.constant 192 : index
      %get3A_292 = tpu.vector_load %arg6[%get3A_290, %get3A_291] {strides = array<i32>} : memref<128x256xi32, #tpu.memory_space<vmem>>, vector<16xi32>,
      %ne3A_293 = arith.constant 0 : i32
      %ne3A_294 = vector.broadcast %ne3A_293 : i32 to vector<16xi32>
      %ne3A_295 = arith.cmpi ne, %get3A_292, %ne3A_294 : vector<16xi32>
      %convert_element_type3A_296 = arith.extui %ne3A_295 : vector<16xi1> to vector<16xi32>
      %sub3A_297 = arith.constant 1 : i32
      %sub3A_298 = vector.broadcast %sub3A_297 : i32 to vector<16xi32>
      %sub3A_299 = arith.subi %add3A_289, %sub3A_298 : vector<16xi32>
      %broadcast_in_dim3A_300 = arith.constant true
      %broadcast_in_dim3A_301 = vector.broadcast %broadcast_in_dim3A_300 : i1 to vector<16xi1>
      %masked_cumsum3A_302 = tpu.scan <sum>, %convert_element_type3A_296 masked %broadcast_in_dim3A_301 : vector<16xi32>, vector<16xi1> -> vector<16xi32>
      %add3A_303 = arith.addi %sub3A_299, %masked_cumsum3A_302 : vector<16xi32>
      tpu.vector_store_idx %arg10[%add3A_303], %get3A_292 masked %ne3A_295 : memref<272xi32, #tpu.memory_space<vmem>>[vector<16xi32>], vector<16xi32>, vector<16xi1>
      %broadcast_in_dim3A_304 = arith.constant 192 : i32
      %broadcast_in_dim3A_305 = vector.broadcast %broadcast_in_dim3A_304 : i32 to vector<16xi32>
      %add3A_306 = arith.addi %broadcast_in_dim3A_305, %iota3A : vector<16xi32>
      tpu.vector_store_idx %arg11[%add3A_303], %add3A_306 masked %ne3A_295 : memref<272xi32, #tpu.memory_space<vmem>>[vector<16xi32>], vector<16xi32>, vector<16xi1>
      %all_reduce_population_count3A_307 = tpu.all_reduce %ne3A_295 {dim = 0 : i64, kind = #tpu.reduction_kind<sum>} : vector<16xi1> -> vector<16xi32>
      %add3A_308 = arith.addi %add3A_289, %all_reduce_population_count3A_307 : vector<16xi32>
      %get3A_309 = arith.index_cast %scan3A_55 : i32 to index
      %get3A_310 = arith.constant 208 : index
      %get3A_311 = tpu.vector_load %arg6[%get3A_309, %get3A_310] {strides = array<i32>} : memref<128x256xi32, #tpu.memory_space<vmem>>, vector<16xi32>,
      %ne3A_312 = arith.constant 0 : i32
      %ne3A_313 = vector.broadcast %ne3A_312 : i32 to vector<16xi32>
      %ne3A_314 = arith.cmpi ne, %get3A_311, %ne3A_313 : vector<16xi32>
      %convert_element_type3A_315 = arith.extui %ne3A_314 : vector<16xi1> to vector<16xi32>
      %sub3A_316 = arith.constant 1 : i32
      %sub3A_317 = vector.broadcast %sub3A_316 : i32 to vector<16xi32>
      %sub3A_318 = arith.subi %add3A_308, %sub3A_317 : vector<16xi32>
      %broadcast_in_dim3A_319 = arith.constant true
      %broadcast_in_dim3A_320 = vector.broadcast %broadcast_in_dim3A_319 : i1 to vector<16xi1>
      %masked_cumsum3A_321 = tpu.scan <sum>, %convert_element_type3A_315 masked %broadcast_in_dim3A_320 : vector<16xi32>, vector<16xi1> -> vector<16xi32>
      %add3A_322 = arith.addi %sub3A_318, %masked_cumsum3A_321 : vector<16xi32>
      tpu.vector_store_idx %arg10[%add3A_322], %get3A_311 masked %ne3A_314 : memref<272xi32, #tpu.memory_space<vmem>>[vector<16xi32>], vector<16xi32>, vector<16xi1>
      %broadcast_in_dim3A_323 = arith.constant 208 : i32
      %broadcast_in_dim3A_324 = vector.broadcast %broadcast_in_dim3A_323 : i32 to vector<16xi32>
      %add3A_325 = arith.addi %broadcast_in_dim3A_324, %iota3A : vector<16xi32>
      tpu.vector_store_idx %arg11[%add3A_322], %add3A_325 masked %ne3A_314 : memref<272xi32, #tpu.memory_space<vmem>>[vector<16xi32>], vector<16xi32>, vector<16xi1>
      %all_reduce_population_count3A_326 = tpu.all_reduce %ne3A_314 {dim = 0 : i64, kind = #tpu.reduction_kind<sum>} : vector<16xi1> -> vector<16xi32>
      %add3A_327 = arith.addi %add3A_308, %all_reduce_population_count3A_326 : vector<16xi32>
      %get3A_328 = arith.index_cast %scan3A_55 : i32 to index
      %get3A_329 = arith.constant 224 : index
      %get3A_330 = tpu.vector_load %arg6[%get3A_328, %get3A_329] {strides = array<i32>} : memref<128x256xi32, #tpu.memory_space<vmem>>, vector<16xi32>,
      %ne3A_331 = arith.constant 0 : i32
      %ne3A_332 = vector.broadcast %ne3A_331 : i32 to vector<16xi32>
      %ne3A_333 = arith.cmpi ne, %get3A_330, %ne3A_332 : vector<16xi32>
      %convert_element_type3A_334 = arith.extui %ne3A_333 : vector<16xi1> to vector<16xi32>
      %sub3A_335 = arith.constant 1 : i32
      %sub3A_336 = vector.broadcast %sub3A_335 : i32 to vector<16xi32>
      %sub3A_337 = arith.subi %add3A_327, %sub3A_336 : vector<16xi32>
      %broadcast_in_dim3A_338 = arith.constant true
      %broadcast_in_dim3A_339 = vector.broadcast %broadcast_in_dim3A_338 : i1 to vector<16xi1>
      %masked_cumsum3A_340 = tpu.scan <sum>, %convert_element_type3A_334 masked %broadcast_in_dim3A_339 : vector<16xi32>, vector<16xi1> -> vector<16xi32>
      %add3A_341 = arith.addi %sub3A_337, %masked_cumsum3A_340 : vector<16xi32>
      tpu.vector_store_idx %arg10[%add3A_341], %get3A_330 masked %ne3A_333 : memref<272xi32, #tpu.memory_space<vmem>>[vector<16xi32>], vector<16xi32>, vector<16xi1>
      %broadcast_in_dim3A_342 = arith.constant 224 : i32
      %broadcast_in_dim3A_343 = vector.broadcast %broadcast_in_dim3A_342 : i32 to vector<16xi32>
      %add3A_344 = arith.addi %broadcast_in_dim3A_343, %iota3A : vector<16xi32>
      tpu.vector_store_idx %arg11[%add3A_341], %add3A_344 masked %ne3A_333 : memref<272xi32, #tpu.memory_space<vmem>>[vector<16xi32>], vector<16xi32>, vector<16xi1>
      %all_reduce_population_count3A_345 = tpu.all_reduce %ne3A_333 {dim = 0 : i64, kind = #tpu.reduction_kind<sum>} : vector<16xi1> -> vector<16xi32>
      %add3A_346 = arith.addi %add3A_327, %all_reduce_population_count3A_345 : vector<16xi32>
      %get3A_347 = arith.index_cast %scan3A_55 : i32 to index
      %get3A_348 = arith.constant 240 : index
      %get3A_349 = tpu.vector_load %arg6[%get3A_347, %get3A_348] {strides = array<i32>} : memref<128x256xi32, #tpu.memory_space<vmem>>, vector<16xi32>,
      %ne3A_350 = arith.constant 0 : i32
      %ne3A_351 = vector.broadcast %ne3A_350 : i32 to vector<16xi32>
      %ne3A_352 = arith.cmpi ne, %get3A_349, %ne3A_351 : vector<16xi32>
      %convert_element_type3A_353 = arith.extui %ne3A_352 : vector<16xi1> to vector<16xi32>
      %sub3A_354 = arith.constant 1 : i32
      %sub3A_355 = vector.broadcast %sub3A_354 : i32 to vector<16xi32>
      %sub3A_356 = arith.subi %add3A_346, %sub3A_355 : vector<16xi32>
      %broadcast_in_dim3A_357 = arith.constant true
      %broadcast_in_dim3A_358 = vector.broadcast %broadcast_in_dim3A_357 : i1 to vector<16xi1>
      %masked_cumsum3A_359 = tpu.scan <sum>, %convert_element_type3A_353 masked %broadcast_in_dim3A_358 : vector<16xi32>, vector<16xi1> -> vector<16xi32>
      %add3A_360 = arith.addi %sub3A_356, %masked_cumsum3A_359 : vector<16xi32>
      tpu.vector_store_idx %arg10[%add3A_360], %get3A_349 masked %ne3A_352 : memref<272xi32, #tpu.memory_space<vmem>>[vector<16xi32>], vector<16xi32>, vector<16xi1>
      %broadcast_in_dim3A_361 = arith.constant 240 : i32
      %broadcast_in_dim3A_362 = vector.broadcast %broadcast_in_dim3A_361 : i32 to vector<16xi32>
      %add3A_363 = arith.addi %broadcast_in_dim3A_362, %iota3A : vector<16xi32>
      tpu.vector_store_idx %arg11[%add3A_360], %add3A_363 masked %ne3A_352 : memref<272xi32, #tpu.memory_space<vmem>>[vector<16xi32>], vector<16xi32>, vector<16xi1>
      %all_reduce_population_count3A_364 = tpu.all_reduce %ne3A_352 {dim = 0 : i64, kind = #tpu.reduction_kind<sum>} : vector<16xi1> -> vector<16xi32>
      %add3A_365 = arith.addi %add3A_346, %all_reduce_population_count3A_364 : vector<16xi32>
      %reduce_max3A = arith.constant true
      %reduce_max3A_366 = vector.broadcast %reduce_max3A : i1 to vector<16xi1>
      %reduce_max3A_367 = arith.constant -2147483648 : i32
      %reduce_max3A_368 = vector.broadcast %reduce_max3A_367 : i32 to vector<16xi32>
      %reduce_max3A_369 = arith.xori %add3A_365, %reduce_max3A_368 : vector<16xi32>
      %reduce_max3A_370 = tpu.scan <max>, %reduce_max3A_369 masked %reduce_max3A_366 : vector<16xi32>, vector<16xi1> -> vector<16xi32>
      %reduce_max3A_371 = arith.xori %reduce_max3A_370, %reduce_max3A_368 : vector<16xi32>
      %reduce_max3A_372 = vector.extract %reduce_max3A_371[15] : i32 from vector<16xi32>
      %broadcast_in_dim3A_373 = arith.constant 0 : i32
      %broadcast_in_dim3A_374 = vector.broadcast %broadcast_in_dim3A_373 : i32 to vector<16xi32>
      %while3A = arith.constant 0 : i32
      %while3A_375 = arith.subi %reduce_max3A_372, %while3A : i32
      %while3A_376 = arith.addi %while3A, %while3A_375 : i32
      %while3A_377 = arith.constant 1 : i32
      %while3A_378 = arith.divsi %while3A_375, %while3A_377 : i32
      %while3A_379 = arith.muli %while3A_378, %while3A_377 : i32
      %while3A_380 = arith.addi %while3A, %while3A_379 : i32
      %while3A_381 = arith.constant 1 : i32
      %while3A_382:2 = scf.for %while3A_455 = %while3A to %while3A_380 step %while3A_381 iter_args(%while3A_456 = %broadcast_in_dim3A_374, %while3A_457 = %broadcast_in_dim3A_374) -> (vector<16xi32>, vector<16xi32>)  : i32 {
        %broadcast_in_dim3A_458 = vector.broadcast %while3A_455 : i32 to vector<16xi32>
        %gather3A_459 = tpu.vector_load_idx %arg10[%broadcast_in_dim3A_458] : memref<272xi32, #tpu.memory_space<vmem>>[vector<16xi32>], vector<16xi32>,
        %gather3A_460 = tpu.vector_load_idx %arg11[%broadcast_in_dim3A_458] : memref<272xi32, #tpu.memory_space<vmem>>[vector<16xi32>], vector<16xi32>,
        %shift_right_arithmetic3A = arith.shrsi %gather3A_459, %iota3A : vector<16xi32>
        %and3A_461 = arith.constant 1 : i32
        %and3A_462 = vector.broadcast %and3A_461 : i32 to vector<16xi32>
        %and3A_463 = arith.andi %shift_right_arithmetic3A, %and3A_462 : vector<16xi32>
        %eq3A_464 = arith.constant 1 : i32
        %eq3A_465 = vector.broadcast %eq3A_464 : i32 to vector<16xi32>
        %eq3A_466 = arith.cmpi eq, %and3A_463, %eq3A_465 : vector<16xi32>
        %convert_element_type3A_467 = arith.extui %eq3A_466 : vector<16xi1> to vector<16xi32>
        %all_reduce_population_count3A_468 = tpu.all_reduce %eq3A_466 {dim = 0 : i64, kind = #tpu.reduction_kind<sum>} : vector<16xi1> -> vector<16xi32>
        %sub3A_469 = arith.constant 1 : i32
        %sub3A_470 = vector.broadcast %sub3A_469 : i32 to vector<16xi32>
        %sub3A_471 = arith.subi %while3A_456, %sub3A_470 : vector<16xi32>
        %broadcast_in_dim3A_472 = arith.constant true
        %broadcast_in_dim3A_473 = vector.broadcast %broadcast_in_dim3A_472 : i1 to vector<16xi1>
        %masked_cumsum3A_474 = tpu.scan <sum>, %convert_element_type3A_467 masked %broadcast_in_dim3A_473 : vector<16xi32>, vector<16xi1> -> vector<16xi32>
        %add3A_475 = arith.addi %sub3A_471, %masked_cumsum3A_474 : vector<16xi32>
        %min3A_476 = arith.constant 47 : i32
        %min3A_477 = vector.broadcast %min3A_476 : i32 to vector<16xi32>
        %min3A_478 = arith.minsi %add3A_475, %min3A_477 : vector<16xi32>
        %mul3A_479 = arith.constant 16 : i32
        %mul3A_480 = vector.broadcast %mul3A_479 : i32 to vector<16xi32>
        %mul3A_481 = arith.muli %gather3A_460, %mul3A_480 : vector<16xi32>
        %add3A_482 = arith.addi %mul3A_481, %iota3A : vector<16xi32>
        tpu.vector_store_idx %arg12[%min3A_478], %add3A_482 masked %eq3A_466 : memref<48xi32, #tpu.memory_space<vmem>>[vector<16xi32>], vector<16xi32>, vector<16xi1>
        %add3A_483 = arith.addi %while3A_456, %all_reduce_population_count3A_468 : vector<16xi32>
        %add3A_484 = arith.addi %while3A_457, %all_reduce_population_count3A_468 : vector<16xi32>
        scf.yield %add3A_483, %add3A_484 : vector<16xi32>, vector<16xi32>
      }
      %while3A_383 = arith.constant 1 : i32
      %while3A_384:2 = scf.for %while3A_455 = %while3A_380 to %while3A_376 step %while3A_383 iter_args(%while3A_456 = %while3A_382#0, %while3A_457 = %while3A_382#1) -> (vector<16xi32>, vector<16xi32>)  : i32 {
        %broadcast_in_dim3A_458 = vector.broadcast %while3A_455 : i32 to vector<16xi32>
        %gather3A_459 = tpu.vector_load_idx %arg10[%broadcast_in_dim3A_458] : memref<272xi32, #tpu.memory_space<vmem>>[vector<16xi32>], vector<16xi32>,
        %gather3A_460 = tpu.vector_load_idx %arg11[%broadcast_in_dim3A_458] : memref<272xi32, #tpu.memory_space<vmem>>[vector<16xi32>], vector<16xi32>,
        %shift_right_arithmetic3A = arith.shrsi %gather3A_459, %iota3A : vector<16xi32>
        %and3A_461 = arith.constant 1 : i32
        %and3A_462 = vector.broadcast %and3A_461 : i32 to vector<16xi32>
        %and3A_463 = arith.andi %shift_right_arithmetic3A, %and3A_462 : vector<16xi32>
        %eq3A_464 = arith.constant 1 : i32
        %eq3A_465 = vector.broadcast %eq3A_464 : i32 to vector<16xi32>
        %eq3A_466 = arith.cmpi eq, %and3A_463, %eq3A_465 : vector<16xi32>
        %convert_element_type3A_467 = arith.extui %eq3A_466 : vector<16xi1> to vector<16xi32>
        %all_reduce_population_count3A_468 = tpu.all_reduce %eq3A_466 {dim = 0 : i64, kind = #tpu.reduction_kind<sum>} : vector<16xi1> -> vector<16xi32>
        %sub3A_469 = arith.constant 1 : i32
        %sub3A_470 = vector.broadcast %sub3A_469 : i32 to vector<16xi32>
        %sub3A_471 = arith.subi %while3A_456, %sub3A_470 : vector<16xi32>
        %broadcast_in_dim3A_472 = arith.constant true
        %broadcast_in_dim3A_473 = vector.broadcast %broadcast_in_dim3A_472 : i1 to vector<16xi1>
        %masked_cumsum3A_474 = tpu.scan <sum>, %convert_element_type3A_467 masked %broadcast_in_dim3A_473 : vector<16xi32>, vector<16xi1> -> vector<16xi32>
        %add3A_475 = arith.addi %sub3A_471, %masked_cumsum3A_474 : vector<16xi32>
        %min3A_476 = arith.constant 47 : i32
        %min3A_477 = vector.broadcast %min3A_476 : i32 to vector<16xi32>
        %min3A_478 = arith.minsi %add3A_475, %min3A_477 : vector<16xi32>
        %mul3A_479 = arith.constant 16 : i32
        %mul3A_480 = vector.broadcast %mul3A_479 : i32 to vector<16xi32>
        %mul3A_481 = arith.muli %gather3A_460, %mul3A_480 : vector<16xi32>
        %add3A_482 = arith.addi %mul3A_481, %iota3A : vector<16xi32>
        tpu.vector_store_idx %arg12[%min3A_478], %add3A_482 masked %eq3A_466 : memref<48xi32, #tpu.memory_space<vmem>>[vector<16xi32>], vector<16xi32>, vector<16xi1>
        %add3A_483 = arith.addi %while3A_456, %all_reduce_population_count3A_468 : vector<16xi32>
        %add3A_484 = arith.addi %while3A_457, %all_reduce_population_count3A_468 : vector<16xi32>
        scf.yield %add3A_483, %add3A_484 : vector<16xi32>, vector<16xi32>
      }
      %broadcast_in_dim3A_385 = vector.broadcast %sub3A_59 : i32 to vector<16xi32>
      %gather3A = tpu.vector_load_idx %arg7[%broadcast_in_dim3A_385] : memref<4096xf32, #tpu.memory_space<vmem>>[vector<16xi32>], vector<16xf32>,
      %gather3A_386 = tpu.vector_load_idx %arg8[%broadcast_in_dim3A_385] : memref<4096xf32, #tpu.memory_space<vmem>>[vector<16xi32>], vector<16xf32>,
      %gather3A_387 = tpu.vector_load_idx %arg9[%broadcast_in_dim3A_385] : memref<4096xf32, #tpu.memory_space<vmem>>[vector<16xi32>], vector<16xf32>,
      %get3A_388 = arith.constant 0 : index
      %get3A_389 = tpu.vector_load %arg12[%get3A_388] {strides = array<i32>} : memref<48xi32, #tpu.memory_space<vmem>>, vector<16xi32>,
      %gather3A_390 = tpu.vector_load_idx %arg7[%get3A_389] : memref<4096xf32, #tpu.memory_space<vmem>>[vector<16xi32>], vector<16xf32>,
      %sub3A_391 = arith.subf %gather3A_390, %gather3A : vector<16xf32>
      %mul3A_392 = arith.constant 4 : i32
      %mul3A_393 = vector.broadcast %mul3A_392 : i32 to vector<16xi32>
      %mul3A_394 = arith.muli %iota3A, %mul3A_393 : vector<16xi32>
      %broadcast_in_dim3A_395 = arith.constant 0 : i32
      %broadcast_in_dim3A_396 = vector.broadcast %broadcast_in_dim3A_395 : i32 to vector<16xi32>
      %add3A_397 = arith.addi %mul3A_394, %broadcast_in_dim3A_396 : vector<16xi32>
      %broadcast_in_dim3A_398 = vector.broadcast %scan3A_55 : i32 to vector<16xi32>
      tpu.vector_store_idx %arg13[%broadcast_in_dim3A_398, %add3A_397], %sub3A_391 : memref<128x128xf32, #tpu.memory_space<vmem>>[vector<16xi32>, vector<16xi32>], vector<16xf32>,
      %gather3A_399 = tpu.vector_load_idx %arg8[%get3A_389] : memref<4096xf32, #tpu.memory_space<vmem>>[vector<16xi32>], vector<16xf32>,
      %sub3A_400 = arith.subf %gather3A_399, %gather3A_386 : vector<16xf32>
      %mul3A_401 = arith.constant 4 : i32
      %mul3A_402 = vector.broadcast %mul3A_401 : i32 to vector<16xi32>
      %mul3A_403 = arith.muli %iota3A, %mul3A_402 : vector<16xi32>
      %broadcast_in_dim3A_404 = arith.constant 1 : i32
      %broadcast_in_dim3A_405 = vector.broadcast %broadcast_in_dim3A_404 : i32 to vector<16xi32>
      %add3A_406 = arith.addi %mul3A_403, %broadcast_in_dim3A_405 : vector<16xi32>
      %broadcast_in_dim3A_407 = vector.broadcast %scan3A_55 : i32 to vector<16xi32>
      tpu.vector_store_idx %arg13[%broadcast_in_dim3A_407, %add3A_406], %sub3A_400 : memref<128x128xf32, #tpu.memory_space<vmem>>[vector<16xi32>, vector<16xi32>], vector<16xf32>,
      %gather3A_408 = tpu.vector_load_idx %arg9[%get3A_389] : memref<4096xf32, #tpu.memory_space<vmem>>[vector<16xi32>], vector<16xf32>,
      %sub3A_409 = arith.subf %gather3A_408, %gather3A_387 : vector<16xf32>
      %mul3A_410 = arith.constant 4 : i32
      %mul3A_411 = vector.broadcast %mul3A_410 : i32 to vector<16xi32>
      %mul3A_412 = arith.muli %iota3A, %mul3A_411 : vector<16xi32>
      %broadcast_in_dim3A_413 = arith.constant 2 : i32
      %broadcast_in_dim3A_414 = vector.broadcast %broadcast_in_dim3A_413 : i32 to vector<16xi32>
      %add3A_415 = arith.addi %mul3A_412, %broadcast_in_dim3A_414 : vector<16xi32>
      %broadcast_in_dim3A_416 = vector.broadcast %scan3A_55 : i32 to vector<16xi32>
      tpu.vector_store_idx %arg13[%broadcast_in_dim3A_416, %add3A_415], %sub3A_409 : memref<128x128xf32, #tpu.memory_space<vmem>>[vector<16xi32>, vector<16xi32>], vector<16xf32>,
      %get3A_417 = arith.constant 16 : index
      %get3A_418 = tpu.vector_load %arg12[%get3A_417] {strides = array<i32>} : memref<48xi32, #tpu.memory_space<vmem>>, vector<16xi32>,
      %gather3A_419 = tpu.vector_load_idx %arg7[%get3A_418] : memref<4096xf32, #tpu.memory_space<vmem>>[vector<16xi32>], vector<16xf32>,
      %sub3A_420 = arith.subf %gather3A_419, %gather3A : vector<16xf32>
      %mul3A_421 = arith.constant 4 : i32
      %mul3A_422 = vector.broadcast %mul3A_421 : i32 to vector<16xi32>
      %mul3A_423 = arith.muli %iota3A, %mul3A_422 : vector<16xi32>
      %broadcast_in_dim3A_424 = arith.constant 64 : i32
      %broadcast_in_dim3A_425 = vector.broadcast %broadcast_in_dim3A_424 : i32 to vector<16xi32>
      %add3A_426 = arith.addi %mul3A_423, %broadcast_in_dim3A_425 : vector<16xi32>
      %broadcast_in_dim3A_427 = vector.broadcast %scan3A_55 : i32 to vector<16xi32>
      tpu.vector_store_idx %arg13[%broadcast_in_dim3A_427, %add3A_426], %sub3A_420 : memref<128x128xf32, #tpu.memory_space<vmem>>[vector<16xi32>, vector<16xi32>], vector<16xf32>,
      %gather3A_428 = tpu.vector_load_idx %arg8[%get3A_418] : memref<4096xf32, #tpu.memory_space<vmem>>[vector<16xi32>], vector<16xf32>,
      %sub3A_429 = arith.subf %gather3A_428, %gather3A_386 : vector<16xf32>
      %mul3A_430 = arith.constant 4 : i32
      %mul3A_431 = vector.broadcast %mul3A_430 : i32 to vector<16xi32>
      %mul3A_432 = arith.muli %iota3A, %mul3A_431 : vector<16xi32>
      %broadcast_in_dim3A_433 = arith.constant 65 : i32
      %broadcast_in_dim3A_434 = vector.broadcast %broadcast_in_dim3A_433 : i32 to vector<16xi32>
      %add3A_435 = arith.addi %mul3A_432, %broadcast_in_dim3A_434 : vector<16xi32>
      %broadcast_in_dim3A_436 = vector.broadcast %scan3A_55 : i32 to vector<16xi32>
      tpu.vector_store_idx %arg13[%broadcast_in_dim3A_436, %add3A_435], %sub3A_429 : memref<128x128xf32, #tpu.memory_space<vmem>>[vector<16xi32>, vector<16xi32>], vector<16xf32>,
      %gather3A_437 = tpu.vector_load_idx %arg9[%get3A_418] : memref<4096xf32, #tpu.memory_space<vmem>>[vector<16xi32>], vector<16xf32>,
      %sub3A_438 = arith.subf %gather3A_437, %gather3A_387 : vector<16xf32>
      %mul3A_439 = arith.constant 4 : i32
      %mul3A_440 = vector.broadcast %mul3A_439 : i32 to vector<16xi32>
      %mul3A_441 = arith.muli %iota3A, %mul3A_440 : vector<16xi32>
      %broadcast_in_dim3A_442 = arith.constant 66 : i32
      %broadcast_in_dim3A_443 = vector.broadcast %broadcast_in_dim3A_442 : i32 to vector<16xi32>
      %add3A_444 = arith.addi %mul3A_441, %broadcast_in_dim3A_443 : vector<16xi32>
      %broadcast_in_dim3A_445 = vector.broadcast %scan3A_55 : i32 to vector<16xi32>
      tpu.vector_store_idx %arg13[%broadcast_in_dim3A_445, %add3A_444], %sub3A_438 : memref<128x128xf32, #tpu.memory_space<vmem>>[vector<16xi32>, vector<16xi32>], vector<16xf32>,
      %min3A = arith.constant 32 : i32
      %min3A_446 = vector.broadcast %min3A : i32 to vector<16xi32>
      %min3A_447 = arith.minsi %while3A_384#1, %min3A_446 : vector<16xi32>
      %convert_element_type3A_448 = arith.sitofp %min3A_447 : vector<16xi32> to vector<16xf32>
      %mul3A_449 = arith.constant 3.125000e-02 : f32
      %mul3A_450 = vector.broadcast %mul3A_449 : f32 to vector<16xf32>
      %mul3A_451 = arith.mulf %convert_element_type3A_448, %mul3A_450 : vector<16xf32>
      %broadcast_in_dim3A_452 = vector.broadcast %scan3A_55 : i32 to vector<16xi32>
      %eq3A = arith.constant 0 : i32
      %eq3A_453 = vector.broadcast %eq3A : i32 to vector<16xi32>
      %eq3A_454 = arith.cmpi eq, %iota3A, %eq3A_453 : vector<16xi32>
      tpu.vector_store_idx %arg14[%broadcast_in_dim3A_452], %mul3A_451 masked %eq3A_454 : memref<128xf32, #tpu.memory_space<vmem>>[vector<16xi32>], vector<16xf32>, vector<16xi1>
    }
    %scan3A_53 = arith.constant 128 : i32
    "tpu.region"() ({
      %run_scoped3A = tpu.sem_alloc : memref<!tpu.dma_semaphore, #tpu.memory_space<semaphore_mem>>
      %dma_start3A = arith.constant 0 : i32
      %dma_start3A_55 = tpu.memref_slice %arg4[%add3A_47, %dma_start3A] : memref<4096x128xf32, #tpu.memory_space<hbm>> -> memref<128x128xf32, #tpu.memory_space<hbm>>
      %dma_start3A_56 = arith.constant 0 : i32
      %dma_start3A_57 = tpu.memref_slice %arg4[%add3A_47, %dma_start3A_56] : memref<4096x128xf32, #tpu.memory_space<hbm>> -> memref<128x128xf32, #tpu.memory_space<hbm>>
      tpu.enqueue_dma source(%arg13 : memref<128x128xf32, #tpu.memory_space<vmem>>) target(%dma_start3A_57 : memref<128x128xf32, #tpu.memory_space<hbm>>) target_semaphore(%run_scoped3A : memref<!tpu.dma_semaphore, #tpu.memory_space<semaphore_mem>>)
      %dma_wait3A = arith.constant 0 : i32
      %dma_wait3A_58 = tpu.memref_slice %arg4[%add3A_47, %dma_wait3A] : memref<4096x128xf32, #tpu.memory_space<hbm>> -> memref<128x128xf32, #tpu.memory_space<hbm>>
      %dma_wait3A_59 = arith.constant 0 : i32
      %dma_wait3A_60 = tpu.memref_slice %arg4[%add3A_47, %dma_wait3A_59] : memref<4096x128xf32, #tpu.memory_space<hbm>> -> memref<128x128xf32, #tpu.memory_space<hbm>>
      tpu.wait_dma2 semaphore(%run_scoped3A : memref<!tpu.dma_semaphore, #tpu.memory_space<semaphore_mem>>) src(%arg13 : memref<128x128xf32, #tpu.memory_space<vmem>>) dst(%dma_wait3A_60 : memref<128x128xf32, #tpu.memory_space<hbm>>)
      tpu.yield
    }) : () -> ()
    "tpu.region"() ({
      %run_scoped3A = tpu.sem_alloc : memref<!tpu.dma_semaphore, #tpu.memory_space<semaphore_mem>>
      %dma_start3A = tpu.memref_slice %arg5[%add3A_47] : memref<4096xf32, #tpu.memory_space<hbm>> -> memref<128xf32, #tpu.memory_space<hbm>>
      %dma_start3A_55 = tpu.memref_slice %arg5[%add3A_47] : memref<4096xf32, #tpu.memory_space<hbm>> -> memref<128xf32, #tpu.memory_space<hbm>>
      tpu.enqueue_dma source(%arg14 : memref<128xf32, #tpu.memory_space<vmem>>) target(%dma_start3A_55 : memref<128xf32, #tpu.memory_space<hbm>>) target_semaphore(%run_scoped3A : memref<!tpu.dma_semaphore, #tpu.memory_space<semaphore_mem>>)
      %dma_wait3A = tpu.memref_slice %arg5[%add3A_47] : memref<4096xf32, #tpu.memory_space<hbm>> -> memref<128xf32, #tpu.memory_space<hbm>>
      %dma_wait3A_56 = tpu.memref_slice %arg5[%add3A_47] : memref<4096xf32, #tpu.memory_space<hbm>> -> memref<128xf32, #tpu.memory_space<hbm>>
      tpu.wait_dma2 semaphore(%run_scoped3A : memref<!tpu.dma_semaphore, #tpu.memory_space<semaphore_mem>>) src(%arg14 : memref<128xf32, #tpu.memory_space<vmem>>) dst(%dma_wait3A_56 : memref<128xf32, #tpu.memory_space<hbm>>)
      tpu.yield
    }) : () -> ()
    %scan3A_54 = arith.constant 1 : i32
    return
  }
}

module attributes {stable_mosaic.version = 14 : i64} {
  func.func @_mask_pack_body(%arg0: i32, %arg1: memref<1x512x3xf32, #tpu.memory_space<vmem>>, %arg2: memref<1x3x4096xf32, #tpu.memory_space<vmem>>, %arg3: memref<512x256xi32, #tpu.memory_space<vmem>>) attributes {dimension_semantics = [#tpu.dimension_semantics<arbitrary>], iteration_bounds = array<i64: 8>, scalar_prefetch = 0 : i64, scratch_operands = 0 : i64, tpu.core_type = #tpu.core_type<tc>, window_params = [{transform_indices = @transform_0, window_bounds = array<i64: 1, 512, 3>}, {transform_indices = @transform_1, window_bounds = array<i64: 1, 3, 4096>}, {transform_indices = @transform_2, window_bounds = array<i64: 512, 256>}]} {
    %get3A = arith.constant 0 : index
    %get3A_0 = arith.constant 0 : index
    %get3A_1 = arith.constant 0 : index
    %get3A_2 = vector.load %arg1[%get3A, %get3A_0, %get3A_1] : memref<1x512x3xf32, #tpu.memory_space<vmem>>, vector<1x512x3xf32>
    %get3A_3 = vector.shape_cast %get3A_2 : vector<1x512x3xf32> to vector<512x3xf32>
    %get3A_4 = arith.constant 0 : index
    %get3A_5 = arith.constant 0 : index
    %get3A_6 = arith.constant 0 : index
    %get3A_7 = vector.load %arg2[%get3A_4, %get3A_5, %get3A_6] : memref<1x3x4096xf32, #tpu.memory_space<vmem>>, vector<1x3x4096xf32>
    %get3A_8 = vector.shape_cast %get3A_7 : vector<1x3x4096xf32> to vector<3x4096xf32>
    %slice3A = vector.extract_strided_slice %get3A_3 {offsets = [0, 0], sizes = [512, 1], strides = [1, 1]} : vector<512x3xf32> to vector<512x1xf32>
    %squeeze3A = vector.shape_cast %slice3A : vector<512x1xf32> to vector<512xf32>
    %reshape3A = vector.shape_cast %squeeze3A : vector<512xf32> to vector<512x1xf32>
    %slice3A_9 = vector.extract_strided_slice %get3A_8 {offsets = [0, 0], sizes = [1, 4096], strides = [1, 1]} : vector<3x4096xf32> to vector<1x4096xf32>
    %sub3A = vector.broadcast %reshape3A : vector<512x1xf32> to vector<512x4096xf32>
    %sub3A_10 = vector.broadcast %slice3A_9 : vector<1x4096xf32> to vector<512x4096xf32>
    %sub3A_11 = arith.subf %sub3A, %sub3A_10 : vector<512x4096xf32>
    %slice3A_12 = vector.extract_strided_slice %get3A_3 {offsets = [0, 1], sizes = [512, 1], strides = [1, 1]} : vector<512x3xf32> to vector<512x1xf32>
    %squeeze3A_13 = vector.shape_cast %slice3A_12 : vector<512x1xf32> to vector<512xf32>
    %reshape3A_14 = vector.shape_cast %squeeze3A_13 : vector<512xf32> to vector<512x1xf32>
    %slice3A_15 = vector.extract_strided_slice %get3A_8 {offsets = [1, 0], sizes = [1, 4096], strides = [1, 1]} : vector<3x4096xf32> to vector<1x4096xf32>
    %sub3A_16 = vector.broadcast %reshape3A_14 : vector<512x1xf32> to vector<512x4096xf32>
    %sub3A_17 = vector.broadcast %slice3A_15 : vector<1x4096xf32> to vector<512x4096xf32>
    %sub3A_18 = arith.subf %sub3A_16, %sub3A_17 : vector<512x4096xf32>
    %slice3A_19 = vector.extract_strided_slice %get3A_3 {offsets = [0, 2], sizes = [512, 1], strides = [1, 1]} : vector<512x3xf32> to vector<512x1xf32>
    %squeeze3A_20 = vector.shape_cast %slice3A_19 : vector<512x1xf32> to vector<512xf32>
    %reshape3A_21 = vector.shape_cast %squeeze3A_20 : vector<512xf32> to vector<512x1xf32>
    %slice3A_22 = vector.extract_strided_slice %get3A_8 {offsets = [2, 0], sizes = [1, 4096], strides = [1, 1]} : vector<3x4096xf32> to vector<1x4096xf32>
    %sub3A_23 = vector.broadcast %reshape3A_21 : vector<512x1xf32> to vector<512x4096xf32>
    %sub3A_24 = vector.broadcast %slice3A_22 : vector<1x4096xf32> to vector<512x4096xf32>
    %sub3A_25 = arith.subf %sub3A_23, %sub3A_24 : vector<512x4096xf32>
    %mul3A = arith.mulf %sub3A_11, %sub3A_11 : vector<512x4096xf32>
    %mul3A_26 = arith.mulf %sub3A_18, %sub3A_18 : vector<512x4096xf32>
    %add3A = arith.addf %mul3A, %mul3A_26 : vector<512x4096xf32>
    %mul3A_27 = arith.mulf %sub3A_25, %sub3A_25 : vector<512x4096xf32>
    %add3A_28 = arith.addf %add3A, %mul3A_27 : vector<512x4096xf32>
    %lt3A = arith.constant 0.00999999977 : f32
    %lt3A_29 = vector.broadcast %lt3A : f32 to vector<512x4096xf32>
    %lt3A_30 = arith.cmpf olt, %add3A_28, %lt3A_29 : vector<512x4096xf32>
    %convert_element_type3A = arith.extui %lt3A_30 : vector<512x4096xi1> to vector<512x4096xi32>
    %convert_element_type3A_31 = arith.sitofp %convert_element_type3A : vector<512x4096xi32> to vector<512x4096xf32>
    %iota3A = tpu.iota {dimensions = array<i32: 0>} : vector<128x8xi32>
    %iota3A_32 = tpu.iota {dimensions = array<i32: 1>} : vector<128x8xi32>
    %shift_right_arithmetic3A = arith.constant 4 : i32
    %shift_right_arithmetic3A_33 = vector.broadcast %shift_right_arithmetic3A : i32 to vector<128x8xi32>
    %shift_right_arithmetic3A_34 = arith.shrsi %iota3A, %shift_right_arithmetic3A_33 : vector<128x8xi32>
    %eq3A = arith.cmpi eq, %shift_right_arithmetic3A_34, %iota3A_32 : vector<128x8xi32>
    %and3A = arith.constant 15 : i32
    %and3A_35 = vector.broadcast %and3A : i32 to vector<128x8xi32>
    %and3A_36 = arith.andi %iota3A, %and3A_35 : vector<128x8xi32>
    %shift_left3A = arith.constant 1 : i32
    %shift_left3A_37 = vector.broadcast %shift_left3A : i32 to vector<128x8xi32>
    %shift_left3A_38 = arith.shli %shift_left3A_37, %and3A_36 : vector<128x8xi32>
    %jit3A = arith.constant 0 : i32
    %broadcast_in_dim3A = vector.broadcast %jit3A : i32 to vector<128x8xi32>
    %select_n3A = arith.select %eq3A, %shift_left3A_38, %broadcast_in_dim3A : vector<128x8xi1>, vector<128x8xi32>
    %convert_element_type3A_39 = arith.sitofp %select_n3A : vector<128x8xi32> to vector<128x8xf32>
    %slice3A_40 = vector.extract_strided_slice %convert_element_type3A_31 {offsets = [0, 0], sizes = [512, 128], strides = [1, 1]} : vector<512x4096xf32> to vector<512x128xf32>
    %dot_general3A = arith.constant dense<0.000000e+00> : vector<512x8xf32>
    %dot_general3A_41 = tpu.matmul %slice3A_40, %convert_element_type3A_39, %dot_general3A {dimension_numbers = #tpu.dot_dimension_numbers<[1], [0], [0], [1], [0, 0, 1, 1], [], []>, transpose_lhs_hint = false} : vector<512x128xf32>, vector<128x8xf32>, vector<512x8xf32> -> vector<512x8xf32>
    %convert_element_type3A_42 = arith.fptosi %dot_general3A_41 : vector<512x8xf32> to vector<512x8xi32>
    %swap3A = arith.constant 0 : index
    %swap3A_43 = arith.constant 0 : index
    %swap3A_44 = vector.load %arg3[%swap3A, %swap3A_43] : memref<512x256xi32, #tpu.memory_space<vmem>>, vector<512x8xi32>
    tpu.vector_store %arg3[%swap3A, %swap3A_43], %convert_element_type3A_42 {strides = array<i32>} : memref<512x256xi32, #tpu.memory_space<vmem>>, vector<512x8xi32>,
    %slice3A_45 = vector.extract_strided_slice %convert_element_type3A_31 {offsets = [0, 128], sizes = [512, 128], strides = [1, 1]} : vector<512x4096xf32> to vector<512x128xf32>
    %dot_general3A_46 = arith.constant dense<0.000000e+00> : vector<512x8xf32>
    %dot_general3A_47 = tpu.matmul %slice3A_45, %convert_element_type3A_39, %dot_general3A_46 {dimension_numbers = #tpu.dot_dimension_numbers<[1], [0], [0], [1], [0, 0, 1, 1], [], []>, transpose_lhs_hint = false} : vector<512x128xf32>, vector<128x8xf32>, vector<512x8xf32> -> vector<512x8xf32>
    %convert_element_type3A_48 = arith.fptosi %dot_general3A_47 : vector<512x8xf32> to vector<512x8xi32>
    %swap3A_49 = arith.constant 0 : index
    %swap3A_50 = arith.constant 8 : index
    %swap3A_51 = vector.load %arg3[%swap3A_49, %swap3A_50] : memref<512x256xi32, #tpu.memory_space<vmem>>, vector<512x8xi32>
    tpu.vector_store %arg3[%swap3A_49, %swap3A_50], %convert_element_type3A_48 {strides = array<i32>} : memref<512x256xi32, #tpu.memory_space<vmem>>, vector<512x8xi32>,
    %slice3A_52 = vector.extract_strided_slice %convert_element_type3A_31 {offsets = [0, 256], sizes = [512, 128], strides = [1, 1]} : vector<512x4096xf32> to vector<512x128xf32>
    %dot_general3A_53 = arith.constant dense<0.000000e+00> : vector<512x8xf32>
    %dot_general3A_54 = tpu.matmul %slice3A_52, %convert_element_type3A_39, %dot_general3A_53 {dimension_numbers = #tpu.dot_dimension_numbers<[1], [0], [0], [1], [0, 0, 1, 1], [], []>, transpose_lhs_hint = false} : vector<512x128xf32>, vector<128x8xf32>, vector<512x8xf32> -> vector<512x8xf32>
    %convert_element_type3A_55 = arith.fptosi %dot_general3A_54 : vector<512x8xf32> to vector<512x8xi32>
    %swap3A_56 = arith.constant 0 : index
    %swap3A_57 = arith.constant 16 : index
    %swap3A_58 = vector.load %arg3[%swap3A_56, %swap3A_57] : memref<512x256xi32, #tpu.memory_space<vmem>>, vector<512x8xi32>
    tpu.vector_store %arg3[%swap3A_56, %swap3A_57], %convert_element_type3A_55 {strides = array<i32>} : memref<512x256xi32, #tpu.memory_space<vmem>>, vector<512x8xi32>,
    %slice3A_59 = vector.extract_strided_slice %convert_element_type3A_31 {offsets = [0, 384], sizes = [512, 128], strides = [1, 1]} : vector<512x4096xf32> to vector<512x128xf32>
    %dot_general3A_60 = arith.constant dense<0.000000e+00> : vector<512x8xf32>
    %dot_general3A_61 = tpu.matmul %slice3A_59, %convert_element_type3A_39, %dot_general3A_60 {dimension_numbers = #tpu.dot_dimension_numbers<[1], [0], [0], [1], [0, 0, 1, 1], [], []>, transpose_lhs_hint = false} : vector<512x128xf32>, vector<128x8xf32>, vector<512x8xf32> -> vector<512x8xf32>
    %convert_element_type3A_62 = arith.fptosi %dot_general3A_61 : vector<512x8xf32> to vector<512x8xi32>
    %swap3A_63 = arith.constant 0 : index
    %swap3A_64 = arith.constant 24 : index
    %swap3A_65 = vector.load %arg3[%swap3A_63, %swap3A_64] : memref<512x256xi32, #tpu.memory_space<vmem>>, vector<512x8xi32>
    tpu.vector_store %arg3[%swap3A_63, %swap3A_64], %convert_element_type3A_62 {strides = array<i32>} : memref<512x256xi32, #tpu.memory_space<vmem>>, vector<512x8xi32>,
    %slice3A_66 = vector.extract_strided_slice %convert_element_type3A_31 {offsets = [0, 512], sizes = [512, 128], strides = [1, 1]} : vector<512x4096xf32> to vector<512x128xf32>
    %dot_general3A_67 = arith.constant dense<0.000000e+00> : vector<512x8xf32>
    %dot_general3A_68 = tpu.matmul %slice3A_66, %convert_element_type3A_39, %dot_general3A_67 {dimension_numbers = #tpu.dot_dimension_numbers<[1], [0], [0], [1], [0, 0, 1, 1], [], []>, transpose_lhs_hint = false} : vector<512x128xf32>, vector<128x8xf32>, vector<512x8xf32> -> vector<512x8xf32>
    %convert_element_type3A_69 = arith.fptosi %dot_general3A_68 : vector<512x8xf32> to vector<512x8xi32>
    %swap3A_70 = arith.constant 0 : index
    %swap3A_71 = arith.constant 32 : index
    %swap3A_72 = vector.load %arg3[%swap3A_70, %swap3A_71] : memref<512x256xi32, #tpu.memory_space<vmem>>, vector<512x8xi32>
    tpu.vector_store %arg3[%swap3A_70, %swap3A_71], %convert_element_type3A_69 {strides = array<i32>} : memref<512x256xi32, #tpu.memory_space<vmem>>, vector<512x8xi32>,
    %slice3A_73 = vector.extract_strided_slice %convert_element_type3A_31 {offsets = [0, 640], sizes = [512, 128], strides = [1, 1]} : vector<512x4096xf32> to vector<512x128xf32>
    %dot_general3A_74 = arith.constant dense<0.000000e+00> : vector<512x8xf32>
    %dot_general3A_75 = tpu.matmul %slice3A_73, %convert_element_type3A_39, %dot_general3A_74 {dimension_numbers = #tpu.dot_dimension_numbers<[1], [0], [0], [1], [0, 0, 1, 1], [], []>, transpose_lhs_hint = false} : vector<512x128xf32>, vector<128x8xf32>, vector<512x8xf32> -> vector<512x8xf32>
    %convert_element_type3A_76 = arith.fptosi %dot_general3A_75 : vector<512x8xf32> to vector<512x8xi32>
    %swap3A_77 = arith.constant 0 : index
    %swap3A_78 = arith.constant 40 : index
    %swap3A_79 = vector.load %arg3[%swap3A_77, %swap3A_78] : memref<512x256xi32, #tpu.memory_space<vmem>>, vector<512x8xi32>
    tpu.vector_store %arg3[%swap3A_77, %swap3A_78], %convert_element_type3A_76 {strides = array<i32>} : memref<512x256xi32, #tpu.memory_space<vmem>>, vector<512x8xi32>,
    %slice3A_80 = vector.extract_strided_slice %convert_element_type3A_31 {offsets = [0, 768], sizes = [512, 128], strides = [1, 1]} : vector<512x4096xf32> to vector<512x128xf32>
    %dot_general3A_81 = arith.constant dense<0.000000e+00> : vector<512x8xf32>
    %dot_general3A_82 = tpu.matmul %slice3A_80, %convert_element_type3A_39, %dot_general3A_81 {dimension_numbers = #tpu.dot_dimension_numbers<[1], [0], [0], [1], [0, 0, 1, 1], [], []>, transpose_lhs_hint = false} : vector<512x128xf32>, vector<128x8xf32>, vector<512x8xf32> -> vector<512x8xf32>
    %convert_element_type3A_83 = arith.fptosi %dot_general3A_82 : vector<512x8xf32> to vector<512x8xi32>
    %swap3A_84 = arith.constant 0 : index
    %swap3A_85 = arith.constant 48 : index
    %swap3A_86 = vector.load %arg3[%swap3A_84, %swap3A_85] : memref<512x256xi32, #tpu.memory_space<vmem>>, vector<512x8xi32>
    tpu.vector_store %arg3[%swap3A_84, %swap3A_85], %convert_element_type3A_83 {strides = array<i32>} : memref<512x256xi32, #tpu.memory_space<vmem>>, vector<512x8xi32>,
    %slice3A_87 = vector.extract_strided_slice %convert_element_type3A_31 {offsets = [0, 896], sizes = [512, 128], strides = [1, 1]} : vector<512x4096xf32> to vector<512x128xf32>
    %dot_general3A_88 = arith.constant dense<0.000000e+00> : vector<512x8xf32>
    %dot_general3A_89 = tpu.matmul %slice3A_87, %convert_element_type3A_39, %dot_general3A_88 {dimension_numbers = #tpu.dot_dimension_numbers<[1], [0], [0], [1], [0, 0, 1, 1], [], []>, transpose_lhs_hint = false} : vector<512x128xf32>, vector<128x8xf32>, vector<512x8xf32> -> vector<512x8xf32>
    %convert_element_type3A_90 = arith.fptosi %dot_general3A_89 : vector<512x8xf32> to vector<512x8xi32>
    %swap3A_91 = arith.constant 0 : index
    %swap3A_92 = arith.constant 56 : index
    %swap3A_93 = vector.load %arg3[%swap3A_91, %swap3A_92] : memref<512x256xi32, #tpu.memory_space<vmem>>, vector<512x8xi32>
    tpu.vector_store %arg3[%swap3A_91, %swap3A_92], %convert_element_type3A_90 {strides = array<i32>} : memref<512x256xi32, #tpu.memory_space<vmem>>, vector<512x8xi32>,
    %slice3A_94 = vector.extract_strided_slice %convert_element_type3A_31 {offsets = [0, 1024], sizes = [512, 128], strides = [1, 1]} : vector<512x4096xf32> to vector<512x128xf32>
    %dot_general3A_95 = arith.constant dense<0.000000e+00> : vector<512x8xf32>
    %dot_general3A_96 = tpu.matmul %slice3A_94, %convert_element_type3A_39, %dot_general3A_95 {dimension_numbers = #tpu.dot_dimension_numbers<[1], [0], [0], [1], [0, 0, 1, 1], [], []>, transpose_lhs_hint = false} : vector<512x128xf32>, vector<128x8xf32>, vector<512x8xf32> -> vector<512x8xf32>
    %convert_element_type3A_97 = arith.fptosi %dot_general3A_96 : vector<512x8xf32> to vector<512x8xi32>
    %swap3A_98 = arith.constant 0 : index
    %swap3A_99 = arith.constant 64 : index
    %swap3A_100 = vector.load %arg3[%swap3A_98, %swap3A_99] : memref<512x256xi32, #tpu.memory_space<vmem>>, vector<512x8xi32>
    tpu.vector_store %arg3[%swap3A_98, %swap3A_99], %convert_element_type3A_97 {strides = array<i32>} : memref<512x256xi32, #tpu.memory_space<vmem>>, vector<512x8xi32>,
    %slice3A_101 = vector.extract_strided_slice %convert_element_type3A_31 {offsets = [0, 1152], sizes = [512, 128], strides = [1, 1]} : vector<512x4096xf32> to vector<512x128xf32>
    %dot_general3A_102 = arith.constant dense<0.000000e+00> : vector<512x8xf32>
    %dot_general3A_103 = tpu.matmul %slice3A_101, %convert_element_type3A_39, %dot_general3A_102 {dimension_numbers = #tpu.dot_dimension_numbers<[1], [0], [0], [1], [0, 0, 1, 1], [], []>, transpose_lhs_hint = false} : vector<512x128xf32>, vector<128x8xf32>, vector<512x8xf32> -> vector<512x8xf32>
    %convert_element_type3A_104 = arith.fptosi %dot_general3A_103 : vector<512x8xf32> to vector<512x8xi32>
    %swap3A_105 = arith.constant 0 : index
    %swap3A_106 = arith.constant 72 : index
    %swap3A_107 = vector.load %arg3[%swap3A_105, %swap3A_106] : memref<512x256xi32, #tpu.memory_space<vmem>>, vector<512x8xi32>
    tpu.vector_store %arg3[%swap3A_105, %swap3A_106], %convert_element_type3A_104 {strides = array<i32>} : memref<512x256xi32, #tpu.memory_space<vmem>>, vector<512x8xi32>,
    %slice3A_108 = vector.extract_strided_slice %convert_element_type3A_31 {offsets = [0, 1280], sizes = [512, 128], strides = [1, 1]} : vector<512x4096xf32> to vector<512x128xf32>
    %dot_general3A_109 = arith.constant dense<0.000000e+00> : vector<512x8xf32>
    %dot_general3A_110 = tpu.matmul %slice3A_108, %convert_element_type3A_39, %dot_general3A_109 {dimension_numbers = #tpu.dot_dimension_numbers<[1], [0], [0], [1], [0, 0, 1, 1], [], []>, transpose_lhs_hint = false} : vector<512x128xf32>, vector<128x8xf32>, vector<512x8xf32> -> vector<512x8xf32>
    %convert_element_type3A_111 = arith.fptosi %dot_general3A_110 : vector<512x8xf32> to vector<512x8xi32>
    %swap3A_112 = arith.constant 0 : index
    %swap3A_113 = arith.constant 80 : index
    %swap3A_114 = vector.load %arg3[%swap3A_112, %swap3A_113] : memref<512x256xi32, #tpu.memory_space<vmem>>, vector<512x8xi32>
    tpu.vector_store %arg3[%swap3A_112, %swap3A_113], %convert_element_type3A_111 {strides = array<i32>} : memref<512x256xi32, #tpu.memory_space<vmem>>, vector<512x8xi32>,
    %slice3A_115 = vector.extract_strided_slice %convert_element_type3A_31 {offsets = [0, 1408], sizes = [512, 128], strides = [1, 1]} : vector<512x4096xf32> to vector<512x128xf32>
    %dot_general3A_116 = arith.constant dense<0.000000e+00> : vector<512x8xf32>
    %dot_general3A_117 = tpu.matmul %slice3A_115, %convert_element_type3A_39, %dot_general3A_116 {dimension_numbers = #tpu.dot_dimension_numbers<[1], [0], [0], [1], [0, 0, 1, 1], [], []>, transpose_lhs_hint = false} : vector<512x128xf32>, vector<128x8xf32>, vector<512x8xf32> -> vector<512x8xf32>
    %convert_element_type3A_118 = arith.fptosi %dot_general3A_117 : vector<512x8xf32> to vector<512x8xi32>
    %swap3A_119 = arith.constant 0 : index
    %swap3A_120 = arith.constant 88 : index
    %swap3A_121 = vector.load %arg3[%swap3A_119, %swap3A_120] : memref<512x256xi32, #tpu.memory_space<vmem>>, vector<512x8xi32>
    tpu.vector_store %arg3[%swap3A_119, %swap3A_120], %convert_element_type3A_118 {strides = array<i32>} : memref<512x256xi32, #tpu.memory_space<vmem>>, vector<512x8xi32>,
    %slice3A_122 = vector.extract_strided_slice %convert_element_type3A_31 {offsets = [0, 1536], sizes = [512, 128], strides = [1, 1]} : vector<512x4096xf32> to vector<512x128xf32>
    %dot_general3A_123 = arith.constant dense<0.000000e+00> : vector<512x8xf32>
    %dot_general3A_124 = tpu.matmul %slice3A_122, %convert_element_type3A_39, %dot_general3A_123 {dimension_numbers = #tpu.dot_dimension_numbers<[1], [0], [0], [1], [0, 0, 1, 1], [], []>, transpose_lhs_hint = false} : vector<512x128xf32>, vector<128x8xf32>, vector<512x8xf32> -> vector<512x8xf32>
    %convert_element_type3A_125 = arith.fptosi %dot_general3A_124 : vector<512x8xf32> to vector<512x8xi32>
    %swap3A_126 = arith.constant 0 : index
    %swap3A_127 = arith.constant 96 : index
    %swap3A_128 = vector.load %arg3[%swap3A_126, %swap3A_127] : memref<512x256xi32, #tpu.memory_space<vmem>>, vector<512x8xi32>
    tpu.vector_store %arg3[%swap3A_126, %swap3A_127], %convert_element_type3A_125 {strides = array<i32>} : memref<512x256xi32, #tpu.memory_space<vmem>>, vector<512x8xi32>,
    %slice3A_129 = vector.extract_strided_slice %convert_element_type3A_31 {offsets = [0, 1664], sizes = [512, 128], strides = [1, 1]} : vector<512x4096xf32> to vector<512x128xf32>
    %dot_general3A_130 = arith.constant dense<0.000000e+00> : vector<512x8xf32>
    %dot_general3A_131 = tpu.matmul %slice3A_129, %convert_element_type3A_39, %dot_general3A_130 {dimension_numbers = #tpu.dot_dimension_numbers<[1], [0], [0], [1], [0, 0, 1, 1], [], []>, transpose_lhs_hint = false} : vector<512x128xf32>, vector<128x8xf32>, vector<512x8xf32> -> vector<512x8xf32>
    %convert_element_type3A_132 = arith.fptosi %dot_general3A_131 : vector<512x8xf32> to vector<512x8xi32>
    %swap3A_133 = arith.constant 0 : index
    %swap3A_134 = arith.constant 104 : index
    %swap3A_135 = vector.load %arg3[%swap3A_133, %swap3A_134] : memref<512x256xi32, #tpu.memory_space<vmem>>, vector<512x8xi32>
    tpu.vector_store %arg3[%swap3A_133, %swap3A_134], %convert_element_type3A_132 {strides = array<i32>} : memref<512x256xi32, #tpu.memory_space<vmem>>, vector<512x8xi32>,
    %slice3A_136 = vector.extract_strided_slice %convert_element_type3A_31 {offsets = [0, 1792], sizes = [512, 128], strides = [1, 1]} : vector<512x4096xf32> to vector<512x128xf32>
    %dot_general3A_137 = arith.constant dense<0.000000e+00> : vector<512x8xf32>
    %dot_general3A_138 = tpu.matmul %slice3A_136, %convert_element_type3A_39, %dot_general3A_137 {dimension_numbers = #tpu.dot_dimension_numbers<[1], [0], [0], [1], [0, 0, 1, 1], [], []>, transpose_lhs_hint = false} : vector<512x128xf32>, vector<128x8xf32>, vector<512x8xf32> -> vector<512x8xf32>
    %convert_element_type3A_139 = arith.fptosi %dot_general3A_138 : vector<512x8xf32> to vector<512x8xi32>
    %swap3A_140 = arith.constant 0 : index
    %swap3A_141 = arith.constant 112 : index
    %swap3A_142 = vector.load %arg3[%swap3A_140, %swap3A_141] : memref<512x256xi32, #tpu.memory_space<vmem>>, vector<512x8xi32>
    tpu.vector_store %arg3[%swap3A_140, %swap3A_141], %convert_element_type3A_139 {strides = array<i32>} : memref<512x256xi32, #tpu.memory_space<vmem>>, vector<512x8xi32>,
    %slice3A_143 = vector.extract_strided_slice %convert_element_type3A_31 {offsets = [0, 1920], sizes = [512, 128], strides = [1, 1]} : vector<512x4096xf32> to vector<512x128xf32>
    %dot_general3A_144 = arith.constant dense<0.000000e+00> : vector<512x8xf32>
    %dot_general3A_145 = tpu.matmul %slice3A_143, %convert_element_type3A_39, %dot_general3A_144 {dimension_numbers = #tpu.dot_dimension_numbers<[1], [0], [0], [1], [0, 0, 1, 1], [], []>, transpose_lhs_hint = false} : vector<512x128xf32>, vector<128x8xf32>, vector<512x8xf32> -> vector<512x8xf32>
    %convert_element_type3A_146 = arith.fptosi %dot_general3A_145 : vector<512x8xf32> to vector<512x8xi32>
    %swap3A_147 = arith.constant 0 : index
    %swap3A_148 = arith.constant 120 : index
    %swap3A_149 = vector.load %arg3[%swap3A_147, %swap3A_148] : memref<512x256xi32, #tpu.memory_space<vmem>>, vector<512x8xi32>
    tpu.vector_store %arg3[%swap3A_147, %swap3A_148], %convert_element_type3A_146 {strides = array<i32>} : memref<512x256xi32, #tpu.memory_space<vmem>>, vector<512x8xi32>,
    %slice3A_150 = vector.extract_strided_slice %convert_element_type3A_31 {offsets = [0, 2048], sizes = [512, 128], strides = [1, 1]} : vector<512x4096xf32> to vector<512x128xf32>
    %dot_general3A_151 = arith.constant dense<0.000000e+00> : vector<512x8xf32>
    %dot_general3A_152 = tpu.matmul %slice3A_150, %convert_element_type3A_39, %dot_general3A_151 {dimension_numbers = #tpu.dot_dimension_numbers<[1], [0], [0], [1], [0, 0, 1, 1], [], []>, transpose_lhs_hint = false} : vector<512x128xf32>, vector<128x8xf32>, vector<512x8xf32> -> vector<512x8xf32>
    %convert_element_type3A_153 = arith.fptosi %dot_general3A_152 : vector<512x8xf32> to vector<512x8xi32>
    %swap3A_154 = arith.constant 0 : index
    %swap3A_155 = arith.constant 128 : index
    %swap3A_156 = vector.load %arg3[%swap3A_154, %swap3A_155] : memref<512x256xi32, #tpu.memory_space<vmem>>, vector<512x8xi32>
    tpu.vector_store %arg3[%swap3A_154, %swap3A_155], %convert_element_type3A_153 {strides = array<i32>} : memref<512x256xi32, #tpu.memory_space<vmem>>, vector<512x8xi32>,
    %slice3A_157 = vector.extract_strided_slice %convert_element_type3A_31 {offsets = [0, 2176], sizes = [512, 128], strides = [1, 1]} : vector<512x4096xf32> to vector<512x128xf32>
    %dot_general3A_158 = arith.constant dense<0.000000e+00> : vector<512x8xf32>
    %dot_general3A_159 = tpu.matmul %slice3A_157, %convert_element_type3A_39, %dot_general3A_158 {dimension_numbers = #tpu.dot_dimension_numbers<[1], [0], [0], [1], [0, 0, 1, 1], [], []>, transpose_lhs_hint = false} : vector<512x128xf32>, vector<128x8xf32>, vector<512x8xf32> -> vector<512x8xf32>
    %convert_element_type3A_160 = arith.fptosi %dot_general3A_159 : vector<512x8xf32> to vector<512x8xi32>
    %swap3A_161 = arith.constant 0 : index
    %swap3A_162 = arith.constant 136 : index
    %swap3A_163 = vector.load %arg3[%swap3A_161, %swap3A_162] : memref<512x256xi32, #tpu.memory_space<vmem>>, vector<512x8xi32>
    tpu.vector_store %arg3[%swap3A_161, %swap3A_162], %convert_element_type3A_160 {strides = array<i32>} : memref<512x256xi32, #tpu.memory_space<vmem>>, vector<512x8xi32>,
    %slice3A_164 = vector.extract_strided_slice %convert_element_type3A_31 {offsets = [0, 2304], sizes = [512, 128], strides = [1, 1]} : vector<512x4096xf32> to vector<512x128xf32>
    %dot_general3A_165 = arith.constant dense<0.000000e+00> : vector<512x8xf32>
    %dot_general3A_166 = tpu.matmul %slice3A_164, %convert_element_type3A_39, %dot_general3A_165 {dimension_numbers = #tpu.dot_dimension_numbers<[1], [0], [0], [1], [0, 0, 1, 1], [], []>, transpose_lhs_hint = false} : vector<512x128xf32>, vector<128x8xf32>, vector<512x8xf32> -> vector<512x8xf32>
    %convert_element_type3A_167 = arith.fptosi %dot_general3A_166 : vector<512x8xf32> to vector<512x8xi32>
    %swap3A_168 = arith.constant 0 : index
    %swap3A_169 = arith.constant 144 : index
    %swap3A_170 = vector.load %arg3[%swap3A_168, %swap3A_169] : memref<512x256xi32, #tpu.memory_space<vmem>>, vector<512x8xi32>
    tpu.vector_store %arg3[%swap3A_168, %swap3A_169], %convert_element_type3A_167 {strides = array<i32>} : memref<512x256xi32, #tpu.memory_space<vmem>>, vector<512x8xi32>,
    %slice3A_171 = vector.extract_strided_slice %convert_element_type3A_31 {offsets = [0, 2432], sizes = [512, 128], strides = [1, 1]} : vector<512x4096xf32> to vector<512x128xf32>
    %dot_general3A_172 = arith.constant dense<0.000000e+00> : vector<512x8xf32>
    %dot_general3A_173 = tpu.matmul %slice3A_171, %convert_element_type3A_39, %dot_general3A_172 {dimension_numbers = #tpu.dot_dimension_numbers<[1], [0], [0], [1], [0, 0, 1, 1], [], []>, transpose_lhs_hint = false} : vector<512x128xf32>, vector<128x8xf32>, vector<512x8xf32> -> vector<512x8xf32>
    %convert_element_type3A_174 = arith.fptosi %dot_general3A_173 : vector<512x8xf32> to vector<512x8xi32>
    %swap3A_175 = arith.constant 0 : index
    %swap3A_176 = arith.constant 152 : index
    %swap3A_177 = vector.load %arg3[%swap3A_175, %swap3A_176] : memref<512x256xi32, #tpu.memory_space<vmem>>, vector<512x8xi32>
    tpu.vector_store %arg3[%swap3A_175, %swap3A_176], %convert_element_type3A_174 {strides = array<i32>} : memref<512x256xi32, #tpu.memory_space<vmem>>, vector<512x8xi32>,
    %slice3A_178 = vector.extract_strided_slice %convert_element_type3A_31 {offsets = [0, 2560], sizes = [512, 128], strides = [1, 1]} : vector<512x4096xf32> to vector<512x128xf32>
    %dot_general3A_179 = arith.constant dense<0.000000e+00> : vector<512x8xf32>
    %dot_general3A_180 = tpu.matmul %slice3A_178, %convert_element_type3A_39, %dot_general3A_179 {dimension_numbers = #tpu.dot_dimension_numbers<[1], [0], [0], [1], [0, 0, 1, 1], [], []>, transpose_lhs_hint = false} : vector<512x128xf32>, vector<128x8xf32>, vector<512x8xf32> -> vector<512x8xf32>
    %convert_element_type3A_181 = arith.fptosi %dot_general3A_180 : vector<512x8xf32> to vector<512x8xi32>
    %swap3A_182 = arith.constant 0 : index
    %swap3A_183 = arith.constant 160 : index
    %swap3A_184 = vector.load %arg3[%swap3A_182, %swap3A_183] : memref<512x256xi32, #tpu.memory_space<vmem>>, vector<512x8xi32>
    tpu.vector_store %arg3[%swap3A_182, %swap3A_183], %convert_element_type3A_181 {strides = array<i32>} : memref<512x256xi32, #tpu.memory_space<vmem>>, vector<512x8xi32>,
    %slice3A_185 = vector.extract_strided_slice %convert_element_type3A_31 {offsets = [0, 2688], sizes = [512, 128], strides = [1, 1]} : vector<512x4096xf32> to vector<512x128xf32>
    %dot_general3A_186 = arith.constant dense<0.000000e+00> : vector<512x8xf32>
    %dot_general3A_187 = tpu.matmul %slice3A_185, %convert_element_type3A_39, %dot_general3A_186 {dimension_numbers = #tpu.dot_dimension_numbers<[1], [0], [0], [1], [0, 0, 1, 1], [], []>, transpose_lhs_hint = false} : vector<512x128xf32>, vector<128x8xf32>, vector<512x8xf32> -> vector<512x8xf32>
    %convert_element_type3A_188 = arith.fptosi %dot_general3A_187 : vector<512x8xf32> to vector<512x8xi32>
    %swap3A_189 = arith.constant 0 : index
    %swap3A_190 = arith.constant 168 : index
    %swap3A_191 = vector.load %arg3[%swap3A_189, %swap3A_190] : memref<512x256xi32, #tpu.memory_space<vmem>>, vector<512x8xi32>
    tpu.vector_store %arg3[%swap3A_189, %swap3A_190], %convert_element_type3A_188 {strides = array<i32>} : memref<512x256xi32, #tpu.memory_space<vmem>>, vector<512x8xi32>,
    %slice3A_192 = vector.extract_strided_slice %convert_element_type3A_31 {offsets = [0, 2816], sizes = [512, 128], strides = [1, 1]} : vector<512x4096xf32> to vector<512x128xf32>
    %dot_general3A_193 = arith.constant dense<0.000000e+00> : vector<512x8xf32>
    %dot_general3A_194 = tpu.matmul %slice3A_192, %convert_element_type3A_39, %dot_general3A_193 {dimension_numbers = #tpu.dot_dimension_numbers<[1], [0], [0], [1], [0, 0, 1, 1], [], []>, transpose_lhs_hint = false} : vector<512x128xf32>, vector<128x8xf32>, vector<512x8xf32> -> vector<512x8xf32>
    %convert_element_type3A_195 = arith.fptosi %dot_general3A_194 : vector<512x8xf32> to vector<512x8xi32>
    %swap3A_196 = arith.constant 0 : index
    %swap3A_197 = arith.constant 176 : index
    %swap3A_198 = vector.load %arg3[%swap3A_196, %swap3A_197] : memref<512x256xi32, #tpu.memory_space<vmem>>, vector<512x8xi32>
    tpu.vector_store %arg3[%swap3A_196, %swap3A_197], %convert_element_type3A_195 {strides = array<i32>} : memref<512x256xi32, #tpu.memory_space<vmem>>, vector<512x8xi32>,
    %slice3A_199 = vector.extract_strided_slice %convert_element_type3A_31 {offsets = [0, 2944], sizes = [512, 128], strides = [1, 1]} : vector<512x4096xf32> to vector<512x128xf32>
    %dot_general3A_200 = arith.constant dense<0.000000e+00> : vector<512x8xf32>
    %dot_general3A_201 = tpu.matmul %slice3A_199, %convert_element_type3A_39, %dot_general3A_200 {dimension_numbers = #tpu.dot_dimension_numbers<[1], [0], [0], [1], [0, 0, 1, 1], [], []>, transpose_lhs_hint = false} : vector<512x128xf32>, vector<128x8xf32>, vector<512x8xf32> -> vector<512x8xf32>
    %convert_element_type3A_202 = arith.fptosi %dot_general3A_201 : vector<512x8xf32> to vector<512x8xi32>
    %swap3A_203 = arith.constant 0 : index
    %swap3A_204 = arith.constant 184 : index
    %swap3A_205 = vector.load %arg3[%swap3A_203, %swap3A_204] : memref<512x256xi32, #tpu.memory_space<vmem>>, vector<512x8xi32>
    tpu.vector_store %arg3[%swap3A_203, %swap3A_204], %convert_element_type3A_202 {strides = array<i32>} : memref<512x256xi32, #tpu.memory_space<vmem>>, vector<512x8xi32>,
    %slice3A_206 = vector.extract_strided_slice %convert_element_type3A_31 {offsets = [0, 3072], sizes = [512, 128], strides = [1, 1]} : vector<512x4096xf32> to vector<512x128xf32>
    %dot_general3A_207 = arith.constant dense<0.000000e+00> : vector<512x8xf32>
    %dot_general3A_208 = tpu.matmul %slice3A_206, %convert_element_type3A_39, %dot_general3A_207 {dimension_numbers = #tpu.dot_dimension_numbers<[1], [0], [0], [1], [0, 0, 1, 1], [], []>, transpose_lhs_hint = false} : vector<512x128xf32>, vector<128x8xf32>, vector<512x8xf32> -> vector<512x8xf32>
    %convert_element_type3A_209 = arith.fptosi %dot_general3A_208 : vector<512x8xf32> to vector<512x8xi32>
    %swap3A_210 = arith.constant 0 : index
    %swap3A_211 = arith.constant 192 : index
    %swap3A_212 = vector.load %arg3[%swap3A_210, %swap3A_211] : memref<512x256xi32, #tpu.memory_space<vmem>>, vector<512x8xi32>
    tpu.vector_store %arg3[%swap3A_210, %swap3A_211], %convert_element_type3A_209 {strides = array<i32>} : memref<512x256xi32, #tpu.memory_space<vmem>>, vector<512x8xi32>,
    %slice3A_213 = vector.extract_strided_slice %convert_element_type3A_31 {offsets = [0, 3200], sizes = [512, 128], strides = [1, 1]} : vector<512x4096xf32> to vector<512x128xf32>
    %dot_general3A_214 = arith.constant dense<0.000000e+00> : vector<512x8xf32>
    %dot_general3A_215 = tpu.matmul %slice3A_213, %convert_element_type3A_39, %dot_general3A_214 {dimension_numbers = #tpu.dot_dimension_numbers<[1], [0], [0], [1], [0, 0, 1, 1], [], []>, transpose_lhs_hint = false} : vector<512x128xf32>, vector<128x8xf32>, vector<512x8xf32> -> vector<512x8xf32>
    %convert_element_type3A_216 = arith.fptosi %dot_general3A_215 : vector<512x8xf32> to vector<512x8xi32>
    %swap3A_217 = arith.constant 0 : index
    %swap3A_218 = arith.constant 200 : index
    %swap3A_219 = vector.load %arg3[%swap3A_217, %swap3A_218] : memref<512x256xi32, #tpu.memory_space<vmem>>, vector<512x8xi32>
    tpu.vector_store %arg3[%swap3A_217, %swap3A_218], %convert_element_type3A_216 {strides = array<i32>} : memref<512x256xi32, #tpu.memory_space<vmem>>, vector<512x8xi32>,
    %slice3A_220 = vector.extract_strided_slice %convert_element_type3A_31 {offsets = [0, 3328], sizes = [512, 128], strides = [1, 1]} : vector<512x4096xf32> to vector<512x128xf32>
    %dot_general3A_221 = arith.constant dense<0.000000e+00> : vector<512x8xf32>
    %dot_general3A_222 = tpu.matmul %slice3A_220, %convert_element_type3A_39, %dot_general3A_221 {dimension_numbers = #tpu.dot_dimension_numbers<[1], [0], [0], [1], [0, 0, 1, 1], [], []>, transpose_lhs_hint = false} : vector<512x128xf32>, vector<128x8xf32>, vector<512x8xf32> -> vector<512x8xf32>
    %convert_element_type3A_223 = arith.fptosi %dot_general3A_222 : vector<512x8xf32> to vector<512x8xi32>
    %swap3A_224 = arith.constant 0 : index
    %swap3A_225 = arith.constant 208 : index
    %swap3A_226 = vector.load %arg3[%swap3A_224, %swap3A_225] : memref<512x256xi32, #tpu.memory_space<vmem>>, vector<512x8xi32>
    tpu.vector_store %arg3[%swap3A_224, %swap3A_225], %convert_element_type3A_223 {strides = array<i32>} : memref<512x256xi32, #tpu.memory_space<vmem>>, vector<512x8xi32>,
    %slice3A_227 = vector.extract_strided_slice %convert_element_type3A_31 {offsets = [0, 3456], sizes = [512, 128], strides = [1, 1]} : vector<512x4096xf32> to vector<512x128xf32>
    %dot_general3A_228 = arith.constant dense<0.000000e+00> : vector<512x8xf32>
    %dot_general3A_229 = tpu.matmul %slice3A_227, %convert_element_type3A_39, %dot_general3A_228 {dimension_numbers = #tpu.dot_dimension_numbers<[1], [0], [0], [1], [0, 0, 1, 1], [], []>, transpose_lhs_hint = false} : vector<512x128xf32>, vector<128x8xf32>, vector<512x8xf32> -> vector<512x8xf32>
    %convert_element_type3A_230 = arith.fptosi %dot_general3A_229 : vector<512x8xf32> to vector<512x8xi32>
    %swap3A_231 = arith.constant 0 : index
    %swap3A_232 = arith.constant 216 : index
    %swap3A_233 = vector.load %arg3[%swap3A_231, %swap3A_232] : memref<512x256xi32, #tpu.memory_space<vmem>>, vector<512x8xi32>
    tpu.vector_store %arg3[%swap3A_231, %swap3A_232], %convert_element_type3A_230 {strides = array<i32>} : memref<512x256xi32, #tpu.memory_space<vmem>>, vector<512x8xi32>,
    %slice3A_234 = vector.extract_strided_slice %convert_element_type3A_31 {offsets = [0, 3584], sizes = [512, 128], strides = [1, 1]} : vector<512x4096xf32> to vector<512x128xf32>
    %dot_general3A_235 = arith.constant dense<0.000000e+00> : vector<512x8xf32>
    %dot_general3A_236 = tpu.matmul %slice3A_234, %convert_element_type3A_39, %dot_general3A_235 {dimension_numbers = #tpu.dot_dimension_numbers<[1], [0], [0], [1], [0, 0, 1, 1], [], []>, transpose_lhs_hint = false} : vector<512x128xf32>, vector<128x8xf32>, vector<512x8xf32> -> vector<512x8xf32>
    %convert_element_type3A_237 = arith.fptosi %dot_general3A_236 : vector<512x8xf32> to vector<512x8xi32>
    %swap3A_238 = arith.constant 0 : index
    %swap3A_239 = arith.constant 224 : index
    %swap3A_240 = vector.load %arg3[%swap3A_238, %swap3A_239] : memref<512x256xi32, #tpu.memory_space<vmem>>, vector<512x8xi32>
    tpu.vector_store %arg3[%swap3A_238, %swap3A_239], %convert_element_type3A_237 {strides = array<i32>} : memref<512x256xi32, #tpu.memory_space<vmem>>, vector<512x8xi32>,
    %slice3A_241 = vector.extract_strided_slice %convert_element_type3A_31 {offsets = [0, 3712], sizes = [512, 128], strides = [1, 1]} : vector<512x4096xf32> to vector<512x128xf32>
    %dot_general3A_242 = arith.constant dense<0.000000e+00> : vector<512x8xf32>
    %dot_general3A_243 = tpu.matmul %slice3A_241, %convert_element_type3A_39, %dot_general3A_242 {dimension_numbers = #tpu.dot_dimension_numbers<[1], [0], [0], [1], [0, 0, 1, 1], [], []>, transpose_lhs_hint = false} : vector<512x128xf32>, vector<128x8xf32>, vector<512x8xf32> -> vector<512x8xf32>
    %convert_element_type3A_244 = arith.fptosi %dot_general3A_243 : vector<512x8xf32> to vector<512x8xi32>
    %swap3A_245 = arith.constant 0 : index
    %swap3A_246 = arith.constant 232 : index
    %swap3A_247 = vector.load %arg3[%swap3A_245, %swap3A_246] : memref<512x256xi32, #tpu.memory_space<vmem>>, vector<512x8xi32>
    tpu.vector_store %arg3[%swap3A_245, %swap3A_246], %convert_element_type3A_244 {strides = array<i32>} : memref<512x256xi32, #tpu.memory_space<vmem>>, vector<512x8xi32>,
    %slice3A_248 = vector.extract_strided_slice %convert_element_type3A_31 {offsets = [0, 3840], sizes = [512, 128], strides = [1, 1]} : vector<512x4096xf32> to vector<512x128xf32>
    %dot_general3A_249 = arith.constant dense<0.000000e+00> : vector<512x8xf32>
    %dot_general3A_250 = tpu.matmul %slice3A_248, %convert_element_type3A_39, %dot_general3A_249 {dimension_numbers = #tpu.dot_dimension_numbers<[1], [0], [0], [1], [0, 0, 1, 1], [], []>, transpose_lhs_hint = false} : vector<512x128xf32>, vector<128x8xf32>, vector<512x8xf32> -> vector<512x8xf32>
    %convert_element_type3A_251 = arith.fptosi %dot_general3A_250 : vector<512x8xf32> to vector<512x8xi32>
    %swap3A_252 = arith.constant 0 : index
    %swap3A_253 = arith.constant 240 : index
    %swap3A_254 = vector.load %arg3[%swap3A_252, %swap3A_253] : memref<512x256xi32, #tpu.memory_space<vmem>>, vector<512x8xi32>
    tpu.vector_store %arg3[%swap3A_252, %swap3A_253], %convert_element_type3A_251 {strides = array<i32>} : memref<512x256xi32, #tpu.memory_space<vmem>>, vector<512x8xi32>,
    %slice3A_255 = vector.extract_strided_slice %convert_element_type3A_31 {offsets = [0, 3968], sizes = [512, 128], strides = [1, 1]} : vector<512x4096xf32> to vector<512x128xf32>
    %dot_general3A_256 = arith.constant dense<0.000000e+00> : vector<512x8xf32>
    %dot_general3A_257 = tpu.matmul %slice3A_255, %convert_element_type3A_39, %dot_general3A_256 {dimension_numbers = #tpu.dot_dimension_numbers<[1], [0], [0], [1], [0, 0, 1, 1], [], []>, transpose_lhs_hint = false} : vector<512x128xf32>, vector<128x8xf32>, vector<512x8xf32> -> vector<512x8xf32>
    %convert_element_type3A_258 = arith.fptosi %dot_general3A_257 : vector<512x8xf32> to vector<512x8xi32>
    %swap3A_259 = arith.constant 0 : index
    %swap3A_260 = arith.constant 248 : index
    %swap3A_261 = vector.load %arg3[%swap3A_259, %swap3A_260] : memref<512x256xi32, #tpu.memory_space<vmem>>, vector<512x8xi32>
    tpu.vector_store %arg3[%swap3A_259, %swap3A_260], %convert_element_type3A_258 {strides = array<i32>} : memref<512x256xi32, #tpu.memory_space<vmem>>, vector<512x8xi32>,
    return
  }
  func.func @transform_0(%arg0: i32) -> (i32, i32, i32) {
    %c0_i32 = arith.constant 0 : i32
    %c0_i32_0 = arith.constant 0 : i32
    %c0_i32_1 = arith.constant 0 : i32
    return %c0_i32, %arg0, %c0_i32_0 : i32, i32, i32
  }
  func.func @transform_1(%arg0: i32) -> (i32, i32, i32) {
    %c0_i32 = arith.constant 0 : i32
    %c0_i32_0 = arith.constant 0 : i32
    %c0_i32_1 = arith.constant 0 : i32
    %c0_i32_2 = arith.constant 0 : i32
    return %c0_i32, %c0_i32_0, %c0_i32_1 : i32, i32, i32
  }
  func.func @transform_2(%arg0: i32) -> (i32, i32) {
    %c0_i32 = arith.constant 0 : i32
    %c0_i32_0 = arith.constant 0 : i32
    return %arg0, %c0_i32 : i32, i32
  }
}

module attributes {stable_mosaic.version = 14 : i64} {
  func.func @_mask_pack_body(%arg0: i32, %arg1: memref<1x512x3xf32, #tpu.memory_space<vmem>>, %arg2: memref<1x3x4096xf32, #tpu.memory_space<vmem>>, %arg3: memref<512x256xi32, #tpu.memory_space<vmem>>) attributes {dimension_semantics = [#tpu.dimension_semantics<arbitrary>], iteration_bounds = array<i64: 8>, scalar_prefetch = 0 : i64, scratch_operands = 0 : i64, tpu.core_type = #tpu.core_type<tc>, window_params = [{transform_indices = @transform_0, window_bounds = array<i64: 1, 512, 3>}, {transform_indices = @transform_1, window_bounds = array<i64: 1, 3, 4096>}, {transform_indices = @transform_2, window_bounds = array<i64: 512, 256>}]} {
    %get3A = arith.constant 0 : index
    %get3A_0 = arith.constant 0 : index
    %get3A_1 = arith.constant 0 : index
    %get3A_2 = vector.load %arg1[%get3A, %get3A_0, %get3A_1] : memref<1x512x3xf32, #tpu.memory_space<vmem>>, vector<1x512x3xf32>
    %get3A_3 = vector.shape_cast %get3A_2 : vector<1x512x3xf32> to vector<512x3xf32>
    %get3A_4 = arith.constant 0 : index
    %get3A_5 = arith.constant 0 : index
    %get3A_6 = arith.constant 0 : index
    %get3A_7 = vector.load %arg2[%get3A_4, %get3A_5, %get3A_6] : memref<1x3x4096xf32, #tpu.memory_space<vmem>>, vector<1x3x4096xf32>
    %get3A_8 = vector.shape_cast %get3A_7 : vector<1x3x4096xf32> to vector<3x4096xf32>
    %slice3A = vector.extract_strided_slice %get3A_3 {offsets = [0, 0], sizes = [512, 1], strides = [1, 1]} : vector<512x3xf32> to vector<512x1xf32>
    %squeeze3A = vector.shape_cast %slice3A : vector<512x1xf32> to vector<512xf32>
    %reshape3A = vector.shape_cast %squeeze3A : vector<512xf32> to vector<512x1xf32>
    %slice3A_9 = vector.extract_strided_slice %get3A_8 {offsets = [0, 0], sizes = [1, 4096], strides = [1, 1]} : vector<3x4096xf32> to vector<1x4096xf32>
    %sub3A = vector.broadcast %reshape3A : vector<512x1xf32> to vector<512x4096xf32>
    %sub3A_10 = vector.broadcast %slice3A_9 : vector<1x4096xf32> to vector<512x4096xf32>
    %sub3A_11 = arith.subf %sub3A, %sub3A_10 : vector<512x4096xf32>
    %slice3A_12 = vector.extract_strided_slice %get3A_3 {offsets = [0, 1], sizes = [512, 1], strides = [1, 1]} : vector<512x3xf32> to vector<512x1xf32>
    %squeeze3A_13 = vector.shape_cast %slice3A_12 : vector<512x1xf32> to vector<512xf32>
    %reshape3A_14 = vector.shape_cast %squeeze3A_13 : vector<512xf32> to vector<512x1xf32>
    %slice3A_15 = vector.extract_strided_slice %get3A_8 {offsets = [1, 0], sizes = [1, 4096], strides = [1, 1]} : vector<3x4096xf32> to vector<1x4096xf32>
    %sub3A_16 = vector.broadcast %reshape3A_14 : vector<512x1xf32> to vector<512x4096xf32>
    %sub3A_17 = vector.broadcast %slice3A_15 : vector<1x4096xf32> to vector<512x4096xf32>
    %sub3A_18 = arith.subf %sub3A_16, %sub3A_17 : vector<512x4096xf32>
    %slice3A_19 = vector.extract_strided_slice %get3A_3 {offsets = [0, 2], sizes = [512, 1], strides = [1, 1]} : vector<512x3xf32> to vector<512x1xf32>
    %squeeze3A_20 = vector.shape_cast %slice3A_19 : vector<512x1xf32> to vector<512xf32>
    %reshape3A_21 = vector.shape_cast %squeeze3A_20 : vector<512xf32> to vector<512x1xf32>
    %slice3A_22 = vector.extract_strided_slice %get3A_8 {offsets = [2, 0], sizes = [1, 4096], strides = [1, 1]} : vector<3x4096xf32> to vector<1x4096xf32>
    %sub3A_23 = vector.broadcast %reshape3A_21 : vector<512x1xf32> to vector<512x4096xf32>
    %sub3A_24 = vector.broadcast %slice3A_22 : vector<1x4096xf32> to vector<512x4096xf32>
    %sub3A_25 = arith.subf %sub3A_23, %sub3A_24 : vector<512x4096xf32>
    %mul3A = arith.mulf %sub3A_11, %sub3A_11 : vector<512x4096xf32>
    %mul3A_26 = arith.mulf %sub3A_18, %sub3A_18 : vector<512x4096xf32>
    %add3A = arith.addf %mul3A, %mul3A_26 : vector<512x4096xf32>
    %mul3A_27 = arith.mulf %sub3A_25, %sub3A_25 : vector<512x4096xf32>
    %add3A_28 = arith.addf %add3A, %mul3A_27 : vector<512x4096xf32>
    %lt3A = arith.constant 0.00999999977 : f32
    %lt3A_29 = vector.broadcast %lt3A : f32 to vector<512x4096xf32>
    %lt3A_30 = arith.cmpf olt, %add3A_28, %lt3A_29 : vector<512x4096xf32>
    %convert_element_type3A = arith.extui %lt3A_30 : vector<512x4096xi1> to vector<512x4096xi32>
    %convert_element_type3A_31 = arith.sitofp %convert_element_type3A : vector<512x4096xi32> to vector<512x4096xf32>
    %iota3A = tpu.iota {dimensions = array<i32: 0>} : vector<128x8xi32>
    %iota3A_32 = tpu.iota {dimensions = array<i32: 1>} : vector<128x8xi32>
    %shift_right_arithmetic3A = arith.constant 4 : i32
    %shift_right_arithmetic3A_33 = vector.broadcast %shift_right_arithmetic3A : i32 to vector<128x8xi32>
    %shift_right_arithmetic3A_34 = arith.shrsi %iota3A, %shift_right_arithmetic3A_33 : vector<128x8xi32>
    %eq3A = arith.cmpi eq, %shift_right_arithmetic3A_34, %iota3A_32 : vector<128x8xi32>
    %and3A = arith.constant 15 : i32
    %and3A_35 = vector.broadcast %and3A : i32 to vector<128x8xi32>
    %and3A_36 = arith.andi %iota3A, %and3A_35 : vector<128x8xi32>
    %shift_left3A = arith.constant 1 : i32
    %shift_left3A_37 = vector.broadcast %shift_left3A : i32 to vector<128x8xi32>
    %shift_left3A_38 = arith.shli %shift_left3A_37, %and3A_36 : vector<128x8xi32>
    %jit3A = arith.constant 0 : i32
    %broadcast_in_dim3A = vector.broadcast %jit3A : i32 to vector<128x8xi32>
    %select_n3A = arith.select %eq3A, %shift_left3A_38, %broadcast_in_dim3A : vector<128x8xi1>, vector<128x8xi32>
    %convert_element_type3A_39 = arith.sitofp %select_n3A : vector<128x8xi32> to vector<128x8xf32>
    %slice3A_40 = vector.extract_strided_slice %convert_element_type3A_31 {offsets = [0, 0], sizes = [512, 128], strides = [1, 1]} : vector<512x4096xf32> to vector<512x128xf32>
    %dot_general3A = arith.constant dense<0.000000e+00> : vector<512x8xf32>
    %dot_general3A_41 = tpu.matmul %slice3A_40, %convert_element_type3A_39, %dot_general3A {dimension_numbers = #tpu.dot_dimension_numbers<[1], [0], [0], [1], [0, 0, 1, 1], [], []>, transpose_lhs_hint = false} : vector<512x128xf32>, vector<128x8xf32>, vector<512x8xf32> -> vector<512x8xf32>
    %convert_element_type3A_42 = arith.fptosi %dot_general3A_41 : vector<512x8xf32> to vector<512x8xi32>
    %swap3A = arith.constant 0 : index
    %swap3A_43 = arith.constant 0 : index
    %swap3A_44 = vector.load %arg3[%swap3A, %swap3A_43] : memref<512x256xi32, #tpu.memory_space<vmem>>, vector<512x8xi32>
    tpu.vector_store %arg3[%swap3A, %swap3A_43], %convert_element_type3A_42 {strides = array<i32>} : memref<512x256xi32, #tpu.memory_space<vmem>>, vector<512x8xi32>,
    %slice3A_45 = vector.extract_strided_slice %convert_element_type3A_31 {offsets = [0, 128], sizes = [512, 128], strides = [1, 1]} : vector<512x4096xf32> to vector<512x128xf32>
    %dot_general3A_46 = arith.constant dense<0.000000e+00> : vector<512x8xf32>
    %dot_general3A_47 = tpu.matmul %slice3A_45, %convert_element_type3A_39, %dot_general3A_46 {dimension_numbers = #tpu.dot_dimension_numbers<[1], [0], [0], [1], [0, 0, 1, 1], [], []>, transpose_lhs_hint = false} : vector<512x128xf32>, vector<128x8xf32>, vector<512x8xf32> -> vector<512x8xf32>
    %convert_element_type3A_48 = arith.fptosi %dot_general3A_47 : vector<512x8xf32> to vector<512x8xi32>
    %swap3A_49 = arith.constant 0 : index
    %swap3A_50 = arith.constant 8 : index
    %swap3A_51 = vector.load %arg3[%swap3A_49, %swap3A_50] : memref<512x256xi32, #tpu.memory_space<vmem>>, vector<512x8xi32>
    tpu.vector_store %arg3[%swap3A_49, %swap3A_50], %convert_element_type3A_48 {strides = array<i32>} : memref<512x256xi32, #tpu.memory_space<vmem>>, vector<512x8xi32>,
    %slice3A_52 = vector.extract_strided_slice %convert_element_type3A_31 {offsets = [0, 256], sizes = [512, 128], strides = [1, 1]} : vector<512x4096xf32> to vector<512x128xf32>
    %dot_general3A_53 = arith.constant dense<0.000000e+00> : vector<512x8xf32>
    %dot_general3A_54 = tpu.matmul %slice3A_52, %convert_element_type3A_39, %dot_general3A_53 {dimension_numbers = #tpu.dot_dimension_numbers<[1], [0], [0], [1], [0, 0, 1, 1], [], []>, transpose_lhs_hint = false} : vector<512x128xf32>, vector<128x8xf32>, vector<512x8xf32> -> vector<512x8xf32>
    %convert_element_type3A_55 = arith.fptosi %dot_general3A_54 : vector<512x8xf32> to vector<512x8xi32>
    %swap3A_56 = arith.constant 0 : index
    %swap3A_57 = arith.constant 16 : index
    %swap3A_58 = vector.load %arg3[%swap3A_56, %swap3A_57] : memref<512x256xi32, #tpu.memory_space<vmem>>, vector<512x8xi32>
    tpu.vector_store %arg3[%swap3A_56, %swap3A_57], %convert_element_type3A_55 {strides = array<i32>} : memref<512x256xi32, #tpu.memory_space<vmem>>, vector<512x8xi32>,
    %slice3A_59 = vector.extract_strided_slice %convert_element_type3A_31 {offsets = [0, 384], sizes = [512, 128], strides = [1, 1]} : vector<512x4096xf32> to vector<512x128xf32>
    %dot_general3A_60 = arith.constant dense<0.000000e+00> : vector<512x8xf32>
    %dot_general3A_61 = tpu.matmul %slice3A_59, %convert_element_type3A_39, %dot_general3A_60 {dimension_numbers = #tpu.dot_dimension_numbers<[1], [0], [0], [1], [0, 0, 1, 1], [], []>, transpose_lhs_hint = false} : vector<512x128xf32>, vector<128x8xf32>, vector<512x8xf32> -> vector<512x8xf32>
    %convert_element_type3A_62 = arith.fptosi %dot_general3A_61 : vector<512x8xf32> to vector<512x8xi32>
    %swap3A_63 = arith.constant 0 : index
    %swap3A_64 = arith.constant 24 : index
    %swap3A_65 = vector.load %arg3[%swap3A_63, %swap3A_64] : memref<512x256xi32, #tpu.memory_space<vmem>>, vector<512x8xi32>
    tpu.vector_store %arg3[%swap3A_63, %swap3A_64], %convert_element_type3A_62 {strides = array<i32>} : memref<512x256xi32, #tpu.memory_space<vmem>>, vector<512x8xi32>,
    %slice3A_66 = vector.extract_strided_slice %convert_element_type3A_31 {offsets = [0, 512], sizes = [512, 128], strides = [1, 1]} : vector<512x4096xf32> to vector<512x128xf32>
    %dot_general3A_67 = arith.constant dense<0.000000e+00> : vector<512x8xf32>
    %dot_general3A_68 = tpu.matmul %slice3A_66, %convert_element_type3A_39, %dot_general3A_67 {dimension_numbers = #tpu.dot_dimension_numbers<[1], [0], [0], [1], [0, 0, 1, 1], [], []>, transpose_lhs_hint = false} : vector<512x128xf32>, vector<128x8xf32>, vector<512x8xf32> -> vector<512x8xf32>
    %convert_element_type3A_69 = arith.fptosi %dot_general3A_68 : vector<512x8xf32> to vector<512x8xi32>
    %swap3A_70 = arith.constant 0 : index
    %swap3A_71 = arith.constant 32 : index
    %swap3A_72 = vector.load %arg3[%swap3A_70, %swap3A_71] : memref<512x256xi32, #tpu.memory_space<vmem>>, vector<512x8xi32>
    tpu.vector_store %arg3[%swap3A_70, %swap3A_71], %convert_element_type3A_69 {strides = array<i32>} : memref<512x256xi32, #tpu.memory_space<vmem>>, vector<512x8xi32>,
    %slice3A_73 = vector.extract_strided_slice %convert_element_type3A_31 {offsets = [0, 640], sizes = [512, 128], strides = [1, 1]} : vector<512x4096xf32> to vector<512x128xf32>
    %dot_general3A_74 = arith.constant dense<0.000000e+00> : vector<512x8xf32>
    %dot_general3A_75 = tpu.matmul %slice3A_73, %convert_element_type3A_39, %dot_general3A_74 {dimension_numbers = #tpu.dot_dimension_numbers<[1], [0], [0], [1], [0, 0, 1, 1], [], []>, transpose_lhs_hint = false} : vector<512x128xf32>, vector<128x8xf32>, vector<512x8xf32> -> vector<512x8xf32>
    %convert_element_type3A_76 = arith.fptosi %dot_general3A_75 : vector<512x8xf32> to vector<512x8xi32>
    %swap3A_77 = arith.constant 0 : index
    %swap3A_78 = arith.constant 40 : index
    %swap3A_79 = vector.load %arg3[%swap3A_77, %swap3A_78] : memref<512x256xi32, #tpu.memory_space<vmem>>, vector<512x8xi32>
    tpu.vector_store %arg3[%swap3A_77, %swap3A_78], %convert_element_type3A_76 {strides = array<i32>} : memref<512x256xi32, #tpu.memory_space<vmem>>, vector<512x8xi32>,
    %slice3A_80 = vector.extract_strided_slice %convert_element_type3A_31 {offsets = [0, 768], sizes = [512, 128], strides = [1, 1]} : vector<512x4096xf32> to vector<512x128xf32>
    %dot_general3A_81 = arith.constant dense<0.000000e+00> : vector<512x8xf32>
    %dot_general3A_82 = tpu.matmul %slice3A_80, %convert_element_type3A_39, %dot_general3A_81 {dimension_numbers = #tpu.dot_dimension_numbers<[1], [0], [0], [1], [0, 0, 1, 1], [], []>, transpose_lhs_hint = false} : vector<512x128xf32>, vector<128x8xf32>, vector<512x8xf32> -> vector<512x8xf32>
    %convert_element_type3A_83 = arith.fptosi %dot_general3A_82 : vector<512x8xf32> to vector<512x8xi32>
    %swap3A_84 = arith.constant 0 : index
    %swap3A_85 = arith.constant 48 : index
    %swap3A_86 = vector.load %arg3[%swap3A_84, %swap3A_85] : memref<512x256xi32, #tpu.memory_space<vmem>>, vector<512x8xi32>
    tpu.vector_store %arg3[%swap3A_84, %swap3A_85], %convert_element_type3A_83 {strides = array<i32>} : memref<512x256xi32, #tpu.memory_space<vmem>>, vector<512x8xi32>,
    %slice3A_87 = vector.extract_strided_slice %convert_element_type3A_31 {offsets = [0, 896], sizes = [512, 128], strides = [1, 1]} : vector<512x4096xf32> to vector<512x128xf32>
    %dot_general3A_88 = arith.constant dense<0.000000e+00> : vector<512x8xf32>
    %dot_general3A_89 = tpu.matmul %slice3A_87, %convert_element_type3A_39, %dot_general3A_88 {dimension_numbers = #tpu.dot_dimension_numbers<[1], [0], [0], [1], [0, 0, 1, 1], [], []>, transpose_lhs_hint = false} : vector<512x128xf32>, vector<128x8xf32>, vector<512x8xf32> -> vector<512x8xf32>
    %convert_element_type3A_90 = arith.fptosi %dot_general3A_89 : vector<512x8xf32> to vector<512x8xi32>
    %swap3A_91 = arith.constant 0 : index
    %swap3A_92 = arith.constant 56 : index
    %swap3A_93 = vector.load %arg3[%swap3A_91, %swap3A_92] : memref<512x256xi32, #tpu.memory_space<vmem>>, vector<512x8xi32>
    tpu.vector_store %arg3[%swap3A_91, %swap3A_92], %convert_element_type3A_90 {strides = array<i32>} : memref<512x256xi32, #tpu.memory_space<vmem>>, vector<512x8xi32>,
    %slice3A_94 = vector.extract_strided_slice %convert_element_type3A_31 {offsets = [0, 1024], sizes = [512, 128], strides = [1, 1]} : vector<512x4096xf32> to vector<512x128xf32>
    %dot_general3A_95 = arith.constant dense<0.000000e+00> : vector<512x8xf32>
    %dot_general3A_96 = tpu.matmul %slice3A_94, %convert_element_type3A_39, %dot_general3A_95 {dimension_numbers = #tpu.dot_dimension_numbers<[1], [0], [0], [1], [0, 0, 1, 1], [], []>, transpose_lhs_hint = false} : vector<512x128xf32>, vector<128x8xf32>, vector<512x8xf32> -> vector<512x8xf32>
    %convert_element_type3A_97 = arith.fptosi %dot_general3A_96 : vector<512x8xf32> to vector<512x8xi32>
    %swap3A_98 = arith.constant 0 : index
    %swap3A_99 = arith.constant 64 : index
    %swap3A_100 = vector.load %arg3[%swap3A_98, %swap3A_99] : memref<512x256xi32, #tpu.memory_space<vmem>>, vector<512x8xi32>
    tpu.vector_store %arg3[%swap3A_98, %swap3A_99], %convert_element_type3A_97 {strides = array<i32>} : memref<512x256xi32, #tpu.memory_space<vmem>>, vector<512x8xi32>,
    %slice3A_101 = vector.extract_strided_slice %convert_element_type3A_31 {offsets = [0, 1152], sizes = [512, 128], strides = [1, 1]} : vector<512x4096xf32> to vector<512x128xf32>
    %dot_general3A_102 = arith.constant dense<0.000000e+00> : vector<512x8xf32>
    %dot_general3A_103 = tpu.matmul %slice3A_101, %convert_element_type3A_39, %dot_general3A_102 {dimension_numbers = #tpu.dot_dimension_numbers<[1], [0], [0], [1], [0, 0, 1, 1], [], []>, transpose_lhs_hint = false} : vector<512x128xf32>, vector<128x8xf32>, vector<512x8xf32> -> vector<512x8xf32>
    %convert_element_type3A_104 = arith.fptosi %dot_general3A_103 : vector<512x8xf32> to vector<512x8xi32>
    %swap3A_105 = arith.constant 0 : index
    %swap3A_106 = arith.constant 72 : index
    %swap3A_107 = vector.load %arg3[%swap3A_105, %swap3A_106] : memref<512x256xi32, #tpu.memory_space<vmem>>, vector<512x8xi32>
    tpu.vector_store %arg3[%swap3A_105, %swap3A_106], %convert_element_type3A_104 {strides = array<i32>} : memref<512x256xi32, #tpu.memory_space<vmem>>, vector<512x8xi32>,
    %slice3A_108 = vector.extract_strided_slice %convert_element_type3A_31 {offsets = [0, 1280], sizes = [512, 128], strides = [1, 1]} : vector<512x4096xf32> to vector<512x128xf32>
    %dot_general3A_109 = arith.constant dense<0.000000e+00> : vector<512x8xf32>
    %dot_general3A_110 = tpu.matmul %slice3A_108, %convert_element_type3A_39, %dot_general3A_109 {dimension_numbers = #tpu.dot_dimension_numbers<[1], [0], [0], [1], [0, 0, 1, 1], [], []>, transpose_lhs_hint = false} : vector<512x128xf32>, vector<128x8xf32>, vector<512x8xf32> -> vector<512x8xf32>
    %convert_element_type3A_111 = arith.fptosi %dot_general3A_110 : vector<512x8xf32> to vector<512x8xi32>
    %swap3A_112 = arith.constant 0 : index
    %swap3A_113 = arith.constant 80 : index
    %swap3A_114 = vector.load %arg3[%swap3A_112, %swap3A_113] : memref<512x256xi32, #tpu.memory_space<vmem>>, vector<512x8xi32>
    tpu.vector_store %arg3[%swap3A_112, %swap3A_113], %convert_element_type3A_111 {strides = array<i32>} : memref<512x256xi32, #tpu.memory_space<vmem>>, vector<512x8xi32>,
    %slice3A_115 = vector.extract_strided_slice %convert_element_type3A_31 {offsets = [0, 1408], sizes = [512, 128], strides = [1, 1]} : vector<512x4096xf32> to vector<512x128xf32>
    %dot_general3A_116 = arith.constant dense<0.000000e+00> : vector<512x8xf32>
    %dot_general3A_117 = tpu.matmul %slice3A_115, %convert_element_type3A_39, %dot_general3A_116 {dimension_numbers = #tpu.dot_dimension_numbers<[1], [0], [0], [1], [0, 0, 1, 1], [], []>, transpose_lhs_hint = false} : vector<512x128xf32>, vector<128x8xf32>, vector<512x8xf32> -> vector<512x8xf32>
    %convert_element_type3A_118 = arith.fptosi %dot_general3A_117 : vector<512x8xf32> to vector<512x8xi32>
    %swap3A_119 = arith.constant 0 : index
    %swap3A_120 = arith.constant 88 : index
    %swap3A_121 = vector.load %arg3[%swap3A_119, %swap3A_120] : memref<512x256xi32, #tpu.memory_space<vmem>>, vector<512x8xi32>
    tpu.vector_store %arg3[%swap3A_119, %swap3A_120], %convert_element_type3A_118 {strides = array<i32>} : memref<512x256xi32, #tpu.memory_space<vmem>>, vector<512x8xi32>,
    %slice3A_122 = vector.extract_strided_slice %convert_element_type3A_31 {offsets = [0, 1536], sizes = [512, 128], strides = [1, 1]} : vector<512x4096xf32> to vector<512x128xf32>
    %dot_general3A_123 = arith.constant dense<0.000000e+00> : vector<512x8xf32>
    %dot_general3A_124 = tpu.matmul %slice3A_122, %convert_element_type3A_39, %dot_general3A_123 {dimension_numbers = #tpu.dot_dimension_numbers<[1], [0], [0], [1], [0, 0, 1, 1], [], []>, transpose_lhs_hint = false} : vector<512x128xf32>, vector<128x8xf32>, vector<512x8xf32> -> vector<512x8xf32>
    %convert_element_type3A_125 = arith.fptosi %dot_general3A_124 : vector<512x8xf32> to vector<512x8xi32>
    %swap3A_126 = arith.constant 0 : index
    %swap3A_127 = arith.constant 96 : index
    %swap3A_128 = vector.load %arg3[%swap3A_126, %swap3A_127] : memref<512x256xi32, #tpu.memory_space<vmem>>, vector<512x8xi32>
    tpu.vector_store %arg3[%swap3A_126, %swap3A_127], %convert_element_type3A_125 {strides = array<i32>} : memref<512x256xi32, #tpu.memory_space<vmem>>, vector<512x8xi32>,
    %slice3A_129 = vector.extract_strided_slice %convert_element_type3A_31 {offsets = [0, 1664], sizes = [512, 128], strides = [1, 1]} : vector<512x4096xf32> to vector<512x128xf32>
    %dot_general3A_130 = arith.constant dense<0.000000e+00> : vector<512x8xf32>
    %dot_general3A_131 = tpu.matmul %slice3A_129, %convert_element_type3A_39, %dot_general3A_130 {dimension_numbers = #tpu.dot_dimension_numbers<[1], [0], [0], [1], [0, 0, 1, 1], [], []>, transpose_lhs_hint = false} : vector<512x128xf32>, vector<128x8xf32>, vector<512x8xf32> -> vector<512x8xf32>
    %convert_element_type3A_132 = arith.fptosi %dot_general3A_131 : vector<512x8xf32> to vector<512x8xi32>
    %swap3A_133 = arith.constant 0 : index
    %swap3A_134 = arith.constant 104 : index
    %swap3A_135 = vector.load %arg3[%swap3A_133, %swap3A_134] : memref<512x256xi32, #tpu.memory_space<vmem>>, vector<512x8xi32>
    tpu.vector_store %arg3[%swap3A_133, %swap3A_134], %convert_element_type3A_132 {strides = array<i32>} : memref<512x256xi32, #tpu.memory_space<vmem>>, vector<512x8xi32>,
    %slice3A_136 = vector.extract_strided_slice %convert_element_type3A_31 {offsets = [0, 1792], sizes = [512, 128], strides = [1, 1]} : vector<512x4096xf32> to vector<512x128xf32>
    %dot_general3A_137 = arith.constant dense<0.000000e+00> : vector<512x8xf32>
    %dot_general3A_138 = tpu.matmul %slice3A_136, %convert_element_type3A_39, %dot_general3A_137 {dimension_numbers = #tpu.dot_dimension_numbers<[1], [0], [0], [1], [0, 0, 1, 1], [], []>, transpose_lhs_hint = false} : vector<512x128xf32>, vector<128x8xf32>, vector<512x8xf32> -> vector<512x8xf32>
    %convert_element_type3A_139 = arith.fptosi %dot_general3A_138 : vector<512x8xf32> to vector<512x8xi32>
    %swap3A_140 = arith.constant 0 : index
    %swap3A_141 = arith.constant 112 : index
    %swap3A_142 = vector.load %arg3[%swap3A_140, %swap3A_141] : memref<512x256xi32, #tpu.memory_space<vmem>>, vector<512x8xi32>
    tpu.vector_store %arg3[%swap3A_140, %swap3A_141], %convert_element_type3A_139 {strides = array<i32>} : memref<512x256xi32, #tpu.memory_space<vmem>>, vector<512x8xi32>,
    %slice3A_143 = vector.extract_strided_slice %convert_element_type3A_31 {offsets = [0, 1920], sizes = [512, 128], strides = [1, 1]} : vector<512x4096xf32> to vector<512x128xf32>
    %dot_general3A_144 = arith.constant dense<0.000000e+00> : vector<512x8xf32>
    %dot_general3A_145 = tpu.matmul %slice3A_143, %convert_element_type3A_39, %dot_general3A_144 {dimension_numbers = #tpu.dot_dimension_numbers<[1], [0], [0], [1], [0, 0, 1, 1], [], []>, transpose_lhs_hint = false} : vector<512x128xf32>, vector<128x8xf32>, vector<512x8xf32> -> vector<512x8xf32>
    %convert_element_type3A_146 = arith.fptosi %dot_general3A_145 : vector<512x8xf32> to vector<512x8xi32>
    %swap3A_147 = arith.constant 0 : index
    %swap3A_148 = arith.constant 120 : index
    %swap3A_149 = vector.load %arg3[%swap3A_147, %swap3A_148] : memref<512x256xi32, #tpu.memory_space<vmem>>, vector<512x8xi32>
    tpu.vector_store %arg3[%swap3A_147, %swap3A_148], %convert_element_type3A_146 {strides = array<i32>} : memref<512x256xi32, #tpu.memory_space<vmem>>, vector<512x8xi32>,
    %slice3A_150 = vector.extract_strided_slice %convert_element_type3A_31 {offsets = [0, 2048], sizes = [512, 128], strides = [1, 1]} : vector<512x4096xf32> to vector<512x128xf32>
    %dot_general3A_151 = arith.constant dense<0.000000e+00> : vector<512x8xf32>
    %dot_general3A_152 = tpu.matmul %slice3A_150, %convert_element_type3A_39, %dot_general3A_151 {dimension_numbers = #tpu.dot_dimension_numbers<[1], [0], [0], [1], [0, 0, 1, 1], [], []>, transpose_lhs_hint = false} : vector<512x128xf32>, vector<128x8xf32>, vector<512x8xf32> -> vector<512x8xf32>
    %convert_element_type3A_153 = arith.fptosi %dot_general3A_152 : vector<512x8xf32> to vector<512x8xi32>
    %swap3A_154 = arith.constant 0 : index
    %swap3A_155 = arith.constant 128 : index
    %swap3A_156 = vector.load %arg3[%swap3A_154, %swap3A_155] : memref<512x256xi32, #tpu.memory_space<vmem>>, vector<512x8xi32>
    tpu.vector_store %arg3[%swap3A_154, %swap3A_155], %convert_element_type3A_153 {strides = array<i32>} : memref<512x256xi32, #tpu.memory_space<vmem>>, vector<512x8xi32>,
    %slice3A_157 = vector.extract_strided_slice %convert_element_type3A_31 {offsets = [0, 2176], sizes = [512, 128], strides = [1, 1]} : vector<512x4096xf32> to vector<512x128xf32>
    %dot_general3A_158 = arith.constant dense<0.000000e+00> : vector<512x8xf32>
    %dot_general3A_159 = tpu.matmul %slice3A_157, %convert_element_type3A_39, %dot_general3A_158 {dimension_numbers = #tpu.dot_dimension_numbers<[1], [0], [0], [1], [0, 0, 1, 1], [], []>, transpose_lhs_hint = false} : vector<512x128xf32>, vector<128x8xf32>, vector<512x8xf32> -> vector<512x8xf32>
    %convert_element_type3A_160 = arith.fptosi %dot_general3A_159 : vector<512x8xf32> to vector<512x8xi32>
    %swap3A_161 = arith.constant 0 : index
    %swap3A_162 = arith.constant 136 : index
    %swap3A_163 = vector.load %arg3[%swap3A_161, %swap3A_162] : memref<512x256xi32, #tpu.memory_space<vmem>>, vector<512x8xi32>
    tpu.vector_store %arg3[%swap3A_161, %swap3A_162], %convert_element_type3A_160 {strides = array<i32>} : memref<512x256xi32, #tpu.memory_space<vmem>>, vector<512x8xi32>,
    %slice3A_164 = vector.extract_strided_slice %convert_element_type3A_31 {offsets = [0, 2304], sizes = [512, 128], strides = [1, 1]} : vector<512x4096xf32> to vector<512x128xf32>
    %dot_general3A_165 = arith.constant dense<0.000000e+00> : vector<512x8xf32>
    %dot_general3A_166 = tpu.matmul %slice3A_164, %convert_element_type3A_39, %dot_general3A_165 {dimension_numbers = #tpu.dot_dimension_numbers<[1], [0], [0], [1], [0, 0, 1, 1], [], []>, transpose_lhs_hint = false} : vector<512x128xf32>, vector<128x8xf32>, vector<512x8xf32> -> vector<512x8xf32>
    %convert_element_type3A_167 = arith.fptosi %dot_general3A_166 : vector<512x8xf32> to vector<512x8xi32>
    %swap3A_168 = arith.constant 0 : index
    %swap3A_169 = arith.constant 144 : index
    %swap3A_170 = vector.load %arg3[%swap3A_168, %swap3A_169] : memref<512x256xi32, #tpu.memory_space<vmem>>, vector<512x8xi32>
    tpu.vector_store %arg3[%swap3A_168, %swap3A_169], %convert_element_type3A_167 {strides = array<i32>} : memref<512x256xi32, #tpu.memory_space<vmem>>, vector<512x8xi32>,
    %slice3A_171 = vector.extract_strided_slice %convert_element_type3A_31 {offsets = [0, 2432], sizes = [512, 128], strides = [1, 1]} : vector<512x4096xf32> to vector<512x128xf32>
    %dot_general3A_172 = arith.constant dense<0.000000e+00> : vector<512x8xf32>
    %dot_general3A_173 = tpu.matmul %slice3A_171, %convert_element_type3A_39, %dot_general3A_172 {dimension_numbers = #tpu.dot_dimension_numbers<[1], [0], [0], [1], [0, 0, 1, 1], [], []>, transpose_lhs_hint = false} : vector<512x128xf32>, vector<128x8xf32>, vector<512x8xf32> -> vector<512x8xf32>
    %convert_element_type3A_174 = arith.fptosi %dot_general3A_173 : vector<512x8xf32> to vector<512x8xi32>
    %swap3A_175 = arith.constant 0 : index
    %swap3A_176 = arith.constant 152 : index
    %swap3A_177 = vector.load %arg3[%swap3A_175, %swap3A_176] : memref<512x256xi32, #tpu.memory_space<vmem>>, vector<512x8xi32>
    tpu.vector_store %arg3[%swap3A_175, %swap3A_176], %convert_element_type3A_174 {strides = array<i32>} : memref<512x256xi32, #tpu.memory_space<vmem>>, vector<512x8xi32>,
    %slice3A_178 = vector.extract_strided_slice %convert_element_type3A_31 {offsets = [0, 2560], sizes = [512, 128], strides = [1, 1]} : vector<512x4096xf32> to vector<512x128xf32>
    %dot_general3A_179 = arith.constant dense<0.000000e+00> : vector<512x8xf32>
    %dot_general3A_180 = tpu.matmul %slice3A_178, %convert_element_type3A_39, %dot_general3A_179 {dimension_numbers = #tpu.dot_dimension_numbers<[1], [0], [0], [1], [0, 0, 1, 1], [], []>, transpose_lhs_hint = false} : vector<512x128xf32>, vector<128x8xf32>, vector<512x8xf32> -> vector<512x8xf32>
    %convert_element_type3A_181 = arith.fptosi %dot_general3A_180 : vector<512x8xf32> to vector<512x8xi32>
    %swap3A_182 = arith.constant 0 : index
    %swap3A_183 = arith.constant 160 : index
    %swap3A_184 = vector.load %arg3[%swap3A_182, %swap3A_183] : memref<512x256xi32, #tpu.memory_space<vmem>>, vector<512x8xi32>
    tpu.vector_store %arg3[%swap3A_182, %swap3A_183], %convert_element_type3A_181 {strides = array<i32>} : memref<512x256xi32, #tpu.memory_space<vmem>>, vector<512x8xi32>,
    %slice3A_185 = vector.extract_strided_slice %convert_element_type3A_31 {offsets = [0, 2688], sizes = [512, 128], strides = [1, 1]} : vector<512x4096xf32> to vector<512x128xf32>
    %dot_general3A_186 = arith.constant dense<0.000000e+00> : vector<512x8xf32>
    %dot_general3A_187 = tpu.matmul %slice3A_185, %convert_element_type3A_39, %dot_general3A_186 {dimension_numbers = #tpu.dot_dimension_numbers<[1], [0], [0], [1], [0, 0, 1, 1], [], []>, transpose_lhs_hint = false} : vector<512x128xf32>, vector<128x8xf32>, vector<512x8xf32> -> vector<512x8xf32>
    %convert_element_type3A_188 = arith.fptosi %dot_general3A_187 : vector<512x8xf32> to vector<512x8xi32>
    %swap3A_189 = arith.constant 0 : index
    %swap3A_190 = arith.constant 168 : index
    %swap3A_191 = vector.load %arg3[%swap3A_189, %swap3A_190] : memref<512x256xi32, #tpu.memory_space<vmem>>, vector<512x8xi32>
    tpu.vector_store %arg3[%swap3A_189, %swap3A_190], %convert_element_type3A_188 {strides = array<i32>} : memref<512x256xi32, #tpu.memory_space<vmem>>, vector<512x8xi32>,
    %slice3A_192 = vector.extract_strided_slice %convert_element_type3A_31 {offsets = [0, 2816], sizes = [512, 128], strides = [1, 1]} : vector<512x4096xf32> to vector<512x128xf32>
    %dot_general3A_193 = arith.constant dense<0.000000e+00> : vector<512x8xf32>
    %dot_general3A_194 = tpu.matmul %slice3A_192, %convert_element_type3A_39, %dot_general3A_193 {dimension_numbers = #tpu.dot_dimension_numbers<[1], [0], [0], [1], [0, 0, 1, 1], [], []>, transpose_lhs_hint = false} : vector<512x128xf32>, vector<128x8xf32>, vector<512x8xf32> -> vector<512x8xf32>
    %convert_element_type3A_195 = arith.fptosi %dot_general3A_194 : vector<512x8xf32> to vector<512x8xi32>
    %swap3A_196 = arith.constant 0 : index
    %swap3A_197 = arith.constant 176 : index
    %swap3A_198 = vector.load %arg3[%swap3A_196, %swap3A_197] : memref<512x256xi32, #tpu.memory_space<vmem>>, vector<512x8xi32>
    tpu.vector_store %arg3[%swap3A_196, %swap3A_197], %convert_element_type3A_195 {strides = array<i32>} : memref<512x256xi32, #tpu.memory_space<vmem>>, vector<512x8xi32>,
    %slice3A_199 = vector.extract_strided_slice %convert_element_type3A_31 {offsets = [0, 2944], sizes = [512, 128], strides = [1, 1]} : vector<512x4096xf32> to vector<512x128xf32>
    %dot_general3A_200 = arith.constant dense<0.000000e+00> : vector<512x8xf32>
    %dot_general3A_201 = tpu.matmul %slice3A_199, %convert_element_type3A_39, %dot_general3A_200 {dimension_numbers = #tpu.dot_dimension_numbers<[1], [0], [0], [1], [0, 0, 1, 1], [], []>, transpose_lhs_hint = false} : vector<512x128xf32>, vector<128x8xf32>, vector<512x8xf32> -> vector<512x8xf32>
    %convert_element_type3A_202 = arith.fptosi %dot_general3A_201 : vector<512x8xf32> to vector<512x8xi32>
    %swap3A_203 = arith.constant 0 : index
    %swap3A_204 = arith.constant 184 : index
    %swap3A_205 = vector.load %arg3[%swap3A_203, %swap3A_204] : memref<512x256xi32, #tpu.memory_space<vmem>>, vector<512x8xi32>
    tpu.vector_store %arg3[%swap3A_203, %swap3A_204], %convert_element_type3A_202 {strides = array<i32>} : memref<512x256xi32, #tpu.memory_space<vmem>>, vector<512x8xi32>,
    %slice3A_206 = vector.extract_strided_slice %convert_element_type3A_31 {offsets = [0, 3072], sizes = [512, 128], strides = [1, 1]} : vector<512x4096xf32> to vector<512x128xf32>
    %dot_general3A_207 = arith.constant dense<0.000000e+00> : vector<512x8xf32>
    %dot_general3A_208 = tpu.matmul %slice3A_206, %convert_element_type3A_39, %dot_general3A_207 {dimension_numbers = #tpu.dot_dimension_numbers<[1], [0], [0], [1], [0, 0, 1, 1], [], []>, transpose_lhs_hint = false} : vector<512x128xf32>, vector<128x8xf32>, vector<512x8xf32> -> vector<512x8xf32>
    %convert_element_type3A_209 = arith.fptosi %dot_general3A_208 : vector<512x8xf32> to vector<512x8xi32>
    %swap3A_210 = arith.constant 0 : index
    %swap3A_211 = arith.constant 192 : index
    %swap3A_212 = vector.load %arg3[%swap3A_210, %swap3A_211] : memref<512x256xi32, #tpu.memory_space<vmem>>, vector<512x8xi32>
    tpu.vector_store %arg3[%swap3A_210, %swap3A_211], %convert_element_type3A_209 {strides = array<i32>} : memref<512x256xi32, #tpu.memory_space<vmem>>, vector<512x8xi32>,
    %slice3A_213 = vector.extract_strided_slice %convert_element_type3A_31 {offsets = [0, 3200], sizes = [512, 128], strides = [1, 1]} : vector<512x4096xf32> to vector<512x128xf32>
    %dot_general3A_214 = arith.constant dense<0.000000e+00> : vector<512x8xf32>
    %dot_general3A_215 = tpu.matmul %slice3A_213, %convert_element_type3A_39, %dot_general3A_214 {dimension_numbers = #tpu.dot_dimension_numbers<[1], [0], [0], [1], [0, 0, 1, 1], [], []>, transpose_lhs_hint = false} : vector<512x128xf32>, vector<128x8xf32>, vector<512x8xf32> -> vector<512x8xf32>
    %convert_element_type3A_216 = arith.fptosi %dot_general3A_215 : vector<512x8xf32> to vector<512x8xi32>
    %swap3A_217 = arith.constant 0 : index
    %swap3A_218 = arith.constant 200 : index
    %swap3A_219 = vector.load %arg3[%swap3A_217, %swap3A_218] : memref<512x256xi32, #tpu.memory_space<vmem>>, vector<512x8xi32>
    tpu.vector_store %arg3[%swap3A_217, %swap3A_218], %convert_element_type3A_216 {strides = array<i32>} : memref<512x256xi32, #tpu.memory_space<vmem>>, vector<512x8xi32>,
    %slice3A_220 = vector.extract_strided_slice %convert_element_type3A_31 {offsets = [0, 3328], sizes = [512, 128], strides = [1, 1]} : vector<512x4096xf32> to vector<512x128xf32>
    %dot_general3A_221 = arith.constant dense<0.000000e+00> : vector<512x8xf32>
    %dot_general3A_222 = tpu.matmul %slice3A_220, %convert_element_type3A_39, %dot_general3A_221 {dimension_numbers = #tpu.dot_dimension_numbers<[1], [0], [0], [1], [0, 0, 1, 1], [], []>, transpose_lhs_hint = false} : vector<512x128xf32>, vector<128x8xf32>, vector<512x8xf32> -> vector<512x8xf32>
    %convert_element_type3A_223 = arith.fptosi %dot_general3A_222 : vector<512x8xf32> to vector<512x8xi32>
    %swap3A_224 = arith.constant 0 : index
    %swap3A_225 = arith.constant 208 : index
    %swap3A_226 = vector.load %arg3[%swap3A_224, %swap3A_225] : memref<512x256xi32, #tpu.memory_space<vmem>>, vector<512x8xi32>
    tpu.vector_store %arg3[%swap3A_224, %swap3A_225], %convert_element_type3A_223 {strides = array<i32>} : memref<512x256xi32, #tpu.memory_space<vmem>>, vector<512x8xi32>,
    %slice3A_227 = vector.extract_strided_slice %convert_element_type3A_31 {offsets = [0, 3456], sizes = [512, 128], strides = [1, 1]} : vector<512x4096xf32> to vector<512x128xf32>
    %dot_general3A_228 = arith.constant dense<0.000000e+00> : vector<512x8xf32>
    %dot_general3A_229 = tpu.matmul %slice3A_227, %convert_element_type3A_39, %dot_general3A_228 {dimension_numbers = #tpu.dot_dimension_numbers<[1], [0], [0], [1], [0, 0, 1, 1], [], []>, transpose_lhs_hint = false} : vector<512x128xf32>, vector<128x8xf32>, vector<512x8xf32> -> vector<512x8xf32>
    %convert_element_type3A_230 = arith.fptosi %dot_general3A_229 : vector<512x8xf32> to vector<512x8xi32>
    %swap3A_231 = arith.constant 0 : index
    %swap3A_232 = arith.constant 216 : index
    %swap3A_233 = vector.load %arg3[%swap3A_231, %swap3A_232] : memref<512x256xi32, #tpu.memory_space<vmem>>, vector<512x8xi32>
    tpu.vector_store %arg3[%swap3A_231, %swap3A_232], %convert_element_type3A_230 {strides = array<i32>} : memref<512x256xi32, #tpu.memory_space<vmem>>, vector<512x8xi32>,
    %slice3A_234 = vector.extract_strided_slice %convert_element_type3A_31 {offsets = [0, 3584], sizes = [512, 128], strides = [1, 1]} : vector<512x4096xf32> to vector<512x128xf32>
    %dot_general3A_235 = arith.constant dense<0.000000e+00> : vector<512x8xf32>
    %dot_general3A_236 = tpu.matmul %slice3A_234, %convert_element_type3A_39, %dot_general3A_235 {dimension_numbers = #tpu.dot_dimension_numbers<[1], [0], [0], [1], [0, 0, 1, 1], [], []>, transpose_lhs_hint = false} : vector<512x128xf32>, vector<128x8xf32>, vector<512x8xf32> -> vector<512x8xf32>
    %convert_element_type3A_237 = arith.fptosi %dot_general3A_236 : vector<512x8xf32> to vector<512x8xi32>
    %swap3A_238 = arith.constant 0 : index
    %swap3A_239 = arith.constant 224 : index
    %swap3A_240 = vector.load %arg3[%swap3A_238, %swap3A_239] : memref<512x256xi32, #tpu.memory_space<vmem>>, vector<512x8xi32>
    tpu.vector_store %arg3[%swap3A_238, %swap3A_239], %convert_element_type3A_237 {strides = array<i32>} : memref<512x256xi32, #tpu.memory_space<vmem>>, vector<512x8xi32>,
    %slice3A_241 = vector.extract_strided_slice %convert_element_type3A_31 {offsets = [0, 3712], sizes = [512, 128], strides = [1, 1]} : vector<512x4096xf32> to vector<512x128xf32>
    %dot_general3A_242 = arith.constant dense<0.000000e+00> : vector<512x8xf32>
    %dot_general3A_243 = tpu.matmul %slice3A_241, %convert_element_type3A_39, %dot_general3A_242 {dimension_numbers = #tpu.dot_dimension_numbers<[1], [0], [0], [1], [0, 0, 1, 1], [], []>, transpose_lhs_hint = false} : vector<512x128xf32>, vector<128x8xf32>, vector<512x8xf32> -> vector<512x8xf32>
    %convert_element_type3A_244 = arith.fptosi %dot_general3A_243 : vector<512x8xf32> to vector<512x8xi32>
    %swap3A_245 = arith.constant 0 : index
    %swap3A_246 = arith.constant 232 : index
    %swap3A_247 = vector.load %arg3[%swap3A_245, %swap3A_246] : memref<512x256xi32, #tpu.memory_space<vmem>>, vector<512x8xi32>
    tpu.vector_store %arg3[%swap3A_245, %swap3A_246], %convert_element_type3A_244 {strides = array<i32>} : memref<512x256xi32, #tpu.memory_space<vmem>>, vector<512x8xi32>,
    %slice3A_248 = vector.extract_strided_slice %convert_element_type3A_31 {offsets = [0, 3840], sizes = [512, 128], strides = [1, 1]} : vector<512x4096xf32> to vector<512x128xf32>
    %dot_general3A_249 = arith.constant dense<0.000000e+00> : vector<512x8xf32>
    %dot_general3A_250 = tpu.matmul %slice3A_248, %convert_element_type3A_39, %dot_general3A_249 {dimension_numbers = #tpu.dot_dimension_numbers<[1], [0], [0], [1], [0, 0, 1, 1], [], []>, transpose_lhs_hint = false} : vector<512x128xf32>, vector<128x8xf32>, vector<512x8xf32> -> vector<512x8xf32>
    %convert_element_type3A_251 = arith.fptosi %dot_general3A_250 : vector<512x8xf32> to vector<512x8xi32>
    %swap3A_252 = arith.constant 0 : index
    %swap3A_253 = arith.constant 240 : index
    %swap3A_254 = vector.load %arg3[%swap3A_252, %swap3A_253] : memref<512x256xi32, #tpu.memory_space<vmem>>, vector<512x8xi32>
    tpu.vector_store %arg3[%swap3A_252, %swap3A_253], %convert_element_type3A_251 {strides = array<i32>} : memref<512x256xi32, #tpu.memory_space<vmem>>, vector<512x8xi32>,
    %slice3A_255 = vector.extract_strided_slice %convert_element_type3A_31 {offsets = [0, 3968], sizes = [512, 128], strides = [1, 1]} : vector<512x4096xf32> to vector<512x128xf32>
    %dot_general3A_256 = arith.constant dense<0.000000e+00> : vector<512x8xf32>
    %dot_general3A_257 = tpu.matmul %slice3A_255, %convert_element_type3A_39, %dot_general3A_256 {dimension_numbers = #tpu.dot_dimension_numbers<[1], [0], [0], [1], [0, 0, 1, 1], [], []>, transpose_lhs_hint = false} : vector<512x128xf32>, vector<128x8xf32>, vector<512x8xf32> -> vector<512x8xf32>
    %convert_element_type3A_258 = arith.fptosi %dot_general3A_257 : vector<512x8xf32> to vector<512x8xi32>
    %swap3A_259 = arith.constant 0 : index
    %swap3A_260 = arith.constant 248 : index
    %swap3A_261 = vector.load %arg3[%swap3A_259, %swap3A_260] : memref<512x256xi32, #tpu.memory_space<vmem>>, vector<512x8xi32>
    tpu.vector_store %arg3[%swap3A_259, %swap3A_260], %convert_element_type3A_258 {strides = array<i32>} : memref<512x256xi32, #tpu.memory_space<vmem>>, vector<512x8xi32>,
    return
  }
  func.func @transform_0(%arg0: i32) -> (i32, i32, i32) {
    %c1_i32 = arith.constant 1 : i32
    %c0_i32 = arith.constant 0 : i32
    %c0_i32_0 = arith.constant 0 : i32
    return %c1_i32, %arg0, %c0_i32 : i32, i32, i32
  }
  func.func @transform_1(%arg0: i32) -> (i32, i32, i32) {
    %c1_i32 = arith.constant 1 : i32
    %c0_i32 = arith.constant 0 : i32
    %c0_i32_0 = arith.constant 0 : i32
    %c0_i32_1 = arith.constant 0 : i32
    return %c1_i32, %c0_i32, %c0_i32_0 : i32, i32, i32
  }
  func.func @transform_2(%arg0: i32) -> (i32, i32) {
    %c0_i32 = arith.constant 0 : i32
    %c0_i32_0 = arith.constant 0 : i32
    return %arg0, %c0_i32 : i32, i32
  }
}

module attributes {stable_mosaic.version = 14 : i64} {
  func.func @_mask_pack_body(%arg0: i32, %arg1: memref<1x512x3xf32, #tpu.memory_space<vmem>>, %arg2: memref<1x3x4096xf32, #tpu.memory_space<vmem>>, %arg3: memref<512x256xi32, #tpu.memory_space<vmem>>) attributes {dimension_semantics = [#tpu.dimension_semantics<arbitrary>], iteration_bounds = array<i64: 8>, scalar_prefetch = 0 : i64, scratch_operands = 0 : i64, tpu.core_type = #tpu.core_type<tc>, window_params = [{transform_indices = @transform_0, window_bounds = array<i64: 1, 512, 3>}, {transform_indices = @transform_1, window_bounds = array<i64: 1, 3, 4096>}, {transform_indices = @transform_2, window_bounds = array<i64: 512, 256>}]} {
    %get3A = arith.constant 0 : index
    %get3A_0 = arith.constant 0 : index
    %get3A_1 = arith.constant 0 : index
    %get3A_2 = vector.load %arg1[%get3A, %get3A_0, %get3A_1] : memref<1x512x3xf32, #tpu.memory_space<vmem>>, vector<1x512x3xf32>
    %get3A_3 = vector.shape_cast %get3A_2 : vector<1x512x3xf32> to vector<512x3xf32>
    %get3A_4 = arith.constant 0 : index
    %get3A_5 = arith.constant 0 : index
    %get3A_6 = arith.constant 0 : index
    %get3A_7 = vector.load %arg2[%get3A_4, %get3A_5, %get3A_6] : memref<1x3x4096xf32, #tpu.memory_space<vmem>>, vector<1x3x4096xf32>
    %get3A_8 = vector.shape_cast %get3A_7 : vector<1x3x4096xf32> to vector<3x4096xf32>
    %slice3A = vector.extract_strided_slice %get3A_3 {offsets = [0, 0], sizes = [512, 1], strides = [1, 1]} : vector<512x3xf32> to vector<512x1xf32>
    %squeeze3A = vector.shape_cast %slice3A : vector<512x1xf32> to vector<512xf32>
    %reshape3A = vector.shape_cast %squeeze3A : vector<512xf32> to vector<512x1xf32>
    %slice3A_9 = vector.extract_strided_slice %get3A_8 {offsets = [0, 0], sizes = [1, 4096], strides = [1, 1]} : vector<3x4096xf32> to vector<1x4096xf32>
    %sub3A = vector.broadcast %reshape3A : vector<512x1xf32> to vector<512x4096xf32>
    %sub3A_10 = vector.broadcast %slice3A_9 : vector<1x4096xf32> to vector<512x4096xf32>
    %sub3A_11 = arith.subf %sub3A, %sub3A_10 : vector<512x4096xf32>
    %slice3A_12 = vector.extract_strided_slice %get3A_3 {offsets = [0, 1], sizes = [512, 1], strides = [1, 1]} : vector<512x3xf32> to vector<512x1xf32>
    %squeeze3A_13 = vector.shape_cast %slice3A_12 : vector<512x1xf32> to vector<512xf32>
    %reshape3A_14 = vector.shape_cast %squeeze3A_13 : vector<512xf32> to vector<512x1xf32>
    %slice3A_15 = vector.extract_strided_slice %get3A_8 {offsets = [1, 0], sizes = [1, 4096], strides = [1, 1]} : vector<3x4096xf32> to vector<1x4096xf32>
    %sub3A_16 = vector.broadcast %reshape3A_14 : vector<512x1xf32> to vector<512x4096xf32>
    %sub3A_17 = vector.broadcast %slice3A_15 : vector<1x4096xf32> to vector<512x4096xf32>
    %sub3A_18 = arith.subf %sub3A_16, %sub3A_17 : vector<512x4096xf32>
    %slice3A_19 = vector.extract_strided_slice %get3A_3 {offsets = [0, 2], sizes = [512, 1], strides = [1, 1]} : vector<512x3xf32> to vector<512x1xf32>
    %squeeze3A_20 = vector.shape_cast %slice3A_19 : vector<512x1xf32> to vector<512xf32>
    %reshape3A_21 = vector.shape_cast %squeeze3A_20 : vector<512xf32> to vector<512x1xf32>
    %slice3A_22 = vector.extract_strided_slice %get3A_8 {offsets = [2, 0], sizes = [1, 4096], strides = [1, 1]} : vector<3x4096xf32> to vector<1x4096xf32>
    %sub3A_23 = vector.broadcast %reshape3A_21 : vector<512x1xf32> to vector<512x4096xf32>
    %sub3A_24 = vector.broadcast %slice3A_22 : vector<1x4096xf32> to vector<512x4096xf32>
    %sub3A_25 = arith.subf %sub3A_23, %sub3A_24 : vector<512x4096xf32>
    %mul3A = arith.mulf %sub3A_11, %sub3A_11 : vector<512x4096xf32>
    %mul3A_26 = arith.mulf %sub3A_18, %sub3A_18 : vector<512x4096xf32>
    %add3A = arith.addf %mul3A, %mul3A_26 : vector<512x4096xf32>
    %mul3A_27 = arith.mulf %sub3A_25, %sub3A_25 : vector<512x4096xf32>
    %add3A_28 = arith.addf %add3A, %mul3A_27 : vector<512x4096xf32>
    %lt3A = arith.constant 0.00999999977 : f32
    %lt3A_29 = vector.broadcast %lt3A : f32 to vector<512x4096xf32>
    %lt3A_30 = arith.cmpf olt, %add3A_28, %lt3A_29 : vector<512x4096xf32>
    %convert_element_type3A = arith.extui %lt3A_30 : vector<512x4096xi1> to vector<512x4096xi32>
    %convert_element_type3A_31 = arith.sitofp %convert_element_type3A : vector<512x4096xi32> to vector<512x4096xf32>
    %iota3A = tpu.iota {dimensions = array<i32: 0>} : vector<128x8xi32>
    %iota3A_32 = tpu.iota {dimensions = array<i32: 1>} : vector<128x8xi32>
    %shift_right_arithmetic3A = arith.constant 4 : i32
    %shift_right_arithmetic3A_33 = vector.broadcast %shift_right_arithmetic3A : i32 to vector<128x8xi32>
    %shift_right_arithmetic3A_34 = arith.shrsi %iota3A, %shift_right_arithmetic3A_33 : vector<128x8xi32>
    %eq3A = arith.cmpi eq, %shift_right_arithmetic3A_34, %iota3A_32 : vector<128x8xi32>
    %and3A = arith.constant 15 : i32
    %and3A_35 = vector.broadcast %and3A : i32 to vector<128x8xi32>
    %and3A_36 = arith.andi %iota3A, %and3A_35 : vector<128x8xi32>
    %shift_left3A = arith.constant 1 : i32
    %shift_left3A_37 = vector.broadcast %shift_left3A : i32 to vector<128x8xi32>
    %shift_left3A_38 = arith.shli %shift_left3A_37, %and3A_36 : vector<128x8xi32>
    %jit3A = arith.constant 0 : i32
    %broadcast_in_dim3A = vector.broadcast %jit3A : i32 to vector<128x8xi32>
    %select_n3A = arith.select %eq3A, %shift_left3A_38, %broadcast_in_dim3A : vector<128x8xi1>, vector<128x8xi32>
    %convert_element_type3A_39 = arith.sitofp %select_n3A : vector<128x8xi32> to vector<128x8xf32>
    %slice3A_40 = vector.extract_strided_slice %convert_element_type3A_31 {offsets = [0, 0], sizes = [512, 128], strides = [1, 1]} : vector<512x4096xf32> to vector<512x128xf32>
    %dot_general3A = arith.constant dense<0.000000e+00> : vector<512x8xf32>
    %dot_general3A_41 = tpu.matmul %slice3A_40, %convert_element_type3A_39, %dot_general3A {dimension_numbers = #tpu.dot_dimension_numbers<[1], [0], [0], [1], [0, 0, 1, 1], [], []>, transpose_lhs_hint = false} : vector<512x128xf32>, vector<128x8xf32>, vector<512x8xf32> -> vector<512x8xf32>
    %convert_element_type3A_42 = arith.fptosi %dot_general3A_41 : vector<512x8xf32> to vector<512x8xi32>
    %swap3A = arith.constant 0 : index
    %swap3A_43 = arith.constant 0 : index
    %swap3A_44 = vector.load %arg3[%swap3A, %swap3A_43] : memref<512x256xi32, #tpu.memory_space<vmem>>, vector<512x8xi32>
    tpu.vector_store %arg3[%swap3A, %swap3A_43], %convert_element_type3A_42 {strides = array<i32>} : memref<512x256xi32, #tpu.memory_space<vmem>>, vector<512x8xi32>,
    %slice3A_45 = vector.extract_strided_slice %convert_element_type3A_31 {offsets = [0, 128], sizes = [512, 128], strides = [1, 1]} : vector<512x4096xf32> to vector<512x128xf32>
    %dot_general3A_46 = arith.constant dense<0.000000e+00> : vector<512x8xf32>
    %dot_general3A_47 = tpu.matmul %slice3A_45, %convert_element_type3A_39, %dot_general3A_46 {dimension_numbers = #tpu.dot_dimension_numbers<[1], [0], [0], [1], [0, 0, 1, 1], [], []>, transpose_lhs_hint = false} : vector<512x128xf32>, vector<128x8xf32>, vector<512x8xf32> -> vector<512x8xf32>
    %convert_element_type3A_48 = arith.fptosi %dot_general3A_47 : vector<512x8xf32> to vector<512x8xi32>
    %swap3A_49 = arith.constant 0 : index
    %swap3A_50 = arith.constant 8 : index
    %swap3A_51 = vector.load %arg3[%swap3A_49, %swap3A_50] : memref<512x256xi32, #tpu.memory_space<vmem>>, vector<512x8xi32>
    tpu.vector_store %arg3[%swap3A_49, %swap3A_50], %convert_element_type3A_48 {strides = array<i32>} : memref<512x256xi32, #tpu.memory_space<vmem>>, vector<512x8xi32>,
    %slice3A_52 = vector.extract_strided_slice %convert_element_type3A_31 {offsets = [0, 256], sizes = [512, 128], strides = [1, 1]} : vector<512x4096xf32> to vector<512x128xf32>
    %dot_general3A_53 = arith.constant dense<0.000000e+00> : vector<512x8xf32>
    %dot_general3A_54 = tpu.matmul %slice3A_52, %convert_element_type3A_39, %dot_general3A_53 {dimension_numbers = #tpu.dot_dimension_numbers<[1], [0], [0], [1], [0, 0, 1, 1], [], []>, transpose_lhs_hint = false} : vector<512x128xf32>, vector<128x8xf32>, vector<512x8xf32> -> vector<512x8xf32>
    %convert_element_type3A_55 = arith.fptosi %dot_general3A_54 : vector<512x8xf32> to vector<512x8xi32>
    %swap3A_56 = arith.constant 0 : index
    %swap3A_57 = arith.constant 16 : index
    %swap3A_58 = vector.load %arg3[%swap3A_56, %swap3A_57] : memref<512x256xi32, #tpu.memory_space<vmem>>, vector<512x8xi32>
    tpu.vector_store %arg3[%swap3A_56, %swap3A_57], %convert_element_type3A_55 {strides = array<i32>} : memref<512x256xi32, #tpu.memory_space<vmem>>, vector<512x8xi32>,
    %slice3A_59 = vector.extract_strided_slice %convert_element_type3A_31 {offsets = [0, 384], sizes = [512, 128], strides = [1, 1]} : vector<512x4096xf32> to vector<512x128xf32>
    %dot_general3A_60 = arith.constant dense<0.000000e+00> : vector<512x8xf32>
    %dot_general3A_61 = tpu.matmul %slice3A_59, %convert_element_type3A_39, %dot_general3A_60 {dimension_numbers = #tpu.dot_dimension_numbers<[1], [0], [0], [1], [0, 0, 1, 1], [], []>, transpose_lhs_hint = false} : vector<512x128xf32>, vector<128x8xf32>, vector<512x8xf32> -> vector<512x8xf32>
    %convert_element_type3A_62 = arith.fptosi %dot_general3A_61 : vector<512x8xf32> to vector<512x8xi32>
    %swap3A_63 = arith.constant 0 : index
    %swap3A_64 = arith.constant 24 : index
    %swap3A_65 = vector.load %arg3[%swap3A_63, %swap3A_64] : memref<512x256xi32, #tpu.memory_space<vmem>>, vector<512x8xi32>
    tpu.vector_store %arg3[%swap3A_63, %swap3A_64], %convert_element_type3A_62 {strides = array<i32>} : memref<512x256xi32, #tpu.memory_space<vmem>>, vector<512x8xi32>,
    %slice3A_66 = vector.extract_strided_slice %convert_element_type3A_31 {offsets = [0, 512], sizes = [512, 128], strides = [1, 1]} : vector<512x4096xf32> to vector<512x128xf32>
    %dot_general3A_67 = arith.constant dense<0.000000e+00> : vector<512x8xf32>
    %dot_general3A_68 = tpu.matmul %slice3A_66, %convert_element_type3A_39, %dot_general3A_67 {dimension_numbers = #tpu.dot_dimension_numbers<[1], [0], [0], [1], [0, 0, 1, 1], [], []>, transpose_lhs_hint = false} : vector<512x128xf32>, vector<128x8xf32>, vector<512x8xf32> -> vector<512x8xf32>
    %convert_element_type3A_69 = arith.fptosi %dot_general3A_68 : vector<512x8xf32> to vector<512x8xi32>
    %swap3A_70 = arith.constant 0 : index
    %swap3A_71 = arith.constant 32 : index
    %swap3A_72 = vector.load %arg3[%swap3A_70, %swap3A_71] : memref<512x256xi32, #tpu.memory_space<vmem>>, vector<512x8xi32>
    tpu.vector_store %arg3[%swap3A_70, %swap3A_71], %convert_element_type3A_69 {strides = array<i32>} : memref<512x256xi32, #tpu.memory_space<vmem>>, vector<512x8xi32>,
    %slice3A_73 = vector.extract_strided_slice %convert_element_type3A_31 {offsets = [0, 640], sizes = [512, 128], strides = [1, 1]} : vector<512x4096xf32> to vector<512x128xf32>
    %dot_general3A_74 = arith.constant dense<0.000000e+00> : vector<512x8xf32>
    %dot_general3A_75 = tpu.matmul %slice3A_73, %convert_element_type3A_39, %dot_general3A_74 {dimension_numbers = #tpu.dot_dimension_numbers<[1], [0], [0], [1], [0, 0, 1, 1], [], []>, transpose_lhs_hint = false} : vector<512x128xf32>, vector<128x8xf32>, vector<512x8xf32> -> vector<512x8xf32>
    %convert_element_type3A_76 = arith.fptosi %dot_general3A_75 : vector<512x8xf32> to vector<512x8xi32>
    %swap3A_77 = arith.constant 0 : index
    %swap3A_78 = arith.constant 40 : index
    %swap3A_79 = vector.load %arg3[%swap3A_77, %swap3A_78] : memref<512x256xi32, #tpu.memory_space<vmem>>, vector<512x8xi32>
    tpu.vector_store %arg3[%swap3A_77, %swap3A_78], %convert_element_type3A_76 {strides = array<i32>} : memref<512x256xi32, #tpu.memory_space<vmem>>, vector<512x8xi32>,
    %slice3A_80 = vector.extract_strided_slice %convert_element_type3A_31 {offsets = [0, 768], sizes = [512, 128], strides = [1, 1]} : vector<512x4096xf32> to vector<512x128xf32>
    %dot_general3A_81 = arith.constant dense<0.000000e+00> : vector<512x8xf32>
    %dot_general3A_82 = tpu.matmul %slice3A_80, %convert_element_type3A_39, %dot_general3A_81 {dimension_numbers = #tpu.dot_dimension_numbers<[1], [0], [0], [1], [0, 0, 1, 1], [], []>, transpose_lhs_hint = false} : vector<512x128xf32>, vector<128x8xf32>, vector<512x8xf32> -> vector<512x8xf32>
    %convert_element_type3A_83 = arith.fptosi %dot_general3A_82 : vector<512x8xf32> to vector<512x8xi32>
    %swap3A_84 = arith.constant 0 : index
    %swap3A_85 = arith.constant 48 : index
    %swap3A_86 = vector.load %arg3[%swap3A_84, %swap3A_85] : memref<512x256xi32, #tpu.memory_space<vmem>>, vector<512x8xi32>
    tpu.vector_store %arg3[%swap3A_84, %swap3A_85], %convert_element_type3A_83 {strides = array<i32>} : memref<512x256xi32, #tpu.memory_space<vmem>>, vector<512x8xi32>,
    %slice3A_87 = vector.extract_strided_slice %convert_element_type3A_31 {offsets = [0, 896], sizes = [512, 128], strides = [1, 1]} : vector<512x4096xf32> to vector<512x128xf32>
    %dot_general3A_88 = arith.constant dense<0.000000e+00> : vector<512x8xf32>
    %dot_general3A_89 = tpu.matmul %slice3A_87, %convert_element_type3A_39, %dot_general3A_88 {dimension_numbers = #tpu.dot_dimension_numbers<[1], [0], [0], [1], [0, 0, 1, 1], [], []>, transpose_lhs_hint = false} : vector<512x128xf32>, vector<128x8xf32>, vector<512x8xf32> -> vector<512x8xf32>
    %convert_element_type3A_90 = arith.fptosi %dot_general3A_89 : vector<512x8xf32> to vector<512x8xi32>
    %swap3A_91 = arith.constant 0 : index
    %swap3A_92 = arith.constant 56 : index
    %swap3A_93 = vector.load %arg3[%swap3A_91, %swap3A_92] : memref<512x256xi32, #tpu.memory_space<vmem>>, vector<512x8xi32>
    tpu.vector_store %arg3[%swap3A_91, %swap3A_92], %convert_element_type3A_90 {strides = array<i32>} : memref<512x256xi32, #tpu.memory_space<vmem>>, vector<512x8xi32>,
    %slice3A_94 = vector.extract_strided_slice %convert_element_type3A_31 {offsets = [0, 1024], sizes = [512, 128], strides = [1, 1]} : vector<512x4096xf32> to vector<512x128xf32>
    %dot_general3A_95 = arith.constant dense<0.000000e+00> : vector<512x8xf32>
    %dot_general3A_96 = tpu.matmul %slice3A_94, %convert_element_type3A_39, %dot_general3A_95 {dimension_numbers = #tpu.dot_dimension_numbers<[1], [0], [0], [1], [0, 0, 1, 1], [], []>, transpose_lhs_hint = false} : vector<512x128xf32>, vector<128x8xf32>, vector<512x8xf32> -> vector<512x8xf32>
    %convert_element_type3A_97 = arith.fptosi %dot_general3A_96 : vector<512x8xf32> to vector<512x8xi32>
    %swap3A_98 = arith.constant 0 : index
    %swap3A_99 = arith.constant 64 : index
    %swap3A_100 = vector.load %arg3[%swap3A_98, %swap3A_99] : memref<512x256xi32, #tpu.memory_space<vmem>>, vector<512x8xi32>
    tpu.vector_store %arg3[%swap3A_98, %swap3A_99], %convert_element_type3A_97 {strides = array<i32>} : memref<512x256xi32, #tpu.memory_space<vmem>>, vector<512x8xi32>,
    %slice3A_101 = vector.extract_strided_slice %convert_element_type3A_31 {offsets = [0, 1152], sizes = [512, 128], strides = [1, 1]} : vector<512x4096xf32> to vector<512x128xf32>
    %dot_general3A_102 = arith.constant dense<0.000000e+00> : vector<512x8xf32>
    %dot_general3A_103 = tpu.matmul %slice3A_101, %convert_element_type3A_39, %dot_general3A_102 {dimension_numbers = #tpu.dot_dimension_numbers<[1], [0], [0], [1], [0, 0, 1, 1], [], []>, transpose_lhs_hint = false} : vector<512x128xf32>, vector<128x8xf32>, vector<512x8xf32> -> vector<512x8xf32>
    %convert_element_type3A_104 = arith.fptosi %dot_general3A_103 : vector<512x8xf32> to vector<512x8xi32>
    %swap3A_105 = arith.constant 0 : index
    %swap3A_106 = arith.constant 72 : index
    %swap3A_107 = vector.load %arg3[%swap3A_105, %swap3A_106] : memref<512x256xi32, #tpu.memory_space<vmem>>, vector<512x8xi32>
    tpu.vector_store %arg3[%swap3A_105, %swap3A_106], %convert_element_type3A_104 {strides = array<i32>} : memref<512x256xi32, #tpu.memory_space<vmem>>, vector<512x8xi32>,
    %slice3A_108 = vector.extract_strided_slice %convert_element_type3A_31 {offsets = [0, 1280], sizes = [512, 128], strides = [1, 1]} : vector<512x4096xf32> to vector<512x128xf32>
    %dot_general3A_109 = arith.constant dense<0.000000e+00> : vector<512x8xf32>
    %dot_general3A_110 = tpu.matmul %slice3A_108, %convert_element_type3A_39, %dot_general3A_109 {dimension_numbers = #tpu.dot_dimension_numbers<[1], [0], [0], [1], [0, 0, 1, 1], [], []>, transpose_lhs_hint = false} : vector<512x128xf32>, vector<128x8xf32>, vector<512x8xf32> -> vector<512x8xf32>
    %convert_element_type3A_111 = arith.fptosi %dot_general3A_110 : vector<512x8xf32> to vector<512x8xi32>
    %swap3A_112 = arith.constant 0 : index
    %swap3A_113 = arith.constant 80 : index
    %swap3A_114 = vector.load %arg3[%swap3A_112, %swap3A_113] : memref<512x256xi32, #tpu.memory_space<vmem>>, vector<512x8xi32>
    tpu.vector_store %arg3[%swap3A_112, %swap3A_113], %convert_element_type3A_111 {strides = array<i32>} : memref<512x256xi32, #tpu.memory_space<vmem>>, vector<512x8xi32>,
    %slice3A_115 = vector.extract_strided_slice %convert_element_type3A_31 {offsets = [0, 1408], sizes = [512, 128], strides = [1, 1]} : vector<512x4096xf32> to vector<512x128xf32>
    %dot_general3A_116 = arith.constant dense<0.000000e+00> : vector<512x8xf32>
    %dot_general3A_117 = tpu.matmul %slice3A_115, %convert_element_type3A_39, %dot_general3A_116 {dimension_numbers = #tpu.dot_dimension_numbers<[1], [0], [0], [1], [0, 0, 1, 1], [], []>, transpose_lhs_hint = false} : vector<512x128xf32>, vector<128x8xf32>, vector<512x8xf32> -> vector<512x8xf32>
    %convert_element_type3A_118 = arith.fptosi %dot_general3A_117 : vector<512x8xf32> to vector<512x8xi32>
    %swap3A_119 = arith.constant 0 : index
    %swap3A_120 = arith.constant 88 : index
    %swap3A_121 = vector.load %arg3[%swap3A_119, %swap3A_120] : memref<512x256xi32, #tpu.memory_space<vmem>>, vector<512x8xi32>
    tpu.vector_store %arg3[%swap3A_119, %swap3A_120], %convert_element_type3A_118 {strides = array<i32>} : memref<512x256xi32, #tpu.memory_space<vmem>>, vector<512x8xi32>,
    %slice3A_122 = vector.extract_strided_slice %convert_element_type3A_31 {offsets = [0, 1536], sizes = [512, 128], strides = [1, 1]} : vector<512x4096xf32> to vector<512x128xf32>
    %dot_general3A_123 = arith.constant dense<0.000000e+00> : vector<512x8xf32>
    %dot_general3A_124 = tpu.matmul %slice3A_122, %convert_element_type3A_39, %dot_general3A_123 {dimension_numbers = #tpu.dot_dimension_numbers<[1], [0], [0], [1], [0, 0, 1, 1], [], []>, transpose_lhs_hint = false} : vector<512x128xf32>, vector<128x8xf32>, vector<512x8xf32> -> vector<512x8xf32>
    %convert_element_type3A_125 = arith.fptosi %dot_general3A_124 : vector<512x8xf32> to vector<512x8xi32>
    %swap3A_126 = arith.constant 0 : index
    %swap3A_127 = arith.constant 96 : index
    %swap3A_128 = vector.load %arg3[%swap3A_126, %swap3A_127] : memref<512x256xi32, #tpu.memory_space<vmem>>, vector<512x8xi32>
    tpu.vector_store %arg3[%swap3A_126, %swap3A_127], %convert_element_type3A_125 {strides = array<i32>} : memref<512x256xi32, #tpu.memory_space<vmem>>, vector<512x8xi32>,
    %slice3A_129 = vector.extract_strided_slice %convert_element_type3A_31 {offsets = [0, 1664], sizes = [512, 128], strides = [1, 1]} : vector<512x4096xf32> to vector<512x128xf32>
    %dot_general3A_130 = arith.constant dense<0.000000e+00> : vector<512x8xf32>
    %dot_general3A_131 = tpu.matmul %slice3A_129, %convert_element_type3A_39, %dot_general3A_130 {dimension_numbers = #tpu.dot_dimension_numbers<[1], [0], [0], [1], [0, 0, 1, 1], [], []>, transpose_lhs_hint = false} : vector<512x128xf32>, vector<128x8xf32>, vector<512x8xf32> -> vector<512x8xf32>
    %convert_element_type3A_132 = arith.fptosi %dot_general3A_131 : vector<512x8xf32> to vector<512x8xi32>
    %swap3A_133 = arith.constant 0 : index
    %swap3A_134 = arith.constant 104 : index
    %swap3A_135 = vector.load %arg3[%swap3A_133, %swap3A_134] : memref<512x256xi32, #tpu.memory_space<vmem>>, vector<512x8xi32>
    tpu.vector_store %arg3[%swap3A_133, %swap3A_134], %convert_element_type3A_132 {strides = array<i32>} : memref<512x256xi32, #tpu.memory_space<vmem>>, vector<512x8xi32>,
    %slice3A_136 = vector.extract_strided_slice %convert_element_type3A_31 {offsets = [0, 1792], sizes = [512, 128], strides = [1, 1]} : vector<512x4096xf32> to vector<512x128xf32>
    %dot_general3A_137 = arith.constant dense<0.000000e+00> : vector<512x8xf32>
    %dot_general3A_138 = tpu.matmul %slice3A_136, %convert_element_type3A_39, %dot_general3A_137 {dimension_numbers = #tpu.dot_dimension_numbers<[1], [0], [0], [1], [0, 0, 1, 1], [], []>, transpose_lhs_hint = false} : vector<512x128xf32>, vector<128x8xf32>, vector<512x8xf32> -> vector<512x8xf32>
    %convert_element_type3A_139 = arith.fptosi %dot_general3A_138 : vector<512x8xf32> to vector<512x8xi32>
    %swap3A_140 = arith.constant 0 : index
    %swap3A_141 = arith.constant 112 : index
    %swap3A_142 = vector.load %arg3[%swap3A_140, %swap3A_141] : memref<512x256xi32, #tpu.memory_space<vmem>>, vector<512x8xi32>
    tpu.vector_store %arg3[%swap3A_140, %swap3A_141], %convert_element_type3A_139 {strides = array<i32>} : memref<512x256xi32, #tpu.memory_space<vmem>>, vector<512x8xi32>,
    %slice3A_143 = vector.extract_strided_slice %convert_element_type3A_31 {offsets = [0, 1920], sizes = [512, 128], strides = [1, 1]} : vector<512x4096xf32> to vector<512x128xf32>
    %dot_general3A_144 = arith.constant dense<0.000000e+00> : vector<512x8xf32>
    %dot_general3A_145 = tpu.matmul %slice3A_143, %convert_element_type3A_39, %dot_general3A_144 {dimension_numbers = #tpu.dot_dimension_numbers<[1], [0], [0], [1], [0, 0, 1, 1], [], []>, transpose_lhs_hint = false} : vector<512x128xf32>, vector<128x8xf32>, vector<512x8xf32> -> vector<512x8xf32>
    %convert_element_type3A_146 = arith.fptosi %dot_general3A_145 : vector<512x8xf32> to vector<512x8xi32>
    %swap3A_147 = arith.constant 0 : index
    %swap3A_148 = arith.constant 120 : index
    %swap3A_149 = vector.load %arg3[%swap3A_147, %swap3A_148] : memref<512x256xi32, #tpu.memory_space<vmem>>, vector<512x8xi32>
    tpu.vector_store %arg3[%swap3A_147, %swap3A_148], %convert_element_type3A_146 {strides = array<i32>} : memref<512x256xi32, #tpu.memory_space<vmem>>, vector<512x8xi32>,
    %slice3A_150 = vector.extract_strided_slice %convert_element_type3A_31 {offsets = [0, 2048], sizes = [512, 128], strides = [1, 1]} : vector<512x4096xf32> to vector<512x128xf32>
    %dot_general3A_151 = arith.constant dense<0.000000e+00> : vector<512x8xf32>
    %dot_general3A_152 = tpu.matmul %slice3A_150, %convert_element_type3A_39, %dot_general3A_151 {dimension_numbers = #tpu.dot_dimension_numbers<[1], [0], [0], [1], [0, 0, 1, 1], [], []>, transpose_lhs_hint = false} : vector<512x128xf32>, vector<128x8xf32>, vector<512x8xf32> -> vector<512x8xf32>
    %convert_element_type3A_153 = arith.fptosi %dot_general3A_152 : vector<512x8xf32> to vector<512x8xi32>
    %swap3A_154 = arith.constant 0 : index
    %swap3A_155 = arith.constant 128 : index
    %swap3A_156 = vector.load %arg3[%swap3A_154, %swap3A_155] : memref<512x256xi32, #tpu.memory_space<vmem>>, vector<512x8xi32>
    tpu.vector_store %arg3[%swap3A_154, %swap3A_155], %convert_element_type3A_153 {strides = array<i32>} : memref<512x256xi32, #tpu.memory_space<vmem>>, vector<512x8xi32>,
    %slice3A_157 = vector.extract_strided_slice %convert_element_type3A_31 {offsets = [0, 2176], sizes = [512, 128], strides = [1, 1]} : vector<512x4096xf32> to vector<512x128xf32>
    %dot_general3A_158 = arith.constant dense<0.000000e+00> : vector<512x8xf32>
    %dot_general3A_159 = tpu.matmul %slice3A_157, %convert_element_type3A_39, %dot_general3A_158 {dimension_numbers = #tpu.dot_dimension_numbers<[1], [0], [0], [1], [0, 0, 1, 1], [], []>, transpose_lhs_hint = false} : vector<512x128xf32>, vector<128x8xf32>, vector<512x8xf32> -> vector<512x8xf32>
    %convert_element_type3A_160 = arith.fptosi %dot_general3A_159 : vector<512x8xf32> to vector<512x8xi32>
    %swap3A_161 = arith.constant 0 : index
    %swap3A_162 = arith.constant 136 : index
    %swap3A_163 = vector.load %arg3[%swap3A_161, %swap3A_162] : memref<512x256xi32, #tpu.memory_space<vmem>>, vector<512x8xi32>
    tpu.vector_store %arg3[%swap3A_161, %swap3A_162], %convert_element_type3A_160 {strides = array<i32>} : memref<512x256xi32, #tpu.memory_space<vmem>>, vector<512x8xi32>,
    %slice3A_164 = vector.extract_strided_slice %convert_element_type3A_31 {offsets = [0, 2304], sizes = [512, 128], strides = [1, 1]} : vector<512x4096xf32> to vector<512x128xf32>
    %dot_general3A_165 = arith.constant dense<0.000000e+00> : vector<512x8xf32>
    %dot_general3A_166 = tpu.matmul %slice3A_164, %convert_element_type3A_39, %dot_general3A_165 {dimension_numbers = #tpu.dot_dimension_numbers<[1], [0], [0], [1], [0, 0, 1, 1], [], []>, transpose_lhs_hint = false} : vector<512x128xf32>, vector<128x8xf32>, vector<512x8xf32> -> vector<512x8xf32>
    %convert_element_type3A_167 = arith.fptosi %dot_general3A_166 : vector<512x8xf32> to vector<512x8xi32>
    %swap3A_168 = arith.constant 0 : index
    %swap3A_169 = arith.constant 144 : index
    %swap3A_170 = vector.load %arg3[%swap3A_168, %swap3A_169] : memref<512x256xi32, #tpu.memory_space<vmem>>, vector<512x8xi32>
    tpu.vector_store %arg3[%swap3A_168, %swap3A_169], %convert_element_type3A_167 {strides = array<i32>} : memref<512x256xi32, #tpu.memory_space<vmem>>, vector<512x8xi32>,
    %slice3A_171 = vector.extract_strided_slice %convert_element_type3A_31 {offsets = [0, 2432], sizes = [512, 128], strides = [1, 1]} : vector<512x4096xf32> to vector<512x128xf32>
    %dot_general3A_172 = arith.constant dense<0.000000e+00> : vector<512x8xf32>
    %dot_general3A_173 = tpu.matmul %slice3A_171, %convert_element_type3A_39, %dot_general3A_172 {dimension_numbers = #tpu.dot_dimension_numbers<[1], [0], [0], [1], [0, 0, 1, 1], [], []>, transpose_lhs_hint = false} : vector<512x128xf32>, vector<128x8xf32>, vector<512x8xf32> -> vector<512x8xf32>
    %convert_element_type3A_174 = arith.fptosi %dot_general3A_173 : vector<512x8xf32> to vector<512x8xi32>
    %swap3A_175 = arith.constant 0 : index
    %swap3A_176 = arith.constant 152 : index
    %swap3A_177 = vector.load %arg3[%swap3A_175, %swap3A_176] : memref<512x256xi32, #tpu.memory_space<vmem>>, vector<512x8xi32>
    tpu.vector_store %arg3[%swap3A_175, %swap3A_176], %convert_element_type3A_174 {strides = array<i32>} : memref<512x256xi32, #tpu.memory_space<vmem>>, vector<512x8xi32>,
    %slice3A_178 = vector.extract_strided_slice %convert_element_type3A_31 {offsets = [0, 2560], sizes = [512, 128], strides = [1, 1]} : vector<512x4096xf32> to vector<512x128xf32>
    %dot_general3A_179 = arith.constant dense<0.000000e+00> : vector<512x8xf32>
    %dot_general3A_180 = tpu.matmul %slice3A_178, %convert_element_type3A_39, %dot_general3A_179 {dimension_numbers = #tpu.dot_dimension_numbers<[1], [0], [0], [1], [0, 0, 1, 1], [], []>, transpose_lhs_hint = false} : vector<512x128xf32>, vector<128x8xf32>, vector<512x8xf32> -> vector<512x8xf32>
    %convert_element_type3A_181 = arith.fptosi %dot_general3A_180 : vector<512x8xf32> to vector<512x8xi32>
    %swap3A_182 = arith.constant 0 : index
    %swap3A_183 = arith.constant 160 : index
    %swap3A_184 = vector.load %arg3[%swap3A_182, %swap3A_183] : memref<512x256xi32, #tpu.memory_space<vmem>>, vector<512x8xi32>
    tpu.vector_store %arg3[%swap3A_182, %swap3A_183], %convert_element_type3A_181 {strides = array<i32>} : memref<512x256xi32, #tpu.memory_space<vmem>>, vector<512x8xi32>,
    %slice3A_185 = vector.extract_strided_slice %convert_element_type3A_31 {offsets = [0, 2688], sizes = [512, 128], strides = [1, 1]} : vector<512x4096xf32> to vector<512x128xf32>
    %dot_general3A_186 = arith.constant dense<0.000000e+00> : vector<512x8xf32>
    %dot_general3A_187 = tpu.matmul %slice3A_185, %convert_element_type3A_39, %dot_general3A_186 {dimension_numbers = #tpu.dot_dimension_numbers<[1], [0], [0], [1], [0, 0, 1, 1], [], []>, transpose_lhs_hint = false} : vector<512x128xf32>, vector<128x8xf32>, vector<512x8xf32> -> vector<512x8xf32>
    %convert_element_type3A_188 = arith.fptosi %dot_general3A_187 : vector<512x8xf32> to vector<512x8xi32>
    %swap3A_189 = arith.constant 0 : index
    %swap3A_190 = arith.constant 168 : index
    %swap3A_191 = vector.load %arg3[%swap3A_189, %swap3A_190] : memref<512x256xi32, #tpu.memory_space<vmem>>, vector<512x8xi32>
    tpu.vector_store %arg3[%swap3A_189, %swap3A_190], %convert_element_type3A_188 {strides = array<i32>} : memref<512x256xi32, #tpu.memory_space<vmem>>, vector<512x8xi32>,
    %slice3A_192 = vector.extract_strided_slice %convert_element_type3A_31 {offsets = [0, 2816], sizes = [512, 128], strides = [1, 1]} : vector<512x4096xf32> to vector<512x128xf32>
    %dot_general3A_193 = arith.constant dense<0.000000e+00> : vector<512x8xf32>
    %dot_general3A_194 = tpu.matmul %slice3A_192, %convert_element_type3A_39, %dot_general3A_193 {dimension_numbers = #tpu.dot_dimension_numbers<[1], [0], [0], [1], [0, 0, 1, 1], [], []>, transpose_lhs_hint = false} : vector<512x128xf32>, vector<128x8xf32>, vector<512x8xf32> -> vector<512x8xf32>
    %convert_element_type3A_195 = arith.fptosi %dot_general3A_194 : vector<512x8xf32> to vector<512x8xi32>
    %swap3A_196 = arith.constant 0 : index
    %swap3A_197 = arith.constant 176 : index
    %swap3A_198 = vector.load %arg3[%swap3A_196, %swap3A_197] : memref<512x256xi32, #tpu.memory_space<vmem>>, vector<512x8xi32>
    tpu.vector_store %arg3[%swap3A_196, %swap3A_197], %convert_element_type3A_195 {strides = array<i32>} : memref<512x256xi32, #tpu.memory_space<vmem>>, vector<512x8xi32>,
    %slice3A_199 = vector.extract_strided_slice %convert_element_type3A_31 {offsets = [0, 2944], sizes = [512, 128], strides = [1, 1]} : vector<512x4096xf32> to vector<512x128xf32>
    %dot_general3A_200 = arith.constant dense<0.000000e+00> : vector<512x8xf32>
    %dot_general3A_201 = tpu.matmul %slice3A_199, %convert_element_type3A_39, %dot_general3A_200 {dimension_numbers = #tpu.dot_dimension_numbers<[1], [0], [0], [1], [0, 0, 1, 1], [], []>, transpose_lhs_hint = false} : vector<512x128xf32>, vector<128x8xf32>, vector<512x8xf32> -> vector<512x8xf32>
    %convert_element_type3A_202 = arith.fptosi %dot_general3A_201 : vector<512x8xf32> to vector<512x8xi32>
    %swap3A_203 = arith.constant 0 : index
    %swap3A_204 = arith.constant 184 : index
    %swap3A_205 = vector.load %arg3[%swap3A_203, %swap3A_204] : memref<512x256xi32, #tpu.memory_space<vmem>>, vector<512x8xi32>
    tpu.vector_store %arg3[%swap3A_203, %swap3A_204], %convert_element_type3A_202 {strides = array<i32>} : memref<512x256xi32, #tpu.memory_space<vmem>>, vector<512x8xi32>,
    %slice3A_206 = vector.extract_strided_slice %convert_element_type3A_31 {offsets = [0, 3072], sizes = [512, 128], strides = [1, 1]} : vector<512x4096xf32> to vector<512x128xf32>
    %dot_general3A_207 = arith.constant dense<0.000000e+00> : vector<512x8xf32>
    %dot_general3A_208 = tpu.matmul %slice3A_206, %convert_element_type3A_39, %dot_general3A_207 {dimension_numbers = #tpu.dot_dimension_numbers<[1], [0], [0], [1], [0, 0, 1, 1], [], []>, transpose_lhs_hint = false} : vector<512x128xf32>, vector<128x8xf32>, vector<512x8xf32> -> vector<512x8xf32>
    %convert_element_type3A_209 = arith.fptosi %dot_general3A_208 : vector<512x8xf32> to vector<512x8xi32>
    %swap3A_210 = arith.constant 0 : index
    %swap3A_211 = arith.constant 192 : index
    %swap3A_212 = vector.load %arg3[%swap3A_210, %swap3A_211] : memref<512x256xi32, #tpu.memory_space<vmem>>, vector<512x8xi32>
    tpu.vector_store %arg3[%swap3A_210, %swap3A_211], %convert_element_type3A_209 {strides = array<i32>} : memref<512x256xi32, #tpu.memory_space<vmem>>, vector<512x8xi32>,
    %slice3A_213 = vector.extract_strided_slice %convert_element_type3A_31 {offsets = [0, 3200], sizes = [512, 128], strides = [1, 1]} : vector<512x4096xf32> to vector<512x128xf32>
    %dot_general3A_214 = arith.constant dense<0.000000e+00> : vector<512x8xf32>
    %dot_general3A_215 = tpu.matmul %slice3A_213, %convert_element_type3A_39, %dot_general3A_214 {dimension_numbers = #tpu.dot_dimension_numbers<[1], [0], [0], [1], [0, 0, 1, 1], [], []>, transpose_lhs_hint = false} : vector<512x128xf32>, vector<128x8xf32>, vector<512x8xf32> -> vector<512x8xf32>
    %convert_element_type3A_216 = arith.fptosi %dot_general3A_215 : vector<512x8xf32> to vector<512x8xi32>
    %swap3A_217 = arith.constant 0 : index
    %swap3A_218 = arith.constant 200 : index
    %swap3A_219 = vector.load %arg3[%swap3A_217, %swap3A_218] : memref<512x256xi32, #tpu.memory_space<vmem>>, vector<512x8xi32>
    tpu.vector_store %arg3[%swap3A_217, %swap3A_218], %convert_element_type3A_216 {strides = array<i32>} : memref<512x256xi32, #tpu.memory_space<vmem>>, vector<512x8xi32>,
    %slice3A_220 = vector.extract_strided_slice %convert_element_type3A_31 {offsets = [0, 3328], sizes = [512, 128], strides = [1, 1]} : vector<512x4096xf32> to vector<512x128xf32>
    %dot_general3A_221 = arith.constant dense<0.000000e+00> : vector<512x8xf32>
    %dot_general3A_222 = tpu.matmul %slice3A_220, %convert_element_type3A_39, %dot_general3A_221 {dimension_numbers = #tpu.dot_dimension_numbers<[1], [0], [0], [1], [0, 0, 1, 1], [], []>, transpose_lhs_hint = false} : vector<512x128xf32>, vector<128x8xf32>, vector<512x8xf32> -> vector<512x8xf32>
    %convert_element_type3A_223 = arith.fptosi %dot_general3A_222 : vector<512x8xf32> to vector<512x8xi32>
    %swap3A_224 = arith.constant 0 : index
    %swap3A_225 = arith.constant 208 : index
    %swap3A_226 = vector.load %arg3[%swap3A_224, %swap3A_225] : memref<512x256xi32, #tpu.memory_space<vmem>>, vector<512x8xi32>
    tpu.vector_store %arg3[%swap3A_224, %swap3A_225], %convert_element_type3A_223 {strides = array<i32>} : memref<512x256xi32, #tpu.memory_space<vmem>>, vector<512x8xi32>,
    %slice3A_227 = vector.extract_strided_slice %convert_element_type3A_31 {offsets = [0, 3456], sizes = [512, 128], strides = [1, 1]} : vector<512x4096xf32> to vector<512x128xf32>
    %dot_general3A_228 = arith.constant dense<0.000000e+00> : vector<512x8xf32>
    %dot_general3A_229 = tpu.matmul %slice3A_227, %convert_element_type3A_39, %dot_general3A_228 {dimension_numbers = #tpu.dot_dimension_numbers<[1], [0], [0], [1], [0, 0, 1, 1], [], []>, transpose_lhs_hint = false} : vector<512x128xf32>, vector<128x8xf32>, vector<512x8xf32> -> vector<512x8xf32>
    %convert_element_type3A_230 = arith.fptosi %dot_general3A_229 : vector<512x8xf32> to vector<512x8xi32>
    %swap3A_231 = arith.constant 0 : index
    %swap3A_232 = arith.constant 216 : index
    %swap3A_233 = vector.load %arg3[%swap3A_231, %swap3A_232] : memref<512x256xi32, #tpu.memory_space<vmem>>, vector<512x8xi32>
    tpu.vector_store %arg3[%swap3A_231, %swap3A_232], %convert_element_type3A_230 {strides = array<i32>} : memref<512x256xi32, #tpu.memory_space<vmem>>, vector<512x8xi32>,
    %slice3A_234 = vector.extract_strided_slice %convert_element_type3A_31 {offsets = [0, 3584], sizes = [512, 128], strides = [1, 1]} : vector<512x4096xf32> to vector<512x128xf32>
    %dot_general3A_235 = arith.constant dense<0.000000e+00> : vector<512x8xf32>
    %dot_general3A_236 = tpu.matmul %slice3A_234, %convert_element_type3A_39, %dot_general3A_235 {dimension_numbers = #tpu.dot_dimension_numbers<[1], [0], [0], [1], [0, 0, 1, 1], [], []>, transpose_lhs_hint = false} : vector<512x128xf32>, vector<128x8xf32>, vector<512x8xf32> -> vector<512x8xf32>
    %convert_element_type3A_237 = arith.fptosi %dot_general3A_236 : vector<512x8xf32> to vector<512x8xi32>
    %swap3A_238 = arith.constant 0 : index
    %swap3A_239 = arith.constant 224 : index
    %swap3A_240 = vector.load %arg3[%swap3A_238, %swap3A_239] : memref<512x256xi32, #tpu.memory_space<vmem>>, vector<512x8xi32>
    tpu.vector_store %arg3[%swap3A_238, %swap3A_239], %convert_element_type3A_237 {strides = array<i32>} : memref<512x256xi32, #tpu.memory_space<vmem>>, vector<512x8xi32>,
    %slice3A_241 = vector.extract_strided_slice %convert_element_type3A_31 {offsets = [0, 3712], sizes = [512, 128], strides = [1, 1]} : vector<512x4096xf32> to vector<512x128xf32>
    %dot_general3A_242 = arith.constant dense<0.000000e+00> : vector<512x8xf32>
    %dot_general3A_243 = tpu.matmul %slice3A_241, %convert_element_type3A_39, %dot_general3A_242 {dimension_numbers = #tpu.dot_dimension_numbers<[1], [0], [0], [1], [0, 0, 1, 1], [], []>, transpose_lhs_hint = false} : vector<512x128xf32>, vector<128x8xf32>, vector<512x8xf32> -> vector<512x8xf32>
    %convert_element_type3A_244 = arith.fptosi %dot_general3A_243 : vector<512x8xf32> to vector<512x8xi32>
    %swap3A_245 = arith.constant 0 : index
    %swap3A_246 = arith.constant 232 : index
    %swap3A_247 = vector.load %arg3[%swap3A_245, %swap3A_246] : memref<512x256xi32, #tpu.memory_space<vmem>>, vector<512x8xi32>
    tpu.vector_store %arg3[%swap3A_245, %swap3A_246], %convert_element_type3A_244 {strides = array<i32>} : memref<512x256xi32, #tpu.memory_space<vmem>>, vector<512x8xi32>,
    %slice3A_248 = vector.extract_strided_slice %convert_element_type3A_31 {offsets = [0, 3840], sizes = [512, 128], strides = [1, 1]} : vector<512x4096xf32> to vector<512x128xf32>
    %dot_general3A_249 = arith.constant dense<0.000000e+00> : vector<512x8xf32>
    %dot_general3A_250 = tpu.matmul %slice3A_248, %convert_element_type3A_39, %dot_general3A_249 {dimension_numbers = #tpu.dot_dimension_numbers<[1], [0], [0], [1], [0, 0, 1, 1], [], []>, transpose_lhs_hint = false} : vector<512x128xf32>, vector<128x8xf32>, vector<512x8xf32> -> vector<512x8xf32>
    %convert_element_type3A_251 = arith.fptosi %dot_general3A_250 : vector<512x8xf32> to vector<512x8xi32>
    %swap3A_252 = arith.constant 0 : index
    %swap3A_253 = arith.constant 240 : index
    %swap3A_254 = vector.load %arg3[%swap3A_252, %swap3A_253] : memref<512x256xi32, #tpu.memory_space<vmem>>, vector<512x8xi32>
    tpu.vector_store %arg3[%swap3A_252, %swap3A_253], %convert_element_type3A_251 {strides = array<i32>} : memref<512x256xi32, #tpu.memory_space<vmem>>, vector<512x8xi32>,
    %slice3A_255 = vector.extract_strided_slice %convert_element_type3A_31 {offsets = [0, 3968], sizes = [512, 128], strides = [1, 1]} : vector<512x4096xf32> to vector<512x128xf32>
    %dot_general3A_256 = arith.constant dense<0.000000e+00> : vector<512x8xf32>
    %dot_general3A_257 = tpu.matmul %slice3A_255, %convert_element_type3A_39, %dot_general3A_256 {dimension_numbers = #tpu.dot_dimension_numbers<[1], [0], [0], [1], [0, 0, 1, 1], [], []>, transpose_lhs_hint = false} : vector<512x128xf32>, vector<128x8xf32>, vector<512x8xf32> -> vector<512x8xf32>
    %convert_element_type3A_258 = arith.fptosi %dot_general3A_257 : vector<512x8xf32> to vector<512x8xi32>
    %swap3A_259 = arith.constant 0 : index
    %swap3A_260 = arith.constant 248 : index
    %swap3A_261 = vector.load %arg3[%swap3A_259, %swap3A_260] : memref<512x256xi32, #tpu.memory_space<vmem>>, vector<512x8xi32>
    tpu.vector_store %arg3[%swap3A_259, %swap3A_260], %convert_element_type3A_258 {strides = array<i32>} : memref<512x256xi32, #tpu.memory_space<vmem>>, vector<512x8xi32>,
    return
  }
  func.func @transform_0(%arg0: i32) -> (i32, i32, i32) {
    %c2_i32 = arith.constant 2 : i32
    %c0_i32 = arith.constant 0 : i32
    %c0_i32_0 = arith.constant 0 : i32
    return %c2_i32, %arg0, %c0_i32 : i32, i32, i32
  }
  func.func @transform_1(%arg0: i32) -> (i32, i32, i32) {
    %c2_i32 = arith.constant 2 : i32
    %c0_i32 = arith.constant 0 : i32
    %c0_i32_0 = arith.constant 0 : i32
    %c0_i32_1 = arith.constant 0 : i32
    return %c2_i32, %c0_i32, %c0_i32_0 : i32, i32, i32
  }
  func.func @transform_2(%arg0: i32) -> (i32, i32) {
    %c0_i32 = arith.constant 0 : i32
    %c0_i32_0 = arith.constant 0 : i32
    return %arg0, %c0_i32 : i32, i32
  }
}

module attributes {stable_mosaic.version = 14 : i64} {
  func.func @_mask_pack_body(%arg0: i32, %arg1: memref<1x512x3xf32, #tpu.memory_space<vmem>>, %arg2: memref<1x3x4096xf32, #tpu.memory_space<vmem>>, %arg3: memref<512x256xi32, #tpu.memory_space<vmem>>) attributes {dimension_semantics = [#tpu.dimension_semantics<arbitrary>], iteration_bounds = array<i64: 8>, scalar_prefetch = 0 : i64, scratch_operands = 0 : i64, tpu.core_type = #tpu.core_type<tc>, window_params = [{transform_indices = @transform_0, window_bounds = array<i64: 1, 512, 3>}, {transform_indices = @transform_1, window_bounds = array<i64: 1, 3, 4096>}, {transform_indices = @transform_2, window_bounds = array<i64: 512, 256>}]} {
    %get3A = arith.constant 0 : index
    %get3A_0 = arith.constant 0 : index
    %get3A_1 = arith.constant 0 : index
    %get3A_2 = vector.load %arg1[%get3A, %get3A_0, %get3A_1] : memref<1x512x3xf32, #tpu.memory_space<vmem>>, vector<1x512x3xf32>
    %get3A_3 = vector.shape_cast %get3A_2 : vector<1x512x3xf32> to vector<512x3xf32>
    %get3A_4 = arith.constant 0 : index
    %get3A_5 = arith.constant 0 : index
    %get3A_6 = arith.constant 0 : index
    %get3A_7 = vector.load %arg2[%get3A_4, %get3A_5, %get3A_6] : memref<1x3x4096xf32, #tpu.memory_space<vmem>>, vector<1x3x4096xf32>
    %get3A_8 = vector.shape_cast %get3A_7 : vector<1x3x4096xf32> to vector<3x4096xf32>
    %slice3A = vector.extract_strided_slice %get3A_3 {offsets = [0, 0], sizes = [512, 1], strides = [1, 1]} : vector<512x3xf32> to vector<512x1xf32>
    %squeeze3A = vector.shape_cast %slice3A : vector<512x1xf32> to vector<512xf32>
    %reshape3A = vector.shape_cast %squeeze3A : vector<512xf32> to vector<512x1xf32>
    %slice3A_9 = vector.extract_strided_slice %get3A_8 {offsets = [0, 0], sizes = [1, 4096], strides = [1, 1]} : vector<3x4096xf32> to vector<1x4096xf32>
    %sub3A = vector.broadcast %reshape3A : vector<512x1xf32> to vector<512x4096xf32>
    %sub3A_10 = vector.broadcast %slice3A_9 : vector<1x4096xf32> to vector<512x4096xf32>
    %sub3A_11 = arith.subf %sub3A, %sub3A_10 : vector<512x4096xf32>
    %slice3A_12 = vector.extract_strided_slice %get3A_3 {offsets = [0, 1], sizes = [512, 1], strides = [1, 1]} : vector<512x3xf32> to vector<512x1xf32>
    %squeeze3A_13 = vector.shape_cast %slice3A_12 : vector<512x1xf32> to vector<512xf32>
    %reshape3A_14 = vector.shape_cast %squeeze3A_13 : vector<512xf32> to vector<512x1xf32>
    %slice3A_15 = vector.extract_strided_slice %get3A_8 {offsets = [1, 0], sizes = [1, 4096], strides = [1, 1]} : vector<3x4096xf32> to vector<1x4096xf32>
    %sub3A_16 = vector.broadcast %reshape3A_14 : vector<512x1xf32> to vector<512x4096xf32>
    %sub3A_17 = vector.broadcast %slice3A_15 : vector<1x4096xf32> to vector<512x4096xf32>
    %sub3A_18 = arith.subf %sub3A_16, %sub3A_17 : vector<512x4096xf32>
    %slice3A_19 = vector.extract_strided_slice %get3A_3 {offsets = [0, 2], sizes = [512, 1], strides = [1, 1]} : vector<512x3xf32> to vector<512x1xf32>
    %squeeze3A_20 = vector.shape_cast %slice3A_19 : vector<512x1xf32> to vector<512xf32>
    %reshape3A_21 = vector.shape_cast %squeeze3A_20 : vector<512xf32> to vector<512x1xf32>
    %slice3A_22 = vector.extract_strided_slice %get3A_8 {offsets = [2, 0], sizes = [1, 4096], strides = [1, 1]} : vector<3x4096xf32> to vector<1x4096xf32>
    %sub3A_23 = vector.broadcast %reshape3A_21 : vector<512x1xf32> to vector<512x4096xf32>
    %sub3A_24 = vector.broadcast %slice3A_22 : vector<1x4096xf32> to vector<512x4096xf32>
    %sub3A_25 = arith.subf %sub3A_23, %sub3A_24 : vector<512x4096xf32>
    %mul3A = arith.mulf %sub3A_11, %sub3A_11 : vector<512x4096xf32>
    %mul3A_26 = arith.mulf %sub3A_18, %sub3A_18 : vector<512x4096xf32>
    %add3A = arith.addf %mul3A, %mul3A_26 : vector<512x4096xf32>
    %mul3A_27 = arith.mulf %sub3A_25, %sub3A_25 : vector<512x4096xf32>
    %add3A_28 = arith.addf %add3A, %mul3A_27 : vector<512x4096xf32>
    %lt3A = arith.constant 0.00999999977 : f32
    %lt3A_29 = vector.broadcast %lt3A : f32 to vector<512x4096xf32>
    %lt3A_30 = arith.cmpf olt, %add3A_28, %lt3A_29 : vector<512x4096xf32>
    %convert_element_type3A = arith.extui %lt3A_30 : vector<512x4096xi1> to vector<512x4096xi32>
    %convert_element_type3A_31 = arith.sitofp %convert_element_type3A : vector<512x4096xi32> to vector<512x4096xf32>
    %iota3A = tpu.iota {dimensions = array<i32: 0>} : vector<128x8xi32>
    %iota3A_32 = tpu.iota {dimensions = array<i32: 1>} : vector<128x8xi32>
    %shift_right_arithmetic3A = arith.constant 4 : i32
    %shift_right_arithmetic3A_33 = vector.broadcast %shift_right_arithmetic3A : i32 to vector<128x8xi32>
    %shift_right_arithmetic3A_34 = arith.shrsi %iota3A, %shift_right_arithmetic3A_33 : vector<128x8xi32>
    %eq3A = arith.cmpi eq, %shift_right_arithmetic3A_34, %iota3A_32 : vector<128x8xi32>
    %and3A = arith.constant 15 : i32
    %and3A_35 = vector.broadcast %and3A : i32 to vector<128x8xi32>
    %and3A_36 = arith.andi %iota3A, %and3A_35 : vector<128x8xi32>
    %shift_left3A = arith.constant 1 : i32
    %shift_left3A_37 = vector.broadcast %shift_left3A : i32 to vector<128x8xi32>
    %shift_left3A_38 = arith.shli %shift_left3A_37, %and3A_36 : vector<128x8xi32>
    %jit3A = arith.constant 0 : i32
    %broadcast_in_dim3A = vector.broadcast %jit3A : i32 to vector<128x8xi32>
    %select_n3A = arith.select %eq3A, %shift_left3A_38, %broadcast_in_dim3A : vector<128x8xi1>, vector<128x8xi32>
    %convert_element_type3A_39 = arith.sitofp %select_n3A : vector<128x8xi32> to vector<128x8xf32>
    %slice3A_40 = vector.extract_strided_slice %convert_element_type3A_31 {offsets = [0, 0], sizes = [512, 128], strides = [1, 1]} : vector<512x4096xf32> to vector<512x128xf32>
    %dot_general3A = arith.constant dense<0.000000e+00> : vector<512x8xf32>
    %dot_general3A_41 = tpu.matmul %slice3A_40, %convert_element_type3A_39, %dot_general3A {dimension_numbers = #tpu.dot_dimension_numbers<[1], [0], [0], [1], [0, 0, 1, 1], [], []>, transpose_lhs_hint = false} : vector<512x128xf32>, vector<128x8xf32>, vector<512x8xf32> -> vector<512x8xf32>
    %convert_element_type3A_42 = arith.fptosi %dot_general3A_41 : vector<512x8xf32> to vector<512x8xi32>
    %swap3A = arith.constant 0 : index
    %swap3A_43 = arith.constant 0 : index
    %swap3A_44 = vector.load %arg3[%swap3A, %swap3A_43] : memref<512x256xi32, #tpu.memory_space<vmem>>, vector<512x8xi32>
    tpu.vector_store %arg3[%swap3A, %swap3A_43], %convert_element_type3A_42 {strides = array<i32>} : memref<512x256xi32, #tpu.memory_space<vmem>>, vector<512x8xi32>,
    %slice3A_45 = vector.extract_strided_slice %convert_element_type3A_31 {offsets = [0, 128], sizes = [512, 128], strides = [1, 1]} : vector<512x4096xf32> to vector<512x128xf32>
    %dot_general3A_46 = arith.constant dense<0.000000e+00> : vector<512x8xf32>
    %dot_general3A_47 = tpu.matmul %slice3A_45, %convert_element_type3A_39, %dot_general3A_46 {dimension_numbers = #tpu.dot_dimension_numbers<[1], [0], [0], [1], [0, 0, 1, 1], [], []>, transpose_lhs_hint = false} : vector<512x128xf32>, vector<128x8xf32>, vector<512x8xf32> -> vector<512x8xf32>
    %convert_element_type3A_48 = arith.fptosi %dot_general3A_47 : vector<512x8xf32> to vector<512x8xi32>
    %swap3A_49 = arith.constant 0 : index
    %swap3A_50 = arith.constant 8 : index
    %swap3A_51 = vector.load %arg3[%swap3A_49, %swap3A_50] : memref<512x256xi32, #tpu.memory_space<vmem>>, vector<512x8xi32>
    tpu.vector_store %arg3[%swap3A_49, %swap3A_50], %convert_element_type3A_48 {strides = array<i32>} : memref<512x256xi32, #tpu.memory_space<vmem>>, vector<512x8xi32>,
    %slice3A_52 = vector.extract_strided_slice %convert_element_type3A_31 {offsets = [0, 256], sizes = [512, 128], strides = [1, 1]} : vector<512x4096xf32> to vector<512x128xf32>
    %dot_general3A_53 = arith.constant dense<0.000000e+00> : vector<512x8xf32>
    %dot_general3A_54 = tpu.matmul %slice3A_52, %convert_element_type3A_39, %dot_general3A_53 {dimension_numbers = #tpu.dot_dimension_numbers<[1], [0], [0], [1], [0, 0, 1, 1], [], []>, transpose_lhs_hint = false} : vector<512x128xf32>, vector<128x8xf32>, vector<512x8xf32> -> vector<512x8xf32>
    %convert_element_type3A_55 = arith.fptosi %dot_general3A_54 : vector<512x8xf32> to vector<512x8xi32>
    %swap3A_56 = arith.constant 0 : index
    %swap3A_57 = arith.constant 16 : index
    %swap3A_58 = vector.load %arg3[%swap3A_56, %swap3A_57] : memref<512x256xi32, #tpu.memory_space<vmem>>, vector<512x8xi32>
    tpu.vector_store %arg3[%swap3A_56, %swap3A_57], %convert_element_type3A_55 {strides = array<i32>} : memref<512x256xi32, #tpu.memory_space<vmem>>, vector<512x8xi32>,
    %slice3A_59 = vector.extract_strided_slice %convert_element_type3A_31 {offsets = [0, 384], sizes = [512, 128], strides = [1, 1]} : vector<512x4096xf32> to vector<512x128xf32>
    %dot_general3A_60 = arith.constant dense<0.000000e+00> : vector<512x8xf32>
    %dot_general3A_61 = tpu.matmul %slice3A_59, %convert_element_type3A_39, %dot_general3A_60 {dimension_numbers = #tpu.dot_dimension_numbers<[1], [0], [0], [1], [0, 0, 1, 1], [], []>, transpose_lhs_hint = false} : vector<512x128xf32>, vector<128x8xf32>, vector<512x8xf32> -> vector<512x8xf32>
    %convert_element_type3A_62 = arith.fptosi %dot_general3A_61 : vector<512x8xf32> to vector<512x8xi32>
    %swap3A_63 = arith.constant 0 : index
    %swap3A_64 = arith.constant 24 : index
    %swap3A_65 = vector.load %arg3[%swap3A_63, %swap3A_64] : memref<512x256xi32, #tpu.memory_space<vmem>>, vector<512x8xi32>
    tpu.vector_store %arg3[%swap3A_63, %swap3A_64], %convert_element_type3A_62 {strides = array<i32>} : memref<512x256xi32, #tpu.memory_space<vmem>>, vector<512x8xi32>,
    %slice3A_66 = vector.extract_strided_slice %convert_element_type3A_31 {offsets = [0, 512], sizes = [512, 128], strides = [1, 1]} : vector<512x4096xf32> to vector<512x128xf32>
    %dot_general3A_67 = arith.constant dense<0.000000e+00> : vector<512x8xf32>
    %dot_general3A_68 = tpu.matmul %slice3A_66, %convert_element_type3A_39, %dot_general3A_67 {dimension_numbers = #tpu.dot_dimension_numbers<[1], [0], [0], [1], [0, 0, 1, 1], [], []>, transpose_lhs_hint = false} : vector<512x128xf32>, vector<128x8xf32>, vector<512x8xf32> -> vector<512x8xf32>
    %convert_element_type3A_69 = arith.fptosi %dot_general3A_68 : vector<512x8xf32> to vector<512x8xi32>
    %swap3A_70 = arith.constant 0 : index
    %swap3A_71 = arith.constant 32 : index
    %swap3A_72 = vector.load %arg3[%swap3A_70, %swap3A_71] : memref<512x256xi32, #tpu.memory_space<vmem>>, vector<512x8xi32>
    tpu.vector_store %arg3[%swap3A_70, %swap3A_71], %convert_element_type3A_69 {strides = array<i32>} : memref<512x256xi32, #tpu.memory_space<vmem>>, vector<512x8xi32>,
    %slice3A_73 = vector.extract_strided_slice %convert_element_type3A_31 {offsets = [0, 640], sizes = [512, 128], strides = [1, 1]} : vector<512x4096xf32> to vector<512x128xf32>
    %dot_general3A_74 = arith.constant dense<0.000000e+00> : vector<512x8xf32>
    %dot_general3A_75 = tpu.matmul %slice3A_73, %convert_element_type3A_39, %dot_general3A_74 {dimension_numbers = #tpu.dot_dimension_numbers<[1], [0], [0], [1], [0, 0, 1, 1], [], []>, transpose_lhs_hint = false} : vector<512x128xf32>, vector<128x8xf32>, vector<512x8xf32> -> vector<512x8xf32>
    %convert_element_type3A_76 = arith.fptosi %dot_general3A_75 : vector<512x8xf32> to vector<512x8xi32>
    %swap3A_77 = arith.constant 0 : index
    %swap3A_78 = arith.constant 40 : index
    %swap3A_79 = vector.load %arg3[%swap3A_77, %swap3A_78] : memref<512x256xi32, #tpu.memory_space<vmem>>, vector<512x8xi32>
    tpu.vector_store %arg3[%swap3A_77, %swap3A_78], %convert_element_type3A_76 {strides = array<i32>} : memref<512x256xi32, #tpu.memory_space<vmem>>, vector<512x8xi32>,
    %slice3A_80 = vector.extract_strided_slice %convert_element_type3A_31 {offsets = [0, 768], sizes = [512, 128], strides = [1, 1]} : vector<512x4096xf32> to vector<512x128xf32>
    %dot_general3A_81 = arith.constant dense<0.000000e+00> : vector<512x8xf32>
    %dot_general3A_82 = tpu.matmul %slice3A_80, %convert_element_type3A_39, %dot_general3A_81 {dimension_numbers = #tpu.dot_dimension_numbers<[1], [0], [0], [1], [0, 0, 1, 1], [], []>, transpose_lhs_hint = false} : vector<512x128xf32>, vector<128x8xf32>, vector<512x8xf32> -> vector<512x8xf32>
    %convert_element_type3A_83 = arith.fptosi %dot_general3A_82 : vector<512x8xf32> to vector<512x8xi32>
    %swap3A_84 = arith.constant 0 : index
    %swap3A_85 = arith.constant 48 : index
    %swap3A_86 = vector.load %arg3[%swap3A_84, %swap3A_85] : memref<512x256xi32, #tpu.memory_space<vmem>>, vector<512x8xi32>
    tpu.vector_store %arg3[%swap3A_84, %swap3A_85], %convert_element_type3A_83 {strides = array<i32>} : memref<512x256xi32, #tpu.memory_space<vmem>>, vector<512x8xi32>,
    %slice3A_87 = vector.extract_strided_slice %convert_element_type3A_31 {offsets = [0, 896], sizes = [512, 128], strides = [1, 1]} : vector<512x4096xf32> to vector<512x128xf32>
    %dot_general3A_88 = arith.constant dense<0.000000e+00> : vector<512x8xf32>
    %dot_general3A_89 = tpu.matmul %slice3A_87, %convert_element_type3A_39, %dot_general3A_88 {dimension_numbers = #tpu.dot_dimension_numbers<[1], [0], [0], [1], [0, 0, 1, 1], [], []>, transpose_lhs_hint = false} : vector<512x128xf32>, vector<128x8xf32>, vector<512x8xf32> -> vector<512x8xf32>
    %convert_element_type3A_90 = arith.fptosi %dot_general3A_89 : vector<512x8xf32> to vector<512x8xi32>
    %swap3A_91 = arith.constant 0 : index
    %swap3A_92 = arith.constant 56 : index
    %swap3A_93 = vector.load %arg3[%swap3A_91, %swap3A_92] : memref<512x256xi32, #tpu.memory_space<vmem>>, vector<512x8xi32>
    tpu.vector_store %arg3[%swap3A_91, %swap3A_92], %convert_element_type3A_90 {strides = array<i32>} : memref<512x256xi32, #tpu.memory_space<vmem>>, vector<512x8xi32>,
    %slice3A_94 = vector.extract_strided_slice %convert_element_type3A_31 {offsets = [0, 1024], sizes = [512, 128], strides = [1, 1]} : vector<512x4096xf32> to vector<512x128xf32>
    %dot_general3A_95 = arith.constant dense<0.000000e+00> : vector<512x8xf32>
    %dot_general3A_96 = tpu.matmul %slice3A_94, %convert_element_type3A_39, %dot_general3A_95 {dimension_numbers = #tpu.dot_dimension_numbers<[1], [0], [0], [1], [0, 0, 1, 1], [], []>, transpose_lhs_hint = false} : vector<512x128xf32>, vector<128x8xf32>, vector<512x8xf32> -> vector<512x8xf32>
    %convert_element_type3A_97 = arith.fptosi %dot_general3A_96 : vector<512x8xf32> to vector<512x8xi32>
    %swap3A_98 = arith.constant 0 : index
    %swap3A_99 = arith.constant 64 : index
    %swap3A_100 = vector.load %arg3[%swap3A_98, %swap3A_99] : memref<512x256xi32, #tpu.memory_space<vmem>>, vector<512x8xi32>
    tpu.vector_store %arg3[%swap3A_98, %swap3A_99], %convert_element_type3A_97 {strides = array<i32>} : memref<512x256xi32, #tpu.memory_space<vmem>>, vector<512x8xi32>,
    %slice3A_101 = vector.extract_strided_slice %convert_element_type3A_31 {offsets = [0, 1152], sizes = [512, 128], strides = [1, 1]} : vector<512x4096xf32> to vector<512x128xf32>
    %dot_general3A_102 = arith.constant dense<0.000000e+00> : vector<512x8xf32>
    %dot_general3A_103 = tpu.matmul %slice3A_101, %convert_element_type3A_39, %dot_general3A_102 {dimension_numbers = #tpu.dot_dimension_numbers<[1], [0], [0], [1], [0, 0, 1, 1], [], []>, transpose_lhs_hint = false} : vector<512x128xf32>, vector<128x8xf32>, vector<512x8xf32> -> vector<512x8xf32>
    %convert_element_type3A_104 = arith.fptosi %dot_general3A_103 : vector<512x8xf32> to vector<512x8xi32>
    %swap3A_105 = arith.constant 0 : index
    %swap3A_106 = arith.constant 72 : index
    %swap3A_107 = vector.load %arg3[%swap3A_105, %swap3A_106] : memref<512x256xi32, #tpu.memory_space<vmem>>, vector<512x8xi32>
    tpu.vector_store %arg3[%swap3A_105, %swap3A_106], %convert_element_type3A_104 {strides = array<i32>} : memref<512x256xi32, #tpu.memory_space<vmem>>, vector<512x8xi32>,
    %slice3A_108 = vector.extract_strided_slice %convert_element_type3A_31 {offsets = [0, 1280], sizes = [512, 128], strides = [1, 1]} : vector<512x4096xf32> to vector<512x128xf32>
    %dot_general3A_109 = arith.constant dense<0.000000e+00> : vector<512x8xf32>
    %dot_general3A_110 = tpu.matmul %slice3A_108, %convert_element_type3A_39, %dot_general3A_109 {dimension_numbers = #tpu.dot_dimension_numbers<[1], [0], [0], [1], [0, 0, 1, 1], [], []>, transpose_lhs_hint = false} : vector<512x128xf32>, vector<128x8xf32>, vector<512x8xf32> -> vector<512x8xf32>
    %convert_element_type3A_111 = arith.fptosi %dot_general3A_110 : vector<512x8xf32> to vector<512x8xi32>
    %swap3A_112 = arith.constant 0 : index
    %swap3A_113 = arith.constant 80 : index
    %swap3A_114 = vector.load %arg3[%swap3A_112, %swap3A_113] : memref<512x256xi32, #tpu.memory_space<vmem>>, vector<512x8xi32>
    tpu.vector_store %arg3[%swap3A_112, %swap3A_113], %convert_element_type3A_111 {strides = array<i32>} : memref<512x256xi32, #tpu.memory_space<vmem>>, vector<512x8xi32>,
    %slice3A_115 = vector.extract_strided_slice %convert_element_type3A_31 {offsets = [0, 1408], sizes = [512, 128], strides = [1, 1]} : vector<512x4096xf32> to vector<512x128xf32>
    %dot_general3A_116 = arith.constant dense<0.000000e+00> : vector<512x8xf32>
    %dot_general3A_117 = tpu.matmul %slice3A_115, %convert_element_type3A_39, %dot_general3A_116 {dimension_numbers = #tpu.dot_dimension_numbers<[1], [0], [0], [1], [0, 0, 1, 1], [], []>, transpose_lhs_hint = false} : vector<512x128xf32>, vector<128x8xf32>, vector<512x8xf32> -> vector<512x8xf32>
    %convert_element_type3A_118 = arith.fptosi %dot_general3A_117 : vector<512x8xf32> to vector<512x8xi32>
    %swap3A_119 = arith.constant 0 : index
    %swap3A_120 = arith.constant 88 : index
    %swap3A_121 = vector.load %arg3[%swap3A_119, %swap3A_120] : memref<512x256xi32, #tpu.memory_space<vmem>>, vector<512x8xi32>
    tpu.vector_store %arg3[%swap3A_119, %swap3A_120], %convert_element_type3A_118 {strides = array<i32>} : memref<512x256xi32, #tpu.memory_space<vmem>>, vector<512x8xi32>,
    %slice3A_122 = vector.extract_strided_slice %convert_element_type3A_31 {offsets = [0, 1536], sizes = [512, 128], strides = [1, 1]} : vector<512x4096xf32> to vector<512x128xf32>
    %dot_general3A_123 = arith.constant dense<0.000000e+00> : vector<512x8xf32>
    %dot_general3A_124 = tpu.matmul %slice3A_122, %convert_element_type3A_39, %dot_general3A_123 {dimension_numbers = #tpu.dot_dimension_numbers<[1], [0], [0], [1], [0, 0, 1, 1], [], []>, transpose_lhs_hint = false} : vector<512x128xf32>, vector<128x8xf32>, vector<512x8xf32> -> vector<512x8xf32>
    %convert_element_type3A_125 = arith.fptosi %dot_general3A_124 : vector<512x8xf32> to vector<512x8xi32>
    %swap3A_126 = arith.constant 0 : index
    %swap3A_127 = arith.constant 96 : index
    %swap3A_128 = vector.load %arg3[%swap3A_126, %swap3A_127] : memref<512x256xi32, #tpu.memory_space<vmem>>, vector<512x8xi32>
    tpu.vector_store %arg3[%swap3A_126, %swap3A_127], %convert_element_type3A_125 {strides = array<i32>} : memref<512x256xi32, #tpu.memory_space<vmem>>, vector<512x8xi32>,
    %slice3A_129 = vector.extract_strided_slice %convert_element_type3A_31 {offsets = [0, 1664], sizes = [512, 128], strides = [1, 1]} : vector<512x4096xf32> to vector<512x128xf32>
    %dot_general3A_130 = arith.constant dense<0.000000e+00> : vector<512x8xf32>
    %dot_general3A_131 = tpu.matmul %slice3A_129, %convert_element_type3A_39, %dot_general3A_130 {dimension_numbers = #tpu.dot_dimension_numbers<[1], [0], [0], [1], [0, 0, 1, 1], [], []>, transpose_lhs_hint = false} : vector<512x128xf32>, vector<128x8xf32>, vector<512x8xf32> -> vector<512x8xf32>
    %convert_element_type3A_132 = arith.fptosi %dot_general3A_131 : vector<512x8xf32> to vector<512x8xi32>
    %swap3A_133 = arith.constant 0 : index
    %swap3A_134 = arith.constant 104 : index
    %swap3A_135 = vector.load %arg3[%swap3A_133, %swap3A_134] : memref<512x256xi32, #tpu.memory_space<vmem>>, vector<512x8xi32>
    tpu.vector_store %arg3[%swap3A_133, %swap3A_134], %convert_element_type3A_132 {strides = array<i32>} : memref<512x256xi32, #tpu.memory_space<vmem>>, vector<512x8xi32>,
    %slice3A_136 = vector.extract_strided_slice %convert_element_type3A_31 {offsets = [0, 1792], sizes = [512, 128], strides = [1, 1]} : vector<512x4096xf32> to vector<512x128xf32>
    %dot_general3A_137 = arith.constant dense<0.000000e+00> : vector<512x8xf32>
    %dot_general3A_138 = tpu.matmul %slice3A_136, %convert_element_type3A_39, %dot_general3A_137 {dimension_numbers = #tpu.dot_dimension_numbers<[1], [0], [0], [1], [0, 0, 1, 1], [], []>, transpose_lhs_hint = false} : vector<512x128xf32>, vector<128x8xf32>, vector<512x8xf32> -> vector<512x8xf32>
    %convert_element_type3A_139 = arith.fptosi %dot_general3A_138 : vector<512x8xf32> to vector<512x8xi32>
    %swap3A_140 = arith.constant 0 : index
    %swap3A_141 = arith.constant 112 : index
    %swap3A_142 = vector.load %arg3[%swap3A_140, %swap3A_141] : memref<512x256xi32, #tpu.memory_space<vmem>>, vector<512x8xi32>
    tpu.vector_store %arg3[%swap3A_140, %swap3A_141], %convert_element_type3A_139 {strides = array<i32>} : memref<512x256xi32, #tpu.memory_space<vmem>>, vector<512x8xi32>,
    %slice3A_143 = vector.extract_strided_slice %convert_element_type3A_31 {offsets = [0, 1920], sizes = [512, 128], strides = [1, 1]} : vector<512x4096xf32> to vector<512x128xf32>
    %dot_general3A_144 = arith.constant dense<0.000000e+00> : vector<512x8xf32>
    %dot_general3A_145 = tpu.matmul %slice3A_143, %convert_element_type3A_39, %dot_general3A_144 {dimension_numbers = #tpu.dot_dimension_numbers<[1], [0], [0], [1], [0, 0, 1, 1], [], []>, transpose_lhs_hint = false} : vector<512x128xf32>, vector<128x8xf32>, vector<512x8xf32> -> vector<512x8xf32>
    %convert_element_type3A_146 = arith.fptosi %dot_general3A_145 : vector<512x8xf32> to vector<512x8xi32>
    %swap3A_147 = arith.constant 0 : index
    %swap3A_148 = arith.constant 120 : index
    %swap3A_149 = vector.load %arg3[%swap3A_147, %swap3A_148] : memref<512x256xi32, #tpu.memory_space<vmem>>, vector<512x8xi32>
    tpu.vector_store %arg3[%swap3A_147, %swap3A_148], %convert_element_type3A_146 {strides = array<i32>} : memref<512x256xi32, #tpu.memory_space<vmem>>, vector<512x8xi32>,
    %slice3A_150 = vector.extract_strided_slice %convert_element_type3A_31 {offsets = [0, 2048], sizes = [512, 128], strides = [1, 1]} : vector<512x4096xf32> to vector<512x128xf32>
    %dot_general3A_151 = arith.constant dense<0.000000e+00> : vector<512x8xf32>
    %dot_general3A_152 = tpu.matmul %slice3A_150, %convert_element_type3A_39, %dot_general3A_151 {dimension_numbers = #tpu.dot_dimension_numbers<[1], [0], [0], [1], [0, 0, 1, 1], [], []>, transpose_lhs_hint = false} : vector<512x128xf32>, vector<128x8xf32>, vector<512x8xf32> -> vector<512x8xf32>
    %convert_element_type3A_153 = arith.fptosi %dot_general3A_152 : vector<512x8xf32> to vector<512x8xi32>
    %swap3A_154 = arith.constant 0 : index
    %swap3A_155 = arith.constant 128 : index
    %swap3A_156 = vector.load %arg3[%swap3A_154, %swap3A_155] : memref<512x256xi32, #tpu.memory_space<vmem>>, vector<512x8xi32>
    tpu.vector_store %arg3[%swap3A_154, %swap3A_155], %convert_element_type3A_153 {strides = array<i32>} : memref<512x256xi32, #tpu.memory_space<vmem>>, vector<512x8xi32>,
    %slice3A_157 = vector.extract_strided_slice %convert_element_type3A_31 {offsets = [0, 2176], sizes = [512, 128], strides = [1, 1]} : vector<512x4096xf32> to vector<512x128xf32>
    %dot_general3A_158 = arith.constant dense<0.000000e+00> : vector<512x8xf32>
    %dot_general3A_159 = tpu.matmul %slice3A_157, %convert_element_type3A_39, %dot_general3A_158 {dimension_numbers = #tpu.dot_dimension_numbers<[1], [0], [0], [1], [0, 0, 1, 1], [], []>, transpose_lhs_hint = false} : vector<512x128xf32>, vector<128x8xf32>, vector<512x8xf32> -> vector<512x8xf32>
    %convert_element_type3A_160 = arith.fptosi %dot_general3A_159 : vector<512x8xf32> to vector<512x8xi32>
    %swap3A_161 = arith.constant 0 : index
    %swap3A_162 = arith.constant 136 : index
    %swap3A_163 = vector.load %arg3[%swap3A_161, %swap3A_162] : memref<512x256xi32, #tpu.memory_space<vmem>>, vector<512x8xi32>
    tpu.vector_store %arg3[%swap3A_161, %swap3A_162], %convert_element_type3A_160 {strides = array<i32>} : memref<512x256xi32, #tpu.memory_space<vmem>>, vector<512x8xi32>,
    %slice3A_164 = vector.extract_strided_slice %convert_element_type3A_31 {offsets = [0, 2304], sizes = [512, 128], strides = [1, 1]} : vector<512x4096xf32> to vector<512x128xf32>
    %dot_general3A_165 = arith.constant dense<0.000000e+00> : vector<512x8xf32>
    %dot_general3A_166 = tpu.matmul %slice3A_164, %convert_element_type3A_39, %dot_general3A_165 {dimension_numbers = #tpu.dot_dimension_numbers<[1], [0], [0], [1], [0, 0, 1, 1], [], []>, transpose_lhs_hint = false} : vector<512x128xf32>, vector<128x8xf32>, vector<512x8xf32> -> vector<512x8xf32>
    %convert_element_type3A_167 = arith.fptosi %dot_general3A_166 : vector<512x8xf32> to vector<512x8xi32>
    %swap3A_168 = arith.constant 0 : index
    %swap3A_169 = arith.constant 144 : index
    %swap3A_170 = vector.load %arg3[%swap3A_168, %swap3A_169] : memref<512x256xi32, #tpu.memory_space<vmem>>, vector<512x8xi32>
    tpu.vector_store %arg3[%swap3A_168, %swap3A_169], %convert_element_type3A_167 {strides = array<i32>} : memref<512x256xi32, #tpu.memory_space<vmem>>, vector<512x8xi32>,
    %slice3A_171 = vector.extract_strided_slice %convert_element_type3A_31 {offsets = [0, 2432], sizes = [512, 128], strides = [1, 1]} : vector<512x4096xf32> to vector<512x128xf32>
    %dot_general3A_172 = arith.constant dense<0.000000e+00> : vector<512x8xf32>
    %dot_general3A_173 = tpu.matmul %slice3A_171, %convert_element_type3A_39, %dot_general3A_172 {dimension_numbers = #tpu.dot_dimension_numbers<[1], [0], [0], [1], [0, 0, 1, 1], [], []>, transpose_lhs_hint = false} : vector<512x128xf32>, vector<128x8xf32>, vector<512x8xf32> -> vector<512x8xf32>
    %convert_element_type3A_174 = arith.fptosi %dot_general3A_173 : vector<512x8xf32> to vector<512x8xi32>
    %swap3A_175 = arith.constant 0 : index
    %swap3A_176 = arith.constant 152 : index
    %swap3A_177 = vector.load %arg3[%swap3A_175, %swap3A_176] : memref<512x256xi32, #tpu.memory_space<vmem>>, vector<512x8xi32>
    tpu.vector_store %arg3[%swap3A_175, %swap3A_176], %convert_element_type3A_174 {strides = array<i32>} : memref<512x256xi32, #tpu.memory_space<vmem>>, vector<512x8xi32>,
    %slice3A_178 = vector.extract_strided_slice %convert_element_type3A_31 {offsets = [0, 2560], sizes = [512, 128], strides = [1, 1]} : vector<512x4096xf32> to vector<512x128xf32>
    %dot_general3A_179 = arith.constant dense<0.000000e+00> : vector<512x8xf32>
    %dot_general3A_180 = tpu.matmul %slice3A_178, %convert_element_type3A_39, %dot_general3A_179 {dimension_numbers = #tpu.dot_dimension_numbers<[1], [0], [0], [1], [0, 0, 1, 1], [], []>, transpose_lhs_hint = false} : vector<512x128xf32>, vector<128x8xf32>, vector<512x8xf32> -> vector<512x8xf32>
    %convert_element_type3A_181 = arith.fptosi %dot_general3A_180 : vector<512x8xf32> to vector<512x8xi32>
    %swap3A_182 = arith.constant 0 : index
    %swap3A_183 = arith.constant 160 : index
    %swap3A_184 = vector.load %arg3[%swap3A_182, %swap3A_183] : memref<512x256xi32, #tpu.memory_space<vmem>>, vector<512x8xi32>
    tpu.vector_store %arg3[%swap3A_182, %swap3A_183], %convert_element_type3A_181 {strides = array<i32>} : memref<512x256xi32, #tpu.memory_space<vmem>>, vector<512x8xi32>,
    %slice3A_185 = vector.extract_strided_slice %convert_element_type3A_31 {offsets = [0, 2688], sizes = [512, 128], strides = [1, 1]} : vector<512x4096xf32> to vector<512x128xf32>
    %dot_general3A_186 = arith.constant dense<0.000000e+00> : vector<512x8xf32>
    %dot_general3A_187 = tpu.matmul %slice3A_185, %convert_element_type3A_39, %dot_general3A_186 {dimension_numbers = #tpu.dot_dimension_numbers<[1], [0], [0], [1], [0, 0, 1, 1], [], []>, transpose_lhs_hint = false} : vector<512x128xf32>, vector<128x8xf32>, vector<512x8xf32> -> vector<512x8xf32>
    %convert_element_type3A_188 = arith.fptosi %dot_general3A_187 : vector<512x8xf32> to vector<512x8xi32>
    %swap3A_189 = arith.constant 0 : index
    %swap3A_190 = arith.constant 168 : index
    %swap3A_191 = vector.load %arg3[%swap3A_189, %swap3A_190] : memref<512x256xi32, #tpu.memory_space<vmem>>, vector<512x8xi32>
    tpu.vector_store %arg3[%swap3A_189, %swap3A_190], %convert_element_type3A_188 {strides = array<i32>} : memref<512x256xi32, #tpu.memory_space<vmem>>, vector<512x8xi32>,
    %slice3A_192 = vector.extract_strided_slice %convert_element_type3A_31 {offsets = [0, 2816], sizes = [512, 128], strides = [1, 1]} : vector<512x4096xf32> to vector<512x128xf32>
    %dot_general3A_193 = arith.constant dense<0.000000e+00> : vector<512x8xf32>
    %dot_general3A_194 = tpu.matmul %slice3A_192, %convert_element_type3A_39, %dot_general3A_193 {dimension_numbers = #tpu.dot_dimension_numbers<[1], [0], [0], [1], [0, 0, 1, 1], [], []>, transpose_lhs_hint = false} : vector<512x128xf32>, vector<128x8xf32>, vector<512x8xf32> -> vector<512x8xf32>
    %convert_element_type3A_195 = arith.fptosi %dot_general3A_194 : vector<512x8xf32> to vector<512x8xi32>
    %swap3A_196 = arith.constant 0 : index
    %swap3A_197 = arith.constant 176 : index
    %swap3A_198 = vector.load %arg3[%swap3A_196, %swap3A_197] : memref<512x256xi32, #tpu.memory_space<vmem>>, vector<512x8xi32>
    tpu.vector_store %arg3[%swap3A_196, %swap3A_197], %convert_element_type3A_195 {strides = array<i32>} : memref<512x256xi32, #tpu.memory_space<vmem>>, vector<512x8xi32>,
    %slice3A_199 = vector.extract_strided_slice %convert_element_type3A_31 {offsets = [0, 2944], sizes = [512, 128], strides = [1, 1]} : vector<512x4096xf32> to vector<512x128xf32>
    %dot_general3A_200 = arith.constant dense<0.000000e+00> : vector<512x8xf32>
    %dot_general3A_201 = tpu.matmul %slice3A_199, %convert_element_type3A_39, %dot_general3A_200 {dimension_numbers = #tpu.dot_dimension_numbers<[1], [0], [0], [1], [0, 0, 1, 1], [], []>, transpose_lhs_hint = false} : vector<512x128xf32>, vector<128x8xf32>, vector<512x8xf32> -> vector<512x8xf32>
    %convert_element_type3A_202 = arith.fptosi %dot_general3A_201 : vector<512x8xf32> to vector<512x8xi32>
    %swap3A_203 = arith.constant 0 : index
    %swap3A_204 = arith.constant 184 : index
    %swap3A_205 = vector.load %arg3[%swap3A_203, %swap3A_204] : memref<512x256xi32, #tpu.memory_space<vmem>>, vector<512x8xi32>
    tpu.vector_store %arg3[%swap3A_203, %swap3A_204], %convert_element_type3A_202 {strides = array<i32>} : memref<512x256xi32, #tpu.memory_space<vmem>>, vector<512x8xi32>,
    %slice3A_206 = vector.extract_strided_slice %convert_element_type3A_31 {offsets = [0, 3072], sizes = [512, 128], strides = [1, 1]} : vector<512x4096xf32> to vector<512x128xf32>
    %dot_general3A_207 = arith.constant dense<0.000000e+00> : vector<512x8xf32>
    %dot_general3A_208 = tpu.matmul %slice3A_206, %convert_element_type3A_39, %dot_general3A_207 {dimension_numbers = #tpu.dot_dimension_numbers<[1], [0], [0], [1], [0, 0, 1, 1], [], []>, transpose_lhs_hint = false} : vector<512x128xf32>, vector<128x8xf32>, vector<512x8xf32> -> vector<512x8xf32>
    %convert_element_type3A_209 = arith.fptosi %dot_general3A_208 : vector<512x8xf32> to vector<512x8xi32>
    %swap3A_210 = arith.constant 0 : index
    %swap3A_211 = arith.constant 192 : index
    %swap3A_212 = vector.load %arg3[%swap3A_210, %swap3A_211] : memref<512x256xi32, #tpu.memory_space<vmem>>, vector<512x8xi32>
    tpu.vector_store %arg3[%swap3A_210, %swap3A_211], %convert_element_type3A_209 {strides = array<i32>} : memref<512x256xi32, #tpu.memory_space<vmem>>, vector<512x8xi32>,
    %slice3A_213 = vector.extract_strided_slice %convert_element_type3A_31 {offsets = [0, 3200], sizes = [512, 128], strides = [1, 1]} : vector<512x4096xf32> to vector<512x128xf32>
    %dot_general3A_214 = arith.constant dense<0.000000e+00> : vector<512x8xf32>
    %dot_general3A_215 = tpu.matmul %slice3A_213, %convert_element_type3A_39, %dot_general3A_214 {dimension_numbers = #tpu.dot_dimension_numbers<[1], [0], [0], [1], [0, 0, 1, 1], [], []>, transpose_lhs_hint = false} : vector<512x128xf32>, vector<128x8xf32>, vector<512x8xf32> -> vector<512x8xf32>
    %convert_element_type3A_216 = arith.fptosi %dot_general3A_215 : vector<512x8xf32> to vector<512x8xi32>
    %swap3A_217 = arith.constant 0 : index
    %swap3A_218 = arith.constant 200 : index
    %swap3A_219 = vector.load %arg3[%swap3A_217, %swap3A_218] : memref<512x256xi32, #tpu.memory_space<vmem>>, vector<512x8xi32>
    tpu.vector_store %arg3[%swap3A_217, %swap3A_218], %convert_element_type3A_216 {strides = array<i32>} : memref<512x256xi32, #tpu.memory_space<vmem>>, vector<512x8xi32>,
    %slice3A_220 = vector.extract_strided_slice %convert_element_type3A_31 {offsets = [0, 3328], sizes = [512, 128], strides = [1, 1]} : vector<512x4096xf32> to vector<512x128xf32>
    %dot_general3A_221 = arith.constant dense<0.000000e+00> : vector<512x8xf32>
    %dot_general3A_222 = tpu.matmul %slice3A_220, %convert_element_type3A_39, %dot_general3A_221 {dimension_numbers = #tpu.dot_dimension_numbers<[1], [0], [0], [1], [0, 0, 1, 1], [], []>, transpose_lhs_hint = false} : vector<512x128xf32>, vector<128x8xf32>, vector<512x8xf32> -> vector<512x8xf32>
    %convert_element_type3A_223 = arith.fptosi %dot_general3A_222 : vector<512x8xf32> to vector<512x8xi32>
    %swap3A_224 = arith.constant 0 : index
    %swap3A_225 = arith.constant 208 : index
    %swap3A_226 = vector.load %arg3[%swap3A_224, %swap3A_225] : memref<512x256xi32, #tpu.memory_space<vmem>>, vector<512x8xi32>
    tpu.vector_store %arg3[%swap3A_224, %swap3A_225], %convert_element_type3A_223 {strides = array<i32>} : memref<512x256xi32, #tpu.memory_space<vmem>>, vector<512x8xi32>,
    %slice3A_227 = vector.extract_strided_slice %convert_element_type3A_31 {offsets = [0, 3456], sizes = [512, 128], strides = [1, 1]} : vector<512x4096xf32> to vector<512x128xf32>
    %dot_general3A_228 = arith.constant dense<0.000000e+00> : vector<512x8xf32>
    %dot_general3A_229 = tpu.matmul %slice3A_227, %convert_element_type3A_39, %dot_general3A_228 {dimension_numbers = #tpu.dot_dimension_numbers<[1], [0], [0], [1], [0, 0, 1, 1], [], []>, transpose_lhs_hint = false} : vector<512x128xf32>, vector<128x8xf32>, vector<512x8xf32> -> vector<512x8xf32>
    %convert_element_type3A_230 = arith.fptosi %dot_general3A_229 : vector<512x8xf32> to vector<512x8xi32>
    %swap3A_231 = arith.constant 0 : index
    %swap3A_232 = arith.constant 216 : index
    %swap3A_233 = vector.load %arg3[%swap3A_231, %swap3A_232] : memref<512x256xi32, #tpu.memory_space<vmem>>, vector<512x8xi32>
    tpu.vector_store %arg3[%swap3A_231, %swap3A_232], %convert_element_type3A_230 {strides = array<i32>} : memref<512x256xi32, #tpu.memory_space<vmem>>, vector<512x8xi32>,
    %slice3A_234 = vector.extract_strided_slice %convert_element_type3A_31 {offsets = [0, 3584], sizes = [512, 128], strides = [1, 1]} : vector<512x4096xf32> to vector<512x128xf32>
    %dot_general3A_235 = arith.constant dense<0.000000e+00> : vector<512x8xf32>
    %dot_general3A_236 = tpu.matmul %slice3A_234, %convert_element_type3A_39, %dot_general3A_235 {dimension_numbers = #tpu.dot_dimension_numbers<[1], [0], [0], [1], [0, 0, 1, 1], [], []>, transpose_lhs_hint = false} : vector<512x128xf32>, vector<128x8xf32>, vector<512x8xf32> -> vector<512x8xf32>
    %convert_element_type3A_237 = arith.fptosi %dot_general3A_236 : vector<512x8xf32> to vector<512x8xi32>
    %swap3A_238 = arith.constant 0 : index
    %swap3A_239 = arith.constant 224 : index
    %swap3A_240 = vector.load %arg3[%swap3A_238, %swap3A_239] : memref<512x256xi32, #tpu.memory_space<vmem>>, vector<512x8xi32>
    tpu.vector_store %arg3[%swap3A_238, %swap3A_239], %convert_element_type3A_237 {strides = array<i32>} : memref<512x256xi32, #tpu.memory_space<vmem>>, vector<512x8xi32>,
    %slice3A_241 = vector.extract_strided_slice %convert_element_type3A_31 {offsets = [0, 3712], sizes = [512, 128], strides = [1, 1]} : vector<512x4096xf32> to vector<512x128xf32>
    %dot_general3A_242 = arith.constant dense<0.000000e+00> : vector<512x8xf32>
    %dot_general3A_243 = tpu.matmul %slice3A_241, %convert_element_type3A_39, %dot_general3A_242 {dimension_numbers = #tpu.dot_dimension_numbers<[1], [0], [0], [1], [0, 0, 1, 1], [], []>, transpose_lhs_hint = false} : vector<512x128xf32>, vector<128x8xf32>, vector<512x8xf32> -> vector<512x8xf32>
    %convert_element_type3A_244 = arith.fptosi %dot_general3A_243 : vector<512x8xf32> to vector<512x8xi32>
    %swap3A_245 = arith.constant 0 : index
    %swap3A_246 = arith.constant 232 : index
    %swap3A_247 = vector.load %arg3[%swap3A_245, %swap3A_246] : memref<512x256xi32, #tpu.memory_space<vmem>>, vector<512x8xi32>
    tpu.vector_store %arg3[%swap3A_245, %swap3A_246], %convert_element_type3A_244 {strides = array<i32>} : memref<512x256xi32, #tpu.memory_space<vmem>>, vector<512x8xi32>,
    %slice3A_248 = vector.extract_strided_slice %convert_element_type3A_31 {offsets = [0, 3840], sizes = [512, 128], strides = [1, 1]} : vector<512x4096xf32> to vector<512x128xf32>
    %dot_general3A_249 = arith.constant dense<0.000000e+00> : vector<512x8xf32>
    %dot_general3A_250 = tpu.matmul %slice3A_248, %convert_element_type3A_39, %dot_general3A_249 {dimension_numbers = #tpu.dot_dimension_numbers<[1], [0], [0], [1], [0, 0, 1, 1], [], []>, transpose_lhs_hint = false} : vector<512x128xf32>, vector<128x8xf32>, vector<512x8xf32> -> vector<512x8xf32>
    %convert_element_type3A_251 = arith.fptosi %dot_general3A_250 : vector<512x8xf32> to vector<512x8xi32>
    %swap3A_252 = arith.constant 0 : index
    %swap3A_253 = arith.constant 240 : index
    %swap3A_254 = vector.load %arg3[%swap3A_252, %swap3A_253] : memref<512x256xi32, #tpu.memory_space<vmem>>, vector<512x8xi32>
    tpu.vector_store %arg3[%swap3A_252, %swap3A_253], %convert_element_type3A_251 {strides = array<i32>} : memref<512x256xi32, #tpu.memory_space<vmem>>, vector<512x8xi32>,
    %slice3A_255 = vector.extract_strided_slice %convert_element_type3A_31 {offsets = [0, 3968], sizes = [512, 128], strides = [1, 1]} : vector<512x4096xf32> to vector<512x128xf32>
    %dot_general3A_256 = arith.constant dense<0.000000e+00> : vector<512x8xf32>
    %dot_general3A_257 = tpu.matmul %slice3A_255, %convert_element_type3A_39, %dot_general3A_256 {dimension_numbers = #tpu.dot_dimension_numbers<[1], [0], [0], [1], [0, 0, 1, 1], [], []>, transpose_lhs_hint = false} : vector<512x128xf32>, vector<128x8xf32>, vector<512x8xf32> -> vector<512x8xf32>
    %convert_element_type3A_258 = arith.fptosi %dot_general3A_257 : vector<512x8xf32> to vector<512x8xi32>
    %swap3A_259 = arith.constant 0 : index
    %swap3A_260 = arith.constant 248 : index
    %swap3A_261 = vector.load %arg3[%swap3A_259, %swap3A_260] : memref<512x256xi32, #tpu.memory_space<vmem>>, vector<512x8xi32>
    tpu.vector_store %arg3[%swap3A_259, %swap3A_260], %convert_element_type3A_258 {strides = array<i32>} : memref<512x256xi32, #tpu.memory_space<vmem>>, vector<512x8xi32>,
    return
  }
  func.func @transform_0(%arg0: i32) -> (i32, i32, i32) {
    %c3_i32 = arith.constant 3 : i32
    %c0_i32 = arith.constant 0 : i32
    %c0_i32_0 = arith.constant 0 : i32
    return %c3_i32, %arg0, %c0_i32 : i32, i32, i32
  }
  func.func @transform_1(%arg0: i32) -> (i32, i32, i32) {
    %c3_i32 = arith.constant 3 : i32
    %c0_i32 = arith.constant 0 : i32
    %c0_i32_0 = arith.constant 0 : i32
    %c0_i32_1 = arith.constant 0 : i32
    return %c3_i32, %c0_i32, %c0_i32_0 : i32, i32, i32
  }
  func.func @transform_2(%arg0: i32) -> (i32, i32) {
    %c0_i32 = arith.constant 0 : i32
    %c0_i32_0 = arith.constant 0 : i32
    return %arg0, %c0_i32 : i32, i32
  }
}

module attributes {stable_mosaic.version = 14 : i64} {
  func.func @_mlp_pool_body(%arg0: i32, %arg1: memref<512x128xf32, #tpu.memory_space<vmem>>, %arg2: memref<512x1xf32, #tpu.memory_space<vmem>>, %arg3: memref<128x1024xf32, #tpu.memory_space<vmem>>, %arg4: memref<1024xf32, #tpu.memory_space<vmem>>, %arg5: memref<1024x1024xf32, #tpu.memory_space<vmem>>, %arg6: memref<1024xf32, #tpu.memory_space<vmem>>, %arg7: memref<512x33xf32, #tpu.memory_space<vmem>>) attributes {dimension_semantics = [#tpu.dimension_semantics<arbitrary>], iteration_bounds = array<i64: 8>, scalar_prefetch = 0 : i64, scratch_operands = 0 : i64, tpu.core_type = #tpu.core_type<tc>, window_params = [{transform_indices = @transform_0, window_bounds = array<i64: 512, 128>}, {transform_indices = @transform_1, window_bounds = array<i64: 512, 1>}, {pipeline_mode = #tpu.pipeline_mode<synchronous>, transform_indices = @transform_2, window_bounds = array<i64: 128, 1024>}, {pipeline_mode = #tpu.pipeline_mode<synchronous>, transform_indices = @transform_3, window_bounds = array<i64: 1024>}, {pipeline_mode = #tpu.pipeline_mode<synchronous>, transform_indices = @transform_4, window_bounds = array<i64: 1024, 1024>}, {pipeline_mode = #tpu.pipeline_mode<synchronous>, transform_indices = @transform_5, window_bounds = array<i64: 1024>}, {transform_indices = @transform_6, window_bounds = array<i64: 512, 33>}]} {
    %get3A = arith.constant 0 : index
    %get3A_0 = arith.constant 0 : index
    %get3A_1 = vector.load %arg1[%get3A, %get3A_0] : memref<512x128xf32, #tpu.memory_space<vmem>>, vector<512x128xf32>
    %get3A_2 = arith.constant 0 : index
    %get3A_3 = arith.constant 0 : index
    %get3A_4 = vector.load %arg3[%get3A_2, %get3A_3] : memref<128x1024xf32, #tpu.memory_space<vmem>>, vector<128x1024xf32>
    %dot_general3A = arith.constant dense<0.000000e+00> : vector<512x1024xf32>
    %dot_general3A_5 = tpu.matmul %get3A_1, %get3A_4, %dot_general3A {dimension_numbers = #tpu.dot_dimension_numbers<[1], [0], [0], [1], [0, 0, 1, 1], [], []>, transpose_lhs_hint = false} : vector<512x128xf32>, vector<128x1024xf32>, vector<512x1024xf32> -> vector<512x1024xf32>
    %get3A_6 = arith.constant 0 : index
    %get3A_7 = vector.load %arg4[%get3A_6] : memref<1024xf32, #tpu.memory_space<vmem>>, vector<1024xf32>
    %broadcast_in_dim3A = vector.shape_cast %get3A_7 : vector<1024xf32> to vector<1x1024xf32>
    %add3A = vector.broadcast %broadcast_in_dim3A : vector<1x1024xf32> to vector<512x1024xf32>
    %add3A_8 = arith.addf %dot_general3A_5, %add3A : vector<512x1024xf32>
    %max3A = arith.constant 0.000000e+00 : f32
    %max3A_9 = vector.broadcast %max3A : f32 to vector<512x1024xf32>
    %max3A_10 = arith.maximumf %add3A_8, %max3A_9 : vector<512x1024xf32>
    %get3A_11 = arith.constant 0 : index
    %get3A_12 = arith.constant 0 : index
    %get3A_13 = vector.load %arg5[%get3A_11, %get3A_12] : memref<1024x1024xf32, #tpu.memory_space<vmem>>, vector<1024x1024xf32>
    %dot_general3A_14 = arith.constant dense<0.000000e+00> : vector<512x1024xf32>
    %dot_general3A_15 = tpu.matmul %max3A_10, %get3A_13, %dot_general3A_14 {dimension_numbers = #tpu.dot_dimension_numbers<[1], [0], [0], [1], [0, 0, 1, 1], [], []>, transpose_lhs_hint = false} : vector<512x1024xf32>, vector<1024x1024xf32>, vector<512x1024xf32> -> vector<512x1024xf32>
    %get3A_16 = arith.constant 0 : index
    %get3A_17 = vector.load %arg6[%get3A_16] : memref<1024xf32, #tpu.memory_space<vmem>>, vector<1024xf32>
    %broadcast_in_dim3A_18 = vector.shape_cast %get3A_17 : vector<1024xf32> to vector<1x1024xf32>
    %add3A_19 = vector.broadcast %broadcast_in_dim3A_18 : vector<1x1024xf32> to vector<512x1024xf32>
    %add3A_20 = arith.addf %dot_general3A_15, %add3A_19 : vector<512x1024xf32>
    %max3A_21 = arith.constant 0.000000e+00 : f32
    %max3A_22 = vector.broadcast %max3A_21 : f32 to vector<512x1024xf32>
    %max3A_23 = arith.maximumf %add3A_20, %max3A_22 : vector<512x1024xf32>
    %slice3A = vector.extract_strided_slice %max3A_23 {offsets = [0, 0], sizes = [512, 512], strides = [1, 1]} : vector<512x1024xf32> to vector<512x512xf32>
    %slice3A_24 = vector.extract_strided_slice %max3A_23 {offsets = [0, 512], sizes = [512, 512], strides = [1, 1]} : vector<512x1024xf32> to vector<512x512xf32>
    %max3A_25 = arith.maximumf %slice3A, %slice3A_24 : vector<512x512xf32>
    %slice3A_26 = vector.extract_strided_slice %max3A_25 {offsets = [0, 0], sizes = [512, 256], strides = [1, 1]} : vector<512x512xf32> to vector<512x256xf32>
    %slice3A_27 = vector.extract_strided_slice %max3A_25 {offsets = [0, 256], sizes = [512, 256], strides = [1, 1]} : vector<512x512xf32> to vector<512x256xf32>
    %max3A_28 = arith.maximumf %slice3A_26, %slice3A_27 : vector<512x256xf32>
    %slice3A_29 = vector.extract_strided_slice %max3A_28 {offsets = [0, 0], sizes = [512, 128], strides = [1, 1]} : vector<512x256xf32> to vector<512x128xf32>
    %slice3A_30 = vector.extract_strided_slice %max3A_28 {offsets = [0, 128], sizes = [512, 128], strides = [1, 1]} : vector<512x256xf32> to vector<512x128xf32>
    %max3A_31 = arith.maximumf %slice3A_29, %slice3A_30 : vector<512x128xf32>
    %slice3A_32 = vector.extract_strided_slice %max3A_31 {offsets = [0, 0], sizes = [512, 64], strides = [1, 1]} : vector<512x128xf32> to vector<512x64xf32>
    %slice3A_33 = vector.extract_strided_slice %max3A_31 {offsets = [0, 64], sizes = [512, 64], strides = [1, 1]} : vector<512x128xf32> to vector<512x64xf32>
    %max3A_34 = arith.maximumf %slice3A_32, %slice3A_33 : vector<512x64xf32>
    %slice3A_35 = vector.extract_strided_slice %max3A_34 {offsets = [0, 0], sizes = [512, 32], strides = [1, 1]} : vector<512x64xf32> to vector<512x32xf32>
    %slice3A_36 = vector.extract_strided_slice %max3A_34 {offsets = [0, 32], sizes = [512, 32], strides = [1, 1]} : vector<512x64xf32> to vector<512x32xf32>
    %max3A_37 = arith.maximumf %slice3A_35, %slice3A_36 : vector<512x32xf32>
    %swap3A = arith.constant 0 : index
    %swap3A_38 = arith.constant 0 : index
    %swap3A_39 = vector.load %arg7[%swap3A, %swap3A_38] : memref<512x33xf32, #tpu.memory_space<vmem>>, vector<512x32xf32>
    tpu.vector_store %arg7[%swap3A, %swap3A_38], %max3A_37 {strides = array<i32>} : memref<512x33xf32, #tpu.memory_space<vmem>>, vector<512x32xf32>,
    %get3A_40 = arith.constant 0 : index
    %get3A_41 = arith.constant 0 : index
    %get3A_42 = vector.load %arg2[%get3A_40, %get3A_41] : memref<512x1xf32, #tpu.memory_space<vmem>>, vector<512x1xf32>
    %swap3A_43 = arith.constant 0 : index
    %swap3A_44 = arith.constant 32 : index
    %swap3A_45 = vector.load %arg7[%swap3A_43, %swap3A_44] : memref<512x33xf32, #tpu.memory_space<vmem>>, vector<512x1xf32>
    tpu.vector_store %arg7[%swap3A_43, %swap3A_44], %get3A_42 {strides = array<i32>} : memref<512x33xf32, #tpu.memory_space<vmem>>, vector<512x1xf32>,
    return
  }
  func.func @transform_0(%arg0: i32) -> (i32, i32) {
    %c0_i32 = arith.constant 0 : i32
    %c0_i32_0 = arith.constant 0 : i32
    return %arg0, %c0_i32 : i32, i32
  }
  func.func @transform_1(%arg0: i32) -> (i32, i32) {
    %c0_i32 = arith.constant 0 : i32
    %c0_i32_0 = arith.constant 0 : i32
    return %arg0, %c0_i32 : i32, i32
  }
  func.func @transform_2(%arg0: i32) -> (i32, i32) {
    %c0_i32 = arith.constant 0 : i32
    %c0_i32_0 = arith.constant 0 : i32
    %c0_i32_1 = arith.constant 0 : i32
    return %c0_i32, %c0_i32_0 : i32, i32
  }
  func.func @transform_3(%arg0: i32) -> i32 {
    %c0_i32 = arith.constant 0 : i32
    %c0_i32_0 = arith.constant 0 : i32
    return %c0_i32 : i32
  }
  func.func @transform_4(%arg0: i32) -> (i32, i32) {
    %c0_i32 = arith.constant 0 : i32
    %c0_i32_0 = arith.constant 0 : i32
    %c0_i32_1 = arith.constant 0 : i32
    return %c0_i32, %c0_i32_0 : i32, i32
  }
  func.func @transform_5(%arg0: i32) -> i32 {
    %c0_i32 = arith.constant 0 : i32
    %c0_i32_0 = arith.constant 0 : i32
    return %c0_i32 : i32
  }
  func.func @transform_6(%arg0: i32) -> (i32, i32) {
    %c0_i32 = arith.constant 0 : i32
    %c0_i32_0 = arith.constant 0 : i32
    return %arg0, %c0_i32 : i32, i32
  }
}

</mosaic_0001>

<sc_bundles>
// kernel: kernel.14.cloned.1.call-start
scs
__scs_entry_jumppad:
0x0: {  	(pc) =	sbr.rel $0x88, $3  }
0x1: {  	(tag) =	ssettag $0x0;
	lr =	simm.s32 $0x1  }
0x2: {  	[smem:$0x3F9C] =	sst lr;
	_ =	strace $0xD0000000  }
0x3: {  	_ = 	snop  }
0x4: {  	_ = 	snop  }
0x5: {  	_ = 	snop  }
0x6: {  	_ = 	snop  }
0x7: {  	_ = 	snop  }
__scs_overlays_trampoline_lowered:
0x8: {  	[smem:$0x3FAB] =	sst s0  }
0x9: {  	[smem:$0x3FAC] =	sst s1  }
0xa: {  	[smem:$0x3FAD] =	sst s2  }
0xb: {  	[smem:$0x3FAE] =	sst s3  }
0xc: {  	[smem:$0x3FAF] =	sst s4  }
0xd: {  	[smem:$0x3FB0] =	sst s5  }
0xe: {  	[smem:$0x3FB1] =	sst s6  }
0xf: {  	[smem:$0x3FB2] =	sst s7  }
0x10: {  	[smem:$0x3FB3] =	sst s8  }
0x11: {  	[smem:$0x3FB4] =	sst s9;
	s0 =	simm.s32 @!p0 $0x0  }
0x12: {  	s1 =	sld [smem:$0x3F9A];
	s0 =	simm.s32 @p0 $0x1  }
0x13: {  	[smem:$0x3FB5] =	sst s0;
	s0 =	simm.s32 @!p1 $0x0  }
0x14: {  	s2 =	sld [smem:$0x3F99];
	s0 =	simm.s32 @p1 $0x1  }
0x15: {  	[smem:$0x3FB6] =	sst s0;
	s0 =	simm.s32 @!p2 $0x0  }
0x16: {  	s3 =	sld [smem:$0x3FDB];
	s0 =	simm.s32 @p2 $0x1  }
0x17: {  	s4 =	simm.s32 $0x1BF5;
	[smem:$0x3FB8] =	sst s0  }
0x18: {  	s0 =	sld [smem:$0x3F9B];
	_ =	swait.ge [sflag:s4], $0x0  }
0x19: {  	s7 =	sld [smem:$0x3F9C]  }
0x1a: {  	s8 =	sadd.s32 $0xFFFFE003, lr  }
0x1b: {  	s9 =	sadd.s32 $0xFFFFFEF7, lr;
	s5 =	simm.s32 $0xFFFFFFFF;
	p2 =	slt.u32 s8, $0xFFFFF086  }
0x1c: {  	p1 =	slt.u32 s9, $0xF7A;
	s5 =	simm.s32 @!p2 $0x0  }
0x1d: {  	s5 =	simm.s32 @p1 $0x1;
	p0 =	seq.s32 s7, s2  }
0x1e: {  	s7 =	smul.u32 @!p0 $0xF7A, s2;
	p2 =	seq.s32 @!p0 s5, $0x0  }
0x1f: {  	s9 =	smul.u32 $0xF7A, s1;
	s8 =	simm.s32 @!p0 $0x1BF5;
	p2 =	por !p2, p0  }
0x20: {  	[sflag:s8] =	ssyncset.s32 @!p0 $0xFFFFF086;
	s6 =	sadd.s32 @!p0 s3, s7;
	s7 =	simm.s32 @!p0 $0x108  }
0x21: {  	s3 =	sadd.s32 s3, s9;
	s6 =	sadd.s32 @!p0 $0x88, s6;
	s7 =	simm.s32 @p2 $0x1082  }
0x22: {  	[simem:s7], [sflag:s8] =	dma.local @!p0 [hbm:s6], $0xF7A  }
0x23: {  	s9 =	sor.u32 $0xD0000000, s2;
	s6 =	simm.s32 $0x108;
	_ =	swait.ge @!p0 [sflag:s8], $0x0  }
0x24: {  	s3 =	sadd.s32 $0x88, s3;
	s6 =	simm.s32 @!p1 $0x1082;
	[sflag:s4] =	ssyncset.s32 $0xFFFFF086  }
0x25: {  	[simem:s6], [sflag:s4] =	dma.local [hbm:s3], $0xF7A  }
0x26: {  	[smem:$0x3F9C] =	sst s1;
	(tag) =	ssettag s2;
	_ =	strace s9  }
0x27: {  	s1 =	sld [smem:$0x3FAC]  }
0x28: {  	s2 =	sld [smem:$0x3FAD]  }
0x29: {  	s4 =	sld [smem:$0x3FAF]  }
0x2a: {  	p0 =	seq.s32 s5, $0x0;
	s5 =	sld [smem:$0x3FB0]  }
0x2b: {  	s6 =	sld [smem:$0x3FB1]  }
0x2c: {  	s7 =	sld [smem:$0x3FB2]  }
0x2d: {  	s3 =	simm.s32 $0x108;
	s8 =	sld [smem:$0x3FB3]  }
0x2e: {  	s3 =	simm.s32 @!p0 $0x1082;
	s9 =	sld [smem:$0x3FB4]  }
0x2f: {  	lr =	sadd.s32 s0, s3;
	s0 =	sld [smem:$0x3FAB]  }
0x30: {  	s3 =	sld [smem:$0x3FAE]  }
0x31: {  	[smem:$0x3FB7] =	sst s10  }
0x32: {  	s10 =	sld [smem:$0x3FB5];
	_ =	sdelay $0x3  }
0x33: {  	p0 =	seq.s32 s10, $0x1;
	s10 =	sld [smem:$0x3FB7];
	_ =	sdelay $0x3  }
0x34: {  	[smem:$0x3FB7] =	sst s10  }
0x35: {  	s10 =	sld [smem:$0x3FB6];
	_ =	sdelay $0x3  }
0x36: {  	p1 =	seq.s32 s10, $0x1;
	s10 =	sld [smem:$0x3FB7];
	_ =	sdelay $0x3  }
0x37: {  	[smem:$0x3FB7] =	sst s10  }
0x38: {  	s10 =	sld [smem:$0x3FB8]  }
0x39: {  	_ = 	snop;
	(pc) =	sbr.ind lr, $3  }
0x3a: {  	_ = 	snop  }
0x3b: {  	_ = 	snop  }
0x3c: {  	p2 =	seq.s32 s10, $0x1;
	s10 =	sld [smem:$0x3FB7]  }
0x3d: {  	_ =	shalt  }
0x3e: {  	_ =	shalt  }
0x3f: {  	_ =	shalt  }
0x40: {  	_ =	shalt  }
0x41: {  	_ =	shalt  }
0x42: {  	_ =	shalt  }
0x43: {  	_ =	shalt  }
0x44: {  	_ =	shalt  }
0x45: {  	_ =	shalt  }
0x46: {  	_ =	shalt  }
0x47: {  	_ =	shalt  }
0x48: {  	_ =	shalt  }
0x49: {  	_ =	shalt  }
0x4a: {  	_ =	shalt  }
0x4b: {  	_ =	shalt  }
0x4c: {  	_ =	shalt  }
0x4d: {  	_ =	shalt  }
0x4e: {  	_ =	shalt  }
0x4f: {  	_ =	shalt  }
0x50: {  	_ =	shalt  }
0x51: {  	_ =	shalt  }
0x52: {  	_ =	shalt  }
0x53: {  	_ =	shalt  }
0x54: {  	_ =	shalt  }
0x55: {  	_ =	shalt  }
0x56: {  	_ =	shalt  }
0x57: {  	_ =	shalt  }
0x58: {  	_ =	shalt  }
0x59: {  	_ =	shalt  }
0x5a: {  	_ =	shalt  }
0x5b: {  	_ =	shalt  }
0x5c: {  	_ =	shalt  }
0x5d: {  	_ =	shalt  }
0x5e: {  	_ =	shalt  }
0x5f: {  	_ =	shalt  }
0x60: {  	_ =	shalt  }
0x61: {  	_ =	shalt  }
0x62: {  	_ =	shalt  }
0x63: {  	_ =	shalt  }
0x64: {  	_ =	shalt  }
0x65: {  	_ =	shalt  }
0x66: {  	_ =	shalt  }
0x67: {  	_ =	shalt  }
0x68: {  	_ =	shalt  }
0x69: {  	_ =	shalt  }
0x6a: {  	_ =	shalt  }
0x6b: {  	_ =	shalt  }
0x6c: {  	_ =	shalt  }
0x6d: {  	_ =	shalt  }
0x6e: {  	_ =	shalt  }
0x6f: {  	_ =	shalt  }
0x70: {  	_ =	shalt  }
0x71: {  	_ =	shalt  }
0x72: {  	_ =	shalt  }
0x73: {  	_ =	shalt  }
0x74: {  	_ =	shalt  }
0x75: {  	_ =	shalt  }
0x76: {  	_ =	shalt  }
0x77: {  	_ =	shalt  }
0x78: {  	_ =	shalt  }
0x79: {  	_ =	shalt  }
0x7a: {  	_ =	shalt  }
0x7b: {  	_ =	shalt  }
0x7c: {  	_ =	shalt  }
0x7d: {  	_ =	shalt  }
0x7e: {  	_ =	shalt  }
0x7f: {  	_ =	shalt  }
0x80: {  	_ =	shalt  }
0x81: {  	_ =	shalt  }
0x82: {  	_ =	shalt  }
0x83: {  	_ =	shalt  }
0x84: {  	_ =	shalt  }
0x85: {  	_ =	shalt  }
0x86: {  	_ =	shalt  }
0x87: {  	_ =	shalt  }
.Lfunc_end0:
.L_simem_size_0:
called_computation_lowered:
.L_overlay_start_0:
0x88: {  	s2 =	sld [smem:$0x3FD9]  }
0x89: {  	s3 =	sld [smem:$0x3FFE];
	_ =	sdelay $0x1  }
0x8a: {  	s1 =	srdreg.scid  }
0x8b: {  	s0 =	sand.u32 $0x1, s1  }
0x8c: {  	s16 =	sshll.u32 s0, $0xA;
	s2 =	sadd.s32 s3, s2  }
0x8d: {  	s2 =	sadd.s32 s2, s16  }
0x8e: {  	[smem:$0x3FC3] =	sst s2  }
0x8f: {  	_ = 	snop  }
0x90: {  	(tm) =	ssettm $0x1  }
0x91: {  	s17 =	sld [smem:$0x3FFB];
	_ =	sdelay $0x3  }
0x92: {  	_ =	strace s17  }
0x93: {  	s2 =	sld [smem:$0x3FFC];
	_ =	sdelay $0x3  }
0x94: {  	_ =	strace s2  }
0x95: {  	s2 =	sld [smem:$0x3FFD];
	_ =	sdelay $0x3  }
0x96: {  	_ =	strace s2  }
0x97: {  	_ =	strace $0x8FFFFFFF  }
0x98: {  	s18 =	sld [smem:$0x3FDB];
	_ =	sdelay $0x1  }
0x99: {  	s19 =	simm.s32 $_scs_section_size  }
0x9a: {  	s4 =	simm.s32 $_size__tile_overlayer_lowered;
	s5 =	simm.s32 $_tile_overlayer_lowered  }
0x9b: {  	s22 =	simm.s32 $0x1BFF;
	s21 =	sshll.u32 s5, $0x1;
	s2 =	sadd.s32 s19, s18  }
0x9c: {  	s6 =	simm.s32 $0x0;
	s20 =	sshll.u32 s4, $0x1;
	s4 =	sadd.s32 s21, s2  }
0x9d: {  	[timem:s6], [sflag:s22] =	dma.local [hbm:s4], s20  }
0x9e: {  	_ =	swait.ge [sflag:s22], s20  }
0x9f: {  	s3 =	ssub.s32 $0x0, s20;
	[sflag:s22] =	ssyncset.done $0x0  }
0xa0: {  	[sflag:s22] =	ssyncadd.s32 s3;
	_ =	sdelay $0x1  }
0xa1: {  	s23 =	simm.s32 $0x1B8B  }
0xa2: {  	_ =	swait.ge [sflag:s23], $0x1  }
0xa3: {  	[sflag:s23] =	ssyncset.done $0x0  }
0xa4: {  	s25 =	simm.s32 $0x1B8E;
	s24 =	sld [smem:$0x3FFE];
	[sflag:s23] =	ssyncadd.s32 $0xFFFFFFFF  }
0xa5: {  	s26 =	simm.s32 $execute0_lowered;
	[smem:$0x3FD2] =	sst s25  }
0xa6: {  	s4 =	sshll.u32 s26, $0x1;
	_ =	strace $0x80000046;
	[dreg:$0x1] =	wrdreg $0xFFFFFFFF  }
0xa7: {  	s28 =	simm.s32 $_size_execute0_lowered;
	s2 =	sadd.s32 s2, s4;
	[dreg:$0x0] =	wrdreg $0x0  }
0xa8: {  	s4 =	sshll.u32 s28, $0x1;
	[dreg:$0x2] =	wrdreg s2  }
0xa9: {  	[dreg:$0x3] =	wrdreg s4  }
0xaa: {  	[dreg:$0x4] =	wrdreg $0xC0  }
0xab: {  	_ =	task [dreg:s6], $0x5FFFF  }
0xac: {  	[dreg:$0x1] =	wrdreg $0xFFFFFFFF  }
0xad: {  	[dreg:$0x0] =	wrdreg $0x60  }
0xae: {  	[dreg:$0x2] =	wrdreg s24  }
0xaf: {  	[dreg:$0x3] =	wrdreg $0x9  }
0xb0: {  	_ =	task.clear_ibuf [dreg:s6], $0x4FFFF;
	_ =	strace $0x90000046  }
0xb1: {  	s29 =	simm.s32 $0x9;
	_ =	strace $0x80000048  }
0xb2: {  	_ =	swait.ge [sflag:s29], $0x1  }
0xb3: {  	[sflag:s29] =	ssyncadd.s32 $0xFFFFFFFF  }
0xb4: {  	_ =	strace $0x90000048  }
0xb5: {  	_ =	sfence  }
0xb6: {  	s30 =	sld [smem:$0x0];
	_ =	sdelay $0x2  }
0xb7: {  	s31 =	sshll.u32 s1, $0xD;
	s1 =	sshrl.u32 s1, $0x2  }
0xb8: {  	s3 =	sand.u32 $0x4000, s31;
	s1 =	sadd.s32 s1, s30  }
0xb9: {  	s0 =	sor.u32 s3, s0;
	s1 =	sshll.u32 s1, $0x11  }
0xba: {  	s0 =	sor.u32 s1, s0  }
0xbb: {  	s0 =	sadd.s32 $0x8F2B, s0  }
0xbc: {  	[sflag:s0] =	ssyncadd.remote.s32 $0x1  }
0xbd: {  	_ =	sfence.sel $0xFFFF  }
0xbe: {  	[dreg:$0x0] =	wrdreg $0xFFFFFFFF;
	(pc) =	sbr.abs _section_cstart, $3  }
0xbf: {  	[dreg:$0x1] =	wrdreg $0xFFFFFFFF  }
0xc0: {  	_ =	task.clear_ibuf [dreg:s6], $0x2FFFF;
	_ =	strace $0x9FFFFFFF  }
0xc1: {  	(tm) =	ssettm $0x7FFFFFFF  }
tec
execute0_lowered:
.L_overlay_start_1:
0x0: {  	(tag) =	ssettag $0x1  }
0x1: {  	v0 =	vimm.f32 $0.0e+00;
	v1 =	vlaneseq.u32  }
0x2: {  	s1 =	srdreg.scid;
	s0 =	stileid.u32;
	v2 =	vimm.s32 $0x0;
	v7 =	vimm.s32 $0x8040201;
	v8 =	vimm.s32 $0x80402010  }
0x3: {  	s6 =	rddreg [dreg:$0x0];
	s2 =	simm.s32 $0x0;
	vm0 =	vcmask $0xF00;
	vm8 =	vcmask $0x1F10;
	vm9 =	vcmask $0x2320;
	s11 =	simm.s32 $0x8000  }
0x4: {  	vm10 =	vcmask $0x2724;
	s12 =	simm.s32 $0x1;
	s13 =	simm.s32 $0x9000;
	s14 =	simm.s32 $0xA000;
	v9 =	vunpack.c.0.s8.s32 v7;
	v10 =	vunpack.c.0.s8.s32 v8  }
0x5: {  	vm11 =	vcmask $0x2B28;
	vm12 =	vcmask $0x2F2C;
	vm13 =	vcmask $0x3330;
	s15 =	simm.s32 $0xB000;
	s16 =	simm.s32 $0xB180;
	s17 =	simm.s32 $0xB300  }
0x6: {  	vm14 =	vcmask $0x3734;
	s18 =	simm.s32 $0xB380;
	s19 =	simm.s32 $0xF380;
	s20 =	simm.s32 $0x0;
	v11 =	vnsel vm0, $0x8000, v9;
	v10 =	vand.u32 $0xFF, v10  }
0x7: {  	vm15 =	vcmask $0x3B38;
	s5 =	sand.u32 $0x1, s1;
	v3 =	vor.u32 $0x10, v1;
	s3 =	sshll.u32 s0, $0x8;
	s1 =	rddreg [dreg:$0x1];
	v11 =	vsel vm8, v10, v11  }
0x8: {  	v4 =	vor.u32 $0x20, v1;
	v5 =	vor.u32 $0x30, v1;
	[smem:$0x7FF] =	sst s2;
	s4 =	sshll.u32 s5, $0x7;
	s5 =	ssub.s32 $0x2, s5;
	v12 =	vsel vm9, $0x100, v11  }
0x9: {  	v6 =	vor.u32 $0x40, v1;
	v7 =	vor.u32 $0x50, v1;
	_ =	strace $0x80000047;
	s3 =	sor.u32 s4, s3;
	s10 =	sshrl.u32 s5, $0x1;
	v13 =	vsel vm10, $0x200, v12  }
.Ltmp0:
0xa: {  	v8 =	vor.u32 $0x60, v1;
	v17 =	vor.u32 $0xF0, v1;
	s4 =	sshll.u32 s3, $0x5;
	s8 =	sshll.u32 s3, $0x4;
	v14 =	vsel vm11, $0x400, v13;
	(pc) =	sbr.rel .LBB2_1-.Ltmp0, $4  }
0xb: {  	v9 =	vor.u32 $0x70, v1;
	s9 =	sshrl.u32 s3, $0x3;
	v10 =	vor.u32 $0x80, v1;
	s10 =	ssub.s32 s5, s10;
	s5 =	sadd.s32 $0x23C00, s6;
	v15 =	vsel vm12, $0x800, v14  }
0xc: {  	s7 =	sadd.s32 s4, s6;
	s4 =	sadd.s32 $0x23A00, s6;
	s8 =	sadd.s32 s8, s6;
	v11 =	vor.u32 $0x90, v1;
	v12 =	vor.u32 $0xA0, v1;
	v16 =	vsel vm13, $0x1000, v15  }
0xd: {  	s9 =	sadd.s32 s9, s6;
	s6 =	sadd.s32 $0x23E00, s6;
	s10 =	smax.u32 s10, $0x1;
	v13 =	vor.u32 $0xB0, v1;
	v14 =	vor.u32 $0xC0, v1;
	v18 =	vsel vm14, $0x2000, v16  }
0xe: {  	s7 =	sadd.s32 $0x3A00, s7;
	s8 =	sadd.s32 $0x24200, s8;
	s9 =	sadd.s32 $0x24000, s9;
	v15 =	vor.u32 $0xD0, v1;
	v16 =	vor.u32 $0xE0, v1;
	v18 =	vsel vm15, $0x4000, v18  }
.LBB2_10:
0xf: {  	[hbm4b:s8+s2] =	stream.linear.scatter [tilespmem:s18], [sflag:$0x1], $0x4000, $0x38;
	[tilespmem:$0xF400] =	vst v63  }
0x10: {  	s20 =	sadd.s32 $0x1, s20;
	_ =	swait.ge [sflag:s12], $0x4000  }
0x11: {  	p0 =	sne.s32 s20, s10;
	[sflag:s12] =	ssyncset.done $0x0  }
.Ltmp1:
0x12: {  	[sflag:s12] =	ssyncadd.s32 $0xFFFFC000;
	(pc) =	sbr.rel @!p0 .LBB2_11-.Ltmp1, $4  }
0x13: {  	[hbm4b:s9+s2] =	stream.linear.scatter [tilespmem:s19], [sflag:$0x1], $0x80, $0x38;
	[tilespmem:$0xF400] =	vst v63  }
0x14: {  	_ =	swait.ge [sflag:s12], $0x80  }
0x15: {  	[sflag:s12] =	ssyncset.done $0x0  }
0x16: {  	[sflag:s12] =	ssyncadd.s32 $0xFFFFFF80  }
.LBB2_1:
0x17: {  	[tilespmem:s11], [sflag:$0x1] =	stream.linear.gather [hbm4b:s4+s2], $0x1000, $0x38;
	[tilespmem:$0xF400] =	vst v63  }
0x18: {  	_ =	swait.ge [sflag:s12], $0x1000  }
0x19: {  	[sflag:s12] =	ssyncset.done $0x0  }
0x1a: {  	[sflag:s12] =	ssyncadd.s32 $0xFFFFF000  }
0x1b: {  	[tilespmem:s13], [sflag:$0x1] =	stream.linear.gather [hbm4b:s5+s2], $0x1000, $0x38;
	[tilespmem:$0xF400] =	vst v63  }
0x1c: {  	_ =	swait.ge [sflag:s12], $0x1000  }
0x1d: {  	[sflag:s12] =	ssyncset.done $0x0  }
0x1e: {  	[sflag:s12] =	ssyncadd.s32 $0xFFFFF000  }
0x1f: {  	[tilespmem:s14], [sflag:$0x1] =	stream.linear.gather [hbm4b:s6+s2], $0x1000, $0x38;
	[tilespmem:$0xF400] =	vst v63  }
0x20: {  	_ =	swait.ge [sflag:s12], $0x1000  }
0x21: {  	[sflag:s12] =	ssyncset.done $0x0  }
0x22: {  	s21 =	simm.s32 $0x0;
	s22 =	simm.s32 $0x200;
	[sflag:s12] =	ssyncadd.s32 $0xFFFFF000  }
.LBB2_2:
0x23: {  	p0 =	sne.s32 s22, $0xFE00;
	[tilespmem:s21+$0xB3F0] =	vst v0  }
0x24: {  	[tilespmem:s21+$0xB380] =	vst v0  }
0x25: {  	[tilespmem:s21+$0xB390] =	vst v0  }
.Ltmp2:
0x26: {  	[tilespmem:s21+$0xB3A0] =	vst v0;
	(pc) =	sbr.rel @p0 .LBB2_2-.Ltmp2, $4  }
0x27: {  	[tilespmem:s21+$0xB3B0] =	vst v0  }
0x28: {  	[tilespmem:s21+$0xB3C0] =	vst v0  }
0x29: {  	[tilespmem:s21+$0xB3D0] =	vst v0  }
0x2a: {  	[tilespmem:s21+$0xB3E0] =	vst v0;
	s21 =	sshra.s32 s22, $0x2;
	s22 =	sadd.s32 $0x200, s22  }
0x2b: {  	[tilespmem:s21+$0xB3F0] =	vst v0  }
0x2c: {  	[tilespmem:s21+$0xB380] =	vst v0  }
0x2d: {  	[tilespmem:s21+$0xB390] =	vst v0  }
0x2e: {  	[tilespmem:s21+$0xB3A0] =	vst v0  }
0x2f: {  	[tilespmem:s21+$0xB3B0] =	vst v0  }
0x30: {  	[tilespmem:s21+$0xB3C0] =	vst v0  }
0x31: {  	[tilespmem:s21+$0xB3D0] =	vst v0  }
.Ltmp3:
0x32: {  	[tilespmem:s21+$0xB3E0] =	vst v0;
	s21 =	simm.s32 $0x0;
	(pc) =	sbr.rel .LBB2_4-.Ltmp3, $4  }
0x33: {  	[tilespmem:s21], [sflag:$0x1] =	stream.linear.gather [hbm4b:s7+s21], $0x8000, $0x38;
	[tilespmem:$0xF400] =	vst v63  }
0x34: {  	_ =	swait.ge [sflag:s12], $0x8000  }
0x35: {  	[sflag:s12] =	ssyncset.done $0x0  }
0x36: {  	s22 =	simm.s32 $0x0;
	[sflag:s12] =	ssyncadd.s32 $0xFFFF8000  }
.LBB2_5:
0x37: {  	v20 =	vimm.f32 $0.0e+00  }
.LBB2_9:
0x38: {  	v21 =	vld [tilespmem:$0xB300];
	_ =	sdelay $0x6  }
0x39: {  	v22 =	vld.idx.msk [tilespmem:v19+s11+$0x0], $0xffff  }
0x3a: {  	v24 =	vmov s22;
	v25 =	vmul.u32 $0x4, v1;
	v23 =	vld.idx.msk [tilespmem:v21+s11+$0x0], $0xffff  }
0x3b: {  	v26 =	vshll.u32 v24, $0x7  }
0x3c: {  	v27 =	vor.u32 v25, v26;
	_ =	sdelay $0x2  }
0x3d: {  	v23 =	vsub.f32 v23, v22  }
0x3e: {  	v28 =	vld.idx.msk [tilespmem:v19+s13+$0x0], $0xffff  }
0x3f: {  	v19 =	vld.idx.msk [tilespmem:v19+s14+$0x0], $0xffff;
	[tilespmem:v27+s18+$0x0] =	vst.idx.msk $0xffff, v23  }
0x40: {  	v23 =	vld.idx.msk [tilespmem:v21+s13+$0x0], $0xffff  }
0x41: {  	v59 =	vor.u32 $0x1, v25  }
0x42: {  	v27 =	vor.u32 v59, v26;
	_ =	sdelay $0x2  }
0x43: {  	v23 =	vsub.f32 v23, v28;
	_ =	sdelay $0x1  }
0x44: {  	[tilespmem:v27+s18+$0x0] =	vst.idx.msk $0xffff, v23  }
0x45: {  	v21 =	vld.idx.msk [tilespmem:v21+s14+$0x0], $0xffff  }
0x46: {  	v60 =	vor.u32 $0x2, v25  }
0x47: {  	v23 =	vor.u32 v60, v26;
	_ =	sdelay $0x2  }
0x48: {  	v21 =	vsub.f32 v21, v19;
	_ =	sdelay $0x1  }
0x49: {  	[tilespmem:v23+s18+$0x0] =	vst.idx.msk $0xffff, v21  }
0x4a: {  	v21 =	vld [tilespmem:$0xB310];
	_ =	sdelay $0x7  }
0x4b: {  	v23 =	vld.idx.msk [tilespmem:v21+s11+$0x0], $0xffff  }
0x4c: {  	v61 =	vor.u32 $0x40, v25  }
0x4d: {  	v27 =	vor.u32 v61, v26;
	_ =	sdelay $0x2  }
0x4e: {  	v22 =	vsub.f32 v23, v22;
	_ =	sdelay $0x1  }
0x4f: {  	[tilespmem:v27+s18+$0x0] =	vst.idx.msk $0xffff, v22  }
0x50: {  	v22 =	vld.idx.msk [tilespmem:v21+s13+$0x0], $0xffff  }
0x51: {  	v62 =	vor.u32 $0x41, v25  }
0x52: {  	v23 =	vor.u32 v62, v26;
	_ =	sdelay $0x2  }
0x53: {  	v22 =	vsub.f32 v22, v28;
	_ =	sdelay $0x1  }
0x54: {  	[tilespmem:v23+s18+$0x0] =	vst.idx.msk $0xffff, v22  }
0x55: {  	v21 =	vld.idx.msk [tilespmem:v21+s14+$0x0], $0xffff  }
0x56: {  	v63 =	vor.u32 $0x42, v25  }
0x57: {  	s22 =	sadd.s32 $0x1, s22;
	v22 =	vor.u32 v63, v26  }
0x58: {  	p0 =	sne.s32 s22, $0x80  }
.Ltmp4:
0x59: {  	_ = 	snop;
	(pc) =	sbr.rel @!p0 .LBB2_10-.Ltmp4, $3  }
0x5a: {  	v19 =	vsub.f32 v21, v19;
	_ =	sdelay $0x1  }
0x5b: {  	[tilespmem:v22+s18+$0x0] =	vst.idx.msk $0xffff, v19  }
0x5c: {  	[tilespmem:v24+s19+$0x0] =	vst.idx.msk $0x1, v20  }
.LBB2_4:
0x5d: {  	s23 =	sor.u32 s3, s22  }
0x5e: {  	s30 =	sshll.u32 s22, $0x8;
	s24 =	sshll.u32 s22, $0x7;
	v19 =	vmov s23  }
0x5f: {  	s23 =	sand.u32 $0x7800, s30;
	s24 =	sand.u32 $0x380, s24;
	[tilespmem:$0xB300] =	vst v19  }
0x60: {  	[tilespmem:$0xB310] =	vst v19;
	s23 =	sor.u32 s24, s23  }
0x61: {  	v20 =	vld [tilespmem:s23+$0x0];
	_ =	sdelay $0x4  }
0x62: {  	vm0 =	vne.s32 v20, $0x0  }
0x63: {  	v21 =	vsel vm0, $0x1, v2  }
0x64: {  	(xrf0) =	vadd.scan.msk.s32 $0xffff, v21;
	_ =	sdelay $0x5  }
0x65: {  	v21, _, _ =	vpop (xrf0)  }
0x66: {  	v21 =	vadd.s32 $0xFFFFFFFF, v21;
	_ =	sdelay $0x4  }
0x67: {  	[tilespmem:v21+s15+$0x0] =	vst.idx.msk vm0, v20  }
0x68: {  	[tilespmem:v21+s16+$0x0] =	vst.idx.msk vm0, v1  }
0x69: {  	v20 =	vld [tilespmem:s23+$0x10];
	_ =	sdelay $0x4  }
0x6a: {  	vm1 =	vne.s32 v20, $0x0  }
0x6b: {  	v21 =	vsel vm1, $0x1, v2  }
0x6c: {  	(xrf0) =	vadd.scan.msk.s32 $0xffff, v21;
	_ =	sdelay $0x4  }
0x6d: {  	v21 =	vmpcnt.ones.xlane vm0  }
0x6e: {  	v22, _, _ =	vpop (xrf0)  }
0x6f: {  	v22 =	vadd.s32 v22, v21  }
0x70: {  	v22 =	vadd.s32 $0xFFFFFFFF, v22;
	_ =	sdelay $0x4  }
0x71: {  	[tilespmem:v22+s15+$0x0] =	vst.idx.msk vm1, v20  }
0x72: {  	[tilespmem:v22+s16+$0x0] =	vst.idx.msk vm1, v3  }
0x73: {  	v20 =	vld [tilespmem:s23+$0x20];
	_ =	sdelay $0x4  }
0x74: {  	vm14 =	vne.s32 v20, $0x0  }
0x75: {  	v22 =	vsel vm14, $0x1, v2  }
0x76: {  	(xrf0) =	vadd.scan.msk.s32 $0xffff, v22;
	_ =	sdelay $0x1  }
0x77: {  	v22 =	vmpcnt.ones.xlane vm1;
	_ =	sdelay $0x3  }
0x78: {  	v21 =	vadd.s32 v21, v22;
	v22, _, _ =	vpop (xrf0)  }
0x79: {  	v22 =	vadd.s32 v22, v21  }
0x7a: {  	v22 =	vadd.s32 $0xFFFFFFFF, v22;
	_ =	sdelay $0x4  }
0x7b: {  	[tilespmem:v22+s15+$0x0] =	vst.idx.msk vm14, v20  }
0x7c: {  	[tilespmem:v22+s16+$0x0] =	vst.idx.msk vm14, v4  }
0x7d: {  	v20 =	vld [tilespmem:s23+$0x30];
	_ =	sdelay $0x4  }
0x7e: {  	vm15 =	vne.s32 v20, $0x0  }
0x7f: {  	v22 =	vsel vm15, $0x1, v2  }
0x80: {  	(xrf0) =	vadd.scan.msk.s32 $0xffff, v22;
	_ =	sdelay $0x1  }
0x81: {  	v22 =	vmpcnt.ones.xlane vm14;
	_ =	sdelay $0x3  }
0x82: {  	v21 =	vadd.s32 v21, v22;
	v22, _, _ =	vpop (xrf0)  }
0x83: {  	v22 =	vadd.s32 v22, v21  }
0x84: {  	v22 =	vadd.s32 $0xFFFFFFFF, v22;
	_ =	sdelay $0x4  }
0x85: {  	[tilespmem:v22+s15+$0x0] =	vst.idx.msk vm15, v20  }
0x86: {  	[tilespmem:v22+s16+$0x0] =	vst.idx.msk vm15, v5  }
0x87: {  	v20 =	vld [tilespmem:s23+$0x40];
	_ =	sdelay $0x4  }
0x88: {  	vm4 =	vne.s32 v20, $0x0  }
0x89: {  	v22 =	vsel vm4, $0x1, v2  }
0x8a: {  	(xrf0) =	vadd.scan.msk.s32 $0xffff, v22;
	_ =	sdelay $0x1  }
0x8b: {  	v22 =	vmpcnt.ones.xlane vm15;
	_ =	sdelay $0x3  }
0x8c: {  	v21 =	vadd.s32 v21, v22;
	v22, _, _ =	vpop (xrf0)  }
0x8d: {  	v22 =	vadd.s32 v22, v21  }
0x8e: {  	v22 =	vadd.s32 $0xFFFFFFFF, v22;
	_ =	sdelay $0x4  }
0x8f: {  	[tilespmem:v22+s15+$0x0] =	vst.idx.msk vm4, v20  }
0x90: {  	[tilespmem:v22+s16+$0x0] =	vst.idx.msk vm4, v6  }
0x91: {  	v20 =	vld [tilespmem:s23+$0x50];
	_ =	sdelay $0x4  }
0x92: {  	vm5 =	vne.s32 v20, $0x0  }
0x93: {  	v22 =	vsel vm5, $0x1, v2  }
0x94: {  	(xrf0) =	vadd.scan.msk.s32 $0xffff, v22;
	_ =	sdelay $0x1  }
0x95: {  	v22 =	vmpcnt.ones.xlane vm4;
	_ =	sdelay $0x3  }
0x96: {  	v21 =	vadd.s32 v21, v22;
	v22, _, _ =	vpop (xrf0)  }
0x97: {  	v22 =	vadd.s32 v22, v21  }
0x98: {  	v22 =	vadd.s32 $0xFFFFFFFF, v22;
	_ =	sdelay $0x4  }
0x99: {  	[tilespmem:v22+s15+$0x0] =	vst.idx.msk vm5, v20  }
0x9a: {  	[tilespmem:v22+s16+$0x0] =	vst.idx.msk vm5, v7  }
0x9b: {  	v20 =	vld [tilespmem:s23+$0x60];
	_ =	sdelay $0x4  }
0x9c: {  	vm6 =	vne.s32 v20, $0x0  }
0x9d: {  	v22 =	vsel vm6, $0x1, v2  }
0x9e: {  	(xrf0) =	vadd.scan.msk.s32 $0xffff, v22;
	_ =	sdelay $0x1  }
0x9f: {  	v22 =	vmpcnt.ones.xlane vm5;
	_ =	sdelay $0x3  }
0xa0: {  	v21 =	vadd.s32 v21, v22;
	v22, _, _ =	vpop (xrf0)  }
0xa1: {  	v22 =	vadd.s32 v22, v21  }
0xa2: {  	v22 =	vadd.s32 $0xFFFFFFFF, v22;
	_ =	sdelay $0x4  }
0xa3: {  	[tilespmem:v22+s15+$0x0] =	vst.idx.msk vm6, v20  }
0xa4: {  	[tilespmem:v22+s16+$0x0] =	vst.idx.msk vm6, v8  }
0xa5: {  	v20 =	vld [tilespmem:s23+$0x70];
	_ =	sdelay $0x4  }
0xa6: {  	vm7 =	vne.s32 v20, $0x0  }
0xa7: {  	v22 =	vsel vm7, $0x1, v2  }
0xa8: {  	(xrf0) =	vadd.scan.msk.s32 $0xffff, v22;
	_ =	sdelay $0x1  }
0xa9: {  	v22 =	vmpcnt.ones.xlane vm6;
	_ =	sdelay $0x3  }
0xaa: {  	v21 =	vadd.s32 v21, v22;
	v22, _, _ =	vpop (xrf0)  }
0xab: {  	v22 =	vadd.s32 v22, v21  }
0xac: {  	v22 =	vadd.s32 $0xFFFFFFFF, v22;
	_ =	sdelay $0x4  }
0xad: {  	[tilespmem:v22+s15+$0x0] =	vst.idx.msk vm7, v20  }
0xae: {  	[tilespmem:v22+s16+$0x0] =	vst.idx.msk vm7, v9  }
0xaf: {  	v20 =	vld [tilespmem:s23+$0x400];
	_ =	sdelay $0x4  }
0xb0: {  	vm8 =	vne.s32 v20, $0x0  }
0xb1: {  	v22 =	vsel vm8, $0x1, v2  }
0xb2: {  	(xrf0) =	vadd.scan.msk.s32 $0xffff, v22;
	_ =	sdelay $0x1  }
0xb3: {  	v22 =	vmpcnt.ones.xlane vm7;
	_ =	sdelay $0x3  }
0xb4: {  	v21 =	vadd.s32 v21, v22;
	v22, _, _ =	vpop (xrf0)  }
0xb5: {  	v22 =	vadd.s32 v22, v21  }
0xb6: {  	v22 =	vadd.s32 $0xFFFFFFFF, v22;
	_ =	sdelay $0x4  }
0xb7: {  	[tilespmem:v22+s15+$0x0] =	vst.idx.msk vm8, v20  }
0xb8: {  	[tilespmem:v22+s16+$0x0] =	vst.idx.msk vm8, v10  }
0xb9: {  	v20 =	vld [tilespmem:s23+$0x410];
	_ =	sdelay $0x4  }
0xba: {  	vm9 =	vne.s32 v20, $0x0  }
0xbb: {  	v22 =	vsel vm9, $0x1, v2  }
0xbc: {  	(xrf0) =	vadd.scan.msk.s32 $0xffff, v22;
	_ =	sdelay $0x1  }
0xbd: {  	v22 =	vmpcnt.ones.xlane vm8;
	_ =	sdelay $0x3  }
0xbe: {  	v21 =	vadd.s32 v21, v22;
	v22, _, _ =	vpop (xrf0)  }
0xbf: {  	v22 =	vadd.s32 v22, v21  }
0xc0: {  	v22 =	vadd.s32 $0xFFFFFFFF, v22;
	_ =	sdelay $0x4  }
0xc1: {  	[tilespmem:v22+s15+$0x0] =	vst.idx.msk vm9, v20  }
0xc2: {  	[tilespmem:v22+s16+$0x0] =	vst.idx.msk vm9, v11  }
0xc3: {  	v20 =	vld [tilespmem:s23+$0x420];
	_ =	sdelay $0x4  }
0xc4: {  	vm10 =	vne.s32 v20, $0x0  }
0xc5: {  	v22 =	vsel vm10, $0x1, v2  }
0xc6: {  	(xrf0) =	vadd.scan.msk.s32 $0xffff, v22;
	_ =	sdelay $0x1  }
0xc7: {  	v22 =	vmpcnt.ones.xlane vm9;
	_ =	sdelay $0x3  }
0xc8: {  	v21 =	vadd.s32 v21, v22;
	v22, _, _ =	vpop (xrf0)  }
0xc9: {  	v22 =	vadd.s32 v22, v21  }
0xca: {  	v22 =	vadd.s32 $0xFFFFFFFF, v22;
	_ =	sdelay $0x4  }
0xcb: {  	[tilespmem:v22+s15+$0x0] =	vst.idx.msk vm10, v20  }
0xcc: {  	[tilespmem:v22+s16+$0x0] =	vst.idx.msk vm10, v12  }
0xcd: {  	v20 =	vld [tilespmem:s23+$0x430];
	_ =	sdelay $0x4  }
0xce: {  	vm11 =	vne.s32 v20, $0x0  }
0xcf: {  	v22 =	vsel vm11, $0x1, v2  }
0xd0: {  	(xrf0) =	vadd.scan.msk.s32 $0xffff, v22;
	_ =	sdelay $0x1  }
0xd1: {  	v22 =	vmpcnt.ones.xlane vm10;
	_ =	sdelay $0x3  }
0xd2: {  	v21 =	vadd.s32 v21, v22;
	v22, _, _ =	vpop (xrf0)  }
0xd3: {  	v22 =	vadd.s32 v22, v21  }
0xd4: {  	v22 =	vadd.s32 $0xFFFFFFFF, v22;
	_ =	sdelay $0x4  }
0xd5: {  	[tilespmem:v22+s15+$0x0] =	vst.idx.msk vm11, v20  }
0xd6: {  	[tilespmem:v22+s16+$0x0] =	vst.idx.msk vm11, v13  }
0xd7: {  	v20 =	vld [tilespmem:s23+$0x440];
	_ =	sdelay $0x4  }
0xd8: {  	vm12 =	vne.s32 v20, $0x0  }
0xd9: {  	v22 =	vsel vm12, $0x1, v2  }
0xda: {  	(xrf0) =	vadd.scan.msk.s32 $0xffff, v22;
	_ =	sdelay $0x1  }
0xdb: {  	v22 =	vmpcnt.ones.xlane vm11;
	_ =	sdelay $0x3  }
0xdc: {  	v21 =	vadd.s32 v21, v22;
	v22, _, _ =	vpop (xrf0)  }
0xdd: {  	v22 =	vadd.s32 v22, v21  }
0xde: {  	v22 =	vadd.s32 $0xFFFFFFFF, v22;
	_ =	sdelay $0x4  }
0xdf: {  	[tilespmem:v22+s15+$0x0] =	vst.idx.msk vm12, v20  }
0xe0: {  	[tilespmem:v22+s16+$0x0] =	vst.idx.msk vm12, v14  }
0xe1: {  	v20 =	vld [tilespmem:s23+$0x450];
	_ =	sdelay $0x4  }
0xe2: {  	vm13 =	vne.s32 v20, $0x0  }
0xe3: {  	v22 =	vsel vm13, $0x1, v2  }
0xe4: {  	(xrf0) =	vadd.scan.msk.s32 $0xffff, v22;
	_ =	sdelay $0x1  }
0xe5: {  	v22 =	vmpcnt.ones.xlane vm12;
	_ =	sdelay $0x3  }
0xe6: {  	v21 =	vadd.s32 v21, v22;
	v22, _, _ =	vpop (xrf0)  }
0xe7: {  	v22 =	vadd.s32 v22, v21  }
0xe8: {  	v22 =	vadd.s32 $0xFFFFFFFF, v22;
	_ =	sdelay $0x4  }
0xe9: {  	[tilespmem:v22+s15+$0x0] =	vst.idx.msk vm13, v20  }
0xea: {  	[tilespmem:v22+s16+$0x0] =	vst.idx.msk vm13, v15  }
0xeb: {  	v20 =	vld [tilespmem:s23+$0x460];
	_ =	sdelay $0x4  }
0xec: {  	vm14 =	vne.s32 v20, $0x0  }
0xed: {  	v22 =	vsel vm14, $0x1, v2  }
0xee: {  	(xrf0) =	vadd.scan.msk.s32 $0xffff, v22;
	_ =	sdelay $0x1  }
0xef: {  	v22 =	vmpcnt.ones.xlane vm13;
	_ =	sdelay $0x3  }
0xf0: {  	v21 =	vadd.s32 v21, v22;
	v22, _, _ =	vpop (xrf0)  }
0xf1: {  	v22 =	vadd.s32 v22, v21  }
0xf2: {  	v22 =	vadd.s32 $0xFFFFFFFF, v22;
	_ =	sdelay $0x4  }
0xf3: {  	[tilespmem:v22+s15+$0x0] =	vst.idx.msk vm14, v20  }
0xf4: {  	[tilespmem:v22+s16+$0x0] =	vst.idx.msk vm14, v16  }
0xf5: {  	v20 =	vld [tilespmem:s23+$0x470];
	_ =	sdelay $0x4  }
0xf6: {  	v22 =	vmpcnt.ones.xlane vm14;
	vm15 =	vne.s32 v20, $0x0  }
0xf7: {  	v23 =	vmpcnt.ones.xlane vm15  }
0xf8: {  	v21 =	vadd.s32 v21, v22  }
0xf9: {  	v22 =	vsel vm15, $0x1, v2;
	v23 =	vadd.s32 v21, v23  }
0xfa: {  	(xrf0) =	vadd.scan.msk.s32 $0xffff, v22;
	v22 =	vxor.u32 $0x80000000, v23  }
0xfb: {  	(xrf0) =	vmax.scan.msk.u32 $0xffff, v22;
	_ =	sdelay $0x4  }
0xfc: {  	v22, _, _ =	vpop (xrf0)  }
0xfd: {  	v23, _, _ =	vpop (xrf0)  }
0xfe: {  	(v2sf) =	vpush v23, $0xF;
	_ =	sdelay $0xe  }
0xff: {  	v21 =	vadd.s32 v22, v21;
	s31 =	spop (v2sf)  }
0x100: {  	v21 =	vadd.s32 $0xFFFFFFFF, v21;
	s23 =	sxor.u32 $0x80000000, s31  }
0x101: {  	p0 =	slt.s32 s23, $0x1  }
.Ltmp5:
0x102: {  	_ = 	snop;
	(pc) =	sbr.rel @p0 .LBB2_5-.Ltmp5, $3  }
0x103: {  	_ =	sdelay $0x1  }
0x104: {  	[tilespmem:v21+s15+$0x0] =	vst.idx.msk vm15, v20  }
0x105: {  	v20 =	vimm.s32 $0x0;
	[tilespmem:v21+s16+$0x0] =	vst.idx.msk vm15, v17  }
0x106: {  	v22 =	vmov s21;
	_ =	sdelay $0x4  }
0x107: {  	v21 =	vld.idx.msk [tilespmem:v22+s15+$0x0], $0xffff;
	_ =	sdelay $0x4  }
0x108: {  	v21 =	vand.u32 v18, v21  }
0x109: {  	vm0 =	vne.s32 v21, $0x0  }
0x10a: {  	v21 =	vsel vm0, $0x1, v2  }
0x10b: {  	(xrf0) =	vadd.scan.msk.s32 $0xffff, v21;
	_ =	sdelay $0x4  }
0x10c: {  	p0 =	sne.s32 s23, $0x1  }
.Ltmp6:
0x10d: {  	v21, _, _ =	vpop (xrf0);
	(pc) =	sbr.rel @!p0 .LBB2_8-.Ltmp6, $4  }
0x10e: {  	v21 =	vadd.s32 v21, v20  }
0x10f: {  	v22 =	vld.idx.msk [tilespmem:v22+s16+$0x0], $0xffff;
	v23 =	vmpcnt.ones.xlane vm0;
	v24 =	vadd.s32 $0xFFFFFFFF, v21  }
0x110: {  	vm1 =	vlt.s32 v24, $0x2F  }
0x111: {  	s24 =	simm.s32 $0x1;
	v21 =	vadd.s32 v20, v23;
	v20 =	vadd.s32 v20, v23;
	v23 =	vnsel vm1, $0x2F, v24  }
.LBB2_7:
0x112: {  	v24 =	vmov s24;
	s24 =	sadd.s32 $0x1, s24;
	v25 =	vmov v21  }
0x113: {  	p0 =	sne.s32 s23, s24  }
0x114: {  	v22 =	vshll.u32 v22, $0x4  }
0x115: {  	v22 =	vor.u32 v1, v22  }
0x116: {  	[tilespmem:v23+s17+$0x0] =	vst.idx.msk vm0, v22  }
0x117: {  	v22 =	vld.idx.msk [tilespmem:v24+s15+$0x0], $0xffff;
	_ =	sdelay $0x5  }
0x118: {  	v22 =	vand.u32 v18, v22  }
0x119: {  	vm0 =	vne.s32 v22, $0x0  }
0x11a: {  	v22 =	vsel vm0, $0x1, v2;
	v23 =	vmpcnt.ones.xlane vm0  }
0x11b: {  	(xrf0) =	vadd.scan.msk.s32 $0xffff, v22  }
0x11c: {  	v21 =	vadd.s32 v21, v23;
	v20 =	vadd.s32 v20, v23;
	_ =	sdelay $0x4  }
.Ltmp7:
0x11d: {  	v23, _, _ =	vpop (xrf0);
	(pc) =	sbr.rel @p0 .LBB2_7-.Ltmp7, $4  }
0x11e: {  	v22 =	vld.idx.msk [tilespmem:v24+s16+$0x0], $0xffff;
	v23 =	vadd.s32 v23, v25  }
0x11f: {  	v23 =	vadd.s32 $0xFFFFFFFF, v23  }
0x120: {  	vm1 =	vlt.s32 v23, $0x2F  }
0x121: {  	v23 =	vnsel vm1, $0x2F, v23  }
.LBB2_8:
0x122: {  	_ = 	snop  }
.Ltmp8:
0x123: {  	vm1 =	vlt.s32 v20, $0x20;
	(pc) =	sbr.rel .LBB2_9-.Ltmp8, $4  }
0x124: {  	v20 =	vnsel vm1, $0x20, v20  }
0x125: {  	v21 =	vshll.u32 v22, $0x4;
	v20 =	vcvt.s32.f32 v20  }
0x126: {  	v21 =	vor.u32 v1, v21  }
0x127: {  	[tilespmem:v23+s17+$0x0] =	vst.idx.msk vm0, v21;
	v20 =	vmul.f32 $3.125000000e-02, v20  }
.LBB2_11:
0x128: {  	_ =	sfence.sel $0x180000  }
0x129: {  	[bflag:$0x0] =	sbarrier.arrive $0xFFFF  }
0x12a: {  	p0 =	sne.s32 s0, $0x0;
	_ =	strace $0x90000047  }
0x12b: {  	s0 =	sadd.s32 @!p0 $0x100000, s1;
	[bflag:$0x2] =	sbarrier.arrive $0xFFFF  }
0x12c: {  	[sflag:s0] =	ssyncadd.tile.s32 @!p0 $0x1;
	_ =	shalt  }
.Lfunc_end2:
_tile_overlayer_lowered:
.L_overlay_start_2:
0x12d: {  	(tag) =	ssettag $0x2  }
0x12e: {  	s0 =	rddreg [dreg:$0x0];
	s2 =	stileid.u32  }
0x12f: {  	s1 =	rddreg [dreg:$0x1];
	p0 =	sne.s32 s2, $0x0  }
0x130: {  	s3 =	rddreg [dreg:$0x2];
	[bflag:$0x3] =	sbarrier.arrive $0xFFFF;
	s2 =	simm.s32 @!p0 $0x1C01  }
0x131: {  	[timem:s3], [sflag:s2] =	dma.local @!p0 [hbm:s0], s1  }
0x132: {  	s0 =	simm.s32 @!p0 $0x1  }
0x133: {  	_ =	swait.ge @!p0 [sflag:s0], s1  }
0x134: {  	s1 =	ssub.s32 @!p0 $0x0, s1;
	[sflag:s0] =	ssyncset.done @!p0 $0x0  }
0x135: {  	[sflag:s0] =	ssyncadd.s32 @!p0 s1  }
0x136: {  	[bflag:$0x3] =	sbarrier.arrive $0xFFFF  }
0x137: {  	_ =	shalt  }

// kernel: kernel.17.cloned.1.call-start
scs
__scs_entry_jumppad:
0x0: {  	(pc) =	sbr.rel $0x88, $3  }
0x1: {  	(tag) =	ssettag $0x0;
	lr =	simm.s32 $0x1  }
0x2: {  	[smem:$0x3F9C] =	sst lr;
	_ =	strace $0xD0000000  }
0x3: {  	_ = 	snop  }
0x4: {  	_ = 	snop  }
0x5: {  	_ = 	snop  }
0x6: {  	_ = 	snop  }
0x7: {  	_ = 	snop  }
__scs_overlays_trampoline_lowered:
0x8: {  	[smem:$0x3FAB] =	sst s0  }
0x9: {  	[smem:$0x3FAC] =	sst s1  }
0xa: {  	[smem:$0x3FAD] =	sst s2  }
0xb: {  	[smem:$0x3FAE] =	sst s3  }
0xc: {  	[smem:$0x3FAF] =	sst s4  }
0xd: {  	[smem:$0x3FB0] =	sst s5  }
0xe: {  	[smem:$0x3FB1] =	sst s6  }
0xf: {  	[smem:$0x3FB2] =	sst s7  }
0x10: {  	[smem:$0x3FB3] =	sst s8  }
0x11: {  	[smem:$0x3FB4] =	sst s9;
	s0 =	simm.s32 @!p0 $0x0  }
0x12: {  	s1 =	sld [smem:$0x3F9A];
	s0 =	simm.s32 @p0 $0x1  }
0x13: {  	[smem:$0x3FB5] =	sst s0;
	s0 =	simm.s32 @!p1 $0x0  }
0x14: {  	s2 =	sld [smem:$0x3F99];
	s0 =	simm.s32 @p1 $0x1  }
0x15: {  	[smem:$0x3FB6] =	sst s0;
	s0 =	simm.s32 @!p2 $0x0  }
0x16: {  	s3 =	sld [smem:$0x3FDB];
	s0 =	simm.s32 @p2 $0x1  }
0x17: {  	s4 =	simm.s32 $0x1BF5;
	[smem:$0x3FB8] =	sst s0  }
0x18: {  	s0 =	sld [smem:$0x3F9B];
	_ =	swait.ge [sflag:s4], $0x0  }
0x19: {  	s7 =	sld [smem:$0x3F9C]  }
0x1a: {  	s8 =	sadd.s32 $0xFFFFE003, lr  }
0x1b: {  	s9 =	sadd.s32 $0xFFFFFEF7, lr;
	s5 =	simm.s32 $0xFFFFFFFF;
	p2 =	slt.u32 s8, $0xFFFFF086  }
0x1c: {  	p1 =	slt.u32 s9, $0xF7A;
	s5 =	simm.s32 @!p2 $0x0  }
0x1d: {  	s5 =	simm.s32 @p1 $0x1;
	p0 =	seq.s32 s7, s2  }
0x1e: {  	s7 =	smul.u32 @!p0 $0xF7A, s2;
	p2 =	seq.s32 @!p0 s5, $0x0  }
0x1f: {  	s9 =	smul.u32 $0xF7A, s1;
	s8 =	simm.s32 @!p0 $0x1BF5;
	p2 =	por !p2, p0  }
0x20: {  	[sflag:s8] =	ssyncset.s32 @!p0 $0xFFFFF086;
	s6 =	sadd.s32 @!p0 s3, s7;
	s7 =	simm.s32 @!p0 $0x108  }
0x21: {  	s3 =	sadd.s32 s3, s9;
	s6 =	sadd.s32 @!p0 $0x88, s6;
	s7 =	simm.s32 @p2 $0x1082  }
0x22: {  	[simem:s7], [sflag:s8] =	dma.local @!p0 [hbm:s6], $0xF7A  }
0x23: {  	s9 =	sor.u32 $0xD0000000, s2;
	s6 =	simm.s32 $0x108;
	_ =	swait.ge @!p0 [sflag:s8], $0x0  }
0x24: {  	s3 =	sadd.s32 $0x88, s3;
	s6 =	simm.s32 @!p1 $0x1082;
	[sflag:s4] =	ssyncset.s32 $0xFFFFF086  }
0x25: {  	[simem:s6], [sflag:s4] =	dma.local [hbm:s3], $0xF7A  }
0x26: {  	[smem:$0x3F9C] =	sst s1;
	(tag) =	ssettag s2;
	_ =	strace s9  }
0x27: {  	s1 =	sld [smem:$0x3FAC]  }
0x28: {  	s2 =	sld [smem:$0x3FAD]  }
0x29: {  	s4 =	sld [smem:$0x3FAF]  }
0x2a: {  	p0 =	seq.s32 s5, $0x0;
	s5 =	sld [smem:$0x3FB0]  }
0x2b: {  	s6 =	sld [smem:$0x3FB1]  }
0x2c: {  	s7 =	sld [smem:$0x3FB2]  }
0x2d: {  	s3 =	simm.s32 $0x108;
	s8 =	sld [smem:$0x3FB3]  }
0x2e: {  	s3 =	simm.s32 @!p0 $0x1082;
	s9 =	sld [smem:$0x3FB4]  }
0x2f: {  	lr =	sadd.s32 s0, s3;
	s0 =	sld [smem:$0x3FAB]  }
0x30: {  	s3 =	sld [smem:$0x3FAE]  }
0x31: {  	[smem:$0x3FB7] =	sst s10  }
0x32: {  	s10 =	sld [smem:$0x3FB5];
	_ =	sdelay $0x3  }
0x33: {  	p0 =	seq.s32 s10, $0x1;
	s10 =	sld [smem:$0x3FB7];
	_ =	sdelay $0x3  }
0x34: {  	[smem:$0x3FB7] =	sst s10  }
0x35: {  	s10 =	sld [smem:$0x3FB6];
	_ =	sdelay $0x3  }
0x36: {  	p1 =	seq.s32 s10, $0x1;
	s10 =	sld [smem:$0x3FB7];
	_ =	sdelay $0x3  }
0x37: {  	[smem:$0x3FB7] =	sst s10  }
0x38: {  	s10 =	sld [smem:$0x3FB8]  }
0x39: {  	_ = 	snop;
	(pc) =	sbr.ind lr, $3  }
0x3a: {  	_ = 	snop  }
0x3b: {  	_ = 	snop  }
0x3c: {  	p2 =	seq.s32 s10, $0x1;
	s10 =	sld [smem:$0x3FB7]  }
0x3d: {  	_ =	shalt  }
0x3e: {  	_ =	shalt  }
0x3f: {  	_ =	shalt  }
0x40: {  	_ =	shalt  }
0x41: {  	_ =	shalt  }
0x42: {  	_ =	shalt  }
0x43: {  	_ =	shalt  }
0x44: {  	_ =	shalt  }
0x45: {  	_ =	shalt  }
0x46: {  	_ =	shalt  }
0x47: {  	_ =	shalt  }
0x48: {  	_ =	shalt  }
0x49: {  	_ =	shalt  }
0x4a: {  	_ =	shalt  }
0x4b: {  	_ =	shalt  }
0x4c: {  	_ =	shalt  }
0x4d: {  	_ =	shalt  }
0x4e: {  	_ =	shalt  }
0x4f: {  	_ =	shalt  }
0x50: {  	_ =	shalt  }
0x51: {  	_ =	shalt  }
0x52: {  	_ =	shalt  }
0x53: {  	_ =	shalt  }
0x54: {  	_ =	shalt  }
0x55: {  	_ =	shalt  }
0x56: {  	_ =	shalt  }
0x57: {  	_ =	shalt  }
0x58: {  	_ =	shalt  }
0x59: {  	_ =	shalt  }
0x5a: {  	_ =	shalt  }
0x5b: {  	_ =	shalt  }
0x5c: {  	_ =	shalt  }
0x5d: {  	_ =	shalt  }
0x5e: {  	_ =	shalt  }
0x5f: {  	_ =	shalt  }
0x60: {  	_ =	shalt  }
0x61: {  	_ =	shalt  }
0x62: {  	_ =	shalt  }
0x63: {  	_ =	shalt  }
0x64: {  	_ =	shalt  }
0x65: {  	_ =	shalt  }
0x66: {  	_ =	shalt  }
0x67: {  	_ =	shalt  }
0x68: {  	_ =	shalt  }
0x69: {  	_ =	shalt  }
0x6a: {  	_ =	shalt  }
0x6b: {  	_ =	shalt  }
0x6c: {  	_ =	shalt  }
0x6d: {  	_ =	shalt  }
0x6e: {  	_ =	shalt  }
0x6f: {  	_ =	shalt  }
0x70: {  	_ =	shalt  }
0x71: {  	_ =	shalt  }
0x72: {  	_ =	shalt  }
0x73: {  	_ =	shalt  }
0x74: {  	_ =	shalt  }
0x75: {  	_ =	shalt  }
0x76: {  	_ =	shalt  }
0x77: {  	_ =	shalt  }
0x78: {  	_ =	shalt  }
0x79: {  	_ =	shalt  }
0x7a: {  	_ =	shalt  }
0x7b: {  	_ =	shalt  }
0x7c: {  	_ =	shalt  }
0x7d: {  	_ =	shalt  }
0x7e: {  	_ =	shalt  }
0x7f: {  	_ =	shalt  }
0x80: {  	_ =	shalt  }
0x81: {  	_ =	shalt  }
0x82: {  	_ =	shalt  }
0x83: {  	_ =	shalt  }
0x84: {  	_ =	shalt  }
0x85: {  	_ =	shalt  }
0x86: {  	_ =	shalt  }
0x87: {  	_ =	shalt  }
.Lfunc_end0:
.L_simem_size_0:
called_computation.1_lowered:
.L_overlay_start_0:
0x88: {  	s2 =	sld [smem:$0x3FD9]  }
0x89: {  	s3 =	sld [smem:$0x3FFE];
	_ =	sdelay $0x1  }
0x8a: {  	s1 =	srdreg.scid  }
0x8b: {  	s0 =	sand.u32 $0x1, s1  }
0x8c: {  	s17 =	sshll.u32 s0, $0xA;
	s2 =	sadd.s32 s3, s2  }
0x8d: {  	s2 =	sadd.s32 s2, s17  }
0x8e: {  	[smem:$0x3FC3] =	sst s2  }
0x8f: {  	_ = 	snop  }
0x90: {  	(tm) =	ssettm $0x1  }
0x91: {  	s18 =	sld [smem:$0x3FFB];
	_ =	sdelay $0x3  }
0x92: {  	_ =	strace s18  }
0x93: {  	s2 =	sld [smem:$0x3FFC];
	_ =	sdelay $0x3  }
0x94: {  	_ =	strace s2  }
0x95: {  	s2 =	sld [smem:$0x3FFD];
	_ =	sdelay $0x3  }
0x96: {  	_ =	strace s2  }
0x97: {  	_ =	strace $0x8FFFFFFF  }
0x98: {  	s19 =	sld [smem:$0x3FDB];
	_ =	sdelay $0x1  }
0x99: {  	s20 =	simm.s32 $_scs_section_size  }
0x9a: {  	s4 =	simm.s32 $_size__tile_overlayer_lowered;
	s5 =	simm.s32 $_tile_overlayer_lowered  }
0x9b: {  	s6 =	simm.s32 $0x1BFF;
	s21 =	sshll.u32 s5, $0x1;
	s3 =	sadd.s32 s20, s19  }
0x9c: {  	s22 =	simm.s32 $0x0;
	s4 =	sshll.u32 s4, $0x1;
	s5 =	sadd.s32 s21, s3  }
0x9d: {  	[timem:s22], [sflag:s6] =	dma.local [hbm:s5], s4  }
0x9e: {  	_ =	swait.ge [sflag:s6], s4  }
0x9f: {  	s4 =	ssub.s32 $0x0, s4;
	[sflag:s6] =	ssyncset.done $0x0  }
0xa0: {  	[sflag:s6] =	ssyncadd.s32 s4;
	_ =	sdelay $0x1  }
0xa1: {  	s23 =	simm.s32 $0x1B8B  }
0xa2: {  	_ =	swait.ge [sflag:s23], $0x1  }
0xa3: {  	[sflag:s23] =	ssyncset.done $0x0  }
0xa4: {  	[sflag:s23] =	ssyncadd.s32 $0xFFFFFFFF  }
0xa5: {  	s4 =	sld [smem:$0x0]  }
0xa6: {  	s5 =	sand.u32 $0xFFFFFFFE, s1  }
0xa7: {  	p0 =	sne.s32 s1, s5  }
0xa8: {  	s5 =	sshll.u32 @p0 s5, $0xE  }
0xa9: {  	s5 =	sadd.s32 @p0 $0x11B8D, s5;
	s6 =	sshll.u32 @p0 s4, $0x11  }
0xaa: {  	s5 =	sor.u32 @p0 s6, s5  }
0xab: {  	[sflag:s5] =	ssyncadd.remote.s32 @p0 $0x1;
	_ =	sdelay $0x1  }
0xac: {  	s5 =	simm.s32 @p0 $0x1B8D  }
0xad: {  	_ =	swait.eq @p0 [sflag:s5], $0x1  }
0xae: {  	[sflag:s5] =	ssyncadd.s32 @p0 $0xFFFFFFFF  }
0xaf: {  	s6 =	sshll.u32 @!p0 s1, $0xE  }
0xb0: {  	s6 =	sor.u32 @!p0 $0x4000, s6;
	s5 =	simm.s32 @!p0 $0x1B8D  }
0xb1: {  	s4 =	sshll.u32 @!p0 s4, $0x11;
	s6 =	sadd.s32 @!p0 $0x11B8D, s6;
	_ =	swait.eq @!p0 [sflag:s5], $0x1  }
0xb2: {  	s4 =	sor.u32 @!p0 s4, s6;
	[sflag:s5] =	ssyncadd.s32 @!p0 $0xFFFFFFFF  }
0xb3: {  	s25 =	simm.s32 $0x1B8E;
	s24 =	sld [smem:$0x3FFE];
	[sflag:s4] =	ssyncadd.remote.s32 @!p0 $0x1  }
0xb4: {  	s26 =	simm.s32 $execute0_lowered;
	[smem:$0x3FD2] =	sst s25  }
0xb5: {  	s5 =	sshll.u32 s26, $0x1;
	_ =	strace $0x80000049;
	[dreg:$0x1] =	wrdreg $0xFFFFFFFF  }
0xb6: {  	s28 =	simm.s32 $_size_execute0_lowered;
	s3 =	sadd.s32 s3, s5;
	[dreg:$0x0] =	wrdreg $0x0  }
0xb7: {  	s5 =	sshll.u32 s28, $0x1;
	[dreg:$0x2] =	wrdreg s3  }
0xb8: {  	[dreg:$0x3] =	wrdreg s5  }
0xb9: {  	[dreg:$0x4] =	wrdreg $0xC0  }
0xba: {  	_ =	task [dreg:s22], $0x5FFFF  }
0xbb: {  	[dreg:$0x1] =	wrdreg $0xFFFFFFFF  }
0xbc: {  	[dreg:$0x0] =	wrdreg $0x60  }
0xbd: {  	[dreg:$0x2] =	wrdreg s24  }
0xbe: {  	[dreg:$0x3] =	wrdreg $0xA  }
0xbf: {  	_ =	task.clear_ibuf [dreg:s22], $0x4FFFF;
	_ =	strace $0x90000049  }
0xc0: {  	s29 =	simm.s32 $0xA;
	_ =	strace $0x8000004B  }
0xc1: {  	_ =	swait.ge [sflag:s29], $0x1  }
0xc2: {  	[sflag:s29] =	ssyncadd.s32 $0xFFFFFFFF  }
0xc3: {  	_ =	strace $0x9000004B  }
0xc4: {  	_ =	sfence  }
0xc5: {  	s30 =	sld [smem:$0x0];
	_ =	sdelay $0x2  }
0xc6: {  	s31 =	sshll.u32 s1, $0xD;
	s1 =	sshrl.u32 s1, $0x2  }
0xc7: {  	s4 =	sand.u32 $0x4000, s31;
	s1 =	sadd.s32 s1, s30  }
0xc8: {  	s0 =	sor.u32 s4, s0;
	s1 =	sshll.u32 s1, $0x11  }
0xc9: {  	s0 =	sor.u32 s1, s0  }
0xca: {  	s0 =	sadd.s32 $0x8F2B, s0  }
0xcb: {  	[sflag:s0] =	ssyncadd.remote.s32 $0x1  }
0xcc: {  	_ =	sfence.sel $0xFFFF  }
0xcd: {  	[dreg:$0x0] =	wrdreg $0xFFFFFFFF;
	(pc) =	sbr.abs _section_cstart, $3  }
0xce: {  	[dreg:$0x1] =	wrdreg $0xFFFFFFFF  }
0xcf: {  	_ =	task.clear_ibuf [dreg:s22], $0x2FFFF;
	_ =	strace $0x9FFFFFFF  }
0xd0: {  	(tm) =	ssettm $0x7FFFFFFF  }
0xd1: {  	_ =	shalt  }
tec
execute0_lowered:
.L_overlay_start_1:
0x0: {  	(tag) =	ssettag $0x1  }
0x1: {  	v0 =	vimm.f32 $0.0e+00;
	v1 =	vlaneseq.u32  }
0x2: {  	s1 =	srdreg.scid;
	s0 =	stileid.u32;
	v2 =	vimm.s32 $0x0;
	v7 =	vimm.s32 $0x8040201;
	v8 =	vimm.s32 $0x80402010  }
0x3: {  	s6 =	rddreg [dreg:$0x0];
	s2 =	simm.s32 $0x0;
	vm0 =	vcmask $0xF00;
	vm8 =	vcmask $0x1F10;
	vm9 =	vcmask $0x2320;
	s11 =	simm.s32 $0x8000  }
0x4: {  	vm10 =	vcmask $0x2724;
	s12 =	simm.s32 $0x1;
	s13 =	simm.s32 $0x9000;
	s14 =	simm.s32 $0xA000;
	v9 =	vunpack.c.0.s8.s32 v7;
	v10 =	vunpack.c.0.s8.s32 v8  }
0x5: {  	vm11 =	vcmask $0x2B28;
	vm12 =	vcmask $0x2F2C;
	vm13 =	vcmask $0x3330;
	s15 =	simm.s32 $0xB000;
	s16 =	simm.s32 $0xB180;
	s17 =	simm.s32 $0xB300  }
0x6: {  	vm14 =	vcmask $0x3734;
	s18 =	simm.s32 $0xB380;
	s19 =	simm.s32 $0xF380;
	s20 =	simm.s32 $0x0;
	v11 =	vnsel vm0, $0x8000, v9;
	v10 =	vand.u32 $0xFF, v10  }
0x7: {  	vm15 =	vcmask $0x3B38;
	s5 =	sand.u32 $0x1, s1;
	v3 =	vor.u32 $0x10, v1;
	s3 =	sshll.u32 s0, $0x8;
	s1 =	rddreg [dreg:$0x1];
	v11 =	vsel vm8, v10, v11  }
0x8: {  	v4 =	vor.u32 $0x20, v1;
	v5 =	vor.u32 $0x30, v1;
	[smem:$0x7FF] =	sst s2;
	s4 =	sshll.u32 s5, $0x7;
	s5 =	ssub.s32 $0x2, s5;
	v12 =	vsel vm9, $0x100, v11  }
0x9: {  	v6 =	vor.u32 $0x40, v1;
	v7 =	vor.u32 $0x50, v1;
	_ =	strace $0x8000004A;
	s3 =	sor.u32 s4, s3;
	s10 =	sshrl.u32 s5, $0x1;
	v13 =	vsel vm10, $0x200, v12  }
.Ltmp0:
0xa: {  	v8 =	vor.u32 $0x60, v1;
	v17 =	vor.u32 $0xF0, v1;
	s4 =	sshll.u32 s3, $0x5;
	s8 =	sshll.u32 s3, $0x4;
	v14 =	vsel vm11, $0x400, v13;
	(pc) =	sbr.rel .LBB2_1-.Ltmp0, $4  }
0xb: {  	v9 =	vor.u32 $0x70, v1;
	s9 =	sshrl.u32 s3, $0x3;
	v10 =	vor.u32 $0x80, v1;
	s10 =	ssub.s32 s5, s10;
	s5 =	sadd.s32 $0x54400, s6;
	v15 =	vsel vm12, $0x800, v14  }
0xc: {  	s7 =	sadd.s32 s4, s6;
	s4 =	sadd.s32 $0x54200, s6;
	s8 =	sadd.s32 s8, s6;
	v11 =	vor.u32 $0x90, v1;
	v12 =	vor.u32 $0xA0, v1;
	v16 =	vsel vm13, $0x1000, v15  }
0xd: {  	s9 =	sadd.s32 s9, s6;
	s6 =	sadd.s32 $0x54600, s6;
	s10 =	smax.u32 s10, $0x1;
	v13 =	vor.u32 $0xB0, v1;
	v14 =	vor.u32 $0xC0, v1;
	v18 =	vsel vm14, $0x2000, v16  }
0xe: {  	s7 =	sadd.s32 $0x34200, s7;
	s8 =	sadd.s32 $0x54A00, s8;
	s9 =	sadd.s32 $0x54800, s9;
	v15 =	vor.u32 $0xD0, v1;
	v16 =	vor.u32 $0xE0, v1;
	v18 =	vsel vm15, $0x4000, v18  }
.LBB2_10:
0xf: {  	[hbm4b:s8+s2] =	stream.linear.scatter [tilespmem:s18], [sflag:$0x1], $0x4000, $0x38;
	[tilespmem:$0xF400] =	vst v63  }
0x10: {  	s20 =	sadd.s32 $0x1, s20;
	_ =	swait.ge [sflag:s12], $0x4000  }
0x11: {  	p0 =	sne.s32 s20, s10;
	[sflag:s12] =	ssyncset.done $0x0  }
.Ltmp1:
0x12: {  	[sflag:s12] =	ssyncadd.s32 $0xFFFFC000;
	(pc) =	sbr.rel @!p0 .LBB2_11-.Ltmp1, $4  }
0x13: {  	[hbm4b:s9+s2] =	stream.linear.scatter [tilespmem:s19], [sflag:$0x1], $0x80, $0x38;
	[tilespmem:$0xF400] =	vst v63  }
0x14: {  	_ =	swait.ge [sflag:s12], $0x80  }
0x15: {  	[sflag:s12] =	ssyncset.done $0x0  }
0x16: {  	[sflag:s12] =	ssyncadd.s32 $0xFFFFFF80  }
.LBB2_1:
0x17: {  	[tilespmem:s11], [sflag:$0x1] =	stream.linear.gather [hbm4b:s4+s2], $0x1000, $0x38;
	[tilespmem:$0xF400] =	vst v63  }
0x18: {  	_ =	swait.ge [sflag:s12], $0x1000  }
0x19: {  	[sflag:s12] =	ssyncset.done $0x0  }
0x1a: {  	[sflag:s12] =	ssyncadd.s32 $0xFFFFF000  }
0x1b: {  	[tilespmem:s13], [sflag:$0x1] =	stream.linear.gather [hbm4b:s5+s2], $0x1000, $0x38;
	[tilespmem:$0xF400] =	vst v63  }
0x1c: {  	_ =	swait.ge [sflag:s12], $0x1000  }
0x1d: {  	[sflag:s12] =	ssyncset.done $0x0  }
0x1e: {  	[sflag:s12] =	ssyncadd.s32 $0xFFFFF000  }
0x1f: {  	[tilespmem:s14], [sflag:$0x1] =	stream.linear.gather [hbm4b:s6+s2], $0x1000, $0x38;
	[tilespmem:$0xF400] =	vst v63  }
0x20: {  	_ =	swait.ge [sflag:s12], $0x1000  }
0x21: {  	[sflag:s12] =	ssyncset.done $0x0  }
0x22: {  	s21 =	simm.s32 $0x0;
	s22 =	simm.s32 $0x200;
	[sflag:s12] =	ssyncadd.s32 $0xFFFFF000  }
.LBB2_2:
0x23: {  	p0 =	sne.s32 s22, $0xFE00;
	[tilespmem:s21+$0xB3F0] =	vst v0  }
0x24: {  	[tilespmem:s21+$0xB380] =	vst v0  }
0x25: {  	[tilespmem:s21+$0xB390] =	vst v0  }
.Ltmp2:
0x26: {  	[tilespmem:s21+$0xB3A0] =	vst v0;
	(pc) =	sbr.rel @p0 .LBB2_2-.Ltmp2, $4  }
0x27: {  	[tilespmem:s21+$0xB3B0] =	vst v0  }
0x28: {  	[tilespmem:s21+$0xB3C0] =	vst v0  }
0x29: {  	[tilespmem:s21+$0xB3D0] =	vst v0  }
0x2a: {  	[tilespmem:s21+$0xB3E0] =	vst v0;
	s21 =	sshra.s32 s22, $0x2;
	s22 =	sadd.s32 $0x200, s22  }
0x2b: {  	[tilespmem:s21+$0xB3F0] =	vst v0  }
0x2c: {  	[tilespmem:s21+$0xB380] =	vst v0  }
0x2d: {  	[tilespmem:s21+$0xB390] =	vst v0  }
0x2e: {  	[tilespmem:s21+$0xB3A0] =	vst v0  }
0x2f: {  	[tilespmem:s21+$0xB3B0] =	vst v0  }
0x30: {  	[tilespmem:s21+$0xB3C0] =	vst v0  }
0x31: {  	[tilespmem:s21+$0xB3D0] =	vst v0  }
.Ltmp3:
0x32: {  	[tilespmem:s21+$0xB3E0] =	vst v0;
	s21 =	simm.s32 $0x0;
	(pc) =	sbr.rel .LBB2_4-.Ltmp3, $4  }
0x33: {  	[tilespmem:s21], [sflag:$0x1] =	stream.linear.gather [hbm4b:s7+s21], $0x8000, $0x38;
	[tilespmem:$0xF400] =	vst v63  }
0x34: {  	_ =	swait.ge [sflag:s12], $0x8000  }
0x35: {  	[sflag:s12] =	ssyncset.done $0x0  }
0x36: {  	s22 =	simm.s32 $0x0;
	[sflag:s12] =	ssyncadd.s32 $0xFFFF8000  }
.LBB2_5:
0x37: {  	v20 =	vimm.f32 $0.0e+00  }
.LBB2_9:
0x38: {  	v21 =	vld [tilespmem:$0xB300];
	_ =	sdelay $0x6  }
0x39: {  	v22 =	vld.idx.msk [tilespmem:v19+s11+$0x0], $0xffff  }
0x3a: {  	v24 =	vmov s22;
	v25 =	vmul.u32 $0x4, v1;
	v23 =	vld.idx.msk [tilespmem:v21+s11+$0x0], $0xffff  }
0x3b: {  	v26 =	vshll.u32 v24, $0x7  }
0x3c: {  	v27 =	vor.u32 v25, v26;
	_ =	sdelay $0x2  }
0x3d: {  	v23 =	vsub.f32 v23, v22  }
0x3e: {  	v28 =	vld.idx.msk [tilespmem:v19+s13+$0x0], $0xffff  }
0x3f: {  	v19 =	vld.idx.msk [tilespmem:v19+s14+$0x0], $0xffff;
	[tilespmem:v27+s18+$0x0] =	vst.idx.msk $0xffff, v23  }
0x40: {  	v23 =	vld.idx.msk [tilespmem:v21+s13+$0x0], $0xffff  }
0x41: {  	v59 =	vor.u32 $0x1, v25  }
0x42: {  	v27 =	vor.u32 v59, v26;
	_ =	sdelay $0x2  }
0x43: {  	v23 =	vsub.f32 v23, v28;
	_ =	sdelay $0x1  }
0x44: {  	[tilespmem:v27+s18+$0x0] =	vst.idx.msk $0xffff, v23  }
0x45: {  	v21 =	vld.idx.msk [tilespmem:v21+s14+$0x0], $0xffff  }
0x46: {  	v60 =	vor.u32 $0x2, v25  }
0x47: {  	v23 =	vor.u32 v60, v26;
	_ =	sdelay $0x2  }
0x48: {  	v21 =	vsub.f32 v21, v19;
	_ =	sdelay $0x1  }
0x49: {  	[tilespmem:v23+s18+$0x0] =	vst.idx.msk $0xffff, v21  }
0x4a: {  	v21 =	vld [tilespmem:$0xB310];
	_ =	sdelay $0x7  }
0x4b: {  	v23 =	vld.idx.msk [tilespmem:v21+s11+$0x0], $0xffff  }
0x4c: {  	v61 =	vor.u32 $0x40, v25  }
0x4d: {  	v27 =	vor.u32 v61, v26;
	_ =	sdelay $0x2  }
0x4e: {  	v22 =	vsub.f32 v23, v22;
	_ =	sdelay $0x1  }
0x4f: {  	[tilespmem:v27+s18+$0x0] =	vst.idx.msk $0xffff, v22  }
0x50: {  	v22 =	vld.idx.msk [tilespmem:v21+s13+$0x0], $0xffff  }
0x51: {  	v62 =	vor.u32 $0x41, v25  }
0x52: {  	v23 =	vor.u32 v62, v26;
	_ =	sdelay $0x2  }
0x53: {  	v22 =	vsub.f32 v22, v28;
	_ =	sdelay $0x1  }
0x54: {  	[tilespmem:v23+s18+$0x0] =	vst.idx.msk $0xffff, v22  }
0x55: {  	v21 =	vld.idx.msk [tilespmem:v21+s14+$0x0], $0xffff  }
0x56: {  	v63 =	vor.u32 $0x42, v25  }
0x57: {  	s22 =	sadd.s32 $0x1, s22;
	v22 =	vor.u32 v63, v26  }
0x58: {  	p0 =	sne.s32 s22, $0x80  }
.Ltmp4:
0x59: {  	_ = 	snop;
	(pc) =	sbr.rel @!p0 .LBB2_10-.Ltmp4, $3  }
0x5a: {  	v19 =	vsub.f32 v21, v19;
	_ =	sdelay $0x1  }
0x5b: {  	[tilespmem:v22+s18+$0x0] =	vst.idx.msk $0xffff, v19  }
0x5c: {  	[tilespmem:v24+s19+$0x0] =	vst.idx.msk $0x1, v20  }
.LBB2_4:
0x5d: {  	s23 =	sor.u32 s3, s22  }
0x5e: {  	s30 =	sshll.u32 s22, $0x8;
	s24 =	sshll.u32 s22, $0x7;
	v19 =	vmov s23  }
0x5f: {  	s23 =	sand.u32 $0x7800, s30;
	s24 =	sand.u32 $0x380, s24;
	[tilespmem:$0xB300] =	vst v19  }
0x60: {  	[tilespmem:$0xB310] =	vst v19;
	s23 =	sor.u32 s24, s23  }
0x61: {  	v20 =	vld [tilespmem:s23+$0x0];
	_ =	sdelay $0x4  }
0x62: {  	vm0 =	vne.s32 v20, $0x0  }
0x63: {  	v21 =	vsel vm0, $0x1, v2  }
0x64: {  	(xrf0) =	vadd.scan.msk.s32 $0xffff, v21;
	_ =	sdelay $0x5  }
0x65: {  	v21, _, _ =	vpop (xrf0)  }
0x66: {  	v21 =	vadd.s32 $0xFFFFFFFF, v21;
	_ =	sdelay $0x4  }
0x67: {  	[tilespmem:v21+s15+$0x0] =	vst.idx.msk vm0, v20  }
0x68: {  	[tilespmem:v21+s16+$0x0] =	vst.idx.msk vm0, v1  }
0x69: {  	v20 =	vld [tilespmem:s23+$0x10];
	_ =	sdelay $0x4  }
0x6a: {  	vm1 =	vne.s32 v20, $0x0  }
0x6b: {  	v21 =	vsel vm1, $0x1, v2  }
0x6c: {  	(xrf0) =	vadd.scan.msk.s32 $0xffff, v21;
	_ =	sdelay $0x4  }
0x6d: {  	v21 =	vmpcnt.ones.xlane vm0  }
0x6e: {  	v22, _, _ =	vpop (xrf0)  }
0x6f: {  	v22 =	vadd.s32 v22, v21  }
0x70: {  	v22 =	vadd.s32 $0xFFFFFFFF, v22;
	_ =	sdelay $0x4  }
0x71: {  	[tilespmem:v22+s15+$0x0] =	vst.idx.msk vm1, v20  }
0x72: {  	[tilespmem:v22+s16+$0x0] =	vst.idx.msk vm1, v3  }
0x73: {  	v20 =	vld [tilespmem:s23+$0x20];
	_ =	sdelay $0x4  }
0x74: {  	vm14 =	vne.s32 v20, $0x0  }
0x75: {  	v22 =	vsel vm14, $0x1, v2  }
0x76: {  	(xrf0) =	vadd.scan.msk.s32 $0xffff, v22;
	_ =	sdelay $0x1  }
0x77: {  	v22 =	vmpcnt.ones.xlane vm1;
	_ =	sdelay $0x3  }
0x78: {  	v21 =	vadd.s32 v21, v22;
	v22, _, _ =	vpop (xrf0)  }
0x79: {  	v22 =	vadd.s32 v22, v21  }
0x7a: {  	v22 =	vadd.s32 $0xFFFFFFFF, v22;
	_ =	sdelay $0x4  }
0x7b: {  	[tilespmem:v22+s15+$0x0] =	vst.idx.msk vm14, v20  }
0x7c: {  	[tilespmem:v22+s16+$0x0] =	vst.idx.msk vm14, v4  }
0x7d: {  	v20 =	vld [tilespmem:s23+$0x30];
	_ =	sdelay $0x4  }
0x7e: {  	vm15 =	vne.s32 v20, $0x0  }
0x7f: {  	v22 =	vsel vm15, $0x1, v2  }
0x80: {  	(xrf0) =	vadd.scan.msk.s32 $0xffff, v22;
	_ =	sdelay $0x1  }
0x81: {  	v22 =	vmpcnt.ones.xlane vm14;
	_ =	sdelay $0x3  }
0x82: {  	v21 =	vadd.s32 v21, v22;
	v22, _, _ =	vpop (xrf0)  }
0x83: {  	v22 =	vadd.s32 v22, v21  }
0x84: {  	v22 =	vadd.s32 $0xFFFFFFFF, v22;
	_ =	sdelay $0x4  }
0x85: {  	[tilespmem:v22+s15+$0x0] =	vst.idx.msk vm15, v20  }
0x86: {  	[tilespmem:v22+s16+$0x0] =	vst.idx.msk vm15, v5  }
0x87: {  	v20 =	vld [tilespmem:s23+$0x40];
	_ =	sdelay $0x4  }
0x88: {  	vm4 =	vne.s32 v20, $0x0  }
0x89: {  	v22 =	vsel vm4, $0x1, v2  }
0x8a: {  	(xrf0) =	vadd.scan.msk.s32 $0xffff, v22;
	_ =	sdelay $0x1  }
0x8b: {  	v22 =	vmpcnt.ones.xlane vm15;
	_ =	sdelay $0x3  }
0x8c: {  	v21 =	vadd.s32 v21, v22;
	v22, _, _ =	vpop (xrf0)  }
0x8d: {  	v22 =	vadd.s32 v22, v21  }
0x8e: {  	v22 =	vadd.s32 $0xFFFFFFFF, v22;
	_ =	sdelay $0x4  }
0x8f: {  	[tilespmem:v22+s15+$0x0] =	vst.idx.msk vm4, v20  }
0x90: {  	[tilespmem:v22+s16+$0x0] =	vst.idx.msk vm4, v6  }
0x91: {  	v20 =	vld [tilespmem:s23+$0x50];
	_ =	sdelay $0x4  }
0x92: {  	vm5 =	vne.s32 v20, $0x0  }
0x93: {  	v22 =	vsel vm5, $0x1, v2  }
0x94: {  	(xrf0) =	vadd.scan.msk.s32 $0xffff, v22;
	_ =	sdelay $0x1  }
0x95: {  	v22 =	vmpcnt.ones.xlane vm4;
	_ =	sdelay $0x3  }
0x96: {  	v21 =	vadd.s32 v21, v22;
	v22, _, _ =	vpop (xrf0)  }
0x97: {  	v22 =	vadd.s32 v22, v21  }
0x98: {  	v22 =	vadd.s32 $0xFFFFFFFF, v22;
	_ =	sdelay $0x4  }
0x99: {  	[tilespmem:v22+s15+$0x0] =	vst.idx.msk vm5, v20  }
0x9a: {  	[tilespmem:v22+s16+$0x0] =	vst.idx.msk vm5, v7  }
0x9b: {  	v20 =	vld [tilespmem:s23+$0x60];
	_ =	sdelay $0x4  }
0x9c: {  	vm6 =	vne.s32 v20, $0x0  }
0x9d: {  	v22 =	vsel vm6, $0x1, v2  }
0x9e: {  	(xrf0) =	vadd.scan.msk.s32 $0xffff, v22;
	_ =	sdelay $0x1  }
0x9f: {  	v22 =	vmpcnt.ones.xlane vm5;
	_ =	sdelay $0x3  }
0xa0: {  	v21 =	vadd.s32 v21, v22;
	v22, _, _ =	vpop (xrf0)  }
0xa1: {  	v22 =	vadd.s32 v22, v21  }
0xa2: {  	v22 =	vadd.s32 $0xFFFFFFFF, v22;
	_ =	sdelay $0x4  }
0xa3: {  	[tilespmem:v22+s15+$0x0] =	vst.idx.msk vm6, v20  }
0xa4: {  	[tilespmem:v22+s16+$0x0] =	vst.idx.msk vm6, v8  }
0xa5: {  	v20 =	vld [tilespmem:s23+$0x70];
	_ =	sdelay $0x4  }
0xa6: {  	vm7 =	vne.s32 v20, $0x0  }
0xa7: {  	v22 =	vsel vm7, $0x1, v2  }
0xa8: {  	(xrf0) =	vadd.scan.msk.s32 $0xffff, v22;
	_ =	sdelay $0x1  }
0xa9: {  	v22 =	vmpcnt.ones.xlane vm6;
	_ =	sdelay $0x3  }
0xaa: {  	v21 =	vadd.s32 v21, v22;
	v22, _, _ =	vpop (xrf0)  }
0xab: {  	v22 =	vadd.s32 v22, v21  }
0xac: {  	v22 =	vadd.s32 $0xFFFFFFFF, v22;
	_ =	sdelay $0x4  }
0xad: {  	[tilespmem:v22+s15+$0x0] =	vst.idx.msk vm7, v20  }
0xae: {  	[tilespmem:v22+s16+$0x0] =	vst.idx.msk vm7, v9  }
0xaf: {  	v20 =	vld [tilespmem:s23+$0x400];
	_ =	sdelay $0x4  }
0xb0: {  	vm8 =	vne.s32 v20, $0x0  }
0xb1: {  	v22 =	vsel vm8, $0x1, v2  }
0xb2: {  	(xrf0) =	vadd.scan.msk.s32 $0xffff, v22;
	_ =	sdelay $0x1  }
0xb3: {  	v22 =	vmpcnt.ones.xlane vm7;
	_ =	sdelay $0x3  }
0xb4: {  	v21 =	vadd.s32 v21, v22;
	v22, _, _ =	vpop (xrf0)  }
0xb5: {  	v22 =	vadd.s32 v22, v21  }
0xb6: {  	v22 =	vadd.s32 $0xFFFFFFFF, v22;
	_ =	sdelay $0x4  }
0xb7: {  	[tilespmem:v22+s15+$0x0] =	vst.idx.msk vm8, v20  }
0xb8: {  	[tilespmem:v22+s16+$0x0] =	vst.idx.msk vm8, v10  }
0xb9: {  	v20 =	vld [tilespmem:s23+$0x410];
	_ =	sdelay $0x4  }
0xba: {  	vm9 =	vne.s32 v20, $0x0  }
0xbb: {  	v22 =	vsel vm9, $0x1, v2  }
0xbc: {  	(xrf0) =	vadd.scan.msk.s32 $0xffff, v22;
	_ =	sdelay $0x1  }
0xbd: {  	v22 =	vmpcnt.ones.xlane vm8;
	_ =	sdelay $0x3  }
0xbe: {  	v21 =	vadd.s32 v21, v22;
	v22, _, _ =	vpop (xrf0)  }
0xbf: {  	v22 =	vadd.s32 v22, v21  }
0xc0: {  	v22 =	vadd.s32 $0xFFFFFFFF, v22;
	_ =	sdelay $0x4  }
0xc1: {  	[tilespmem:v22+s15+$0x0] =	vst.idx.msk vm9, v20  }
0xc2: {  	[tilespmem:v22+s16+$0x0] =	vst.idx.msk vm9, v11  }
0xc3: {  	v20 =	vld [tilespmem:s23+$0x420];
	_ =	sdelay $0x4  }
0xc4: {  	vm10 =	vne.s32 v20, $0x0  }
0xc5: {  	v22 =	vsel vm10, $0x1, v2  }
0xc6: {  	(xrf0) =	vadd.scan.msk.s32 $0xffff, v22;
	_ =	sdelay $0x1  }
0xc7: {  	v22 =	vmpcnt.ones.xlane vm9;
	_ =	sdelay $0x3  }
0xc8: {  	v21 =	vadd.s32 v21, v22;
	v22, _, _ =	vpop (xrf0)  }
0xc9: {  	v22 =	vadd.s32 v22, v21  }
0xca: {  	v22 =	vadd.s32 $0xFFFFFFFF, v22;
	_ =	sdelay $0x4  }
0xcb: {  	[tilespmem:v22+s15+$0x0] =	vst.idx.msk vm10, v20  }
0xcc: {  	[tilespmem:v22+s16+$0x0] =	vst.idx.msk vm10, v12  }
0xcd: {  	v20 =	vld [tilespmem:s23+$0x430];
	_ =	sdelay $0x4  }
0xce: {  	vm11 =	vne.s32 v20, $0x0  }
0xcf: {  	v22 =	vsel vm11, $0x1, v2  }
0xd0: {  	(xrf0) =	vadd.scan.msk.s32 $0xffff, v22;
	_ =	sdelay $0x1  }
0xd1: {  	v22 =	vmpcnt.ones.xlane vm10;
	_ =	sdelay $0x3  }
0xd2: {  	v21 =	vadd.s32 v21, v22;
	v22, _, _ =	vpop (xrf0)  }
0xd3: {  	v22 =	vadd.s32 v22, v21  }
0xd4: {  	v22 =	vadd.s32 $0xFFFFFFFF, v22;
	_ =	sdelay $0x4  }
0xd5: {  	[tilespmem:v22+s15+$0x0] =	vst.idx.msk vm11, v20  }
0xd6: {  	[tilespmem:v22+s16+$0x0] =	vst.idx.msk vm11, v13  }
0xd7: {  	v20 =	vld [tilespmem:s23+$0x440];
	_ =	sdelay $0x4  }
0xd8: {  	vm12 =	vne.s32 v20, $0x0  }
0xd9: {  	v22 =	vsel vm12, $0x1, v2  }
0xda: {  	(xrf0) =	vadd.scan.msk.s32 $0xffff, v22;
	_ =	sdelay $0x1  }
0xdb: {  	v22 =	vmpcnt.ones.xlane vm11;
	_ =	sdelay $0x3  }
0xdc: {  	v21 =	vadd.s32 v21, v22;
	v22, _, _ =	vpop (xrf0)  }
0xdd: {  	v22 =	vadd.s32 v22, v21  }
0xde: {  	v22 =	vadd.s32 $0xFFFFFFFF, v22;
	_ =	sdelay $0x4  }
0xdf: {  	[tilespmem:v22+s15+$0x0] =	vst.idx.msk vm12, v20  }
0xe0: {  	[tilespmem:v22+s16+$0x0] =	vst.idx.msk vm12, v14  }
0xe1: {  	v20 =	vld [tilespmem:s23+$0x450];
	_ =	sdelay $0x4  }
0xe2: {  	vm13 =	vne.s32 v20, $0x0  }
0xe3: {  	v22 =	vsel vm13, $0x1, v2  }
0xe4: {  	(xrf0) =	vadd.scan.msk.s32 $0xffff, v22;
	_ =	sdelay $0x1  }
0xe5: {  	v22 =	vmpcnt.ones.xlane vm12;
	_ =	sdelay $0x3  }
0xe6: {  	v21 =	vadd.s32 v21, v22;
	v22, _, _ =	vpop (xrf0)  }
0xe7: {  	v22 =	vadd.s32 v22, v21  }
0xe8: {  	v22 =	vadd.s32 $0xFFFFFFFF, v22;
	_ =	sdelay $0x4  }
0xe9: {  	[tilespmem:v22+s15+$0x0] =	vst.idx.msk vm13, v20  }
0xea: {  	[tilespmem:v22+s16+$0x0] =	vst.idx.msk vm13, v15  }
0xeb: {  	v20 =	vld [tilespmem:s23+$0x460];
	_ =	sdelay $0x4  }
0xec: {  	vm14 =	vne.s32 v20, $0x0  }
0xed: {  	v22 =	vsel vm14, $0x1, v2  }
0xee: {  	(xrf0) =	vadd.scan.msk.s32 $0xffff, v22;
	_ =	sdelay $0x1  }
0xef: {  	v22 =	vmpcnt.ones.xlane vm13;
	_ =	sdelay $0x3  }
0xf0: {  	v21 =	vadd.s32 v21, v22;
	v22, _, _ =	vpop (xrf0)  }
0xf1: {  	v22 =	vadd.s32 v22, v21  }
0xf2: {  	v22 =	vadd.s32 $0xFFFFFFFF, v22;
	_ =	sdelay $0x4  }
0xf3: {  	[tilespmem:v22+s15+$0x0] =	vst.idx.msk vm14, v20  }
0xf4: {  	[tilespmem:v22+s16+$0x0] =	vst.idx.msk vm14, v16  }
0xf5: {  	v20 =	vld [tilespmem:s23+$0x470];
	_ =	sdelay $0x4  }
0xf6: {  	v22 =	vmpcnt.ones.xlane vm14;
	vm15 =	vne.s32 v20, $0x0  }
0xf7: {  	v23 =	vmpcnt.ones.xlane vm15  }
0xf8: {  	v21 =	vadd.s32 v21, v22  }
0xf9: {  	v22 =	vsel vm15, $0x1, v2;
	v23 =	vadd.s32 v21, v23  }
0xfa: {  	(xrf0) =	vadd.scan.msk.s32 $0xffff, v22;
	v22 =	vxor.u32 $0x80000000, v23  }
0xfb: {  	(xrf0) =	vmax.scan.msk.u32 $0xffff, v22;
	_ =	sdelay $0x4  }
0xfc: {  	v22, _, _ =	vpop (xrf0)  }
0xfd: {  	v23, _, _ =	vpop (xrf0)  }
0xfe: {  	(v2sf) =	vpush v23, $0xF;
	_ =	sdelay $0xe  }
0xff: {  	v21 =	vadd.s32 v22, v21;
	s31 =	spop (v2sf)  }
0x100: {  	v21 =	vadd.s32 $0xFFFFFFFF, v21;
	s23 =	sxor.u32 $0x80000000, s31  }
0x101: {  	p0 =	slt.s32 s23, $0x1  }
.Ltmp5:
0x102: {  	_ = 	snop;
	(pc) =	sbr.rel @p0 .LBB2_5-.Ltmp5, $3  }
0x103: {  	_ =	sdelay $0x1  }
0x104: {  	[tilespmem:v21+s15+$0x0] =	vst.idx.msk vm15, v20  }
0x105: {  	v20 =	vimm.s32 $0x0;
	[tilespmem:v21+s16+$0x0] =	vst.idx.msk vm15, v17  }
0x106: {  	v22 =	vmov s21;
	_ =	sdelay $0x4  }
0x107: {  	v21 =	vld.idx.msk [tilespmem:v22+s15+$0x0], $0xffff;
	_ =	sdelay $0x4  }
0x108: {  	v21 =	vand.u32 v18, v21  }
0x109: {  	vm0 =	vne.s32 v21, $0x0  }
0x10a: {  	v21 =	vsel vm0, $0x1, v2  }
0x10b: {  	(xrf0) =	vadd.scan.msk.s32 $0xffff, v21;
	_ =	sdelay $0x4  }
0x10c: {  	p0 =	sne.s32 s23, $0x1  }
.Ltmp6:
0x10d: {  	v21, _, _ =	vpop (xrf0);
	(pc) =	sbr.rel @!p0 .LBB2_8-.Ltmp6, $4  }
0x10e: {  	v21 =	vadd.s32 v21, v20  }
0x10f: {  	v22 =	vld.idx.msk [tilespmem:v22+s16+$0x0], $0xffff;
	v23 =	vmpcnt.ones.xlane vm0;
	v24 =	vadd.s32 $0xFFFFFFFF, v21  }
0x110: {  	vm1 =	vlt.s32 v24, $0x2F  }
0x111: {  	s24 =	simm.s32 $0x1;
	v21 =	vadd.s32 v20, v23;
	v20 =	vadd.s32 v20, v23;
	v23 =	vnsel vm1, $0x2F, v24  }
.LBB2_7:
0x112: {  	v24 =	vmov s24;
	s24 =	sadd.s32 $0x1, s24;
	v25 =	vmov v21  }
0x113: {  	p0 =	sne.s32 s23, s24  }
0x114: {  	v22 =	vshll.u32 v22, $0x4  }
0x115: {  	v22 =	vor.u32 v1, v22  }
0x116: {  	[tilespmem:v23+s17+$0x0] =	vst.idx.msk vm0, v22  }
0x117: {  	v22 =	vld.idx.msk [tilespmem:v24+s15+$0x0], $0xffff;
	_ =	sdelay $0x5  }
0x118: {  	v22 =	vand.u32 v18, v22  }
0x119: {  	vm0 =	vne.s32 v22, $0x0  }
0x11a: {  	v22 =	vsel vm0, $0x1, v2;
	v23 =	vmpcnt.ones.xlane vm0  }
0x11b: {  	(xrf0) =	vadd.scan.msk.s32 $0xffff, v22  }
0x11c: {  	v21 =	vadd.s32 v21, v23;
	v20 =	vadd.s32 v20, v23;
	_ =	sdelay $0x4  }
.Ltmp7:
0x11d: {  	v23, _, _ =	vpop (xrf0);
	(pc) =	sbr.rel @p0 .LBB2_7-.Ltmp7, $4  }
0x11e: {  	v22 =	vld.idx.msk [tilespmem:v24+s16+$0x0], $0xffff;
	v23 =	vadd.s32 v23, v25  }
0x11f: {  	v23 =	vadd.s32 $0xFFFFFFFF, v23  }
0x120: {  	vm1 =	vlt.s32 v23, $0x2F  }
0x121: {  	v23 =	vnsel vm1, $0x2F, v23  }
.LBB2_8:
0x122: {  	_ = 	snop  }
.Ltmp8:
0x123: {  	vm1 =	vlt.s32 v20, $0x20;
	(pc) =	sbr.rel .LBB2_9-.Ltmp8, $4  }
0x124: {  	v20 =	vnsel vm1, $0x20, v20  }
0x125: {  	v21 =	vshll.u32 v22, $0x4;
	v20 =	vcvt.s32.f32 v20  }
0x126: {  	v21 =	vor.u32 v1, v21  }
0x127: {  	[tilespmem:v23+s17+$0x0] =	vst.idx.msk vm0, v21;
	v20 =	vmul.f32 $3.125000000e-02, v20  }
.LBB2_11:
0x128: {  	_ =	sfence.sel $0x180000  }
0x129: {  	[bflag:$0x0] =	sbarrier.arrive $0xFFFF  }
0x12a: {  	p0 =	sne.s32 s0, $0x0;
	_ =	strace $0x9000004A  }
0x12b: {  	s0 =	sadd.s32 @!p0 $0x100000, s1;
	[bflag:$0x2] =	sbarrier.arrive $0xFFFF  }
0x12c: {  	[sflag:s0] =	ssyncadd.tile.s32 @!p0 $0x1;
	_ =	shalt  }
.Lfunc_end2:
_tile_overlayer_lowered:
.L_overlay_start_2:
0x12d: {  	(tag) =	ssettag $0x2  }
0x12e: {  	s0 =	rddreg [dreg:$0x0];
	s2 =	stileid.u32  }
0x12f: {  	s1 =	rddreg [dreg:$0x1];
	p0 =	sne.s32 s2, $0x0  }
0x130: {  	s3 =	rddreg [dreg:$0x2];
	[bflag:$0x3] =	sbarrier.arrive $0xFFFF;
	s2 =	simm.s32 @!p0 $0x1C01  }
0x131: {  	[timem:s3], [sflag:s2] =	dma.local @!p0 [hbm:s0], s1  }
0x132: {  	s0 =	simm.s32 @!p0 $0x1  }
0x133: {  	_ =	swait.ge @!p0 [sflag:s0], s1  }
0x134: {  	s1 =	ssub.s32 @!p0 $0x0, s1;
	[sflag:s0] =	ssyncset.done @!p0 $0x0  }
0x135: {  	[sflag:s0] =	ssyncadd.s32 @!p0 s1  }
0x136: {  	[bflag:$0x3] =	sbarrier.arrive $0xFFFF  }
0x137: {  	_ =	shalt  }

// kernel: kernel.20.cloned.1.call-start
scs
__scs_entry_jumppad:
0x0: {  	(pc) =	sbr.rel $0x88, $3  }
0x1: {  	(tag) =	ssettag $0x0;
	lr =	simm.s32 $0x1  }
0x2: {  	[smem:$0x3F9C] =	sst lr;
	_ =	strace $0xD0000000  }
0x3: {  	_ = 	snop  }
0x4: {  	_ = 	snop  }
0x5: {  	_ = 	snop  }
0x6: {  	_ = 	snop  }
0x7: {  	_ = 	snop  }
__scs_overlays_trampoline_lowered:
0x8: {  	[smem:$0x3FAB] =	sst s0  }
0x9: {  	[smem:$0x3FAC] =	sst s1  }
0xa: {  	[smem:$0x3FAD] =	sst s2  }
0xb: {  	[smem:$0x3FAE] =	sst s3  }
0xc: {  	[smem:$0x3FAF] =	sst s4  }
0xd: {  	[smem:$0x3FB0] =	sst s5  }
0xe: {  	[smem:$0x3FB1] =	sst s6  }
0xf: {  	[smem:$0x3FB2] =	sst s7  }
0x10: {  	[smem:$0x3FB3] =	sst s8  }
0x11: {  	[smem:$0x3FB4] =	sst s9;
	s0 =	simm.s32 @!p0 $0x0  }
0x12: {  	s1 =	sld [smem:$0x3F9A];
	s0 =	simm.s32 @p0 $0x1  }
0x13: {  	[smem:$0x3FB5] =	sst s0;
	s0 =	simm.s32 @!p1 $0x0  }
0x14: {  	s2 =	sld [smem:$0x3F99];
	s0 =	simm.s32 @p1 $0x1  }
0x15: {  	[smem:$0x3FB6] =	sst s0;
	s0 =	simm.s32 @!p2 $0x0  }
0x16: {  	s3 =	sld [smem:$0x3FDB];
	s0 =	simm.s32 @p2 $0x1  }
0x17: {  	s4 =	simm.s32 $0x1BF5;
	[smem:$0x3FB8] =	sst s0  }
0x18: {  	s0 =	sld [smem:$0x3F9B];
	_ =	swait.ge [sflag:s4], $0x0  }
0x19: {  	s7 =	sld [smem:$0x3F9C]  }
0x1a: {  	s8 =	sadd.s32 $0xFFFFE003, lr  }
0x1b: {  	s9 =	sadd.s32 $0xFFFFFEF7, lr;
	s5 =	simm.s32 $0xFFFFFFFF;
	p2 =	slt.u32 s8, $0xFFFFF086  }
0x1c: {  	p1 =	slt.u32 s9, $0xF7A;
	s5 =	simm.s32 @!p2 $0x0  }
0x1d: {  	s5 =	simm.s32 @p1 $0x1;
	p0 =	seq.s32 s7, s2  }
0x1e: {  	s7 =	smul.u32 @!p0 $0xF7A, s2;
	p2 =	seq.s32 @!p0 s5, $0x0  }
0x1f: {  	s9 =	smul.u32 $0xF7A, s1;
	s8 =	simm.s32 @!p0 $0x1BF5;
	p2 =	por !p2, p0  }
0x20: {  	[sflag:s8] =	ssyncset.s32 @!p0 $0xFFFFF086;
	s6 =	sadd.s32 @!p0 s3, s7;
	s7 =	simm.s32 @!p0 $0x108  }
0x21: {  	s3 =	sadd.s32 s3, s9;
	s6 =	sadd.s32 @!p0 $0x88, s6;
	s7 =	simm.s32 @p2 $0x1082  }
0x22: {  	[simem:s7], [sflag:s8] =	dma.local @!p0 [hbm:s6], $0xF7A  }
0x23: {  	s9 =	sor.u32 $0xD0000000, s2;
	s6 =	simm.s32 $0x108;
	_ =	swait.ge @!p0 [sflag:s8], $0x0  }
0x24: {  	s3 =	sadd.s32 $0x88, s3;
	s6 =	simm.s32 @!p1 $0x1082;
	[sflag:s4] =	ssyncset.s32 $0xFFFFF086  }
0x25: {  	[simem:s6], [sflag:s4] =	dma.local [hbm:s3], $0xF7A  }
0x26: {  	[smem:$0x3F9C] =	sst s1;
	(tag) =	ssettag s2;
	_ =	strace s9  }
0x27: {  	s1 =	sld [smem:$0x3FAC]  }
0x28: {  	s2 =	sld [smem:$0x3FAD]  }
0x29: {  	s4 =	sld [smem:$0x3FAF]  }
0x2a: {  	p0 =	seq.s32 s5, $0x0;
	s5 =	sld [smem:$0x3FB0]  }
0x2b: {  	s6 =	sld [smem:$0x3FB1]  }
0x2c: {  	s7 =	sld [smem:$0x3FB2]  }
0x2d: {  	s3 =	simm.s32 $0x108;
	s8 =	sld [smem:$0x3FB3]  }
0x2e: {  	s3 =	simm.s32 @!p0 $0x1082;
	s9 =	sld [smem:$0x3FB4]  }
0x2f: {  	lr =	sadd.s32 s0, s3;
	s0 =	sld [smem:$0x3FAB]  }
0x30: {  	s3 =	sld [smem:$0x3FAE]  }
0x31: {  	[smem:$0x3FB7] =	sst s10  }
0x32: {  	s10 =	sld [smem:$0x3FB5];
	_ =	sdelay $0x3  }
0x33: {  	p0 =	seq.s32 s10, $0x1;
	s10 =	sld [smem:$0x3FB7];
	_ =	sdelay $0x3  }
0x34: {  	[smem:$0x3FB7] =	sst s10  }
0x35: {  	s10 =	sld [smem:$0x3FB6];
	_ =	sdelay $0x3  }
0x36: {  	p1 =	seq.s32 s10, $0x1;
	s10 =	sld [smem:$0x3FB7];
	_ =	sdelay $0x3  }
0x37: {  	[smem:$0x3FB7] =	sst s10  }
0x38: {  	s10 =	sld [smem:$0x3FB8]  }
0x39: {  	_ = 	snop;
	(pc) =	sbr.ind lr, $3  }
0x3a: {  	_ = 	snop  }
0x3b: {  	_ = 	snop  }
0x3c: {  	p2 =	seq.s32 s10, $0x1;
	s10 =	sld [smem:$0x3FB7]  }
0x3d: {  	_ =	shalt  }
0x3e: {  	_ =	shalt  }
0x3f: {  	_ =	shalt  }
0x40: {  	_ =	shalt  }
0x41: {  	_ =	shalt  }
0x42: {  	_ =	shalt  }
0x43: {  	_ =	shalt  }
0x44: {  	_ =	shalt  }
0x45: {  	_ =	shalt  }
0x46: {  	_ =	shalt  }
0x47: {  	_ =	shalt  }
0x48: {  	_ =	shalt  }
0x49: {  	_ =	shalt  }
0x4a: {  	_ =	shalt  }
0x4b: {  	_ =	shalt  }
0x4c: {  	_ =	shalt  }
0x4d: {  	_ =	shalt  }
0x4e: {  	_ =	shalt  }
0x4f: {  	_ =	shalt  }
0x50: {  	_ =	shalt  }
0x51: {  	_ =	shalt  }
0x52: {  	_ =	shalt  }
0x53: {  	_ =	shalt  }
0x54: {  	_ =	shalt  }
0x55: {  	_ =	shalt  }
0x56: {  	_ =	shalt  }
0x57: {  	_ =	shalt  }
0x58: {  	_ =	shalt  }
0x59: {  	_ =	shalt  }
0x5a: {  	_ =	shalt  }
0x5b: {  	_ =	shalt  }
0x5c: {  	_ =	shalt  }
0x5d: {  	_ =	shalt  }
0x5e: {  	_ =	shalt  }
0x5f: {  	_ =	shalt  }
0x60: {  	_ =	shalt  }
0x61: {  	_ =	shalt  }
0x62: {  	_ =	shalt  }
0x63: {  	_ =	shalt  }
0x64: {  	_ =	shalt  }
0x65: {  	_ =	shalt  }
0x66: {  	_ =	shalt  }
0x67: {  	_ =	shalt  }
0x68: {  	_ =	shalt  }
0x69: {  	_ =	shalt  }
0x6a: {  	_ =	shalt  }
0x6b: {  	_ =	shalt  }
0x6c: {  	_ =	shalt  }
0x6d: {  	_ =	shalt  }
0x6e: {  	_ =	shalt  }
0x6f: {  	_ =	shalt  }
0x70: {  	_ =	shalt  }
0x71: {  	_ =	shalt  }
0x72: {  	_ =	shalt  }
0x73: {  	_ =	shalt  }
0x74: {  	_ =	shalt  }
0x75: {  	_ =	shalt  }
0x76: {  	_ =	shalt  }
0x77: {  	_ =	shalt  }
0x78: {  	_ =	shalt  }
0x79: {  	_ =	shalt  }
0x7a: {  	_ =	shalt  }
0x7b: {  	_ =	shalt  }
0x7c: {  	_ =	shalt  }
0x7d: {  	_ =	shalt  }
0x7e: {  	_ =	shalt  }
0x7f: {  	_ =	shalt  }
0x80: {  	_ =	shalt  }
0x81: {  	_ =	shalt  }
0x82: {  	_ =	shalt  }
0x83: {  	_ =	shalt  }
0x84: {  	_ =	shalt  }
0x85: {  	_ =	shalt  }
0x86: {  	_ =	shalt  }
0x87: {  	_ =	shalt  }
.Lfunc_end0:
.L_simem_size_0:
called_computation.2_lowered:
.L_overlay_start_0:
0x88: {  	s2 =	sld [smem:$0x3FD9]  }
0x89: {  	s3 =	sld [smem:$0x3FFE];
	_ =	sdelay $0x1  }
0x8a: {  	s1 =	srdreg.scid  }
0x8b: {  	s0 =	sand.u32 $0x1, s1  }
0x8c: {  	s17 =	sshll.u32 s0, $0xA;
	s2 =	sadd.s32 s3, s2  }
0x8d: {  	s2 =	sadd.s32 s2, s17  }
0x8e: {  	[smem:$0x3FC3] =	sst s2  }
0x8f: {  	_ = 	snop  }
0x90: {  	(tm) =	ssettm $0x1  }
0x91: {  	s18 =	sld [smem:$0x3FFB];
	_ =	sdelay $0x3  }
0x92: {  	_ =	strace s18  }
0x93: {  	s2 =	sld [smem:$0x3FFC];
	_ =	sdelay $0x3  }
0x94: {  	_ =	strace s2  }
0x95: {  	s2 =	sld [smem:$0x3FFD];
	_ =	sdelay $0x3  }
0x96: {  	_ =	strace s2  }
0x97: {  	_ =	strace $0x8FFFFFFF  }
0x98: {  	s19 =	sld [smem:$0x3FDB];
	_ =	sdelay $0x1  }
0x99: {  	s20 =	simm.s32 $_scs_section_size  }
0x9a: {  	s4 =	simm.s32 $_size__tile_overlayer_lowered;
	s5 =	simm.s32 $_tile_overlayer_lowered  }
0x9b: {  	s6 =	simm.s32 $0x1BFF;
	s21 =	sshll.u32 s5, $0x1;
	s3 =	sadd.s32 s20, s19  }
0x9c: {  	s22 =	simm.s32 $0x0;
	s4 =	sshll.u32 s4, $0x1;
	s5 =	sadd.s32 s21, s3  }
0x9d: {  	[timem:s22], [sflag:s6] =	dma.local [hbm:s5], s4  }
0x9e: {  	_ =	swait.ge [sflag:s6], s4  }
0x9f: {  	s4 =	ssub.s32 $0x0, s4;
	[sflag:s6] =	ssyncset.done $0x0  }
0xa0: {  	[sflag:s6] =	ssyncadd.s32 s4;
	_ =	sdelay $0x1  }
0xa1: {  	s23 =	simm.s32 $0x1B8B  }
0xa2: {  	_ =	swait.ge [sflag:s23], $0x1  }
0xa3: {  	[sflag:s23] =	ssyncset.done $0x0  }
0xa4: {  	[sflag:s23] =	ssyncadd.s32 $0xFFFFFFFF  }
0xa5: {  	s4 =	sld [smem:$0x0]  }
0xa6: {  	s5 =	sand.u32 $0xFFFFFFFE, s1  }
0xa7: {  	p0 =	sne.s32 s1, s5  }
0xa8: {  	s5 =	sshll.u32 @p0 s5, $0xE  }
0xa9: {  	s5 =	sadd.s32 @p0 $0x11B8D, s5;
	s6 =	sshll.u32 @p0 s4, $0x11  }
0xaa: {  	s5 =	sor.u32 @p0 s6, s5  }
0xab: {  	[sflag:s5] =	ssyncadd.remote.s32 @p0 $0x1;
	_ =	sdelay $0x1  }
0xac: {  	s5 =	simm.s32 @p0 $0x1B8D  }
0xad: {  	_ =	swait.eq @p0 [sflag:s5], $0x1  }
0xae: {  	[sflag:s5] =	ssyncadd.s32 @p0 $0xFFFFFFFF  }
0xaf: {  	s6 =	sshll.u32 @!p0 s1, $0xE  }
0xb0: {  	s6 =	sor.u32 @!p0 $0x4000, s6;
	s5 =	simm.s32 @!p0 $0x1B8D  }
0xb1: {  	s4 =	sshll.u32 @!p0 s4, $0x11;
	s6 =	sadd.s32 @!p0 $0x11B8D, s6;
	_ =	swait.eq @!p0 [sflag:s5], $0x1  }
0xb2: {  	s4 =	sor.u32 @!p0 s4, s6;
	[sflag:s5] =	ssyncadd.s32 @!p0 $0xFFFFFFFF  }
0xb3: {  	s25 =	simm.s32 $0x1B8E;
	s24 =	sld [smem:$0x3FFE];
	[sflag:s4] =	ssyncadd.remote.s32 @!p0 $0x1  }
0xb4: {  	s26 =	simm.s32 $execute0_lowered;
	[smem:$0x3FD2] =	sst s25  }
0xb5: {  	s5 =	sshll.u32 s26, $0x1;
	_ =	strace $0x8000004C;
	[dreg:$0x1] =	wrdreg $0xFFFFFFFF  }
0xb6: {  	s28 =	simm.s32 $_size_execute0_lowered;
	s3 =	sadd.s32 s3, s5;
	[dreg:$0x0] =	wrdreg $0x0  }
0xb7: {  	s5 =	sshll.u32 s28, $0x1;
	[dreg:$0x2] =	wrdreg s3  }
0xb8: {  	[dreg:$0x3] =	wrdreg s5  }
0xb9: {  	[dreg:$0x4] =	wrdreg $0xC0  }
0xba: {  	_ =	task [dreg:s22], $0x5FFFF  }
0xbb: {  	[dreg:$0x1] =	wrdreg $0xFFFFFFFF  }
0xbc: {  	[dreg:$0x0] =	wrdreg $0x60  }
0xbd: {  	[dreg:$0x2] =	wrdreg s24  }
0xbe: {  	[dreg:$0x3] =	wrdreg $0xB  }
0xbf: {  	_ =	task.clear_ibuf [dreg:s22], $0x4FFFF;
	_ =	strace $0x9000004C  }
0xc0: {  	s29 =	simm.s32 $0xB;
	_ =	strace $0x8000004E  }
0xc1: {  	_ =	swait.ge [sflag:s29], $0x1  }
0xc2: {  	[sflag:s29] =	ssyncadd.s32 $0xFFFFFFFF  }
0xc3: {  	_ =	strace $0x9000004E  }
0xc4: {  	_ =	sfence  }
0xc5: {  	s30 =	sld [smem:$0x0];
	_ =	sdelay $0x2  }
0xc6: {  	s31 =	sshll.u32 s1, $0xD;
	s1 =	sshrl.u32 s1, $0x2  }
0xc7: {  	s4 =	sand.u32 $0x4000, s31;
	s1 =	sadd.s32 s1, s30  }
0xc8: {  	s0 =	sor.u32 s4, s0;
	s1 =	sshll.u32 s1, $0x11  }
0xc9: {  	s0 =	sor.u32 s1, s0  }
0xca: {  	s0 =	sadd.s32 $0x8F2B, s0  }
0xcb: {  	[sflag:s0] =	ssyncadd.remote.s32 $0x1  }
0xcc: {  	_ =	sfence.sel $0xFFFF  }
0xcd: {  	[dreg:$0x0] =	wrdreg $0xFFFFFFFF;
	(pc) =	sbr.abs _section_cstart, $3  }
0xce: {  	[dreg:$0x1] =	wrdreg $0xFFFFFFFF  }
0xcf: {  	_ =	task.clear_ibuf [dreg:s22], $0x2FFFF;
	_ =	strace $0x9FFFFFFF  }
0xd0: {  	(tm) =	ssettm $0x7FFFFFFF  }
0xd1: {  	_ =	shalt  }
tec
execute0_lowered:
.L_overlay_start_1:
0x0: {  	(tag) =	ssettag $0x1  }
0x1: {  	v0 =	vimm.f32 $0.0e+00;
	v1 =	vlaneseq.u32  }
0x2: {  	s1 =	srdreg.scid;
	s0 =	stileid.u32;
	v2 =	vimm.s32 $0x0;
	v7 =	vimm.s32 $0x8040201;
	v8 =	vimm.s32 $0x80402010  }
0x3: {  	s6 =	rddreg [dreg:$0x0];
	s2 =	simm.s32 $0x0;
	vm0 =	vcmask $0xF00;
	vm8 =	vcmask $0x1F10;
	vm9 =	vcmask $0x2320;
	s11 =	simm.s32 $0x8000  }
0x4: {  	vm10 =	vcmask $0x2724;
	s12 =	simm.s32 $0x1;
	s13 =	simm.s32 $0x9000;
	s14 =	simm.s32 $0xA000;
	v9 =	vunpack.c.0.s8.s32 v7;
	v10 =	vunpack.c.0.s8.s32 v8  }
0x5: {  	vm11 =	vcmask $0x2B28;
	vm12 =	vcmask $0x2F2C;
	vm13 =	vcmask $0x3330;
	s15 =	simm.s32 $0xB000;
	s16 =	simm.s32 $0xB180;
	s17 =	simm.s32 $0xB300  }
0x6: {  	vm14 =	vcmask $0x3734;
	s18 =	simm.s32 $0xB380;
	s19 =	simm.s32 $0xF380;
	s20 =	simm.s32 $0x0;
	v11 =	vnsel vm0, $0x8000, v9;
	v10 =	vand.u32 $0xFF, v10  }
0x7: {  	vm15 =	vcmask $0x3B38;
	s5 =	sand.u32 $0x1, s1;
	v3 =	vor.u32 $0x10, v1;
	s3 =	sshll.u32 s0, $0x8;
	s1 =	rddreg [dreg:$0x1];
	v11 =	vsel vm8, v10, v11  }
0x8: {  	v4 =	vor.u32 $0x20, v1;
	v5 =	vor.u32 $0x30, v1;
	[smem:$0x7FF] =	sst s2;
	s4 =	sshll.u32 s5, $0x7;
	s5 =	ssub.s32 $0x2, s5;
	v12 =	vsel vm9, $0x100, v11  }
0x9: {  	v6 =	vor.u32 $0x40, v1;
	v7 =	vor.u32 $0x50, v1;
	_ =	strace $0x8000004D;
	s3 =	sor.u32 s4, s3;
	s10 =	sshrl.u32 s5, $0x1;
	v13 =	vsel vm10, $0x200, v12  }
.Ltmp0:
0xa: {  	v8 =	vor.u32 $0x60, v1;
	v17 =	vor.u32 $0xF0, v1;
	s4 =	sshll.u32 s3, $0x5;
	s8 =	sshll.u32 s3, $0x4;
	v14 =	vsel vm11, $0x400, v13;
	(pc) =	sbr.rel .LBB2_1-.Ltmp0, $4  }
0xb: {  	v9 =	vor.u32 $0x70, v1;
	s9 =	sshrl.u32 s3, $0x3;
	v10 =	vor.u32 $0x80, v1;
	s10 =	ssub.s32 s5, s10;
	s5 =	sadd.s32 $0x84C00, s6;
	v15 =	vsel vm12, $0x800, v14  }
0xc: {  	s7 =	sadd.s32 s4, s6;
	s4 =	sadd.s32 $0x84A00, s6;
	s8 =	sadd.s32 s8, s6;
	v11 =	vor.u32 $0x90, v1;
	v12 =	vor.u32 $0xA0, v1;
	v16 =	vsel vm13, $0x1000, v15  }
0xd: {  	s9 =	sadd.s32 s9, s6;
	s6 =	sadd.s32 $0x84E00, s6;
	s10 =	smax.u32 s10, $0x1;
	v13 =	vor.u32 $0xB0, v1;
	v14 =	vor.u32 $0xC0, v1;
	v18 =	vsel vm14, $0x2000, v16  }
0xe: {  	s7 =	sadd.s32 $0x64A00, s7;
	s8 =	sadd.s32 $0x85200, s8;
	s9 =	sadd.s32 $0x85000, s9;
	v15 =	vor.u32 $0xD0, v1;
	v16 =	vor.u32 $0xE0, v1;
	v18 =	vsel vm15, $0x4000, v18  }
.LBB2_10:
0xf: {  	[hbm4b:s8+s2] =	stream.linear.scatter [tilespmem:s18], [sflag:$0x1], $0x4000, $0x38;
	[tilespmem:$0xF400] =	vst v63  }
0x10: {  	s20 =	sadd.s32 $0x1, s20;
	_ =	swait.ge [sflag:s12], $0x4000  }
0x11: {  	p0 =	sne.s32 s20, s10;
	[sflag:s12] =	ssyncset.done $0x0  }
.Ltmp1:
0x12: {  	[sflag:s12] =	ssyncadd.s32 $0xFFFFC000;
	(pc) =	sbr.rel @!p0 .LBB2_11-.Ltmp1, $4  }
0x13: {  	[hbm4b:s9+s2] =	stream.linear.scatter [tilespmem:s19], [sflag:$0x1], $0x80, $0x38;
	[tilespmem:$0xF400] =	vst v63  }
0x14: {  	_ =	swait.ge [sflag:s12], $0x80  }
0x15: {  	[sflag:s12] =	ssyncset.done $0x0  }
0x16: {  	[sflag:s12] =	ssyncadd.s32 $0xFFFFFF80  }
.LBB2_1:
0x17: {  	[tilespmem:s11], [sflag:$0x1] =	stream.linear.gather [hbm4b:s4+s2], $0x1000, $0x38;
	[tilespmem:$0xF400] =	vst v63  }
0x18: {  	_ =	swait.ge [sflag:s12], $0x1000  }
0x19: {  	[sflag:s12] =	ssyncset.done $0x0  }
0x1a: {  	[sflag:s12] =	ssyncadd.s32 $0xFFFFF000  }
0x1b: {  	[tilespmem:s13], [sflag:$0x1] =	stream.linear.gather [hbm4b:s5+s2], $0x1000, $0x38;
	[tilespmem:$0xF400] =	vst v63  }
0x1c: {  	_ =	swait.ge [sflag:s12], $0x1000  }
0x1d: {  	[sflag:s12] =	ssyncset.done $0x0  }
0x1e: {  	[sflag:s12] =	ssyncadd.s32 $0xFFFFF000  }
0x1f: {  	[tilespmem:s14], [sflag:$0x1] =	stream.linear.gather [hbm4b:s6+s2], $0x1000, $0x38;
	[tilespmem:$0xF400] =	vst v63  }
0x20: {  	_ =	swait.ge [sflag:s12], $0x1000  }
0x21: {  	[sflag:s12] =	ssyncset.done $0x0  }
0x22: {  	s21 =	simm.s32 $0x0;
	s22 =	simm.s32 $0x200;
	[sflag:s12] =	ssyncadd.s32 $0xFFFFF000  }
.LBB2_2:
0x23: {  	p0 =	sne.s32 s22, $0xFE00;
	[tilespmem:s21+$0xB3F0] =	vst v0  }
0x24: {  	[tilespmem:s21+$0xB380] =	vst v0  }
0x25: {  	[tilespmem:s21+$0xB390] =	vst v0  }
.Ltmp2:
0x26: {  	[tilespmem:s21+$0xB3A0] =	vst v0;
	(pc) =	sbr.rel @p0 .LBB2_2-.Ltmp2, $4  }
0x27: {  	[tilespmem:s21+$0xB3B0] =	vst v0  }
0x28: {  	[tilespmem:s21+$0xB3C0] =	vst v0  }
0x29: {  	[tilespmem:s21+$0xB3D0] =	vst v0  }
0x2a: {  	[tilespmem:s21+$0xB3E0] =	vst v0;
	s21 =	sshra.s32 s22, $0x2;
	s22 =	sadd.s32 $0x200, s22  }
0x2b: {  	[tilespmem:s21+$0xB3F0] =	vst v0  }
0x2c: {  	[tilespmem:s21+$0xB380] =	vst v0  }
0x2d: {  	[tilespmem:s21+$0xB390] =	vst v0  }
0x2e: {  	[tilespmem:s21+$0xB3A0] =	vst v0  }
0x2f: {  	[tilespmem:s21+$0xB3B0] =	vst v0  }
0x30: {  	[tilespmem:s21+$0xB3C0] =	vst v0  }
0x31: {  	[tilespmem:s21+$0xB3D0] =	vst v0  }
.Ltmp3:
0x32: {  	[tilespmem:s21+$0xB3E0] =	vst v0;
	s21 =	simm.s32 $0x0;
	(pc) =	sbr.rel .LBB2_4-.Ltmp3, $4  }
0x33: {  	[tilespmem:s21], [sflag:$0x1] =	stream.linear.gather [hbm4b:s7+s21], $0x8000, $0x38;
	[tilespmem:$0xF400] =	vst v63  }
0x34: {  	_ =	swait.ge [sflag:s12], $0x8000  }
0x35: {  	[sflag:s12] =	ssyncset.done $0x0  }
0x36: {  	s22 =	simm.s32 $0x0;
	[sflag:s12] =	ssyncadd.s32 $0xFFFF8000  }
.LBB2_5:
0x37: {  	v20 =	vimm.f32 $0.0e+00  }
.LBB2_9:
0x38: {  	v21 =	vld [tilespmem:$0xB300];
	_ =	sdelay $0x6  }
0x39: {  	v22 =	vld.idx.msk [tilespmem:v19+s11+$0x0], $0xffff  }
0x3a: {  	v24 =	vmov s22;
	v25 =	vmul.u32 $0x4, v1;
	v23 =	vld.idx.msk [tilespmem:v21+s11+$0x0], $0xffff  }
0x3b: {  	v26 =	vshll.u32 v24, $0x7  }
0x3c: {  	v27 =	vor.u32 v25, v26;
	_ =	sdelay $0x2  }
0x3d: {  	v23 =	vsub.f32 v23, v22  }
0x3e: {  	v28 =	vld.idx.msk [tilespmem:v19+s13+$0x0], $0xffff  }
0x3f: {  	v19 =	vld.idx.msk [tilespmem:v19+s14+$0x0], $0xffff;
	[tilespmem:v27+s18+$0x0] =	vst.idx.msk $0xffff, v23  }
0x40: {  	v23 =	vld.idx.msk [tilespmem:v21+s13+$0x0], $0xffff  }
0x41: {  	v59 =	vor.u32 $0x1, v25  }
0x42: {  	v27 =	vor.u32 v59, v26;
	_ =	sdelay $0x2  }
0x43: {  	v23 =	vsub.f32 v23, v28;
	_ =	sdelay $0x1  }
0x44: {  	[tilespmem:v27+s18+$0x0] =	vst.idx.msk $0xffff, v23  }
0x45: {  	v21 =	vld.idx.msk [tilespmem:v21+s14+$0x0], $0xffff  }
0x46: {  	v60 =	vor.u32 $0x2, v25  }
0x47: {  	v23 =	vor.u32 v60, v26;
	_ =	sdelay $0x2  }
0x48: {  	v21 =	vsub.f32 v21, v19;
	_ =	sdelay $0x1  }
0x49: {  	[tilespmem:v23+s18+$0x0] =	vst.idx.msk $0xffff, v21  }
0x4a: {  	v21 =	vld [tilespmem:$0xB310];
	_ =	sdelay $0x7  }
0x4b: {  	v23 =	vld.idx.msk [tilespmem:v21+s11+$0x0], $0xffff  }
0x4c: {  	v61 =	vor.u32 $0x40, v25  }
0x4d: {  	v27 =	vor.u32 v61, v26;
	_ =	sdelay $0x2  }
0x4e: {  	v22 =	vsub.f32 v23, v22;
	_ =	sdelay $0x1  }
0x4f: {  	[tilespmem:v27+s18+$0x0] =	vst.idx.msk $0xffff, v22  }
0x50: {  	v22 =	vld.idx.msk [tilespmem:v21+s13+$0x0], $0xffff  }
0x51: {  	v62 =	vor.u32 $0x41, v25  }
0x52: {  	v23 =	vor.u32 v62, v26;
	_ =	sdelay $0x2  }
0x53: {  	v22 =	vsub.f32 v22, v28;
	_ =	sdelay $0x1  }
0x54: {  	[tilespmem:v23+s18+$0x0] =	vst.idx.msk $0xffff, v22  }
0x55: {  	v21 =	vld.idx.msk [tilespmem:v21+s14+$0x0], $0xffff  }
0x56: {  	v63 =	vor.u32 $0x42, v25  }
0x57: {  	s22 =	sadd.s32 $0x1, s22;
	v22 =	vor.u32 v63, v26  }
0x58: {  	p0 =	sne.s32 s22, $0x80  }
.Ltmp4:
0x59: {  	_ = 	snop;
	(pc) =	sbr.rel @!p0 .LBB2_10-.Ltmp4, $3  }
0x5a: {  	v19 =	vsub.f32 v21, v19;
	_ =	sdelay $0x1  }
0x5b: {  	[tilespmem:v22+s18+$0x0] =	vst.idx.msk $0xffff, v19  }
0x5c: {  	[tilespmem:v24+s19+$0x0] =	vst.idx.msk $0x1, v20  }
.LBB2_4:
0x5d: {  	s23 =	sor.u32 s3, s22  }
0x5e: {  	s30 =	sshll.u32 s22, $0x8;
	s24 =	sshll.u32 s22, $0x7;
	v19 =	vmov s23  }
0x5f: {  	s23 =	sand.u32 $0x7800, s30;
	s24 =	sand.u32 $0x380, s24;
	[tilespmem:$0xB300] =	vst v19  }
0x60: {  	[tilespmem:$0xB310] =	vst v19;
	s23 =	sor.u32 s24, s23  }
0x61: {  	v20 =	vld [tilespmem:s23+$0x0];
	_ =	sdelay $0x4  }
0x62: {  	vm0 =	vne.s32 v20, $0x0  }
0x63: {  	v21 =	vsel vm0, $0x1, v2  }
0x64: {  	(xrf0) =	vadd.scan.msk.s32 $0xffff, v21;
	_ =	sdelay $0x5  }
0x65: {  	v21, _, _ =	vpop (xrf0)  }
0x66: {  	v21 =	vadd.s32 $0xFFFFFFFF, v21;
	_ =	sdelay $0x4  }
0x67: {  	[tilespmem:v21+s15+$0x0] =	vst.idx.msk vm0, v20  }
0x68: {  	[tilespmem:v21+s16+$0x0] =	vst.idx.msk vm0, v1  }
0x69: {  	v20 =	vld [tilespmem:s23+$0x10];
	_ =	sdelay $0x4  }
0x6a: {  	vm1 =	vne.s32 v20, $0x0  }
0x6b: {  	v21 =	vsel vm1, $0x1, v2  }
0x6c: {  	(xrf0) =	vadd.scan.msk.s32 $0xffff, v21;
	_ =	sdelay $0x4  }
0x6d: {  	v21 =	vmpcnt.ones.xlane vm0  }
0x6e: {  	v22, _, _ =	vpop (xrf0)  }
0x6f: {  	v22 =	vadd.s32 v22, v21  }
0x70: {  	v22 =	vadd.s32 $0xFFFFFFFF, v22;
	_ =	sdelay $0x4  }
0x71: {  	[tilespmem:v22+s15+$0x0] =	vst.idx.msk vm1, v20  }
0x72: {  	[tilespmem:v22+s16+$0x0] =	vst.idx.msk vm1, v3  }
0x73: {  	v20 =	vld [tilespmem:s23+$0x20];
	_ =	sdelay $0x4  }
0x74: {  	vm14 =	vne.s32 v20, $0x0  }
0x75: {  	v22 =	vsel vm14, $0x1, v2  }
0x76: {  	(xrf0) =	vadd.scan.msk.s32 $0xffff, v22;
	_ =	sdelay $0x1  }
0x77: {  	v22 =	vmpcnt.ones.xlane vm1;
	_ =	sdelay $0x3  }
0x78: {  	v21 =	vadd.s32 v21, v22;
	v22, _, _ =	vpop (xrf0)  }
0x79: {  	v22 =	vadd.s32 v22, v21  }
0x7a: {  	v22 =	vadd.s32 $0xFFFFFFFF, v22;
	_ =	sdelay $0x4  }
0x7b: {  	[tilespmem:v22+s15+$0x0] =	vst.idx.msk vm14, v20  }
0x7c: {  	[tilespmem:v22+s16+$0x0] =	vst.idx.msk vm14, v4  }
0x7d: {  	v20 =	vld [tilespmem:s23+$0x30];
	_ =	sdelay $0x4  }
0x7e: {  	vm15 =	vne.s32 v20, $0x0  }
0x7f: {  	v22 =	vsel vm15, $0x1, v2  }
0x80: {  	(xrf0) =	vadd.scan.msk.s32 $0xffff, v22;
	_ =	sdelay $0x1  }
0x81: {  	v22 =	vmpcnt.ones.xlane vm14;
	_ =	sdelay $0x3  }
0x82: {  	v21 =	vadd.s32 v21, v22;
	v22, _, _ =	vpop (xrf0)  }
0x83: {  	v22 =	vadd.s32 v22, v21  }
0x84: {  	v22 =	vadd.s32 $0xFFFFFFFF, v22;
	_ =	sdelay $0x4  }
0x85: {  	[tilespmem:v22+s15+$0x0] =	vst.idx.msk vm15, v20  }
0x86: {  	[tilespmem:v22+s16+$0x0] =	vst.idx.msk vm15, v5  }
0x87: {  	v20 =	vld [tilespmem:s23+$0x40];
	_ =	sdelay $0x4  }
0x88: {  	vm4 =	vne.s32 v20, $0x0  }
0x89: {  	v22 =	vsel vm4, $0x1, v2  }
0x8a: {  	(xrf0) =	vadd.scan.msk.s32 $0xffff, v22;
	_ =	sdelay $0x1  }
0x8b: {  	v22 =	vmpcnt.ones.xlane vm15;
	_ =	sdelay $0x3  }
0x8c: {  	v21 =	vadd.s32 v21, v22;
	v22, _, _ =	vpop (xrf0)  }
0x8d: {  	v22 =	vadd.s32 v22, v21  }
0x8e: {  	v22 =	vadd.s32 $0xFFFFFFFF, v22;
	_ =	sdelay $0x4  }
0x8f: {  	[tilespmem:v22+s15+$0x0] =	vst.idx.msk vm4, v20  }
0x90: {  	[tilespmem:v22+s16+$0x0] =	vst.idx.msk vm4, v6  }
0x91: {  	v20 =	vld [tilespmem:s23+$0x50];
	_ =	sdelay $0x4  }
0x92: {  	vm5 =	vne.s32 v20, $0x0  }
0x93: {  	v22 =	vsel vm5, $0x1, v2  }
0x94: {  	(xrf0) =	vadd.scan.msk.s32 $0xffff, v22;
	_ =	sdelay $0x1  }
0x95: {  	v22 =	vmpcnt.ones.xlane vm4;
	_ =	sdelay $0x3  }
0x96: {  	v21 =	vadd.s32 v21, v22;
	v22, _, _ =	vpop (xrf0)  }
0x97: {  	v22 =	vadd.s32 v22, v21  }
0x98: {  	v22 =	vadd.s32 $0xFFFFFFFF, v22;
	_ =	sdelay $0x4  }
0x99: {  	[tilespmem:v22+s15+$0x0] =	vst.idx.msk vm5, v20  }
0x9a: {  	[tilespmem:v22+s16+$0x0] =	vst.idx.msk vm5, v7  }
0x9b: {  	v20 =	vld [tilespmem:s23+$0x60];
	_ =	sdelay $0x4  }
0x9c: {  	vm6 =	vne.s32 v20, $0x0  }
0x9d: {  	v22 =	vsel vm6, $0x1, v2  }
0x9e: {  	(xrf0) =	vadd.scan.msk.s32 $0xffff, v22;
	_ =	sdelay $0x1  }
0x9f: {  	v22 =	vmpcnt.ones.xlane vm5;
	_ =	sdelay $0x3  }
0xa0: {  	v21 =	vadd.s32 v21, v22;
	v22, _, _ =	vpop (xrf0)  }
0xa1: {  	v22 =	vadd.s32 v22, v21  }
0xa2: {  	v22 =	vadd.s32 $0xFFFFFFFF, v22;
	_ =	sdelay $0x4  }
0xa3: {  	[tilespmem:v22+s15+$0x0] =	vst.idx.msk vm6, v20  }
0xa4: {  	[tilespmem:v22+s16+$0x0] =	vst.idx.msk vm6, v8  }
0xa5: {  	v20 =	vld [tilespmem:s23+$0x70];
	_ =	sdelay $0x4  }
0xa6: {  	vm7 =	vne.s32 v20, $0x0  }
0xa7: {  	v22 =	vsel vm7, $0x1, v2  }
0xa8: {  	(xrf0) =	vadd.scan.msk.s32 $0xffff, v22;
	_ =	sdelay $0x1  }
0xa9: {  	v22 =	vmpcnt.ones.xlane vm6;
	_ =	sdelay $0x3  }
0xaa: {  	v21 =	vadd.s32 v21, v22;
	v22, _, _ =	vpop (xrf0)  }
0xab: {  	v22 =	vadd.s32 v22, v21  }
0xac: {  	v22 =	vadd.s32 $0xFFFFFFFF, v22;
	_ =	sdelay $0x4  }
0xad: {  	[tilespmem:v22+s15+$0x0] =	vst.idx.msk vm7, v20  }
0xae: {  	[tilespmem:v22+s16+$0x0] =	vst.idx.msk vm7, v9  }
0xaf: {  	v20 =	vld [tilespmem:s23+$0x400];
	_ =	sdelay $0x4  }
0xb0: {  	vm8 =	vne.s32 v20, $0x0  }
0xb1: {  	v22 =	vsel vm8, $0x1, v2  }
0xb2: {  	(xrf0) =	vadd.scan.msk.s32 $0xffff, v22;
	_ =	sdelay $0x1  }
0xb3: {  	v22 =	vmpcnt.ones.xlane vm7;
	_ =	sdelay $0x3  }
0xb4: {  	v21 =	vadd.s32 v21, v22;
	v22, _, _ =	vpop (xrf0)  }
0xb5: {  	v22 =	vadd.s32 v22, v21  }
0xb6: {  	v22 =	vadd.s32 $0xFFFFFFFF, v22;
	_ =	sdelay $0x4  }
0xb7: {  	[tilespmem:v22+s15+$0x0] =	vst.idx.msk vm8, v20  }
0xb8: {  	[tilespmem:v22+s16+$0x0] =	vst.idx.msk vm8, v10  }
0xb9: {  	v20 =	vld [tilespmem:s23+$0x410];
	_ =	sdelay $0x4  }
0xba: {  	vm9 =	vne.s32 v20, $0x0  }
0xbb: {  	v22 =	vsel vm9, $0x1, v2  }
0xbc: {  	(xrf0) =	vadd.scan.msk.s32 $0xffff, v22;
	_ =	sdelay $0x1  }
0xbd: {  	v22 =	vmpcnt.ones.xlane vm8;
	_ =	sdelay $0x3  }
0xbe: {  	v21 =	vadd.s32 v21, v22;
	v22, _, _ =	vpop (xrf0)  }
0xbf: {  	v22 =	vadd.s32 v22, v21  }
0xc0: {  	v22 =	vadd.s32 $0xFFFFFFFF, v22;
	_ =	sdelay $0x4  }
0xc1: {  	[tilespmem:v22+s15+$0x0] =	vst.idx.msk vm9, v20  }
0xc2: {  	[tilespmem:v22+s16+$0x0] =	vst.idx.msk vm9, v11  }
0xc3: {  	v20 =	vld [tilespmem:s23+$0x420];
	_ =	sdelay $0x4  }
0xc4: {  	vm10 =	vne.s32 v20, $0x0  }
0xc5: {  	v22 =	vsel vm10, $0x1, v2  }
0xc6: {  	(xrf0) =	vadd.scan.msk.s32 $0xffff, v22;
	_ =	sdelay $0x1  }
0xc7: {  	v22 =	vmpcnt.ones.xlane vm9;
	_ =	sdelay $0x3  }
0xc8: {  	v21 =	vadd.s32 v21, v22;
	v22, _, _ =	vpop (xrf0)  }
0xc9: {  	v22 =	vadd.s32 v22, v21  }
0xca: {  	v22 =	vadd.s32 $0xFFFFFFFF, v22;
	_ =	sdelay $0x4  }
0xcb: {  	[tilespmem:v22+s15+$0x0] =	vst.idx.msk vm10, v20  }
0xcc: {  	[tilespmem:v22+s16+$0x0] =	vst.idx.msk vm10, v12  }
0xcd: {  	v20 =	vld [tilespmem:s23+$0x430];
	_ =	sdelay $0x4  }
0xce: {  	vm11 =	vne.s32 v20, $0x0  }
0xcf: {  	v22 =	vsel vm11, $0x1, v2  }
0xd0: {  	(xrf0) =	vadd.scan.msk.s32 $0xffff, v22;
	_ =	sdelay $0x1  }
0xd1: {  	v22 =	vmpcnt.ones.xlane vm10;
	_ =	sdelay $0x3  }
0xd2: {  	v21 =	vadd.s32 v21, v22;
	v22, _, _ =	vpop (xrf0)  }
0xd3: {  	v22 =	vadd.s32 v22, v21  }
0xd4: {  	v22 =	vadd.s32 $0xFFFFFFFF, v22;
	_ =	sdelay $0x4  }
0xd5: {  	[tilespmem:v22+s15+$0x0] =	vst.idx.msk vm11, v20  }
0xd6: {  	[tilespmem:v22+s16+$0x0] =	vst.idx.msk vm11, v13  }
0xd7: {  	v20 =	vld [tilespmem:s23+$0x440];
	_ =	sdelay $0x4  }
0xd8: {  	vm12 =	vne.s32 v20, $0x0  }
0xd9: {  	v22 =	vsel vm12, $0x1, v2  }
0xda: {  	(xrf0) =	vadd.scan.msk.s32 $0xffff, v22;
	_ =	sdelay $0x1  }
0xdb: {  	v22 =	vmpcnt.ones.xlane vm11;
	_ =	sdelay $0x3  }
0xdc: {  	v21 =	vadd.s32 v21, v22;
	v22, _, _ =	vpop (xrf0)  }
0xdd: {  	v22 =	vadd.s32 v22, v21  }
0xde: {  	v22 =	vadd.s32 $0xFFFFFFFF, v22;
	_ =	sdelay $0x4  }
0xdf: {  	[tilespmem:v22+s15+$0x0] =	vst.idx.msk vm12, v20  }
0xe0: {  	[tilespmem:v22+s16+$0x0] =	vst.idx.msk vm12, v14  }
0xe1: {  	v20 =	vld [tilespmem:s23+$0x450];
	_ =	sdelay $0x4  }
0xe2: {  	vm13 =	vne.s32 v20, $0x0  }
0xe3: {  	v22 =	vsel vm13, $0x1, v2  }
0xe4: {  	(xrf0) =	vadd.scan.msk.s32 $0xffff, v22;
	_ =	sdelay $0x1  }
0xe5: {  	v22 =	vmpcnt.ones.xlane vm12;
	_ =	sdelay $0x3  }
0xe6: {  	v21 =	vadd.s32 v21, v22;
	v22, _, _ =	vpop (xrf0)  }
0xe7: {  	v22 =	vadd.s32 v22, v21  }
0xe8: {  	v22 =	vadd.s32 $0xFFFFFFFF, v22;
	_ =	sdelay $0x4  }
0xe9: {  	[tilespmem:v22+s15+$0x0] =	vst.idx.msk vm13, v20  }
0xea: {  	[tilespmem:v22+s16+$0x0] =	vst.idx.msk vm13, v15  }
0xeb: {  	v20 =	vld [tilespmem:s23+$0x460];
	_ =	sdelay $0x4  }
0xec: {  	vm14 =	vne.s32 v20, $0x0  }
0xed: {  	v22 =	vsel vm14, $0x1, v2  }
0xee: {  	(xrf0) =	vadd.scan.msk.s32 $0xffff, v22;
	_ =	sdelay $0x1  }
0xef: {  	v22 =	vmpcnt.ones.xlane vm13;
	_ =	sdelay $0x3  }
0xf0: {  	v21 =	vadd.s32 v21, v22;
	v22, _, _ =	vpop (xrf0)  }
0xf1: {  	v22 =	vadd.s32 v22, v21  }
0xf2: {  	v22 =	vadd.s32 $0xFFFFFFFF, v22;
	_ =	sdelay $0x4  }
0xf3: {  	[tilespmem:v22+s15+$0x0] =	vst.idx.msk vm14, v20  }
0xf4: {  	[tilespmem:v22+s16+$0x0] =	vst.idx.msk vm14, v16  }
0xf5: {  	v20 =	vld [tilespmem:s23+$0x470];
	_ =	sdelay $0x4  }
0xf6: {  	v22 =	vmpcnt.ones.xlane vm14;
	vm15 =	vne.s32 v20, $0x0  }
0xf7: {  	v23 =	vmpcnt.ones.xlane vm15  }
0xf8: {  	v21 =	vadd.s32 v21, v22  }
0xf9: {  	v22 =	vsel vm15, $0x1, v2;
	v23 =	vadd.s32 v21, v23  }
0xfa: {  	(xrf0) =	vadd.scan.msk.s32 $0xffff, v22;
	v22 =	vxor.u32 $0x80000000, v23  }
0xfb: {  	(xrf0) =	vmax.scan.msk.u32 $0xffff, v22;
	_ =	sdelay $0x4  }
0xfc: {  	v22, _, _ =	vpop (xrf0)  }
0xfd: {  	v23, _, _ =	vpop (xrf0)  }
0xfe: {  	(v2sf) =	vpush v23, $0xF;
	_ =	sdelay $0xe  }
0xff: {  	v21 =	vadd.s32 v22, v21;
	s31 =	spop (v2sf)  }
0x100: {  	v21 =	vadd.s32 $0xFFFFFFFF, v21;
	s23 =	sxor.u32 $0x80000000, s31  }
0x101: {  	p0 =	slt.s32 s23, $0x1  }
.Ltmp5:
0x102: {  	_ = 	snop;
	(pc) =	sbr.rel @p0 .LBB2_5-.Ltmp5, $3  }
0x103: {  	_ =	sdelay $0x1  }
0x104: {  	[tilespmem:v21+s15+$0x0] =	vst.idx.msk vm15, v20  }
0x105: {  	v20 =	vimm.s32 $0x0;
	[tilespmem:v21+s16+$0x0] =	vst.idx.msk vm15, v17  }
0x106: {  	v22 =	vmov s21;
	_ =	sdelay $0x4  }
0x107: {  	v21 =	vld.idx.msk [tilespmem:v22+s15+$0x0], $0xffff;
	_ =	sdelay $0x4  }
0x108: {  	v21 =	vand.u32 v18, v21  }
0x109: {  	vm0 =	vne.s32 v21, $0x0  }
0x10a: {  	v21 =	vsel vm0, $0x1, v2  }
0x10b: {  	(xrf0) =	vadd.scan.msk.s32 $0xffff, v21;
	_ =	sdelay $0x4  }
0x10c: {  	p0 =	sne.s32 s23, $0x1  }
.Ltmp6:
0x10d: {  	v21, _, _ =	vpop (xrf0);
	(pc) =	sbr.rel @!p0 .LBB2_8-.Ltmp6, $4  }
0x10e: {  	v21 =	vadd.s32 v21, v20  }
0x10f: {  	v22 =	vld.idx.msk [tilespmem:v22+s16+$0x0], $0xffff;
	v23 =	vmpcnt.ones.xlane vm0;
	v24 =	vadd.s32 $0xFFFFFFFF, v21  }
0x110: {  	vm1 =	vlt.s32 v24, $0x2F  }
0x111: {  	s24 =	simm.s32 $0x1;
	v21 =	vadd.s32 v20, v23;
	v20 =	vadd.s32 v20, v23;
	v23 =	vnsel vm1, $0x2F, v24  }
.LBB2_7:
0x112: {  	v24 =	vmov s24;
	s24 =	sadd.s32 $0x1, s24;
	v25 =	vmov v21  }
0x113: {  	p0 =	sne.s32 s23, s24  }
0x114: {  	v22 =	vshll.u32 v22, $0x4  }
0x115: {  	v22 =	vor.u32 v1, v22  }
0x116: {  	[tilespmem:v23+s17+$0x0] =	vst.idx.msk vm0, v22  }
0x117: {  	v22 =	vld.idx.msk [tilespmem:v24+s15+$0x0], $0xffff;
	_ =	sdelay $0x5  }
0x118: {  	v22 =	vand.u32 v18, v22  }
0x119: {  	vm0 =	vne.s32 v22, $0x0  }
0x11a: {  	v22 =	vsel vm0, $0x1, v2;
	v23 =	vmpcnt.ones.xlane vm0  }
0x11b: {  	(xrf0) =	vadd.scan.msk.s32 $0xffff, v22  }
0x11c: {  	v21 =	vadd.s32 v21, v23;
	v20 =	vadd.s32 v20, v23;
	_ =	sdelay $0x4  }
.Ltmp7:
0x11d: {  	v23, _, _ =	vpop (xrf0);
	(pc) =	sbr.rel @p0 .LBB2_7-.Ltmp7, $4  }
0x11e: {  	v22 =	vld.idx.msk [tilespmem:v24+s16+$0x0], $0xffff;
	v23 =	vadd.s32 v23, v25  }
0x11f: {  	v23 =	vadd.s32 $0xFFFFFFFF, v23  }
0x120: {  	vm1 =	vlt.s32 v23, $0x2F  }
0x121: {  	v23 =	vnsel vm1, $0x2F, v23  }
.LBB2_8:
0x122: {  	_ = 	snop  }
.Ltmp8:
0x123: {  	vm1 =	vlt.s32 v20, $0x20;
	(pc) =	sbr.rel .LBB2_9-.Ltmp8, $4  }
0x124: {  	v20 =	vnsel vm1, $0x20, v20  }
0x125: {  	v21 =	vshll.u32 v22, $0x4;
	v20 =	vcvt.s32.f32 v20  }
0x126: {  	v21 =	vor.u32 v1, v21  }
0x127: {  	[tilespmem:v23+s17+$0x0] =	vst.idx.msk vm0, v21;
	v20 =	vmul.f32 $3.125000000e-02, v20  }
.LBB2_11:
0x128: {  	_ =	sfence.sel $0x180000  }
0x129: {  	[bflag:$0x0] =	sbarrier.arrive $0xFFFF  }
0x12a: {  	p0 =	sne.s32 s0, $0x0;
	_ =	strace $0x9000004D  }
0x12b: {  	s0 =	sadd.s32 @!p0 $0x100000, s1;
	[bflag:$0x2] =	sbarrier.arrive $0xFFFF  }
0x12c: {  	[sflag:s0] =	ssyncadd.tile.s32 @!p0 $0x1;
	_ =	shalt  }
.Lfunc_end2:
_tile_overlayer_lowered:
.L_overlay_start_2:
0x12d: {  	(tag) =	ssettag $0x2  }
0x12e: {  	s0 =	rddreg [dreg:$0x0];
	s2 =	stileid.u32  }
0x12f: {  	s1 =	rddreg [dreg:$0x1];
	p0 =	sne.s32 s2, $0x0  }
0x130: {  	s3 =	rddreg [dreg:$0x2];
	[bflag:$0x3] =	sbarrier.arrive $0xFFFF;
	s2 =	simm.s32 @!p0 $0x1C01  }
0x131: {  	[timem:s3], [sflag:s2] =	dma.local @!p0 [hbm:s0], s1  }
0x132: {  	s0 =	simm.s32 @!p0 $0x1  }
0x133: {  	_ =	swait.ge @!p0 [sflag:s0], s1  }
0x134: {  	s1 =	ssub.s32 @!p0 $0x0, s1;
	[sflag:s0] =	ssyncset.done @!p0 $0x0  }
0x135: {  	[sflag:s0] =	ssyncadd.s32 @!p0 s1  }
0x136: {  	[bflag:$0x3] =	sbarrier.arrive $0xFFFF  }
0x137: {  	_ =	shalt  }

// kernel: kernel.23.cloned.1.call-start
scs
__scs_entry_jumppad:
0x0: {  	(pc) =	sbr.rel $0x88, $3  }
0x1: {  	(tag) =	ssettag $0x0;
	lr =	simm.s32 $0x1  }
0x2: {  	[smem:$0x3F9C] =	sst lr;
	_ =	strace $0xD0000000  }
0x3: {  	_ = 	snop  }
0x4: {  	_ = 	snop  }
0x5: {  	_ = 	snop  }
0x6: {  	_ = 	snop  }
0x7: {  	_ = 	snop  }
__scs_overlays_trampoline_lowered:
0x8: {  	[smem:$0x3FAB] =	sst s0  }
0x9: {  	[smem:$0x3FAC] =	sst s1  }
0xa: {  	[smem:$0x3FAD] =	sst s2  }
0xb: {  	[smem:$0x3FAE] =	sst s3  }
0xc: {  	[smem:$0x3FAF] =	sst s4  }
0xd: {  	[smem:$0x3FB0] =	sst s5  }
0xe: {  	[smem:$0x3FB1] =	sst s6  }
0xf: {  	[smem:$0x3FB2] =	sst s7  }
0x10: {  	[smem:$0x3FB3] =	sst s8  }
0x11: {  	[smem:$0x3FB4] =	sst s9;
	s0 =	simm.s32 @!p0 $0x0  }
0x12: {  	s1 =	sld [smem:$0x3F9A];
	s0 =	simm.s32 @p0 $0x1  }
0x13: {  	[smem:$0x3FB5] =	sst s0;
	s0 =	simm.s32 @!p1 $0x0  }
0x14: {  	s2 =	sld [smem:$0x3F99];
	s0 =	simm.s32 @p1 $0x1  }
0x15: {  	[smem:$0x3FB6] =	sst s0;
	s0 =	simm.s32 @!p2 $0x0  }
0x16: {  	s3 =	sld [smem:$0x3FDB];
	s0 =	simm.s32 @p2 $0x1  }
0x17: {  	s4 =	simm.s32 $0x1BF5;
	[smem:$0x3FB8] =	sst s0  }
0x18: {  	s0 =	sld [smem:$0x3F9B];
	_ =	swait.ge [sflag:s4], $0x0  }
0x19: {  	s7 =	sld [smem:$0x3F9C]  }
0x1a: {  	s8 =	sadd.s32 $0xFFFFE003, lr  }
0x1b: {  	s9 =	sadd.s32 $0xFFFFFEF7, lr;
	s5 =	simm.s32 $0xFFFFFFFF;
	p2 =	slt.u32 s8, $0xFFFFF086  }
0x1c: {  	p1 =	slt.u32 s9, $0xF7A;
	s5 =	simm.s32 @!p2 $0x0  }
0x1d: {  	s5 =	simm.s32 @p1 $0x1;
	p0 =	seq.s32 s7, s2  }
0x1e: {  	s7 =	smul.u32 @!p0 $0xF7A, s2;
	p2 =	seq.s32 @!p0 s5, $0x0  }
0x1f: {  	s9 =	smul.u32 $0xF7A, s1;
	s8 =	simm.s32 @!p0 $0x1BF5;
	p2 =	por !p2, p0  }
0x20: {  	[sflag:s8] =	ssyncset.s32 @!p0 $0xFFFFF086;
	s6 =	sadd.s32 @!p0 s3, s7;
	s7 =	simm.s32 @!p0 $0x108  }
0x21: {  	s3 =	sadd.s32 s3, s9;
	s6 =	sadd.s32 @!p0 $0x88, s6;
	s7 =	simm.s32 @p2 $0x1082  }
0x22: {  	[simem:s7], [sflag:s8] =	dma.local @!p0 [hbm:s6], $0xF7A  }
0x23: {  	s9 =	sor.u32 $0xD0000000, s2;
	s6 =	simm.s32 $0x108;
	_ =	swait.ge @!p0 [sflag:s8], $0x0  }
0x24: {  	s3 =	sadd.s32 $0x88, s3;
	s6 =	simm.s32 @!p1 $0x1082;
	[sflag:s4] =	ssyncset.s32 $0xFFFFF086  }
0x25: {  	[simem:s6], [sflag:s4] =	dma.local [hbm:s3], $0xF7A  }
0x26: {  	[smem:$0x3F9C] =	sst s1;
	(tag) =	ssettag s2;
	_ =	strace s9  }
0x27: {  	s1 =	sld [smem:$0x3FAC]  }
0x28: {  	s2 =	sld [smem:$0x3FAD]  }
0x29: {  	s4 =	sld [smem:$0x3FAF]  }
0x2a: {  	p0 =	seq.s32 s5, $0x0;
	s5 =	sld [smem:$0x3FB0]  }
0x2b: {  	s6 =	sld [smem:$0x3FB1]  }
0x2c: {  	s7 =	sld [smem:$0x3FB2]  }
0x2d: {  	s3 =	simm.s32 $0x108;
	s8 =	sld [smem:$0x3FB3]  }
0x2e: {  	s3 =	simm.s32 @!p0 $0x1082;
	s9 =	sld [smem:$0x3FB4]  }
0x2f: {  	lr =	sadd.s32 s0, s3;
	s0 =	sld [smem:$0x3FAB]  }
0x30: {  	s3 =	sld [smem:$0x3FAE]  }
0x31: {  	[smem:$0x3FB7] =	sst s10  }
0x32: {  	s10 =	sld [smem:$0x3FB5];
	_ =	sdelay $0x3  }
0x33: {  	p0 =	seq.s32 s10, $0x1;
	s10 =	sld [smem:$0x3FB7];
	_ =	sdelay $0x3  }
0x34: {  	[smem:$0x3FB7] =	sst s10  }
0x35: {  	s10 =	sld [smem:$0x3FB6];
	_ =	sdelay $0x3  }
0x36: {  	p1 =	seq.s32 s10, $0x1;
	s10 =	sld [smem:$0x3FB7];
	_ =	sdelay $0x3  }
0x37: {  	[smem:$0x3FB7] =	sst s10  }
0x38: {  	s10 =	sld [smem:$0x3FB8]  }
0x39: {  	_ = 	snop;
	(pc) =	sbr.ind lr, $3  }
0x3a: {  	_ = 	snop  }
0x3b: {  	_ = 	snop  }
0x3c: {  	p2 =	seq.s32 s10, $0x1;
	s10 =	sld [smem:$0x3FB7]  }
0x3d: {  	_ =	shalt  }
0x3e: {  	_ =	shalt  }
0x3f: {  	_ =	shalt  }
0x40: {  	_ =	shalt  }
0x41: {  	_ =	shalt  }
0x42: {  	_ =	shalt  }
0x43: {  	_ =	shalt  }
0x44: {  	_ =	shalt  }
0x45: {  	_ =	shalt  }
0x46: {  	_ =	shalt  }
0x47: {  	_ =	shalt  }
0x48: {  	_ =	shalt  }
0x49: {  	_ =	shalt  }
0x4a: {  	_ =	shalt  }
0x4b: {  	_ =	shalt  }
0x4c: {  	_ =	shalt  }
0x4d: {  	_ =	shalt  }
0x4e: {  	_ =	shalt  }
0x4f: {  	_ =	shalt  }
0x50: {  	_ =	shalt  }
0x51: {  	_ =	shalt  }
0x52: {  	_ =	shalt  }
0x53: {  	_ =	shalt  }
0x54: {  	_ =	shalt  }
0x55: {  	_ =	shalt  }
0x56: {  	_ =	shalt  }
0x57: {  	_ =	shalt  }
0x58: {  	_ =	shalt  }
0x59: {  	_ =	shalt  }
0x5a: {  	_ =	shalt  }
0x5b: {  	_ =	shalt  }
0x5c: {  	_ =	shalt  }
0x5d: {  	_ =	shalt  }
0x5e: {  	_ =	shalt  }
0x5f: {  	_ =	shalt  }
0x60: {  	_ =	shalt  }
0x61: {  	_ =	shalt  }
0x62: {  	_ =	shalt  }
0x63: {  	_ =	shalt  }
0x64: {  	_ =	shalt  }
0x65: {  	_ =	shalt  }
0x66: {  	_ =	shalt  }
0x67: {  	_ =	shalt  }
0x68: {  	_ =	shalt  }
0x69: {  	_ =	shalt  }
0x6a: {  	_ =	shalt  }
0x6b: {  	_ =	shalt  }
0x6c: {  	_ =	shalt  }
0x6d: {  	_ =	shalt  }
0x6e: {  	_ =	shalt  }
0x6f: {  	_ =	shalt  }
0x70: {  	_ =	shalt  }
0x71: {  	_ =	shalt  }
0x72: {  	_ =	shalt  }
0x73: {  	_ =	shalt  }
0x74: {  	_ =	shalt  }
0x75: {  	_ =	shalt  }
0x76: {  	_ =	shalt  }
0x77: {  	_ =	shalt  }
0x78: {  	_ =	shalt  }
0x79: {  	_ =	shalt  }
0x7a: {  	_ =	shalt  }
0x7b: {  	_ =	shalt  }
0x7c: {  	_ =	shalt  }
0x7d: {  	_ =	shalt  }
0x7e: {  	_ =	shalt  }
0x7f: {  	_ =	shalt  }
0x80: {  	_ =	shalt  }
0x81: {  	_ =	shalt  }
0x82: {  	_ =	shalt  }
0x83: {  	_ =	shalt  }
0x84: {  	_ =	shalt  }
0x85: {  	_ =	shalt  }
0x86: {  	_ =	shalt  }
0x87: {  	_ =	shalt  }
.Lfunc_end0:
.L_simem_size_0:
called_computation.3_lowered:
.L_overlay_start_0:
0x88: {  	s2 =	sld [smem:$0x3FD9]  }
0x89: {  	s3 =	sld [smem:$0x3FFE];
	_ =	sdelay $0x1  }
0x8a: {  	s1 =	srdreg.scid  }
0x8b: {  	s0 =	sand.u32 $0x1, s1  }
0x8c: {  	s17 =	sshll.u32 s0, $0xA;
	s2 =	sadd.s32 s3, s2  }
0x8d: {  	s2 =	sadd.s32 s2, s17  }
0x8e: {  	[smem:$0x3FC3] =	sst s2  }
0x8f: {  	_ = 	snop  }
0x90: {  	s18 =	sld [smem:$0x3FD0];
	(tm) =	ssettm $0x1  }
0x91: {  	s19 =	sld [smem:$0x3FFB];
	_ =	sdelay $0x3  }
0x92: {  	_ =	strace s19  }
0x93: {  	s2 =	sld [smem:$0x3FFC];
	_ =	sdelay $0x3  }
0x94: {  	_ =	strace s2  }
0x95: {  	s2 =	sld [smem:$0x3FFD];
	_ =	sdelay $0x3  }
0x96: {  	_ =	strace s2  }
0x97: {  	_ =	strace $0x8FFFFFFF  }
0x98: {  	s20 =	sld [smem:$0x3FDB];
	_ =	sdelay $0x1  }
0x99: {  	s4 =	simm.s32 $_scs_section_size  }
0x9a: {  	s5 =	simm.s32 $_size__tile_overlayer_lowered;
	s6 =	simm.s32 $_tile_overlayer_lowered  }
0x9b: {  	s7 =	simm.s32 $0x1BFF;
	s21 =	sshll.u32 s6, $0x1;
	s4 =	sadd.s32 s4, s20  }
0x9c: {  	s22 =	simm.s32 $0x0;
	s5 =	sshll.u32 s5, $0x1;
	s6 =	sadd.s32 s21, s4  }
0x9d: {  	[timem:s22], [sflag:s7] =	dma.local [hbm:s6], s5  }
0x9e: {  	_ =	swait.ge [sflag:s7], s5  }
0x9f: {  	s5 =	ssub.s32 $0x0, s5;
	[sflag:s7] =	ssyncset.done $0x0  }
0xa0: {  	[sflag:s7] =	ssyncadd.s32 s5;
	_ =	sdelay $0x1  }
0xa1: {  	s23 =	simm.s32 $0x1B8B  }
0xa2: {  	_ =	swait.ge [sflag:s23], $0x1  }
0xa3: {  	[sflag:s23] =	ssyncset.done $0x0  }
0xa4: {  	[sflag:s23] =	ssyncadd.s32 $0xFFFFFFFF  }
0xa5: {  	s5 =	sld [smem:$0x0]  }
0xa6: {  	s6 =	sand.u32 $0xFFFFFFFE, s1  }
0xa7: {  	p0 =	sne.s32 s1, s6  }
0xa8: {  	s6 =	sshll.u32 @p0 s6, $0xE  }
0xa9: {  	s6 =	sadd.s32 @p0 $0x11B8D, s6;
	s7 =	sshll.u32 @p0 s5, $0x11  }
0xaa: {  	s6 =	sor.u32 @p0 s7, s6  }
0xab: {  	[sflag:s6] =	ssyncadd.remote.s32 @p0 $0x1;
	_ =	sdelay $0x1  }
0xac: {  	s6 =	simm.s32 @p0 $0x1B8D  }
0xad: {  	_ =	swait.eq @p0 [sflag:s6], $0x1  }
0xae: {  	[sflag:s6] =	ssyncadd.s32 @p0 $0xFFFFFFFF  }
0xaf: {  	s7 =	sshll.u32 @!p0 s1, $0xE  }
0xb0: {  	s7 =	sor.u32 @!p0 $0x4000, s7;
	s6 =	simm.s32 @!p0 $0x1B8D  }
0xb1: {  	s5 =	sshll.u32 @!p0 s5, $0x11;
	s7 =	sadd.s32 @!p0 $0x11B8D, s7;
	_ =	swait.eq @!p0 [sflag:s6], $0x1  }
0xb2: {  	s5 =	sor.u32 @!p0 s5, s7;
	[sflag:s6] =	ssyncadd.s32 @!p0 $0xFFFFFFFF  }
0xb3: {  	s25 =	simm.s32 $0x1B8E;
	s24 =	sld [smem:$0x3FFE];
	[sflag:s5] =	ssyncadd.remote.s32 @!p0 $0x1  }
0xb4: {  	s26 =	simm.s32 $execute0_lowered;
	[smem:$0x3FD2] =	sst s25  }
0xb5: {  	s6 =	sshll.u32 s26, $0x1;
	_ =	strace $0x8000004F;
	[dreg:$0x1] =	wrdreg $0xFFFFFFFF  }
0xb6: {  	s28 =	simm.s32 $_size_execute0_lowered;
	s4 =	sadd.s32 s4, s6;
	[dreg:$0x0] =	wrdreg $0x0  }
0xb7: {  	s6 =	sshll.u32 s28, $0x1;
	[dreg:$0x2] =	wrdreg s4  }
0xb8: {  	[dreg:$0x3] =	wrdreg s6  }
0xb9: {  	[dreg:$0x4] =	wrdreg $0xC0  }
0xba: {  	_ =	task [dreg:s22], $0x5FFFF  }
0xbb: {  	[dreg:$0x1] =	wrdreg $0xFFFFFFFF  }
0xbc: {  	[dreg:$0x0] =	wrdreg $0x60  }
0xbd: {  	[dreg:$0x2] =	wrdreg s24  }
0xbe: {  	[dreg:$0x3] =	wrdreg s18  }
0xbf: {  	[dreg:$0x4] =	wrdreg $0xC  }
0xc0: {  	_ =	task.clear_ibuf [dreg:s22], $0x5FFFF;
	_ =	strace $0x9000004F  }
0xc1: {  	s29 =	simm.s32 $0xC;
	_ =	strace $0x80000051  }
0xc2: {  	_ =	swait.ge [sflag:s29], $0x1  }
0xc3: {  	[sflag:s29] =	ssyncadd.s32 $0xFFFFFFFF  }
0xc4: {  	_ =	strace $0x90000051  }
0xc5: {  	_ =	sfence  }
0xc6: {  	s30 =	sld [smem:$0x0];
	_ =	sdelay $0x2  }
0xc7: {  	s31 =	sshll.u32 s1, $0xD;
	s1 =	sshrl.u32 s1, $0x2  }
0xc8: {  	s4 =	sand.u32 $0x4000, s31;
	s1 =	sadd.s32 s1, s30  }
0xc9: {  	s0 =	sor.u32 s4, s0;
	s1 =	sshll.u32 s1, $0x11  }
0xca: {  	s0 =	sor.u32 s1, s0  }
0xcb: {  	s0 =	sadd.s32 $0x8F2B, s0  }
0xcc: {  	[sflag:s0] =	ssyncadd.remote.s32 $0x1  }
0xcd: {  	_ =	sfence.sel $0xFFFF  }
0xce: {  	[dreg:$0x0] =	wrdreg $0xFFFFFFFF;
	(pc) =	sbr.abs _section_cstart, $3  }
0xcf: {  	[dreg:$0x1] =	wrdreg $0xFFFFFFFF  }
0xd0: {  	_ =	task.clear_ibuf [dreg:s22], $0x2FFFF;
	_ =	strace $0x9FFFFFFF  }
0xd1: {  	(tm) =	ssettm $0x7FFFFFFF  }
tec
execute0_lowered:
.L_overlay_start_1:
0x0: {  	(tag) =	ssettag $0x1  }
0x1: {  	s6 =	rddreg [dreg:$0x0];
	v0 =	vimm.f32 $0.0e+00;
	v1 =	vlaneseq.u32  }
0x2: {  	s8 =	rddreg [dreg:$0x1];
	s2 =	srdreg.scid;
	v2 =	vimm.s32 $0x0;
	v7 =	vimm.s32 $0x8040201;
	v8 =	vimm.s32 $0x80402010  }
0x3: {  	s0 =	rddreg [dreg:$0x2];
	s1 =	stileid.u32;
	vm0 =	vcmask $0xF00;
	vm8 =	vcmask $0x1F10;
	vm9 =	vcmask $0x2320  }
0x4: {  	vm10 =	vcmask $0x2724;
	s12 =	simm.s32 $0x1;
	s13 =	simm.s32 $0x9000;
	s14 =	simm.s32 $0xA000;
	v9 =	vunpack.c.0.s8.s32 v7;
	v10 =	vunpack.c.0.s8.s32 v8  }
0x5: {  	vm11 =	vcmask $0x2B28;
	vm12 =	vcmask $0x2F2C;
	vm13 =	vcmask $0x3330;
	s15 =	simm.s32 $0xB000;
	s16 =	simm.s32 $0xB180;
	s17 =	simm.s32 $0xB300  }
0x6: {  	vm14 =	vcmask $0x3734;
	s18 =	simm.s32 $0xB380;
	s19 =	simm.s32 $0xF380;
	s20 =	simm.s32 $0x0;
	v11 =	vnsel vm0, $0x8000, v9;
	v10 =	vand.u32 $0xFF, v10  }
0x7: {  	vm15 =	vcmask $0x3B38;
	v3 =	vor.u32 $0x10, v1;
	s4 =	sand.u32 $0x1, s2;
	s2 =	simm.s32 $0x0;
	s3 =	sshll.u32 s1, $0x8;
	v11 =	vsel vm8, v10, v11  }
0x8: {  	v4 =	vor.u32 $0x20, v1;
	v5 =	vor.u32 $0x30, v1;
	s5 =	sshll.u32 s4, $0x7;
	[smem:$0x7FF] =	sst s2;
	s9 =	ssub.s32 $0x2, s4;
	v12 =	vsel vm9, $0x100, v11  }
0x9: {  	v6 =	vor.u32 $0x40, v1;
	v7 =	vor.u32 $0x50, v1;
	s4 =	sadd.s32 $0xB5200, s6;
	s3 =	sor.u32 s5, s3;
	_ =	strace $0x80000050;
	v13 =	vsel vm10, $0x200, v12  }
.Ltmp0:
0xa: {  	v8 =	vor.u32 $0x60, v1;
	v17 =	vor.u32 $0xF0, v1;
	s30 =	sshrl.u32 s9, $0x1;
	s5 =	sshll.u32 s3, $0x5;
	v14 =	vsel vm11, $0x400, v13;
	(pc) =	sbr.rel .LBB2_1-.Ltmp0, $4  }
0xb: {  	v9 =	vor.u32 $0x70, v1;
	s29 =	sshrl.u32 s3, $0x3;
	v10 =	vor.u32 $0x80, v1;
	s11 =	ssub.s32 s9, s30;
	s31 =	sshll.u32 s3, $0x4;
	v15 =	vsel vm12, $0x800, v14  }
0xc: {  	s7 =	sadd.s32 s5, s6;
	s10 =	sadd.s32 s29, s6;
	s5 =	sadd.s32 $0xB5400, s6;
	v11 =	vor.u32 $0x90, v1;
	v12 =	vor.u32 $0xA0, v1;
	v16 =	vsel vm13, $0x1000, v15  }
0xd: {  	s6 =	sadd.s32 $0xB5600, s6;
	s8 =	sadd.s32 s8, s31;
	s7 =	sadd.s32 $0x95200, s7;
	v13 =	vor.u32 $0xB0, v1;
	v14 =	vor.u32 $0xC0, v1;
	v18 =	vsel vm14, $0x2000, v16  }
0xe: {  	s9 =	sadd.s32 $0xB5800, s10;
	s10 =	smax.u32 s11, $0x1;
	s11 =	simm.s32 $0x8000;
	v15 =	vor.u32 $0xD0, v1;
	v16 =	vor.u32 $0xE0, v1;
	v18 =	vsel vm15, $0x4000, v18  }
.LBB2_10:
0xf: {  	[hbm4b:s8+s2] =	stream.linear.scatter [tilespmem:s18], [sflag:$0x1], $0x4000, $0x38;
	[tilespmem:$0xF400] =	vst v63  }
0x10: {  	s20 =	sadd.s32 $0x1, s20;
	_ =	swait.ge [sflag:s12], $0x4000  }
0x11: {  	p0 =	sne.s32 s20, s10;
	[sflag:s12] =	ssyncset.done $0x0  }
.Ltmp1:
0x12: {  	[sflag:s12] =	ssyncadd.s32 $0xFFFFC000;
	(pc) =	sbr.rel @!p0 .LBB2_11-.Ltmp1, $4  }
0x13: {  	[hbm4b:s9+s2] =	stream.linear.scatter [tilespmem:s19], [sflag:$0x1], $0x80, $0x38;
	[tilespmem:$0xF400] =	vst v63  }
0x14: {  	_ =	swait.ge [sflag:s12], $0x80  }
0x15: {  	[sflag:s12] =	ssyncset.done $0x0  }
0x16: {  	[sflag:s12] =	ssyncadd.s32 $0xFFFFFF80  }
.LBB2_1:
0x17: {  	[tilespmem:s11], [sflag:$0x1] =	stream.linear.gather [hbm4b:s4+s2], $0x1000, $0x38;
	[tilespmem:$0xF400] =	vst v63  }
0x18: {  	_ =	swait.ge [sflag:s12], $0x1000  }
0x19: {  	[sflag:s12] =	ssyncset.done $0x0  }
0x1a: {  	[sflag:s12] =	ssyncadd.s32 $0xFFFFF000  }
0x1b: {  	[tilespmem:s13], [sflag:$0x1] =	stream.linear.gather [hbm4b:s5+s2], $0x1000, $0x38;
	[tilespmem:$0xF400] =	vst v63  }
0x1c: {  	_ =	swait.ge [sflag:s12], $0x1000  }
0x1d: {  	[sflag:s12] =	ssyncset.done $0x0  }
0x1e: {  	[sflag:s12] =	ssyncadd.s32 $0xFFFFF000  }
0x1f: {  	[tilespmem:s14], [sflag:$0x1] =	stream.linear.gather [hbm4b:s6+s2], $0x1000, $0x38;
	[tilespmem:$0xF400] =	vst v63  }
0x20: {  	_ =	swait.ge [sflag:s12], $0x1000  }
0x21: {  	[sflag:s12] =	ssyncset.done $0x0  }
0x22: {  	s21 =	simm.s32 $0x0;
	s22 =	simm.s32 $0x200;
	[sflag:s12] =	ssyncadd.s32 $0xFFFFF000  }
.LBB2_2:
0x23: {  	p0 =	sne.s32 s22, $0xFE00;
	[tilespmem:s21+$0xB3F0] =	vst v0  }
0x24: {  	[tilespmem:s21+$0xB380] =	vst v0  }
0x25: {  	[tilespmem:s21+$0xB390] =	vst v0  }
.Ltmp2:
0x26: {  	[tilespmem:s21+$0xB3A0] =	vst v0;
	(pc) =	sbr.rel @p0 .LBB2_2-.Ltmp2, $4  }
0x27: {  	[tilespmem:s21+$0xB3B0] =	vst v0  }
0x28: {  	[tilespmem:s21+$0xB3C0] =	vst v0  }
0x29: {  	[tilespmem:s21+$0xB3D0] =	vst v0  }
0x2a: {  	[tilespmem:s21+$0xB3E0] =	vst v0;
	s21 =	sshra.s32 s22, $0x2;
	s22 =	sadd.s32 $0x200, s22  }
0x2b: {  	[tilespmem:s21+$0xB3F0] =	vst v0  }
0x2c: {  	[tilespmem:s21+$0xB380] =	vst v0  }
0x2d: {  	[tilespmem:s21+$0xB390] =	vst v0  }
0x2e: {  	[tilespmem:s21+$0xB3A0] =	vst v0  }
0x2f: {  	[tilespmem:s21+$0xB3B0] =	vst v0  }
0x30: {  	[tilespmem:s21+$0xB3C0] =	vst v0  }
0x31: {  	[tilespmem:s21+$0xB3D0] =	vst v0  }
.Ltmp3:
0x32: {  	[tilespmem:s21+$0xB3E0] =	vst v0;
	s21 =	simm.s32 $0x0;
	(pc) =	sbr.rel .LBB2_4-.Ltmp3, $4  }
0x33: {  	[tilespmem:s21], [sflag:$0x1] =	stream.linear.gather [hbm4b:s7+s21], $0x8000, $0x38;
	[tilespmem:$0xF400] =	vst v63  }
0x34: {  	_ =	swait.ge [sflag:s12], $0x8000  }
0x35: {  	[sflag:s12] =	ssyncset.done $0x0  }
0x36: {  	s22 =	simm.s32 $0x0;
	[sflag:s12] =	ssyncadd.s32 $0xFFFF8000  }
.LBB2_5:
0x37: {  	v20 =	vimm.f32 $0.0e+00  }
.LBB2_9:
0x38: {  	v21 =	vld [tilespmem:$0xB300];
	_ =	sdelay $0x6  }
0x39: {  	v22 =	vld.idx.msk [tilespmem:v19+s11+$0x0], $0xffff  }
0x3a: {  	v24 =	vmov s22;
	v25 =	vmul.u32 $0x4, v1;
	v23 =	vld.idx.msk [tilespmem:v21+s11+$0x0], $0xffff  }
0x3b: {  	v26 =	vshll.u32 v24, $0x7  }
0x3c: {  	v27 =	vor.u32 v25, v26;
	_ =	sdelay $0x2  }
0x3d: {  	v23 =	vsub.f32 v23, v22  }
0x3e: {  	v28 =	vld.idx.msk [tilespmem:v19+s13+$0x0], $0xffff  }
0x3f: {  	v19 =	vld.idx.msk [tilespmem:v19+s14+$0x0], $0xffff;
	[tilespmem:v27+s18+$0x0] =	vst.idx.msk $0xffff, v23  }
0x40: {  	v23 =	vld.idx.msk [tilespmem:v21+s13+$0x0], $0xffff  }
0x41: {  	v59 =	vor.u32 $0x1, v25  }
0x42: {  	v27 =	vor.u32 v59, v26;
	_ =	sdelay $0x2  }
0x43: {  	v23 =	vsub.f32 v23, v28;
	_ =	sdelay $0x1  }
0x44: {  	[tilespmem:v27+s18+$0x0] =	vst.idx.msk $0xffff, v23  }
0x45: {  	v21 =	vld.idx.msk [tilespmem:v21+s14+$0x0], $0xffff  }
0x46: {  	v60 =	vor.u32 $0x2, v25  }
0x47: {  	v23 =	vor.u32 v60, v26;
	_ =	sdelay $0x2  }
0x48: {  	v21 =	vsub.f32 v21, v19;
	_ =	sdelay $0x1  }
0x49: {  	[tilespmem:v23+s18+$0x0] =	vst.idx.msk $0xffff, v21  }
0x4a: {  	v21 =	vld [tilespmem:$0xB310];
	_ =	sdelay $0x7  }
0x4b: {  	v23 =	vld.idx.msk [tilespmem:v21+s11+$0x0], $0xffff  }
0x4c: {  	v61 =	vor.u32 $0x40, v25  }
0x4d: {  	v27 =	vor.u32 v61, v26;
	_ =	sdelay $0x2  }
0x4e: {  	v22 =	vsub.f32 v23, v22;
	_ =	sdelay $0x1  }
0x4f: {  	[tilespmem:v27+s18+$0x0] =	vst.idx.msk $0xffff, v22  }
0x50: {  	v22 =	vld.idx.msk [tilespmem:v21+s13+$0x0], $0xffff  }
0x51: {  	v62 =	vor.u32 $0x41, v25  }
0x52: {  	v23 =	vor.u32 v62, v26;
	_ =	sdelay $0x2  }
0x53: {  	v22 =	vsub.f32 v22, v28;
	_ =	sdelay $0x1  }
0x54: {  	[tilespmem:v23+s18+$0x0] =	vst.idx.msk $0xffff, v22  }
0x55: {  	v21 =	vld.idx.msk [tilespmem:v21+s14+$0x0], $0xffff  }
0x56: {  	v63 =	vor.u32 $0x42, v25  }
0x57: {  	s22 =	sadd.s32 $0x1, s22;
	v22 =	vor.u32 v63, v26  }
0x58: {  	p0 =	sne.s32 s22, $0x80  }
.Ltmp4:
0x59: {  	_ = 	snop;
	(pc) =	sbr.rel @!p0 .LBB2_10-.Ltmp4, $3  }
0x5a: {  	v19 =	vsub.f32 v21, v19;
	_ =	sdelay $0x1  }
0x5b: {  	[tilespmem:v22+s18+$0x0] =	vst.idx.msk $0xffff, v19  }
0x5c: {  	[tilespmem:v24+s19+$0x0] =	vst.idx.msk $0x1, v20  }
.LBB2_4:
0x5d: {  	s23 =	sor.u32 s3, s22  }
0x5e: {  	s30 =	sshll.u32 s22, $0x8;
	s24 =	sshll.u32 s22, $0x7;
	v19 =	vmov s23  }
0x5f: {  	s23 =	sand.u32 $0x7800, s30;
	s24 =	sand.u32 $0x380, s24;
	[tilespmem:$0xB300] =	vst v19  }
0x60: {  	[tilespmem:$0xB310] =	vst v19;
	s23 =	sor.u32 s24, s23  }
0x61: {  	v20 =	vld [tilespmem:s23+$0x0];
	_ =	sdelay $0x4  }
0x62: {  	vm0 =	vne.s32 v20, $0x0  }
0x63: {  	v21 =	vsel vm0, $0x1, v2  }
0x64: {  	(xrf0) =	vadd.scan.msk.s32 $0xffff, v21;
	_ =	sdelay $0x5  }
0x65: {  	v21, _, _ =	vpop (xrf0)  }
0x66: {  	v21 =	vadd.s32 $0xFFFFFFFF, v21;
	_ =	sdelay $0x4  }
0x67: {  	[tilespmem:v21+s15+$0x0] =	vst.idx.msk vm0, v20  }
0x68: {  	[tilespmem:v21+s16+$0x0] =	vst.idx.msk vm0, v1  }
0x69: {  	v20 =	vld [tilespmem:s23+$0x10];
	_ =	sdelay $0x4  }
0x6a: {  	vm1 =	vne.s32 v20, $0x0  }
0x6b: {  	v21 =	vsel vm1, $0x1, v2  }
0x6c: {  	(xrf0) =	vadd.scan.msk.s32 $0xffff, v21;
	_ =	sdelay $0x4  }
0x6d: {  	v21 =	vmpcnt.ones.xlane vm0  }
0x6e: {  	v22, _, _ =	vpop (xrf0)  }
0x6f: {  	v22 =	vadd.s32 v22, v21  }
0x70: {  	v22 =	vadd.s32 $0xFFFFFFFF, v22;
	_ =	sdelay $0x4  }
0x71: {  	[tilespmem:v22+s15+$0x0] =	vst.idx.msk vm1, v20  }
0x72: {  	[tilespmem:v22+s16+$0x0] =	vst.idx.msk vm1, v3  }
0x73: {  	v20 =	vld [tilespmem:s23+$0x20];
	_ =	sdelay $0x4  }
0x74: {  	vm14 =	vne.s32 v20, $0x0  }
0x75: {  	v22 =	vsel vm14, $0x1, v2  }
0x76: {  	(xrf0) =	vadd.scan.msk.s32 $0xffff, v22;
	_ =	sdelay $0x1  }
0x77: {  	v22 =	vmpcnt.ones.xlane vm1;
	_ =	sdelay $0x3  }
0x78: {  	v21 =	vadd.s32 v21, v22;
	v22, _, _ =	vpop (xrf0)  }
0x79: {  	v22 =	vadd.s32 v22, v21  }
0x7a: {  	v22 =	vadd.s32 $0xFFFFFFFF, v22;
	_ =	sdelay $0x4  }
0x7b: {  	[tilespmem:v22+s15+$0x0] =	vst.idx.msk vm14, v20  }
0x7c: {  	[tilespmem:v22+s16+$0x0] =	vst.idx.msk vm14, v4  }
0x7d: {  	v20 =	vld [tilespmem:s23+$0x30];
	_ =	sdelay $0x4  }
0x7e: {  	vm15 =	vne.s32 v20, $0x0  }
0x7f: {  	v22 =	vsel vm15, $0x1, v2  }
0x80: {  	(xrf0) =	vadd.scan.msk.s32 $0xffff, v22;
	_ =	sdelay $0x1  }
0x81: {  	v22 =	vmpcnt.ones.xlane vm14;
	_ =	sdelay $0x3  }
0x82: {  	v21 =	vadd.s32 v21, v22;
	v22, _, _ =	vpop (xrf0)  }
0x83: {  	v22 =	vadd.s32 v22, v21  }
0x84: {  	v22 =	vadd.s32 $0xFFFFFFFF, v22;
	_ =	sdelay $0x4  }
0x85: {  	[tilespmem:v22+s15+$0x0] =	vst.idx.msk vm15, v20  }
0x86: {  	[tilespmem:v22+s16+$0x0] =	vst.idx.msk vm15, v5  }
0x87: {  	v20 =	vld [tilespmem:s23+$0x40];
	_ =	sdelay $0x4  }
0x88: {  	vm4 =	vne.s32 v20, $0x0  }
0x89: {  	v22 =	vsel vm4, $0x1, v2  }
0x8a: {  	(xrf0) =	vadd.scan.msk.s32 $0xffff, v22;
	_ =	sdelay $0x1  }
0x8b: {  	v22 =	vmpcnt.ones.xlane vm15;
	_ =	sdelay $0x3  }
0x8c: {  	v21 =	vadd.s32 v21, v22;
	v22, _, _ =	vpop (xrf0)  }
0x8d: {  	v22 =	vadd.s32 v22, v21  }
0x8e: {  	v22 =	vadd.s32 $0xFFFFFFFF, v22;
	_ =	sdelay $0x4  }
0x8f: {  	[tilespmem:v22+s15+$0x0] =	vst.idx.msk vm4, v20  }
0x90: {  	[tilespmem:v22+s16+$0x0] =	vst.idx.msk vm4, v6  }
0x91: {  	v20 =	vld [tilespmem:s23+$0x50];
	_ =	sdelay $0x4  }
0x92: {  	vm5 =	vne.s32 v20, $0x0  }
0x93: {  	v22 =	vsel vm5, $0x1, v2  }
0x94: {  	(xrf0) =	vadd.scan.msk.s32 $0xffff, v22;
	_ =	sdelay $0x1  }
0x95: {  	v22 =	vmpcnt.ones.xlane vm4;
	_ =	sdelay $0x3  }
0x96: {  	v21 =	vadd.s32 v21, v22;
	v22, _, _ =	vpop (xrf0)  }
0x97: {  	v22 =	vadd.s32 v22, v21  }
0x98: {  	v22 =	vadd.s32 $0xFFFFFFFF, v22;
	_ =	sdelay $0x4  }
0x99: {  	[tilespmem:v22+s15+$0x0] =	vst.idx.msk vm5, v20  }
0x9a: {  	[tilespmem:v22+s16+$0x0] =	vst.idx.msk vm5, v7  }
0x9b: {  	v20 =	vld [tilespmem:s23+$0x60];
	_ =	sdelay $0x4  }
0x9c: {  	vm6 =	vne.s32 v20, $0x0  }
0x9d: {  	v22 =	vsel vm6, $0x1, v2  }
0x9e: {  	(xrf0) =	vadd.scan.msk.s32 $0xffff, v22;
	_ =	sdelay $0x1  }
0x9f: {  	v22 =	vmpcnt.ones.xlane vm5;
	_ =	sdelay $0x3  }
0xa0: {  	v21 =	vadd.s32 v21, v22;
	v22, _, _ =	vpop (xrf0)  }
0xa1: {  	v22 =	vadd.s32 v22, v21  }
0xa2: {  	v22 =	vadd.s32 $0xFFFFFFFF, v22;
	_ =	sdelay $0x4  }
0xa3: {  	[tilespmem:v22+s15+$0x0] =	vst.idx.msk vm6, v20  }
0xa4: {  	[tilespmem:v22+s16+$0x0] =	vst.idx.msk vm6, v8  }
0xa5: {  	v20 =	vld [tilespmem:s23+$0x70];
	_ =	sdelay $0x4  }
0xa6: {  	vm7 =	vne.s32 v20, $0x0  }
0xa7: {  	v22 =	vsel vm7, $0x1, v2  }
0xa8: {  	(xrf0) =	vadd.scan.msk.s32 $0xffff, v22;
	_ =	sdelay $0x1  }
0xa9: {  	v22 =	vmpcnt.ones.xlane vm6;
	_ =	sdelay $0x3  }
0xaa: {  	v21 =	vadd.s32 v21, v22;
	v22, _, _ =	vpop (xrf0)  }
0xab: {  	v22 =	vadd.s32 v22, v21  }
0xac: {  	v22 =	vadd.s32 $0xFFFFFFFF, v22;
	_ =	sdelay $0x4  }
0xad: {  	[tilespmem:v22+s15+$0x0] =	vst.idx.msk vm7, v20  }
0xae: {  	[tilespmem:v22+s16+$0x0] =	vst.idx.msk vm7, v9  }
0xaf: {  	v20 =	vld [tilespmem:s23+$0x400];
	_ =	sdelay $0x4  }
0xb0: {  	vm8 =	vne.s32 v20, $0x0  }
0xb1: {  	v22 =	vsel vm8, $0x1, v2  }
0xb2: {  	(xrf0) =	vadd.scan.msk.s32 $0xffff, v22;
	_ =	sdelay $0x1  }
0xb3: {  	v22 =	vmpcnt.ones.xlane vm7;
	_ =	sdelay $0x3  }
0xb4: {  	v21 =	vadd.s32 v21, v22;
	v22, _, _ =	vpop (xrf0)  }
0xb5: {  	v22 =	vadd.s32 v22, v21  }
0xb6: {  	v22 =	vadd.s32 $0xFFFFFFFF, v22;
	_ =	sdelay $0x4  }
0xb7: {  	[tilespmem:v22+s15+$0x0] =	vst.idx.msk vm8, v20  }
0xb8: {  	[tilespmem:v22+s16+$0x0] =	vst.idx.msk vm8, v10  }
0xb9: {  	v20 =	vld [tilespmem:s23+$0x410];
	_ =	sdelay $0x4  }
0xba: {  	vm9 =	vne.s32 v20, $0x0  }
0xbb: {  	v22 =	vsel vm9, $0x1, v2  }
0xbc: {  	(xrf0) =	vadd.scan.msk.s32 $0xffff, v22;
	_ =	sdelay $0x1  }
0xbd: {  	v22 =	vmpcnt.ones.xlane vm8;
	_ =	sdelay $0x3  }
0xbe: {  	v21 =	vadd.s32 v21, v22;
	v22, _, _ =	vpop (xrf0)  }
0xbf: {  	v22 =	vadd.s32 v22, v21  }
0xc0: {  	v22 =	vadd.s32 $0xFFFFFFFF, v22;
	_ =	sdelay $0x4  }
0xc1: {  	[tilespmem:v22+s15+$0x0] =	vst.idx.msk vm9, v20  }
0xc2: {  	[tilespmem:v22+s16+$0x0] =	vst.idx.msk vm9, v11  }
0xc3: {  	v20 =	vld [tilespmem:s23+$0x420];
	_ =	sdelay $0x4  }
0xc4: {  	vm10 =	vne.s32 v20, $0x0  }
0xc5: {  	v22 =	vsel vm10, $0x1, v2  }
0xc6: {  	(xrf0) =	vadd.scan.msk.s32 $0xffff, v22;
	_ =	sdelay $0x1  }
0xc7: {  	v22 =	vmpcnt.ones.xlane vm9;
	_ =	sdelay $0x3  }
0xc8: {  	v21 =	vadd.s32 v21, v22;
	v22, _, _ =	vpop (xrf0)  }
0xc9: {  	v22 =	vadd.s32 v22, v21  }
0xca: {  	v22 =	vadd.s32 $0xFFFFFFFF, v22;
	_ =	sdelay $0x4  }
0xcb: {  	[tilespmem:v22+s15+$0x0] =	vst.idx.msk vm10, v20  }
0xcc: {  	[tilespmem:v22+s16+$0x0] =	vst.idx.msk vm10, v12  }
0xcd: {  	v20 =	vld [tilespmem:s23+$0x430];
	_ =	sdelay $0x4  }
0xce: {  	vm11 =	vne.s32 v20, $0x0  }
0xcf: {  	v22 =	vsel vm11, $0x1, v2  }
0xd0: {  	(xrf0) =	vadd.scan.msk.s32 $0xffff, v22;
	_ =	sdelay $0x1  }
0xd1: {  	v22 =	vmpcnt.ones.xlane vm10;
	_ =	sdelay $0x3  }
0xd2: {  	v21 =	vadd.s32 v21, v22;
	v22, _, _ =	vpop (xrf0)  }
0xd3: {  	v22 =	vadd.s32 v22, v21  }
0xd4: {  	v22 =	vadd.s32 $0xFFFFFFFF, v22;
	_ =	sdelay $0x4  }
0xd5: {  	[tilespmem:v22+s15+$0x0] =	vst.idx.msk vm11, v20  }
0xd6: {  	[tilespmem:v22+s16+$0x0] =	vst.idx.msk vm11, v13  }
0xd7: {  	v20 =	vld [tilespmem:s23+$0x440];
	_ =	sdelay $0x4  }
0xd8: {  	vm12 =	vne.s32 v20, $0x0  }
0xd9: {  	v22 =	vsel vm12, $0x1, v2  }
0xda: {  	(xrf0) =	vadd.scan.msk.s32 $0xffff, v22;
	_ =	sdelay $0x1  }
0xdb: {  	v22 =	vmpcnt.ones.xlane vm11;
	_ =	sdelay $0x3  }
0xdc: {  	v21 =	vadd.s32 v21, v22;
	v22, _, _ =	vpop (xrf0)  }
0xdd: {  	v22 =	vadd.s32 v22, v21  }
0xde: {  	v22 =	vadd.s32 $0xFFFFFFFF, v22;
	_ =	sdelay $0x4  }
0xdf: {  	[tilespmem:v22+s15+$0x0] =	vst.idx.msk vm12, v20  }
0xe0: {  	[tilespmem:v22+s16+$0x0] =	vst.idx.msk vm12, v14  }
0xe1: {  	v20 =	vld [tilespmem:s23+$0x450];
	_ =	sdelay $0x4  }
0xe2: {  	vm13 =	vne.s32 v20, $0x0  }
0xe3: {  	v22 =	vsel vm13, $0x1, v2  }
0xe4: {  	(xrf0) =	vadd.scan.msk.s32 $0xffff, v22;
	_ =	sdelay $0x1  }
0xe5: {  	v22 =	vmpcnt.ones.xlane vm12;
	_ =	sdelay $0x3  }
0xe6: {  	v21 =	vadd.s32 v21, v22;
	v22, _, _ =	vpop (xrf0)  }
0xe7: {  	v22 =	vadd.s32 v22, v21  }
0xe8: {  	v22 =	vadd.s32 $0xFFFFFFFF, v22;
	_ =	sdelay $0x4  }
0xe9: {  	[tilespmem:v22+s15+$0x0] =	vst.idx.msk vm13, v20  }
0xea: {  	[tilespmem:v22+s16+$0x0] =	vst.idx.msk vm13, v15  }
0xeb: {  	v20 =	vld [tilespmem:s23+$0x460];
	_ =	sdelay $0x4  }
0xec: {  	vm14 =	vne.s32 v20, $0x0  }
0xed: {  	v22 =	vsel vm14, $0x1, v2  }
0xee: {  	(xrf0) =	vadd.scan.msk.s32 $0xffff, v22;
	_ =	sdelay $0x1  }
0xef: {  	v22 =	vmpcnt.ones.xlane vm13;
	_ =	sdelay $0x3  }
0xf0: {  	v21 =	vadd.s32 v21, v22;
	v22, _, _ =	vpop (xrf0)  }
0xf1: {  	v22 =	vadd.s32 v22, v21  }
0xf2: {  	v22 =	vadd.s32 $0xFFFFFFFF, v22;
	_ =	sdelay $0x4  }
0xf3: {  	[tilespmem:v22+s15+$0x0] =	vst.idx.msk vm14, v20  }
0xf4: {  	[tilespmem:v22+s16+$0x0] =	vst.idx.msk vm14, v16  }
0xf5: {  	v20 =	vld [tilespmem:s23+$0x470];
	_ =	sdelay $0x4  }
0xf6: {  	v22 =	vmpcnt.ones.xlane vm14;
	vm15 =	vne.s32 v20, $0x0  }
0xf7: {  	v23 =	vmpcnt.ones.xlane vm15  }
0xf8: {  	v21 =	vadd.s32 v21, v22  }
0xf9: {  	v22 =	vsel vm15, $0x1, v2;
	v23 =	vadd.s32 v21, v23  }
0xfa: {  	(xrf0) =	vadd.scan.msk.s32 $0xffff, v22;
	v22 =	vxor.u32 $0x80000000, v23  }
0xfb: {  	(xrf0) =	vmax.scan.msk.u32 $0xffff, v22;
	_ =	sdelay $0x4  }
0xfc: {  	v22, _, _ =	vpop (xrf0)  }
0xfd: {  	v23, _, _ =	vpop (xrf0)  }
0xfe: {  	(v2sf) =	vpush v23, $0xF;
	_ =	sdelay $0xe  }
0xff: {  	v21 =	vadd.s32 v22, v21;
	s31 =	spop (v2sf)  }
0x100: {  	v21 =	vadd.s32 $0xFFFFFFFF, v21;
	s23 =	sxor.u32 $0x80000000, s31  }
0x101: {  	p0 =	slt.s32 s23, $0x1  }
.Ltmp5:
0x102: {  	_ = 	snop;
	(pc) =	sbr.rel @p0 .LBB2_5-.Ltmp5, $3  }
0x103: {  	_ =	sdelay $0x1  }
0x104: {  	[tilespmem:v21+s15+$0x0] =	vst.idx.msk vm15, v20  }
0x105: {  	v20 =	vimm.s32 $0x0;
	[tilespmem:v21+s16+$0x0] =	vst.idx.msk vm15, v17  }
0x106: {  	v22 =	vmov s21;
	_ =	sdelay $0x4  }
0x107: {  	v21 =	vld.idx.msk [tilespmem:v22+s15+$0x0], $0xffff;
	_ =	sdelay $0x4  }
0x108: {  	v21 =	vand.u32 v18, v21  }
0x109: {  	vm0 =	vne.s32 v21, $0x0  }
0x10a: {  	v21 =	vsel vm0, $0x1, v2  }
0x10b: {  	(xrf0) =	vadd.scan.msk.s32 $0xffff, v21;
	_ =	sdelay $0x4  }
0x10c: {  	p0 =	sne.s32 s23, $0x1  }
.Ltmp6:
0x10d: {  	v21, _, _ =	vpop (xrf0);
	(pc) =	sbr.rel @!p0 .LBB2_8-.Ltmp6, $4  }
0x10e: {  	v21 =	vadd.s32 v21, v20  }
0x10f: {  	v22 =	vld.idx.msk [tilespmem:v22+s16+$0x0], $0xffff;
	v23 =	vmpcnt.ones.xlane vm0;
	v24 =	vadd.s32 $0xFFFFFFFF, v21  }
0x110: {  	vm1 =	vlt.s32 v24, $0x2F  }
0x111: {  	s24 =	simm.s32 $0x1;
	v21 =	vadd.s32 v20, v23;
	v20 =	vadd.s32 v20, v23;
	v23 =	vnsel vm1, $0x2F, v24  }
.LBB2_7:
0x112: {  	v24 =	vmov s24;
	s24 =	sadd.s32 $0x1, s24;
	v25 =	vmov v21  }
0x113: {  	p0 =	sne.s32 s23, s24  }
0x114: {  	v22 =	vshll.u32 v22, $0x4  }
0x115: {  	v22 =	vor.u32 v1, v22  }
0x116: {  	[tilespmem:v23+s17+$0x0] =	vst.idx.msk vm0, v22  }
0x117: {  	v22 =	vld.idx.msk [tilespmem:v24+s15+$0x0], $0xffff;
	_ =	sdelay $0x5  }
0x118: {  	v22 =	vand.u32 v18, v22  }
0x119: {  	vm0 =	vne.s32 v22, $0x0  }
0x11a: {  	v22 =	vsel vm0, $0x1, v2;
	v23 =	vmpcnt.ones.xlane vm0  }
0x11b: {  	(xrf0) =	vadd.scan.msk.s32 $0xffff, v22  }
0x11c: {  	v21 =	vadd.s32 v21, v23;
	v20 =	vadd.s32 v20, v23;
	_ =	sdelay $0x4  }
.Ltmp7:
0x11d: {  	v23, _, _ =	vpop (xrf0);
	(pc) =	sbr.rel @p0 .LBB2_7-.Ltmp7, $4  }
0x11e: {  	v22 =	vld.idx.msk [tilespmem:v24+s16+$0x0], $0xffff;
	v23 =	vadd.s32 v23, v25  }
0x11f: {  	v23 =	vadd.s32 $0xFFFFFFFF, v23  }
0x120: {  	vm1 =	vlt.s32 v23, $0x2F  }
0x121: {  	v23 =	vnsel vm1, $0x2F, v23  }
.LBB2_8:
0x122: {  	_ = 	snop  }
.Ltmp8:
0x123: {  	vm1 =	vlt.s32 v20, $0x20;
	(pc) =	sbr.rel .LBB2_9-.Ltmp8, $4  }
0x124: {  	v20 =	vnsel vm1, $0x20, v20  }
0x125: {  	v21 =	vshll.u32 v22, $0x4;
	v20 =	vcvt.s32.f32 v20  }
0x126: {  	v21 =	vor.u32 v1, v21  }
0x127: {  	[tilespmem:v23+s17+$0x0] =	vst.idx.msk vm0, v21;
	v20 =	vmul.f32 $3.125000000e-02, v20  }
.LBB2_11:
0x128: {  	_ =	sfence.sel $0x180000  }
0x129: {  	[bflag:$0x0] =	sbarrier.arrive $0xFFFF  }
0x12a: {  	p0 =	sne.s32 s1, $0x0;
	_ =	strace $0x90000050  }
0x12b: {  	s0 =	sadd.s32 @!p0 $0x100000, s0;
	[bflag:$0x2] =	sbarrier.arrive $0xFFFF  }
0x12c: {  	[sflag:s0] =	ssyncadd.tile.s32 @!p0 $0x1;
	_ =	shalt  }
.Lfunc_end2:
_tile_overlayer_lowered:
.L_overlay_start_2:
0x12d: {  	(tag) =	ssettag $0x2  }
0x12e: {  	s0 =	rddreg [dreg:$0x0];
	s2 =	stileid.u32  }
0x12f: {  	s1 =	rddreg [dreg:$0x1];
	p0 =	sne.s32 s2, $0x0  }
0x130: {  	s3 =	rddreg [dreg:$0x2];
	[bflag:$0x3] =	sbarrier.arrive $0xFFFF;
	s2 =	simm.s32 @!p0 $0x1C01  }
0x131: {  	[timem:s3], [sflag:s2] =	dma.local @!p0 [hbm:s0], s1  }
0x132: {  	s0 =	simm.s32 @!p0 $0x1  }
0x133: {  	_ =	swait.ge @!p0 [sflag:s0], s1  }
0x134: {  	s1 =	ssub.s32 @!p0 $0x0, s1;
	[sflag:s0] =	ssyncset.done @!p0 $0x0  }
0x135: {  	[sflag:s0] =	ssyncadd.s32 @!p0 s1  }
0x136: {  	[bflag:$0x3] =	sbarrier.arrive $0xFFFF  }
0x137: {  	_ =	shalt  }

</sc_bundles>
